<compile_context>
chip_gen: v7x
topology: tpu7x:2x2x1
jax: 0.10.2.dev20260603
libtpu: 0.0.44.dev20260713+nightly
codegen_flags: <defaults>
</compile_context>

<pallas_src>
import jax
import jax.numpy as jnp
from jax import lax
from jax.experimental import pallas as pl
from jax.experimental.pallas import tpu as pltpu
from jax.experimental.pallas import tpu_sc as plsc

N = 10000
E = 320000
D = 128
ED = 16
H = 4
OD = 32

NC = 2
NS = 16
NPAD = 10240
ET = 20480
EPAD = NS * ET
ER = EPAD // 128

CB = 1024
CD = 256

_f32 = jnp.float32
_i32 = jnp.int32


def _pieces(total, step):
    out, off = [], 0
    while off < total:
        sz = min(step, total - off)
        out.append((off, sz))
        off += sz
    return out


def _prep_node_body(x_ref, wft_ref, b_ref, wsd_ref, wss_ref,
                    z_ref, ns_ref):
    j = pl.program_id(0)
    c0 = j < (NPAD // 512)
    z = jnp.dot(x_ref[...], wft_ref[...], preferred_element_type=_f32)
    z = z + b_ref[...]
    z_ref[...] = jnp.where(c0, z[:, :64], z[:, 64:])
    sd = jnp.dot(z, wsd_ref[...], preferred_element_type=_f32)
    ss = jnp.dot(z, wss_ref[...], preferred_element_type=_f32)
    pad = jnp.zeros((z.shape[0], 12), _f32)
    ns = jnp.concatenate(
        [jnp.where(c0, sd[:, 0:2], sd[:, 2:4]),
         jnp.where(c0, ss[:, 0:2], ss[:, 2:4]), pad], axis=1)
    ns_ref[...] = ns


def _prep_edge_body(ea_ref, w128_ref, c32_ref, eap_ref, tpk_ref):
    i = pl.program_id(0)
    real = (i < 125).astype(_f32)
    eav = ea_ref[...].reshape(320, 128) * real
    eap_ref[...] = eav
    t32 = jnp.dot(eav, w128_ref[...], preferred_element_type=_f32)
    tpk_ref[...] = t32 + c32_ref[...]


def _finish_body(acc_ref, den_ref, wet_ref, be_ref, out_ref):
    for h in range(H):
        c, k = divmod(h, 2)
        o1 = acc_ref[c][:, k * 32:(k + 1) * 32]
        p = acc_ref[c][:, 64 + k * 16:64 + (k + 1) * 16]
        den = den_ref[c][:, k]
        q = den / (den + 1e-16)
        o = o1 + jnp.dot(p, wet_ref[h], preferred_element_type=_f32)
        o = o + q[:, None] * be_ref[h][None, :]
        out_ref[:, h * 32:(h + 1) * 32] = o


def _sc_pass1(ns2, tpk, draw, doff, soff, ae2, den2,
              bdr, bdo, bso, rd, rs, rt, raew, raen, dio, sem, den_sh):
    c = lax.axis_index("c")
    s = lax.axis_index("s")
    iota = lax.iota(_i32, 16)
    zero16 = jnp.zeros((16,), _f32)

    def zw(i, _):
        p = i * 16 + iota
        plsc.store_scatter(raew, [p >> 4, p & 15], zero16)
        return 0
    lax.fori_loop(0, CB, zw, 0)

    def zb(i, _):
        p = i * 16 + iota
        plsc.store_scatter(dio, [p >> 4, p & 15], zero16)
        return 0
    lax.fori_loop(0, (640 * 16) // 16, zb, 0)
    pltpu.sync_copy(dio, den_sh.at[pl.ds(s * 640, 640)])
    plsc.subcore_barrier()

    nsub = CB // 128

    def chunk(k, _):
        base = s * ET + k * CB
        rowbase = s * (ET // 128) + k * nsub
        cps = [
            pltpu.async_copy(draw.at[pl.ds(rowbase, nsub)], bdr, sem),
            pltpu.async_copy(doff.at[pl.ds(c * ER + rowbase, nsub)], bdo, sem),
            pltpu.async_copy(soff.at[pl.ds(c * ER + rowbase, nsub)], bso, sem),
            pltpu.async_copy(tpk.at[pl.ds(base // 8, CB // 8)], rt, sem),
        ]
        for cp in cps:
            cp.wait()
        cps = []
        for j in range(nsub):
            cps.append(pltpu.async_copy(
                ns2.at[bdo.at[j]], rd.at[pl.ds(j * 128, 128)], sem))
            cps.append(pltpu.async_copy(
                ns2.at[bso.at[j]], rs.at[pl.ds(j * 128, 128)], sem))
        for cp in cps:
            cp.wait()

        for h in range(2):
            ch = jnp.full((16,), h, _i32)
            ch2 = jnp.full((16,), h + 2, _i32)
            hh = 2 * c + h

            def cb(i, _):
                rows = i * 16 + iota
                tf = rows * 4 + hh
                v = (plsc.load_gather(rd, [rows, ch])
                     + plsc.load_gather(rs, [rows, ch2])
                     + plsc.load_gather(rt, [tf >> 5, tf & 31]))
                v = jnp.where(v > 0, v, 0.2 * v)
                v = jnp.exp(v)
                plsc.store_scatter(raew, [rows, ch], v)
                plsc.store_scatter(raen, [rows, ch], v)
                return 0
            lax.fori_loop(0, CB // 16, cb, 0)

        pltpu.sync_copy(raen, ae2.at[pl.ds(c * EPAD + base, CB)])
        for j in range(nsub):
            pltpu.sync_copy(raew.at[pl.ds(j * 128, 128)],
                            den_sh.at[bdr.at[j]], add=True)
        return 0

    lax.fori_loop(0, ET // CB, chunk, 0)
    plsc.subcore_barrier()
    pltpu.sync_copy(den_sh.at[pl.ds(s * 640, 640)], dio)
    pltpu.sync_copy(dio, den2.at[pl.ds(c * NPAD + s * 640, 640)])


def _sc_pass2(z2, ae2, den2, draw, doff, soff, eap128, attnf, accq,
              bdr, bdo, bso, zr, ear, upd, rae, rden, ral, alh,
              sem, acc_sh):
    c = lax.axis_index("c")
    s = lax.axis_index("s")
    iota = lax.iota(_i32, 16)
    zero16 = jnp.zeros((16,), _f32)

    def zu(g, _):
        rows = g * 16 + iota
        for col in range(96):
            plsc.store_scatter(upd, [rows, jnp.full((16,), col, _i32)], zero16)
        return 0
    lax.fori_loop(0, CD // 16, zu, 0)

    for off, sz in _pieces(640, CD):
        pltpu.sync_copy(upd.at[pl.ds(0, sz)], acc_sh.at[pl.ds(s * 640 + off, sz)])
    plsc.subcore_barrier()

    nsub = CD // 128

    def chunk(k, _):
        base = s * ET + k * CD
        rowbase = s * (ET // 128) + k * nsub
        cps = [
            pltpu.async_copy(draw.at[pl.ds(rowbase, nsub)], bdr, sem),
            pltpu.async_copy(doff.at[pl.ds(c * ER + rowbase, nsub)], bdo, sem),
            pltpu.async_copy(soff.at[pl.ds(c * ER + rowbase, nsub)], bso, sem),
            pltpu.async_copy(ae2.at[pl.ds(c * EPAD + base, CD)], rae, sem),
            pltpu.async_copy(eap128.at[pl.ds(base // 8, CD // 8)], ear, sem),
        ]
        for cp in cps:
            cp.wait()
        cps = []
        for j in range(nsub):
            cps.append(pltpu.async_copy(
                z2.at[bso.at[j]], zr.at[pl.ds(j * 128, 128)], sem))
            cps.append(pltpu.async_copy(
                den2.at[bdo.at[j]], rden.at[pl.ds(j * 128, 128)], sem))
        for cp in cps:
            cp.wait()

        for h in range(2):
            ch = jnp.full((16,), h, _i32)

            def ab(i, _):
                rows = i * 16 + iota
                al = plsc.load_gather(rae, [rows, ch]) / (
                    plsc.load_gather(rden, [rows, ch]) + 1e-16)
                plsc.store_scatter(ral, [rows, ch], al)
                plsc.store_scatter(alh, [rows], al)
                return 0
            lax.fori_loop(0, CD // 16, ab, 0)
            pltpu.sync_copy(
                alh, attnf.at[pl.ds((2 * c + h) * EPAD + base, CD)])

        def eb(e):
            fe = jnp.full((16,), e, _i32)
            a0 = plsc.load_gather(ral, [fe, jnp.zeros((16,), _i32)])
            a1 = plsc.load_gather(ral, [fe, jnp.ones((16,), _i32)])
            for j in range(4):
                cols = j * 16 + iota
                av = a0 if j < 2 else a1
                plsc.store_scatter(
                    upd, [fe, cols], plsc.load_gather(zr, [fe, cols]) * av)
            ev = plsc.load_gather(
                ear, [jnp.full((16,), e >> 3, _i32), (e & 7) * 16 + iota])
            plsc.store_scatter(upd, [fe, 64 + iota], ev * a0)
            plsc.store_scatter(upd, [fe, 80 + iota], ev * a1)
        plsc.parallel_loop(0, CD, unroll=4)(eb)

        for j in range(nsub):
            pltpu.sync_copy(upd.at[pl.ds(j * 128, 128)],
                            acc_sh.at[bdr.at[j]], add=True)
        return 0

    lax.fori_loop(0, ET // CD, chunk, 0)
    plsc.subcore_barrier()

    for off, sz in _pieces(640, CD):
        pltpu.sync_copy(acc_sh.at[pl.ds(s * 640 + off, sz)], upd.at[pl.ds(0, sz)])
        pltpu.sync_copy(upd.at[pl.ds(0, sz)],
                        accq.at[pl.ds(c * NPAD + s * 640 + off, sz)])


def kernel(x, edge_index, edge_attr, W_fc, b_fc, W_attn, b_attn,
           W_edge, b_edge, W_eatt, b_eatt):
    wft = W_fc.reshape(H * OD, D).T
    b_all = b_fc.reshape(1, H * OD)
    wa = W_attn[:, 0, :]
    wa_d, wa_s, wa_e = wa[:, :OD], wa[:, OD:2 * OD], wa[:, 2 * OD:]
    eye = jnp.eye(H, dtype=_f32)
    wsd = (wa_d[:, :, None] * eye[:, None, :]).reshape(H * OD, H)
    wss = (wa_s[:, :, None] * eye[:, None, :]).reshape(H * OD, H)
    tvec = jnp.einsum('hde,hd->eh', W_eatt, wa_e)
    tconst = jnp.einsum('hd,hd->h', b_eatt, wa_e) + b_attn[:, 0]
    eye8 = jnp.eye(8, dtype=_f32)
    w128 = (eye8[:, None, :, None] * tvec[None, :, None, :]).reshape(128, 32)
    c32 = jnp.tile(tconst, 8).reshape(1, 32)
    wet = jnp.transpose(W_edge, (0, 2, 1))

    x_pad = jnp.pad(x, ((0, NPAD - N), (0, 0)))
    src = edge_index[0].astype(_i32)
    dst = edge_index[1].astype(_i32)
    padv = N + (jnp.arange(EPAD - E, dtype=_i32) % (NPAD - N))
    srcp = jnp.concatenate([src, padv])
    dstp = jnp.concatenate([dst, padv])
    draw = dstp.reshape(ER, 128)
    doff = jnp.concatenate([dstp, dstp + NPAD]).reshape(2 * ER, 128)
    soff = jnp.concatenate([srcp, srcp + NPAD]).reshape(2 * ER, 128)
    ea1d = edge_attr.reshape(E * ED)

    bn = 512
    nblk = NPAD // bn
    z2, ns2 = pl.pallas_call(
        _prep_node_body,
        grid=(2 * nblk,),
        in_specs=[
            pl.BlockSpec((bn, D), lambda i: (lax.rem(i, nblk), 0)),
            pl.BlockSpec((D, H * OD), lambda i: (0, 0)),
            pl.BlockSpec((1, H * OD), lambda i: (0, 0)),
            pl.BlockSpec((H * OD, H), lambda i: (0, 0)),
            pl.BlockSpec((H * OD, H), lambda i: (0, 0)),
        ],
        out_specs=[
            pl.BlockSpec((bn, 64), lambda i: (i, 0)),
            pl.BlockSpec((bn, 16), lambda i: (i, 0)),
        ],
        out_shape=[
            jax.ShapeDtypeStruct((2 * NPAD, 64), _f32),
            jax.ShapeDtypeStruct((2 * NPAD, 16), _f32),
        ],
    )(x_pad, wft, b_all, wsd, wss)

    eap128, tpk = pl.pallas_call(
        _prep_edge_body,
        grid=(EPAD * ED // 128 // 320,),
        in_specs=[
            pl.BlockSpec((320 * 128,), lambda i: (jnp.minimum(i, 124),)),
            pl.BlockSpec((128, 32), lambda i: (0, 0)),
            pl.BlockSpec((1, 32), lambda i: (0, 0)),
        ],
        out_specs=[
            pl.BlockSpec((320, 128), lambda i: (i, 0)),
            pl.BlockSpec((320, 32), lambda i: (i, 0)),
        ],
        out_shape=[
            jax.ShapeDtypeStruct((EPAD * ED // 128, 128), _f32),
            jax.ShapeDtypeStruct((EPAD // 8, 32), _f32),
        ],
    )(ea1d, w128, c32)

    mesh = plsc.VectorSubcoreMesh(core_axis_name="c", subcore_axis_name="s",
                                  num_cores=NC, num_subcores=NS)
    sc_params = pltpu.CompilerParams(needs_layout_passes=False,
                                     use_tc_tiling_on_sc=False)

    ae2, den2 = pl.kernel(
        _sc_pass1,
        out_type=[
            jax.ShapeDtypeStruct((2 * EPAD, 2), _f32),
            jax.ShapeDtypeStruct((2 * NPAD, 16), _f32),
        ],
        mesh=mesh,
        scratch_types=[
            pltpu.VMEM((CB // 128, 128), _i32),
            pltpu.VMEM((CB // 128, 128), _i32),
            pltpu.VMEM((CB // 128, 128), _i32),
            pltpu.VMEM((CB, 16), _f32),
            pltpu.VMEM((CB, 16), _f32),
            pltpu.VMEM((CB // 8, 32), _f32),
            pltpu.VMEM((CB, 16), _f32),
            pltpu.VMEM((CB, 2), _f32),
            pltpu.VMEM((640, 16), _f32),
            pltpu.SemaphoreType.DMA,
            pltpu.MemorySpace.VMEM_SHARED((NPAD, 16), _f32),
        ],
        compiler_params=sc_params,
    )(ns2, tpk, draw, doff, soff)

    attnf, accq = pl.kernel(
        _sc_pass2,
        out_type=[
            jax.ShapeDtypeStruct((4 * EPAD,), _f32),
            jax.ShapeDtypeStruct((2 * NPAD, 96), _f32),
        ],
        mesh=mesh,
        scratch_types=[
            pltpu.VMEM((CD // 128, 128), _i32),
            pltpu.VMEM((CD // 128, 128), _i32),
            pltpu.VMEM((CD // 128, 128), _i32),
            pltpu.VMEM((CD, 64), _f32),
            pltpu.VMEM((CD // 8, 128), _f32),
            pltpu.VMEM((CD, 96), _f32),
            pltpu.VMEM((CD, 2), _f32),
            pltpu.VMEM((CD, 16), _f32),
            pltpu.VMEM((CD, 2), _f32),
            pltpu.VMEM((CD,), _f32),
            pltpu.SemaphoreType.DMA,
            pltpu.MemorySpace.VMEM_SHARED((NPAD, 96), _f32),
        ],
        compiler_params=sc_params,
    )(z2, ae2, den2, draw, doff, soff, eap128)

    out_pad = pl.pallas_call(
        _finish_body,
        grid=(NPAD // bn,),
        in_specs=[
            pl.BlockSpec((2, bn, 96), lambda i: (0, i, 0)),
            pl.BlockSpec((2, bn, 16), lambda i: (0, i, 0)),
            pl.BlockSpec((H, ED, OD), lambda i: (0, 0, 0)),
            pl.BlockSpec((H, OD), lambda i: (0, 0)),
        ],
        out_specs=pl.BlockSpec((bn, H * OD), lambda i: (i, 0)),
        out_shape=jax.ShapeDtypeStruct((NPAD, H * OD), _f32),
    )(accq.reshape(2, NPAD, 96), den2.reshape(2, NPAD, 16), wet, b_edge)

    out_cat = out_pad[:N]
    attn = attnf.reshape(H, EPAD)[:, :E, None]
    return out_cat, attn

# --- scband reference (transcript-rebuilt; emitter-appended) ---
"""Pipeline reference for scband-multi-head-egretlayer-71725953843947 (READ-ONLY COPY).

The authoritative reference and input builder live on the scoring server;
editing this copy changes nothing except your own understanding.
"""

import jax, jax.numpy as jnp
import numpy as np

N = 10000
E = 320000
D = 128
ED = 16
H = 4
OD = 32


def setup_inputs(seed: int = 0) -> dict:
    key = jax.random.key(seed)
    ks = jax.random.split(key, 12)
    x = jax.random.normal(ks[0], (N, D), dtype=jnp.float32)
    edge_index = jax.random.randint(ks[1], (2, E), 0, N)
    edge_attr = jax.random.normal(ks[2], (E, ED), dtype=jnp.float32)
    W_fc = jax.random.normal(ks[3], (H, OD, D), dtype=jnp.float32) * (1.0 / np.sqrt(D))
    b_fc = jnp.zeros((H, OD), dtype=jnp.float32)
    att_in = 2 * OD + ED
    W_attn = jax.random.normal(ks[4], (H, 1, att_in), dtype=jnp.float32) * (1.0 / np.sqrt(att_in))
    b_attn = jnp.zeros((H, 1), dtype=jnp.float32)
    W_edge = jax.random.normal(ks[5], (H, OD, ED), dtype=jnp.float32) * (1.0 / np.sqrt(ED))
    b_edge = jnp.zeros((H, OD), dtype=jnp.float32)
    W_eatt = jax.random.normal(ks[6], (H, ED, ED), dtype=jnp.float32) * (1.0 / np.sqrt(ED))
    b_eatt = jnp.zeros((H, ED), dtype=jnp.float32)
    return {"x": x, "edge_index": edge_index, "edge_attr": edge_attr,
            "W_fc": W_fc, "b_fc": b_fc, "W_attn": W_attn, "b_attn": b_attn,
            "W_edge": W_edge, "b_edge": b_edge, "W_eatt": W_eatt, "b_eatt": b_eatt}


def _head(x, src, dst, edge_attr, Wf, bf, Wa, ba, We, be, Wt, bt):
    n = x.shape[0]
    z = x @ Wf.T + bf
    x_j = z[src]
    x_i = z[dst]
    # transform_edge_for_att_calc
    et = edge_attr @ Wt.T + bt
    z2 = jnp.concatenate([x_i, x_j, et], axis=1)
    a = z2 @ Wa.T + ba
    a = jax.nn.leaky_relu(a, negative_slope=0.2)
    # segment softmax over destination nodes
    m = jax.ops.segment_max(a, dst, num_segments=n)
    m = jnp.where(jnp.isfinite(m), m, 0.0)
    ae = jnp.exp(a - m[dst])
    den = jax.ops.segment_sum(ae, dst, num_segments=n)
    alpha = ae / (den[dst] + 1e-16)
    # aggregate_edge with attention on edge
    ez = edge_attr @ We.T + be
    msg = alpha * x_j + alpha * ez
    out = jax.ops.segment_sum(msg, dst, num_segments=n)
    return out, alpha


def reference(x, edge_index, edge_attr, W_fc, b_fc, W_attn, b_attn, W_edge, b_edge, W_eatt, b_eatt):
    src = edge_index[0]
    dst = edge_index[1]
    head_outs = []
    head_attn = []
    for h in range(H):
        o, al = _head(x, src, dst, edge_attr, W_fc[h], b_fc[h], W_attn[h], b_attn[h],
                      W_edge[h], b_edge[h], W_eatt[h], b_eatt[h])
        head_outs.append(o)
        head_attn.append(al)
    out_cat = jnp.concatenate(head_outs, axis=1)
    attn = jnp.stack(head_attn, axis=0)
    return out_cat, attn

if __name__ == "__main__":
    import jax
    _d = setup_inputs()
    print(jax.jit(kernel)(*tuple(_d.values())))

</pallas_src>

<mosaic_0001>
#map = affine_map<(d0, d1) -> (0, 0)>
#map1 = affine_map<(d0, d1) -> (0)>
module attributes {stable_mosaic.version = 14 : i64} {
  func.func @_sc_pass2(%arg0: i32, %arg1: i32, %arg2: memref<20480x64xf32, #tpu.memory_space<hbm>>, %arg3: memref<655360x2xf32, #tpu.memory_space<hbm>>, %arg4: memref<20480x16xf32, #tpu.memory_space<hbm>>, %arg5: memref<2560x128xi32, #tpu.memory_space<hbm>>, %arg6: memref<5120x128xi32, #tpu.memory_space<hbm>>, %arg7: memref<5120x128xi32, #tpu.memory_space<hbm>>, %arg8: memref<40960x128xf32, #tpu.memory_space<hbm>>, %arg9: memref<1310720xf32, #tpu.memory_space<hbm>>, %arg10: memref<20480x96xf32, #tpu.memory_space<hbm>>, %arg11: memref<2x128xi32, #tpu.memory_space<vmem>>, %arg12: memref<2x128xi32, #tpu.memory_space<vmem>>, %arg13: memref<2x128xi32, #tpu.memory_space<vmem>>, %arg14: memref<256x64xf32, #tpu.memory_space<vmem>>, %arg15: memref<32x128xf32, #tpu.memory_space<vmem>>, %arg16: memref<256x96xf32, #tpu.memory_space<vmem>>, %arg17: memref<256x2xf32, #tpu.memory_space<vmem>>, %arg18: memref<256x16xf32, #tpu.memory_space<vmem>>, %arg19: memref<256x2xf32, #tpu.memory_space<vmem>>, %arg20: memref<256xf32, #tpu.memory_space<vmem>>, %arg21: memref<!tpu.dma_semaphore, #tpu.memory_space<semaphore_mem>>, %arg22: memref<10240x96xf32, #tpu.memory_space<vmem_shared>>) attributes {dimension_semantics = [#tpu.dimension_semantics<core_parallel>, #tpu.dimension_semantics<subcore_parallel>], iteration_bounds = array<i64: 2, 16>, scalar_prefetch = 0 : i64, scratch_operands = 12 : i64, tpu.core_type = #tpu.core_type<sc_vector_subcore>, window_params = [{transform_indices = #map}, {transform_indices = #map}, {transform_indices = #map}, {transform_indices = #map}, {transform_indices = #map}, {transform_indices = #map}, {transform_indices = #map}, {transform_indices = #map1}, {transform_indices = #map}]} {
    %iota3A = tpu.iota {dimensions = array<i32: 0>} : vector<16xi32>
    %broadcast_in_dim3A = arith.constant 0.000000e+00 : f32
    %broadcast_in_dim3A_0 = vector.broadcast %broadcast_in_dim3A : f32 to vector<16xf32>
    %scan3A = arith.constant 0 : i32
    %scan3A_1 = arith.constant 0 : i32
    %scan3A_2 = arith.constant 16 : i32
    %scan3A_3 = arith.addi %scan3A_1, %scan3A_2 : i32
    %scan3A_4 = arith.constant 1 : i32
    %scan3A_5 = scf.for %scan3A_58 = %scan3A_1 to %scan3A_3 step %scan3A_4 iter_args(%scan3A_59 = %scan3A) -> (i32)  : i32 {
      %mul3A_60 = arith.constant 16 : i32
      %mul3A_61 = arith.muli %scan3A_58, %mul3A_60 : i32
      %add3A_62 = vector.broadcast %mul3A_61 : i32 to vector<16xi32>
      %add3A_63 = arith.addi %add3A_62, %iota3A : vector<16xi32>
      %broadcast_in_dim3A_64 = arith.constant 0 : i32
      %broadcast_in_dim3A_65 = vector.broadcast %broadcast_in_dim3A_64 : i32 to vector<16xi32>
      tpu.vector_store_idx %arg16[%add3A_63, %broadcast_in_dim3A_65], %broadcast_in_dim3A_0 : memref<256x96xf32, #tpu.memory_space<vmem>>[vector<16xi32>, vector<16xi32>], vector<16xf32>,
      %broadcast_in_dim3A_66 = arith.constant 1 : i32
      %broadcast_in_dim3A_67 = vector.broadcast %broadcast_in_dim3A_66 : i32 to vector<16xi32>
      tpu.vector_store_idx %arg16[%add3A_63, %broadcast_in_dim3A_67], %broadcast_in_dim3A_0 : memref<256x96xf32, #tpu.memory_space<vmem>>[vector<16xi32>, vector<16xi32>], vector<16xf32>,
      %broadcast_in_dim3A_68 = arith.constant 2 : i32
      %broadcast_in_dim3A_69 = vector.broadcast %broadcast_in_dim3A_68 : i32 to vector<16xi32>
      tpu.vector_store_idx %arg16[%add3A_63, %broadcast_in_dim3A_69], %broadcast_in_dim3A_0 : memref<256x96xf32, #tpu.memory_space<vmem>>[vector<16xi32>, vector<16xi32>], vector<16xf32>,
      %broadcast_in_dim3A_70 = arith.constant 3 : i32
      %broadcast_in_dim3A_71 = vector.broadcast %broadcast_in_dim3A_70 : i32 to vector<16xi32>
      tpu.vector_store_idx %arg16[%add3A_63, %broadcast_in_dim3A_71], %broadcast_in_dim3A_0 : memref<256x96xf32, #tpu.memory_space<vmem>>[vector<16xi32>, vector<16xi32>], vector<16xf32>,
      %broadcast_in_dim3A_72 = arith.constant 4 : i32
      %broadcast_in_dim3A_73 = vector.broadcast %broadcast_in_dim3A_72 : i32 to vector<16xi32>
      tpu.vector_store_idx %arg16[%add3A_63, %broadcast_in_dim3A_73], %broadcast_in_dim3A_0 : memref<256x96xf32, #tpu.memory_space<vmem>>[vector<16xi32>, vector<16xi32>], vector<16xf32>,
      %broadcast_in_dim3A_74 = arith.constant 5 : i32
      %broadcast_in_dim3A_75 = vector.broadcast %broadcast_in_dim3A_74 : i32 to vector<16xi32>
      tpu.vector_store_idx %arg16[%add3A_63, %broadcast_in_dim3A_75], %broadcast_in_dim3A_0 : memref<256x96xf32, #tpu.memory_space<vmem>>[vector<16xi32>, vector<16xi32>], vector<16xf32>,
      %broadcast_in_dim3A_76 = arith.constant 6 : i32
      %broadcast_in_dim3A_77 = vector.broadcast %broadcast_in_dim3A_76 : i32 to vector<16xi32>
      tpu.vector_store_idx %arg16[%add3A_63, %broadcast_in_dim3A_77], %broadcast_in_dim3A_0 : memref<256x96xf32, #tpu.memory_space<vmem>>[vector<16xi32>, vector<16xi32>], vector<16xf32>,
      %broadcast_in_dim3A_78 = arith.constant 7 : i32
      %broadcast_in_dim3A_79 = vector.broadcast %broadcast_in_dim3A_78 : i32 to vector<16xi32>
      tpu.vector_store_idx %arg16[%add3A_63, %broadcast_in_dim3A_79], %broadcast_in_dim3A_0 : memref<256x96xf32, #tpu.memory_space<vmem>>[vector<16xi32>, vector<16xi32>], vector<16xf32>,
      %broadcast_in_dim3A_80 = arith.constant 8 : i32
      %broadcast_in_dim3A_81 = vector.broadcast %broadcast_in_dim3A_80 : i32 to vector<16xi32>
      tpu.vector_store_idx %arg16[%add3A_63, %broadcast_in_dim3A_81], %broadcast_in_dim3A_0 : memref<256x96xf32, #tpu.memory_space<vmem>>[vector<16xi32>, vector<16xi32>], vector<16xf32>,
      %broadcast_in_dim3A_82 = arith.constant 9 : i32
      %broadcast_in_dim3A_83 = vector.broadcast %broadcast_in_dim3A_82 : i32 to vector<16xi32>
      tpu.vector_store_idx %arg16[%add3A_63, %broadcast_in_dim3A_83], %broadcast_in_dim3A_0 : memref<256x96xf32, #tpu.memory_space<vmem>>[vector<16xi32>, vector<16xi32>], vector<16xf32>,
      %broadcast_in_dim3A_84 = arith.constant 10 : i32
      %broadcast_in_dim3A_85 = vector.broadcast %broadcast_in_dim3A_84 : i32 to vector<16xi32>
      tpu.vector_store_idx %arg16[%add3A_63, %broadcast_in_dim3A_85], %broadcast_in_dim3A_0 : memref<256x96xf32, #tpu.memory_space<vmem>>[vector<16xi32>, vector<16xi32>], vector<16xf32>,
      %broadcast_in_dim3A_86 = arith.constant 11 : i32
      %broadcast_in_dim3A_87 = vector.broadcast %broadcast_in_dim3A_86 : i32 to vector<16xi32>
      tpu.vector_store_idx %arg16[%add3A_63, %broadcast_in_dim3A_87], %broadcast_in_dim3A_0 : memref<256x96xf32, #tpu.memory_space<vmem>>[vector<16xi32>, vector<16xi32>], vector<16xf32>,
      %broadcast_in_dim3A_88 = arith.constant 12 : i32
      %broadcast_in_dim3A_89 = vector.broadcast %broadcast_in_dim3A_88 : i32 to vector<16xi32>
      tpu.vector_store_idx %arg16[%add3A_63, %broadcast_in_dim3A_89], %broadcast_in_dim3A_0 : memref<256x96xf32, #tpu.memory_space<vmem>>[vector<16xi32>, vector<16xi32>], vector<16xf32>,
      %broadcast_in_dim3A_90 = arith.constant 13 : i32
      %broadcast_in_dim3A_91 = vector.broadcast %broadcast_in_dim3A_90 : i32 to vector<16xi32>
      tpu.vector_store_idx %arg16[%add3A_63, %broadcast_in_dim3A_91], %broadcast_in_dim3A_0 : memref<256x96xf32, #tpu.memory_space<vmem>>[vector<16xi32>, vector<16xi32>], vector<16xf32>,
      %broadcast_in_dim3A_92 = arith.constant 14 : i32
      %broadcast_in_dim3A_93 = vector.broadcast %broadcast_in_dim3A_92 : i32 to vector<16xi32>
      tpu.vector_store_idx %arg16[%add3A_63, %broadcast_in_dim3A_93], %broadcast_in_dim3A_0 : memref<256x96xf32, #tpu.memory_space<vmem>>[vector<16xi32>, vector<16xi32>], vector<16xf32>,
      %broadcast_in_dim3A_94 = arith.constant 15 : i32
      %broadcast_in_dim3A_95 = vector.broadcast %broadcast_in_dim3A_94 : i32 to vector<16xi32>
      tpu.vector_store_idx %arg16[%add3A_63, %broadcast_in_dim3A_95], %broadcast_in_dim3A_0 : memref<256x96xf32, #tpu.memory_space<vmem>>[vector<16xi32>, vector<16xi32>], vector<16xf32>,
      %broadcast_in_dim3A_96 = arith.constant 16 : i32
      %broadcast_in_dim3A_97 = vector.broadcast %broadcast_in_dim3A_96 : i32 to vector<16xi32>
      tpu.vector_store_idx %arg16[%add3A_63, %broadcast_in_dim3A_97], %broadcast_in_dim3A_0 : memref<256x96xf32, #tpu.memory_space<vmem>>[vector<16xi32>, vector<16xi32>], vector<16xf32>,
      %broadcast_in_dim3A_98 = arith.constant 17 : i32
      %broadcast_in_dim3A_99 = vector.broadcast %broadcast_in_dim3A_98 : i32 to vector<16xi32>
      tpu.vector_store_idx %arg16[%add3A_63, %broadcast_in_dim3A_99], %broadcast_in_dim3A_0 : memref<256x96xf32, #tpu.memory_space<vmem>>[vector<16xi32>, vector<16xi32>], vector<16xf32>,
      %broadcast_in_dim3A_100 = arith.constant 18 : i32
      %broadcast_in_dim3A_101 = vector.broadcast %broadcast_in_dim3A_100 : i32 to vector<16xi32>
      tpu.vector_store_idx %arg16[%add3A_63, %broadcast_in_dim3A_101], %broadcast_in_dim3A_0 : memref<256x96xf32, #tpu.memory_space<vmem>>[vector<16xi32>, vector<16xi32>], vector<16xf32>,
      %broadcast_in_dim3A_102 = arith.constant 19 : i32
      %broadcast_in_dim3A_103 = vector.broadcast %broadcast_in_dim3A_102 : i32 to vector<16xi32>
      tpu.vector_store_idx %arg16[%add3A_63, %broadcast_in_dim3A_103], %broadcast_in_dim3A_0 : memref<256x96xf32, #tpu.memory_space<vmem>>[vector<16xi32>, vector<16xi32>], vector<16xf32>,
      %broadcast_in_dim3A_104 = arith.constant 20 : i32
      %broadcast_in_dim3A_105 = vector.broadcast %broadcast_in_dim3A_104 : i32 to vector<16xi32>
      tpu.vector_store_idx %arg16[%add3A_63, %broadcast_in_dim3A_105], %broadcast_in_dim3A_0 : memref<256x96xf32, #tpu.memory_space<vmem>>[vector<16xi32>, vector<16xi32>], vector<16xf32>,
      %broadcast_in_dim3A_106 = arith.constant 21 : i32
      %broadcast_in_dim3A_107 = vector.broadcast %broadcast_in_dim3A_106 : i32 to vector<16xi32>
      tpu.vector_store_idx %arg16[%add3A_63, %broadcast_in_dim3A_107], %broadcast_in_dim3A_0 : memref<256x96xf32, #tpu.memory_space<vmem>>[vector<16xi32>, vector<16xi32>], vector<16xf32>,
      %broadcast_in_dim3A_108 = arith.constant 22 : i32
      %broadcast_in_dim3A_109 = vector.broadcast %broadcast_in_dim3A_108 : i32 to vector<16xi32>
      tpu.vector_store_idx %arg16[%add3A_63, %broadcast_in_dim3A_109], %broadcast_in_dim3A_0 : memref<256x96xf32, #tpu.memory_space<vmem>>[vector<16xi32>, vector<16xi32>], vector<16xf32>,
      %broadcast_in_dim3A_110 = arith.constant 23 : i32
      %broadcast_in_dim3A_111 = vector.broadcast %broadcast_in_dim3A_110 : i32 to vector<16xi32>
      tpu.vector_store_idx %arg16[%add3A_63, %broadcast_in_dim3A_111], %broadcast_in_dim3A_0 : memref<256x96xf32, #tpu.memory_space<vmem>>[vector<16xi32>, vector<16xi32>], vector<16xf32>,
      %broadcast_in_dim3A_112 = arith.constant 24 : i32
      %broadcast_in_dim3A_113 = vector.broadcast %broadcast_in_dim3A_112 : i32 to vector<16xi32>
      tpu.vector_store_idx %arg16[%add3A_63, %broadcast_in_dim3A_113], %broadcast_in_dim3A_0 : memref<256x96xf32, #tpu.memory_space<vmem>>[vector<16xi32>, vector<16xi32>], vector<16xf32>,
      %broadcast_in_dim3A_114 = arith.constant 25 : i32
      %broadcast_in_dim3A_115 = vector.broadcast %broadcast_in_dim3A_114 : i32 to vector<16xi32>
      tpu.vector_store_idx %arg16[%add3A_63, %broadcast_in_dim3A_115], %broadcast_in_dim3A_0 : memref<256x96xf32, #tpu.memory_space<vmem>>[vector<16xi32>, vector<16xi32>], vector<16xf32>,
      %broadcast_in_dim3A_116 = arith.constant 26 : i32
      %broadcast_in_dim3A_117 = vector.broadcast %broadcast_in_dim3A_116 : i32 to vector<16xi32>
      tpu.vector_store_idx %arg16[%add3A_63, %broadcast_in_dim3A_117], %broadcast_in_dim3A_0 : memref<256x96xf32, #tpu.memory_space<vmem>>[vector<16xi32>, vector<16xi32>], vector<16xf32>,
      %broadcast_in_dim3A_118 = arith.constant 27 : i32
      %broadcast_in_dim3A_119 = vector.broadcast %broadcast_in_dim3A_118 : i32 to vector<16xi32>
      tpu.vector_store_idx %arg16[%add3A_63, %broadcast_in_dim3A_119], %broadcast_in_dim3A_0 : memref<256x96xf32, #tpu.memory_space<vmem>>[vector<16xi32>, vector<16xi32>], vector<16xf32>,
      %broadcast_in_dim3A_120 = arith.constant 28 : i32
      %broadcast_in_dim3A_121 = vector.broadcast %broadcast_in_dim3A_120 : i32 to vector<16xi32>
      tpu.vector_store_idx %arg16[%add3A_63, %broadcast_in_dim3A_121], %broadcast_in_dim3A_0 : memref<256x96xf32, #tpu.memory_space<vmem>>[vector<16xi32>, vector<16xi32>], vector<16xf32>,
      %broadcast_in_dim3A_122 = arith.constant 29 : i32
      %broadcast_in_dim3A_123 = vector.broadcast %broadcast_in_dim3A_122 : i32 to vector<16xi32>
      tpu.vector_store_idx %arg16[%add3A_63, %broadcast_in_dim3A_123], %broadcast_in_dim3A_0 : memref<256x96xf32, #tpu.memory_space<vmem>>[vector<16xi32>, vector<16xi32>], vector<16xf32>,
      %broadcast_in_dim3A_124 = arith.constant 30 : i32
      %broadcast_in_dim3A_125 = vector.broadcast %broadcast_in_dim3A_124 : i32 to vector<16xi32>
      tpu.vector_store_idx %arg16[%add3A_63, %broadcast_in_dim3A_125], %broadcast_in_dim3A_0 : memref<256x96xf32, #tpu.memory_space<vmem>>[vector<16xi32>, vector<16xi32>], vector<16xf32>,
      %broadcast_in_dim3A_126 = arith.constant 31 : i32
      %broadcast_in_dim3A_127 = vector.broadcast %broadcast_in_dim3A_126 : i32 to vector<16xi32>
      tpu.vector_store_idx %arg16[%add3A_63, %broadcast_in_dim3A_127], %broadcast_in_dim3A_0 : memref<256x96xf32, #tpu.memory_space<vmem>>[vector<16xi32>, vector<16xi32>], vector<16xf32>,
      %broadcast_in_dim3A_128 = arith.constant 32 : i32
      %broadcast_in_dim3A_129 = vector.broadcast %broadcast_in_dim3A_128 : i32 to vector<16xi32>
      tpu.vector_store_idx %arg16[%add3A_63, %broadcast_in_dim3A_129], %broadcast_in_dim3A_0 : memref<256x96xf32, #tpu.memory_space<vmem>>[vector<16xi32>, vector<16xi32>], vector<16xf32>,
      %broadcast_in_dim3A_130 = arith.constant 33 : i32
      %broadcast_in_dim3A_131 = vector.broadcast %broadcast_in_dim3A_130 : i32 to vector<16xi32>
      tpu.vector_store_idx %arg16[%add3A_63, %broadcast_in_dim3A_131], %broadcast_in_dim3A_0 : memref<256x96xf32, #tpu.memory_space<vmem>>[vector<16xi32>, vector<16xi32>], vector<16xf32>,
      %broadcast_in_dim3A_132 = arith.constant 34 : i32
      %broadcast_in_dim3A_133 = vector.broadcast %broadcast_in_dim3A_132 : i32 to vector<16xi32>
      tpu.vector_store_idx %arg16[%add3A_63, %broadcast_in_dim3A_133], %broadcast_in_dim3A_0 : memref<256x96xf32, #tpu.memory_space<vmem>>[vector<16xi32>, vector<16xi32>], vector<16xf32>,
      %broadcast_in_dim3A_134 = arith.constant 35 : i32
      %broadcast_in_dim3A_135 = vector.broadcast %broadcast_in_dim3A_134 : i32 to vector<16xi32>
      tpu.vector_store_idx %arg16[%add3A_63, %broadcast_in_dim3A_135], %broadcast_in_dim3A_0 : memref<256x96xf32, #tpu.memory_space<vmem>>[vector<16xi32>, vector<16xi32>], vector<16xf32>,
      %broadcast_in_dim3A_136 = arith.constant 36 : i32
      %broadcast_in_dim3A_137 = vector.broadcast %broadcast_in_dim3A_136 : i32 to vector<16xi32>
      tpu.vector_store_idx %arg16[%add3A_63, %broadcast_in_dim3A_137], %broadcast_in_dim3A_0 : memref<256x96xf32, #tpu.memory_space<vmem>>[vector<16xi32>, vector<16xi32>], vector<16xf32>,
      %broadcast_in_dim3A_138 = arith.constant 37 : i32
      %broadcast_in_dim3A_139 = vector.broadcast %broadcast_in_dim3A_138 : i32 to vector<16xi32>
      tpu.vector_store_idx %arg16[%add3A_63, %broadcast_in_dim3A_139], %broadcast_in_dim3A_0 : memref<256x96xf32, #tpu.memory_space<vmem>>[vector<16xi32>, vector<16xi32>], vector<16xf32>,
      %broadcast_in_dim3A_140 = arith.constant 38 : i32
      %broadcast_in_dim3A_141 = vector.broadcast %broadcast_in_dim3A_140 : i32 to vector<16xi32>
      tpu.vector_store_idx %arg16[%add3A_63, %broadcast_in_dim3A_141], %broadcast_in_dim3A_0 : memref<256x96xf32, #tpu.memory_space<vmem>>[vector<16xi32>, vector<16xi32>], vector<16xf32>,
      %broadcast_in_dim3A_142 = arith.constant 39 : i32
      %broadcast_in_dim3A_143 = vector.broadcast %broadcast_in_dim3A_142 : i32 to vector<16xi32>
      tpu.vector_store_idx %arg16[%add3A_63, %broadcast_in_dim3A_143], %broadcast_in_dim3A_0 : memref<256x96xf32, #tpu.memory_space<vmem>>[vector<16xi32>, vector<16xi32>], vector<16xf32>,
      %broadcast_in_dim3A_144 = arith.constant 40 : i32
      %broadcast_in_dim3A_145 = vector.broadcast %broadcast_in_dim3A_144 : i32 to vector<16xi32>
      tpu.vector_store_idx %arg16[%add3A_63, %broadcast_in_dim3A_145], %broadcast_in_dim3A_0 : memref<256x96xf32, #tpu.memory_space<vmem>>[vector<16xi32>, vector<16xi32>], vector<16xf32>,
      %broadcast_in_dim3A_146 = arith.constant 41 : i32
      %broadcast_in_dim3A_147 = vector.broadcast %broadcast_in_dim3A_146 : i32 to vector<16xi32>
      tpu.vector_store_idx %arg16[%add3A_63, %broadcast_in_dim3A_147], %broadcast_in_dim3A_0 : memref<256x96xf32, #tpu.memory_space<vmem>>[vector<16xi32>, vector<16xi32>], vector<16xf32>,
      %broadcast_in_dim3A_148 = arith.constant 42 : i32
      %broadcast_in_dim3A_149 = vector.broadcast %broadcast_in_dim3A_148 : i32 to vector<16xi32>
      tpu.vector_store_idx %arg16[%add3A_63, %broadcast_in_dim3A_149], %broadcast_in_dim3A_0 : memref<256x96xf32, #tpu.memory_space<vmem>>[vector<16xi32>, vector<16xi32>], vector<16xf32>,
      %broadcast_in_dim3A_150 = arith.constant 43 : i32
      %broadcast_in_dim3A_151 = vector.broadcast %broadcast_in_dim3A_150 : i32 to vector<16xi32>
      tpu.vector_store_idx %arg16[%add3A_63, %broadcast_in_dim3A_151], %broadcast_in_dim3A_0 : memref<256x96xf32, #tpu.memory_space<vmem>>[vector<16xi32>, vector<16xi32>], vector<16xf32>,
      %broadcast_in_dim3A_152 = arith.constant 44 : i32
      %broadcast_in_dim3A_153 = vector.broadcast %broadcast_in_dim3A_152 : i32 to vector<16xi32>
      tpu.vector_store_idx %arg16[%add3A_63, %broadcast_in_dim3A_153], %broadcast_in_dim3A_0 : memref<256x96xf32, #tpu.memory_space<vmem>>[vector<16xi32>, vector<16xi32>], vector<16xf32>,
      %broadcast_in_dim3A_154 = arith.constant 45 : i32
      %broadcast_in_dim3A_155 = vector.broadcast %broadcast_in_dim3A_154 : i32 to vector<16xi32>
      tpu.vector_store_idx %arg16[%add3A_63, %broadcast_in_dim3A_155], %broadcast_in_dim3A_0 : memref<256x96xf32, #tpu.memory_space<vmem>>[vector<16xi32>, vector<16xi32>], vector<16xf32>,
      %broadcast_in_dim3A_156 = arith.constant 46 : i32
      %broadcast_in_dim3A_157 = vector.broadcast %broadcast_in_dim3A_156 : i32 to vector<16xi32>
      tpu.vector_store_idx %arg16[%add3A_63, %broadcast_in_dim3A_157], %broadcast_in_dim3A_0 : memref<256x96xf32, #tpu.memory_space<vmem>>[vector<16xi32>, vector<16xi32>], vector<16xf32>,
      %broadcast_in_dim3A_158 = arith.constant 47 : i32
      %broadcast_in_dim3A_159 = vector.broadcast %broadcast_in_dim3A_158 : i32 to vector<16xi32>
      tpu.vector_store_idx %arg16[%add3A_63, %broadcast_in_dim3A_159], %broadcast_in_dim3A_0 : memref<256x96xf32, #tpu.memory_space<vmem>>[vector<16xi32>, vector<16xi32>], vector<16xf32>,
      %broadcast_in_dim3A_160 = arith.constant 48 : i32
      %broadcast_in_dim3A_161 = vector.broadcast %broadcast_in_dim3A_160 : i32 to vector<16xi32>
      tpu.vector_store_idx %arg16[%add3A_63, %broadcast_in_dim3A_161], %broadcast_in_dim3A_0 : memref<256x96xf32, #tpu.memory_space<vmem>>[vector<16xi32>, vector<16xi32>], vector<16xf32>,
      %broadcast_in_dim3A_162 = arith.constant 49 : i32
      %broadcast_in_dim3A_163 = vector.broadcast %broadcast_in_dim3A_162 : i32 to vector<16xi32>
      tpu.vector_store_idx %arg16[%add3A_63, %broadcast_in_dim3A_163], %broadcast_in_dim3A_0 : memref<256x96xf32, #tpu.memory_space<vmem>>[vector<16xi32>, vector<16xi32>], vector<16xf32>,
      %broadcast_in_dim3A_164 = arith.constant 50 : i32
      %broadcast_in_dim3A_165 = vector.broadcast %broadcast_in_dim3A_164 : i32 to vector<16xi32>
      tpu.vector_store_idx %arg16[%add3A_63, %broadcast_in_dim3A_165], %broadcast_in_dim3A_0 : memref<256x96xf32, #tpu.memory_space<vmem>>[vector<16xi32>, vector<16xi32>], vector<16xf32>,
      %broadcast_in_dim3A_166 = arith.constant 51 : i32
      %broadcast_in_dim3A_167 = vector.broadcast %broadcast_in_dim3A_166 : i32 to vector<16xi32>
      tpu.vector_store_idx %arg16[%add3A_63, %broadcast_in_dim3A_167], %broadcast_in_dim3A_0 : memref<256x96xf32, #tpu.memory_space<vmem>>[vector<16xi32>, vector<16xi32>], vector<16xf32>,
      %broadcast_in_dim3A_168 = arith.constant 52 : i32
      %broadcast_in_dim3A_169 = vector.broadcast %broadcast_in_dim3A_168 : i32 to vector<16xi32>
      tpu.vector_store_idx %arg16[%add3A_63, %broadcast_in_dim3A_169], %broadcast_in_dim3A_0 : memref<256x96xf32, #tpu.memory_space<vmem>>[vector<16xi32>, vector<16xi32>], vector<16xf32>,
      %broadcast_in_dim3A_170 = arith.constant 53 : i32
      %broadcast_in_dim3A_171 = vector.broadcast %broadcast_in_dim3A_170 : i32 to vector<16xi32>
      tpu.vector_store_idx %arg16[%add3A_63, %broadcast_in_dim3A_171], %broadcast_in_dim3A_0 : memref<256x96xf32, #tpu.memory_space<vmem>>[vector<16xi32>, vector<16xi32>], vector<16xf32>,
      %broadcast_in_dim3A_172 = arith.constant 54 : i32
      %broadcast_in_dim3A_173 = vector.broadcast %broadcast_in_dim3A_172 : i32 to vector<16xi32>
      tpu.vector_store_idx %arg16[%add3A_63, %broadcast_in_dim3A_173], %broadcast_in_dim3A_0 : memref<256x96xf32, #tpu.memory_space<vmem>>[vector<16xi32>, vector<16xi32>], vector<16xf32>,
      %broadcast_in_dim3A_174 = arith.constant 55 : i32
      %broadcast_in_dim3A_175 = vector.broadcast %broadcast_in_dim3A_174 : i32 to vector<16xi32>
      tpu.vector_store_idx %arg16[%add3A_63, %broadcast_in_dim3A_175], %broadcast_in_dim3A_0 : memref<256x96xf32, #tpu.memory_space<vmem>>[vector<16xi32>, vector<16xi32>], vector<16xf32>,
      %broadcast_in_dim3A_176 = arith.constant 56 : i32
      %broadcast_in_dim3A_177 = vector.broadcast %broadcast_in_dim3A_176 : i32 to vector<16xi32>
      tpu.vector_store_idx %arg16[%add3A_63, %broadcast_in_dim3A_177], %broadcast_in_dim3A_0 : memref<256x96xf32, #tpu.memory_space<vmem>>[vector<16xi32>, vector<16xi32>], vector<16xf32>,
      %broadcast_in_dim3A_178 = arith.constant 57 : i32
      %broadcast_in_dim3A_179 = vector.broadcast %broadcast_in_dim3A_178 : i32 to vector<16xi32>
      tpu.vector_store_idx %arg16[%add3A_63, %broadcast_in_dim3A_179], %broadcast_in_dim3A_0 : memref<256x96xf32, #tpu.memory_space<vmem>>[vector<16xi32>, vector<16xi32>], vector<16xf32>,
      %broadcast_in_dim3A_180 = arith.constant 58 : i32
      %broadcast_in_dim3A_181 = vector.broadcast %broadcast_in_dim3A_180 : i32 to vector<16xi32>
      tpu.vector_store_idx %arg16[%add3A_63, %broadcast_in_dim3A_181], %broadcast_in_dim3A_0 : memref<256x96xf32, #tpu.memory_space<vmem>>[vector<16xi32>, vector<16xi32>], vector<16xf32>,
      %broadcast_in_dim3A_182 = arith.constant 59 : i32
      %broadcast_in_dim3A_183 = vector.broadcast %broadcast_in_dim3A_182 : i32 to vector<16xi32>
      tpu.vector_store_idx %arg16[%add3A_63, %broadcast_in_dim3A_183], %broadcast_in_dim3A_0 : memref<256x96xf32, #tpu.memory_space<vmem>>[vector<16xi32>, vector<16xi32>], vector<16xf32>,
      %broadcast_in_dim3A_184 = arith.constant 60 : i32
      %broadcast_in_dim3A_185 = vector.broadcast %broadcast_in_dim3A_184 : i32 to vector<16xi32>
      tpu.vector_store_idx %arg16[%add3A_63, %broadcast_in_dim3A_185], %broadcast_in_dim3A_0 : memref<256x96xf32, #tpu.memory_space<vmem>>[vector<16xi32>, vector<16xi32>], vector<16xf32>,
      %broadcast_in_dim3A_186 = arith.constant 61 : i32
      %broadcast_in_dim3A_187 = vector.broadcast %broadcast_in_dim3A_186 : i32 to vector<16xi32>
      tpu.vector_store_idx %arg16[%add3A_63, %broadcast_in_dim3A_187], %broadcast_in_dim3A_0 : memref<256x96xf32, #tpu.memory_space<vmem>>[vector<16xi32>, vector<16xi32>], vector<16xf32>,
      %broadcast_in_dim3A_188 = arith.constant 62 : i32
      %broadcast_in_dim3A_189 = vector.broadcast %broadcast_in_dim3A_188 : i32 to vector<16xi32>
      tpu.vector_store_idx %arg16[%add3A_63, %broadcast_in_dim3A_189], %broadcast_in_dim3A_0 : memref<256x96xf32, #tpu.memory_space<vmem>>[vector<16xi32>, vector<16xi32>], vector<16xf32>,
      %broadcast_in_dim3A_190 = arith.constant 63 : i32
      %broadcast_in_dim3A_191 = vector.broadcast %broadcast_in_dim3A_190 : i32 to vector<16xi32>
      tpu.vector_store_idx %arg16[%add3A_63, %broadcast_in_dim3A_191], %broadcast_in_dim3A_0 : memref<256x96xf32, #tpu.memory_space<vmem>>[vector<16xi32>, vector<16xi32>], vector<16xf32>,
      %broadcast_in_dim3A_192 = arith.constant 64 : i32
      %broadcast_in_dim3A_193 = vector.broadcast %broadcast_in_dim3A_192 : i32 to vector<16xi32>
      tpu.vector_store_idx %arg16[%add3A_63, %broadcast_in_dim3A_193], %broadcast_in_dim3A_0 : memref<256x96xf32, #tpu.memory_space<vmem>>[vector<16xi32>, vector<16xi32>], vector<16xf32>,
      %broadcast_in_dim3A_194 = arith.constant 65 : i32
      %broadcast_in_dim3A_195 = vector.broadcast %broadcast_in_dim3A_194 : i32 to vector<16xi32>
      tpu.vector_store_idx %arg16[%add3A_63, %broadcast_in_dim3A_195], %broadcast_in_dim3A_0 : memref<256x96xf32, #tpu.memory_space<vmem>>[vector<16xi32>, vector<16xi32>], vector<16xf32>,
      %broadcast_in_dim3A_196 = arith.constant 66 : i32
      %broadcast_in_dim3A_197 = vector.broadcast %broadcast_in_dim3A_196 : i32 to vector<16xi32>
      tpu.vector_store_idx %arg16[%add3A_63, %broadcast_in_dim3A_197], %broadcast_in_dim3A_0 : memref<256x96xf32, #tpu.memory_space<vmem>>[vector<16xi32>, vector<16xi32>], vector<16xf32>,
      %broadcast_in_dim3A_198 = arith.constant 67 : i32
      %broadcast_in_dim3A_199 = vector.broadcast %broadcast_in_dim3A_198 : i32 to vector<16xi32>
      tpu.vector_store_idx %arg16[%add3A_63, %broadcast_in_dim3A_199], %broadcast_in_dim3A_0 : memref<256x96xf32, #tpu.memory_space<vmem>>[vector<16xi32>, vector<16xi32>], vector<16xf32>,
      %broadcast_in_dim3A_200 = arith.constant 68 : i32
      %broadcast_in_dim3A_201 = vector.broadcast %broadcast_in_dim3A_200 : i32 to vector<16xi32>
      tpu.vector_store_idx %arg16[%add3A_63, %broadcast_in_dim3A_201], %broadcast_in_dim3A_0 : memref<256x96xf32, #tpu.memory_space<vmem>>[vector<16xi32>, vector<16xi32>], vector<16xf32>,
      %broadcast_in_dim3A_202 = arith.constant 69 : i32
      %broadcast_in_dim3A_203 = vector.broadcast %broadcast_in_dim3A_202 : i32 to vector<16xi32>
      tpu.vector_store_idx %arg16[%add3A_63, %broadcast_in_dim3A_203], %broadcast_in_dim3A_0 : memref<256x96xf32, #tpu.memory_space<vmem>>[vector<16xi32>, vector<16xi32>], vector<16xf32>,
      %broadcast_in_dim3A_204 = arith.constant 70 : i32
      %broadcast_in_dim3A_205 = vector.broadcast %broadcast_in_dim3A_204 : i32 to vector<16xi32>
      tpu.vector_store_idx %arg16[%add3A_63, %broadcast_in_dim3A_205], %broadcast_in_dim3A_0 : memref<256x96xf32, #tpu.memory_space<vmem>>[vector<16xi32>, vector<16xi32>], vector<16xf32>,
      %broadcast_in_dim3A_206 = arith.constant 71 : i32
      %broadcast_in_dim3A_207 = vector.broadcast %broadcast_in_dim3A_206 : i32 to vector<16xi32>
      tpu.vector_store_idx %arg16[%add3A_63, %broadcast_in_dim3A_207], %broadcast_in_dim3A_0 : memref<256x96xf32, #tpu.memory_space<vmem>>[vector<16xi32>, vector<16xi32>], vector<16xf32>,
      %broadcast_in_dim3A_208 = arith.constant 72 : i32
      %broadcast_in_dim3A_209 = vector.broadcast %broadcast_in_dim3A_208 : i32 to vector<16xi32>
      tpu.vector_store_idx %arg16[%add3A_63, %broadcast_in_dim3A_209], %broadcast_in_dim3A_0 : memref<256x96xf32, #tpu.memory_space<vmem>>[vector<16xi32>, vector<16xi32>], vector<16xf32>,
      %broadcast_in_dim3A_210 = arith.constant 73 : i32
      %broadcast_in_dim3A_211 = vector.broadcast %broadcast_in_dim3A_210 : i32 to vector<16xi32>
      tpu.vector_store_idx %arg16[%add3A_63, %broadcast_in_dim3A_211], %broadcast_in_dim3A_0 : memref<256x96xf32, #tpu.memory_space<vmem>>[vector<16xi32>, vector<16xi32>], vector<16xf32>,
      %broadcast_in_dim3A_212 = arith.constant 74 : i32
      %broadcast_in_dim3A_213 = vector.broadcast %broadcast_in_dim3A_212 : i32 to vector<16xi32>
      tpu.vector_store_idx %arg16[%add3A_63, %broadcast_in_dim3A_213], %broadcast_in_dim3A_0 : memref<256x96xf32, #tpu.memory_space<vmem>>[vector<16xi32>, vector<16xi32>], vector<16xf32>,
      %broadcast_in_dim3A_214 = arith.constant 75 : i32
      %broadcast_in_dim3A_215 = vector.broadcast %broadcast_in_dim3A_214 : i32 to vector<16xi32>
      tpu.vector_store_idx %arg16[%add3A_63, %broadcast_in_dim3A_215], %broadcast_in_dim3A_0 : memref<256x96xf32, #tpu.memory_space<vmem>>[vector<16xi32>, vector<16xi32>], vector<16xf32>,
      %broadcast_in_dim3A_216 = arith.constant 76 : i32
      %broadcast_in_dim3A_217 = vector.broadcast %broadcast_in_dim3A_216 : i32 to vector<16xi32>
      tpu.vector_store_idx %arg16[%add3A_63, %broadcast_in_dim3A_217], %broadcast_in_dim3A_0 : memref<256x96xf32, #tpu.memory_space<vmem>>[vector<16xi32>, vector<16xi32>], vector<16xf32>,
      %broadcast_in_dim3A_218 = arith.constant 77 : i32
      %broadcast_in_dim3A_219 = vector.broadcast %broadcast_in_dim3A_218 : i32 to vector<16xi32>
      tpu.vector_store_idx %arg16[%add3A_63, %broadcast_in_dim3A_219], %broadcast_in_dim3A_0 : memref<256x96xf32, #tpu.memory_space<vmem>>[vector<16xi32>, vector<16xi32>], vector<16xf32>,
      %broadcast_in_dim3A_220 = arith.constant 78 : i32
      %broadcast_in_dim3A_221 = vector.broadcast %broadcast_in_dim3A_220 : i32 to vector<16xi32>
      tpu.vector_store_idx %arg16[%add3A_63, %broadcast_in_dim3A_221], %broadcast_in_dim3A_0 : memref<256x96xf32, #tpu.memory_space<vmem>>[vector<16xi32>, vector<16xi32>], vector<16xf32>,
      %broadcast_in_dim3A_222 = arith.constant 79 : i32
      %broadcast_in_dim3A_223 = vector.broadcast %broadcast_in_dim3A_222 : i32 to vector<16xi32>
      tpu.vector_store_idx %arg16[%add3A_63, %broadcast_in_dim3A_223], %broadcast_in_dim3A_0 : memref<256x96xf32, #tpu.memory_space<vmem>>[vector<16xi32>, vector<16xi32>], vector<16xf32>,
      %broadcast_in_dim3A_224 = arith.constant 80 : i32
      %broadcast_in_dim3A_225 = vector.broadcast %broadcast_in_dim3A_224 : i32 to vector<16xi32>
      tpu.vector_store_idx %arg16[%add3A_63, %broadcast_in_dim3A_225], %broadcast_in_dim3A_0 : memref<256x96xf32, #tpu.memory_space<vmem>>[vector<16xi32>, vector<16xi32>], vector<16xf32>,
      %broadcast_in_dim3A_226 = arith.constant 81 : i32
      %broadcast_in_dim3A_227 = vector.broadcast %broadcast_in_dim3A_226 : i32 to vector<16xi32>
      tpu.vector_store_idx %arg16[%add3A_63, %broadcast_in_dim3A_227], %broadcast_in_dim3A_0 : memref<256x96xf32, #tpu.memory_space<vmem>>[vector<16xi32>, vector<16xi32>], vector<16xf32>,
      %broadcast_in_dim3A_228 = arith.constant 82 : i32
      %broadcast_in_dim3A_229 = vector.broadcast %broadcast_in_dim3A_228 : i32 to vector<16xi32>
      tpu.vector_store_idx %arg16[%add3A_63, %broadcast_in_dim3A_229], %broadcast_in_dim3A_0 : memref<256x96xf32, #tpu.memory_space<vmem>>[vector<16xi32>, vector<16xi32>], vector<16xf32>,
      %broadcast_in_dim3A_230 = arith.constant 83 : i32
      %broadcast_in_dim3A_231 = vector.broadcast %broadcast_in_dim3A_230 : i32 to vector<16xi32>
      tpu.vector_store_idx %arg16[%add3A_63, %broadcast_in_dim3A_231], %broadcast_in_dim3A_0 : memref<256x96xf32, #tpu.memory_space<vmem>>[vector<16xi32>, vector<16xi32>], vector<16xf32>,
      %broadcast_in_dim3A_232 = arith.constant 84 : i32
      %broadcast_in_dim3A_233 = vector.broadcast %broadcast_in_dim3A_232 : i32 to vector<16xi32>
      tpu.vector_store_idx %arg16[%add3A_63, %broadcast_in_dim3A_233], %broadcast_in_dim3A_0 : memref<256x96xf32, #tpu.memory_space<vmem>>[vector<16xi32>, vector<16xi32>], vector<16xf32>,
      %broadcast_in_dim3A_234 = arith.constant 85 : i32
      %broadcast_in_dim3A_235 = vector.broadcast %broadcast_in_dim3A_234 : i32 to vector<16xi32>
      tpu.vector_store_idx %arg16[%add3A_63, %broadcast_in_dim3A_235], %broadcast_in_dim3A_0 : memref<256x96xf32, #tpu.memory_space<vmem>>[vector<16xi32>, vector<16xi32>], vector<16xf32>,
      %broadcast_in_dim3A_236 = arith.constant 86 : i32
      %broadcast_in_dim3A_237 = vector.broadcast %broadcast_in_dim3A_236 : i32 to vector<16xi32>
      tpu.vector_store_idx %arg16[%add3A_63, %broadcast_in_dim3A_237], %broadcast_in_dim3A_0 : memref<256x96xf32, #tpu.memory_space<vmem>>[vector<16xi32>, vector<16xi32>], vector<16xf32>,
      %broadcast_in_dim3A_238 = arith.constant 87 : i32
      %broadcast_in_dim3A_239 = vector.broadcast %broadcast_in_dim3A_238 : i32 to vector<16xi32>
      tpu.vector_store_idx %arg16[%add3A_63, %broadcast_in_dim3A_239], %broadcast_in_dim3A_0 : memref<256x96xf32, #tpu.memory_space<vmem>>[vector<16xi32>, vector<16xi32>], vector<16xf32>,
      %broadcast_in_dim3A_240 = arith.constant 88 : i32
      %broadcast_in_dim3A_241 = vector.broadcast %broadcast_in_dim3A_240 : i32 to vector<16xi32>
      tpu.vector_store_idx %arg16[%add3A_63, %broadcast_in_dim3A_241], %broadcast_in_dim3A_0 : memref<256x96xf32, #tpu.memory_space<vmem>>[vector<16xi32>, vector<16xi32>], vector<16xf32>,
      %broadcast_in_dim3A_242 = arith.constant 89 : i32
      %broadcast_in_dim3A_243 = vector.broadcast %broadcast_in_dim3A_242 : i32 to vector<16xi32>
      tpu.vector_store_idx %arg16[%add3A_63, %broadcast_in_dim3A_243], %broadcast_in_dim3A_0 : memref<256x96xf32, #tpu.memory_space<vmem>>[vector<16xi32>, vector<16xi32>], vector<16xf32>,
      %broadcast_in_dim3A_244 = arith.constant 90 : i32
      %broadcast_in_dim3A_245 = vector.broadcast %broadcast_in_dim3A_244 : i32 to vector<16xi32>
      tpu.vector_store_idx %arg16[%add3A_63, %broadcast_in_dim3A_245], %broadcast_in_dim3A_0 : memref<256x96xf32, #tpu.memory_space<vmem>>[vector<16xi32>, vector<16xi32>], vector<16xf32>,
      %broadcast_in_dim3A_246 = arith.constant 91 : i32
      %broadcast_in_dim3A_247 = vector.broadcast %broadcast_in_dim3A_246 : i32 to vector<16xi32>
      tpu.vector_store_idx %arg16[%add3A_63, %broadcast_in_dim3A_247], %broadcast_in_dim3A_0 : memref<256x96xf32, #tpu.memory_space<vmem>>[vector<16xi32>, vector<16xi32>], vector<16xf32>,
      %broadcast_in_dim3A_248 = arith.constant 92 : i32
      %broadcast_in_dim3A_249 = vector.broadcast %broadcast_in_dim3A_248 : i32 to vector<16xi32>
      tpu.vector_store_idx %arg16[%add3A_63, %broadcast_in_dim3A_249], %broadcast_in_dim3A_0 : memref<256x96xf32, #tpu.memory_space<vmem>>[vector<16xi32>, vector<16xi32>], vector<16xf32>,
      %broadcast_in_dim3A_250 = arith.constant 93 : i32
      %broadcast_in_dim3A_251 = vector.broadcast %broadcast_in_dim3A_250 : i32 to vector<16xi32>
      tpu.vector_store_idx %arg16[%add3A_63, %broadcast_in_dim3A_251], %broadcast_in_dim3A_0 : memref<256x96xf32, #tpu.memory_space<vmem>>[vector<16xi32>, vector<16xi32>], vector<16xf32>,
      %broadcast_in_dim3A_252 = arith.constant 94 : i32
      %broadcast_in_dim3A_253 = vector.broadcast %broadcast_in_dim3A_252 : i32 to vector<16xi32>
      tpu.vector_store_idx %arg16[%add3A_63, %broadcast_in_dim3A_253], %broadcast_in_dim3A_0 : memref<256x96xf32, #tpu.memory_space<vmem>>[vector<16xi32>, vector<16xi32>], vector<16xf32>,
      %broadcast_in_dim3A_254 = arith.constant 95 : i32
      %broadcast_in_dim3A_255 = vector.broadcast %broadcast_in_dim3A_254 : i32 to vector<16xi32>
      tpu.vector_store_idx %arg16[%add3A_63, %broadcast_in_dim3A_255], %broadcast_in_dim3A_0 : memref<256x96xf32, #tpu.memory_space<vmem>>[vector<16xi32>, vector<16xi32>], vector<16xf32>,
      %scan3A_256 = arith.constant 0 : i32
      scf.yield %scan3A_256 : i32
    }
    %scan3A_6 = arith.constant 16 : i32
    %mul3A = arith.constant 640 : i32
    %mul3A_7 = arith.muli %arg1, %mul3A : i32
    %add3A = arith.constant 0 : i32
    %add3A_8 = arith.addi %mul3A_7, %add3A : i32
    "tpu.region"() ({
      %run_scoped3A = tpu.sem_alloc : memref<!tpu.dma_semaphore, #tpu.memory_space<semaphore_mem>>
      %dma_start3A = arith.constant 0 : i32
      %dma_start3A_58 = arith.constant 0 : i32
      %dma_start3A_59 = tpu.memref_slice %arg16[%dma_start3A, %dma_start3A_58] : memref<256x96xf32, #tpu.memory_space<vmem>> -> memref<256x96xf32, #tpu.memory_space<vmem>>
      %dma_start3A_60 = arith.constant 0 : i32
      %dma_start3A_61 = tpu.memref_slice %arg22[%add3A_8, %dma_start3A_60] : memref<10240x96xf32, #tpu.memory_space<vmem_shared>> -> memref<256x96xf32, #tpu.memory_space<vmem_shared>>
      %dma_start3A_62 = arith.constant 0 : i32
      %dma_start3A_63 = tpu.memref_slice %arg22[%add3A_8, %dma_start3A_62] : memref<10240x96xf32, #tpu.memory_space<vmem_shared>> -> memref<256x96xf32, #tpu.memory_space<vmem_shared>>
      %dma_start3A_64 = arith.constant 0 : i32
      %dma_start3A_65 = arith.constant 0 : i32
      %dma_start3A_66 = tpu.memref_slice %arg16[%dma_start3A_64, %dma_start3A_65] : memref<256x96xf32, #tpu.memory_space<vmem>> -> memref<256x96xf32, #tpu.memory_space<vmem>>
      tpu.enqueue_dma source(%dma_start3A_66 : memref<256x96xf32, #tpu.memory_space<vmem>>) target(%dma_start3A_63 : memref<256x96xf32, #tpu.memory_space<vmem_shared>>) target_semaphore(%run_scoped3A : memref<!tpu.dma_semaphore, #tpu.memory_space<semaphore_mem>>)
      %dma_wait3A = arith.constant 0 : i32
      %dma_wait3A_67 = arith.constant 0 : i32
      %dma_wait3A_68 = tpu.memref_slice %arg16[%dma_wait3A, %dma_wait3A_67] : memref<256x96xf32, #tpu.memory_space<vmem>> -> memref<256x96xf32, #tpu.memory_space<vmem>>
      %dma_wait3A_69 = arith.constant 0 : i32
      %dma_wait3A_70 = tpu.memref_slice %arg22[%add3A_8, %dma_wait3A_69] : memref<10240x96xf32, #tpu.memory_space<vmem_shared>> -> memref<256x96xf32, #tpu.memory_space<vmem_shared>>
      %dma_wait3A_71 = arith.constant 0 : i32
      %dma_wait3A_72 = tpu.memref_slice %arg22[%add3A_8, %dma_wait3A_71] : memref<10240x96xf32, #tpu.memory_space<vmem_shared>> -> memref<256x96xf32, #tpu.memory_space<vmem_shared>>
      %dma_wait3A_73 = arith.constant 0 : i32
      %dma_wait3A_74 = arith.constant 0 : i32
      %dma_wait3A_75 = tpu.memref_slice %arg16[%dma_wait3A_73, %dma_wait3A_74] : memref<256x96xf32, #tpu.memory_space<vmem>> -> memref<256x96xf32, #tpu.memory_space<vmem>>
      tpu.wait_dma2 semaphore(%run_scoped3A : memref<!tpu.dma_semaphore, #tpu.memory_space<semaphore_mem>>) src(%dma_wait3A_75 : memref<256x96xf32, #tpu.memory_space<vmem>>) dst(%dma_wait3A_72 : memref<256x96xf32, #tpu.memory_space<vmem_shared>>)
      tpu.yield
    }) : () -> ()
    %mul3A_9 = arith.constant 640 : i32
    %mul3A_10 = arith.muli %arg1, %mul3A_9 : i32
    %add3A_11 = arith.constant 256 : i32
    %add3A_12 = arith.addi %mul3A_10, %add3A_11 : i32
    "tpu.region"() ({
      %run_scoped3A = tpu.sem_alloc : memref<!tpu.dma_semaphore, #tpu.memory_space<semaphore_mem>>
      %dma_start3A = arith.constant 0 : i32
      %dma_start3A_58 = arith.constant 0 : i32
      %dma_start3A_59 = tpu.memref_slice %arg16[%dma_start3A, %dma_start3A_58] : memref<256x96xf32, #tpu.memory_space<vmem>> -> memref<256x96xf32, #tpu.memory_space<vmem>>
      %dma_start3A_60 = arith.constant 0 : i32
      %dma_start3A_61 = tpu.memref_slice %arg22[%add3A_12, %dma_start3A_60] : memref<10240x96xf32, #tpu.memory_space<vmem_shared>> -> memref<256x96xf32, #tpu.memory_space<vmem_shared>>
      %dma_start3A_62 = arith.constant 0 : i32
      %dma_start3A_63 = tpu.memref_slice %arg22[%add3A_12, %dma_start3A_62] : memref<10240x96xf32, #tpu.memory_space<vmem_shared>> -> memref<256x96xf32, #tpu.memory_space<vmem_shared>>
      %dma_start3A_64 = arith.constant 0 : i32
      %dma_start3A_65 = arith.constant 0 : i32
      %dma_start3A_66 = tpu.memref_slice %arg16[%dma_start3A_64, %dma_start3A_65] : memref<256x96xf32, #tpu.memory_space<vmem>> -> memref<256x96xf32, #tpu.memory_space<vmem>>
      tpu.enqueue_dma source(%dma_start3A_66 : memref<256x96xf32, #tpu.memory_space<vmem>>) target(%dma_start3A_63 : memref<256x96xf32, #tpu.memory_space<vmem_shared>>) target_semaphore(%run_scoped3A : memref<!tpu.dma_semaphore, #tpu.memory_space<semaphore_mem>>)
      %dma_wait3A = arith.constant 0 : i32
      %dma_wait3A_67 = arith.constant 0 : i32
      %dma_wait3A_68 = tpu.memref_slice %arg16[%dma_wait3A, %dma_wait3A_67] : memref<256x96xf32, #tpu.memory_space<vmem>> -> memref<256x96xf32, #tpu.memory_space<vmem>>
      %dma_wait3A_69 = arith.constant 0 : i32
      %dma_wait3A_70 = tpu.memref_slice %arg22[%add3A_12, %dma_wait3A_69] : memref<10240x96xf32, #tpu.memory_space<vmem_shared>> -> memref<256x96xf32, #tpu.memory_space<vmem_shared>>
      %dma_wait3A_71 = arith.constant 0 : i32
      %dma_wait3A_72 = tpu.memref_slice %arg22[%add3A_12, %dma_wait3A_71] : memref<10240x96xf32, #tpu.memory_space<vmem_shared>> -> memref<256x96xf32, #tpu.memory_space<vmem_shared>>
      %dma_wait3A_73 = arith.constant 0 : i32
      %dma_wait3A_74 = arith.constant 0 : i32
      %dma_wait3A_75 = tpu.memref_slice %arg16[%dma_wait3A_73, %dma_wait3A_74] : memref<256x96xf32, #tpu.memory_space<vmem>> -> memref<256x96xf32, #tpu.memory_space<vmem>>
      tpu.wait_dma2 semaphore(%run_scoped3A : memref<!tpu.dma_semaphore, #tpu.memory_space<semaphore_mem>>) src(%dma_wait3A_75 : memref<256x96xf32, #tpu.memory_space<vmem>>) dst(%dma_wait3A_72 : memref<256x96xf32, #tpu.memory_space<vmem_shared>>)
      tpu.yield
    }) : () -> ()
    %mul3A_13 = arith.constant 640 : i32
    %mul3A_14 = arith.muli %arg1, %mul3A_13 : i32
    %add3A_15 = arith.constant 512 : i32
    %add3A_16 = arith.addi %mul3A_14, %add3A_15 : i32
    "tpu.region"() ({
      %run_scoped3A = tpu.sem_alloc : memref<!tpu.dma_semaphore, #tpu.memory_space<semaphore_mem>>
      %dma_start3A = arith.constant 0 : i32
      %dma_start3A_58 = arith.constant 0 : i32
      %dma_start3A_59 = tpu.memref_slice %arg16[%dma_start3A, %dma_start3A_58] : memref<256x96xf32, #tpu.memory_space<vmem>> -> memref<128x96xf32, #tpu.memory_space<vmem>>
      %dma_start3A_60 = arith.constant 0 : i32
      %dma_start3A_61 = tpu.memref_slice %arg22[%add3A_16, %dma_start3A_60] : memref<10240x96xf32, #tpu.memory_space<vmem_shared>> -> memref<128x96xf32, #tpu.memory_space<vmem_shared>>
      %dma_start3A_62 = arith.constant 0 : i32
      %dma_start3A_63 = tpu.memref_slice %arg22[%add3A_16, %dma_start3A_62] : memref<10240x96xf32, #tpu.memory_space<vmem_shared>> -> memref<128x96xf32, #tpu.memory_space<vmem_shared>>
      %dma_start3A_64 = arith.constant 0 : i32
      %dma_start3A_65 = arith.constant 0 : i32
      %dma_start3A_66 = tpu.memref_slice %arg16[%dma_start3A_64, %dma_start3A_65] : memref<256x96xf32, #tpu.memory_space<vmem>> -> memref<128x96xf32, #tpu.memory_space<vmem>>
      tpu.enqueue_dma source(%dma_start3A_66 : memref<128x96xf32, #tpu.memory_space<vmem>>) target(%dma_start3A_63 : memref<128x96xf32, #tpu.memory_space<vmem_shared>>) target_semaphore(%run_scoped3A : memref<!tpu.dma_semaphore, #tpu.memory_space<semaphore_mem>>)
      %dma_wait3A = arith.constant 0 : i32
      %dma_wait3A_67 = arith.constant 0 : i32
      %dma_wait3A_68 = tpu.memref_slice %arg16[%dma_wait3A, %dma_wait3A_67] : memref<256x96xf32, #tpu.memory_space<vmem>> -> memref<128x96xf32, #tpu.memory_space<vmem>>
      %dma_wait3A_69 = arith.constant 0 : i32
      %dma_wait3A_70 = tpu.memref_slice %arg22[%add3A_16, %dma_wait3A_69] : memref<10240x96xf32, #tpu.memory_space<vmem_shared>> -> memref<128x96xf32, #tpu.memory_space<vmem_shared>>
      %dma_wait3A_71 = arith.constant 0 : i32
      %dma_wait3A_72 = tpu.memref_slice %arg22[%add3A_16, %dma_wait3A_71] : memref<10240x96xf32, #tpu.memory_space<vmem_shared>> -> memref<128x96xf32, #tpu.memory_space<vmem_shared>>
      %dma_wait3A_73 = arith.constant 0 : i32
      %dma_wait3A_74 = arith.constant 0 : i32
      %dma_wait3A_75 = tpu.memref_slice %arg16[%dma_wait3A_73, %dma_wait3A_74] : memref<256x96xf32, #tpu.memory_space<vmem>> -> memref<128x96xf32, #tpu.memory_space<vmem>>
      tpu.wait_dma2 semaphore(%run_scoped3A : memref<!tpu.dma_semaphore, #tpu.memory_space<semaphore_mem>>) src(%dma_wait3A_75 : memref<128x96xf32, #tpu.memory_space<vmem>>) dst(%dma_wait3A_72 : memref<128x96xf32, #tpu.memory_space<vmem_shared>>)
      tpu.yield
    }) : () -> ()
    %barrier3A = arith.constant 0 : index
    tpu.barrier barrier_id(%barrier3A)
    %scan3A_17 = arith.constant 0 : i32
    %scan3A_18 = arith.constant 0 : i32
    %scan3A_19 = arith.constant 80 : i32
    %scan3A_20 = arith.addi %scan3A_18, %scan3A_19 : i32
    %scan3A_21 = arith.constant 1 : i32
    %scan3A_22 = scf.for %scan3A_58 = %scan3A_18 to %scan3A_20 step %scan3A_21 iter_args(%scan3A_59 = %scan3A_17) -> (i32)  : i32 {
      %mul3A_60 = arith.constant 20480 : i32
      %mul3A_61 = arith.muli %arg1, %mul3A_60 : i32
      %mul3A_62 = arith.constant 256 : i32
      %mul3A_63 = arith.muli %scan3A_58, %mul3A_62 : i32
      %add3A_64 = arith.addi %mul3A_61, %mul3A_63 : i32
      %mul3A_65 = arith.constant 160 : i32
      %mul3A_66 = arith.muli %arg1, %mul3A_65 : i32
      %mul3A_67 = arith.constant 2 : i32
      %mul3A_68 = arith.muli %scan3A_58, %mul3A_67 : i32
      %add3A_69 = arith.addi %mul3A_66, %mul3A_68 : i32
      %dma_start3A = arith.constant 0 : i32
      %dma_start3A_70 = tpu.memref_slice %arg5[%add3A_69, %dma_start3A] : memref<2560x128xi32, #tpu.memory_space<hbm>> -> memref<2x128xi32, #tpu.memory_space<hbm>>
      %dma_start3A_71 = arith.constant 0 : i32
      %dma_start3A_72 = tpu.memref_slice %arg5[%add3A_69, %dma_start3A_71] : memref<2560x128xi32, #tpu.memory_space<hbm>> -> memref<2x128xi32, #tpu.memory_space<hbm>>
      tpu.enqueue_dma source(%dma_start3A_72 : memref<2x128xi32, #tpu.memory_space<hbm>>) target(%arg11 : memref<2x128xi32, #tpu.memory_space<vmem>>) target_semaphore(%arg21 : memref<!tpu.dma_semaphore, #tpu.memory_space<semaphore_mem>>)
      %mul3A_73 = arith.constant 2560 : i32
      %mul3A_74 = arith.muli %arg0, %mul3A_73 : i32
      %add3A_75 = arith.addi %mul3A_74, %add3A_69 : i32
      %dma_start3A_76 = arith.constant 0 : i32
      %dma_start3A_77 = tpu.memref_slice %arg6[%add3A_75, %dma_start3A_76] : memref<5120x128xi32, #tpu.memory_space<hbm>> -> memref<2x128xi32, #tpu.memory_space<hbm>>
      %dma_start3A_78 = arith.constant 0 : i32
      %dma_start3A_79 = tpu.memref_slice %arg6[%add3A_75, %dma_start3A_78] : memref<5120x128xi32, #tpu.memory_space<hbm>> -> memref<2x128xi32, #tpu.memory_space<hbm>>
      tpu.enqueue_dma source(%dma_start3A_79 : memref<2x128xi32, #tpu.memory_space<hbm>>) target(%arg12 : memref<2x128xi32, #tpu.memory_space<vmem>>) target_semaphore(%arg21 : memref<!tpu.dma_semaphore, #tpu.memory_space<semaphore_mem>>)
      %mul3A_80 = arith.constant 2560 : i32
      %mul3A_81 = arith.muli %arg0, %mul3A_80 : i32
      %add3A_82 = arith.addi %mul3A_81, %add3A_69 : i32
      %dma_start3A_83 = arith.constant 0 : i32
      %dma_start3A_84 = tpu.memref_slice %arg7[%add3A_82, %dma_start3A_83] : memref<5120x128xi32, #tpu.memory_space<hbm>> -> memref<2x128xi32, #tpu.memory_space<hbm>>
      %dma_start3A_85 = arith.constant 0 : i32
      %dma_start3A_86 = tpu.memref_slice %arg7[%add3A_82, %dma_start3A_85] : memref<5120x128xi32, #tpu.memory_space<hbm>> -> memref<2x128xi32, #tpu.memory_space<hbm>>
      tpu.enqueue_dma source(%dma_start3A_86 : memref<2x128xi32, #tpu.memory_space<hbm>>) target(%arg13 : memref<2x128xi32, #tpu.memory_space<vmem>>) target_semaphore(%arg21 : memref<!tpu.dma_semaphore, #tpu.memory_space<semaphore_mem>>)
      %mul3A_87 = arith.constant 327680 : i32
      %mul3A_88 = arith.muli %arg0, %mul3A_87 : i32
      %add3A_89 = arith.addi %mul3A_88, %add3A_64 : i32
      %dma_start3A_90 = arith.constant 0 : i32
      %dma_start3A_91 = tpu.memref_slice %arg3[%add3A_89, %dma_start3A_90] : memref<655360x2xf32, #tpu.memory_space<hbm>> -> memref<256x2xf32, #tpu.memory_space<hbm>>
      %dma_start3A_92 = arith.constant 0 : i32
      %dma_start3A_93 = tpu.memref_slice %arg3[%add3A_89, %dma_start3A_92] : memref<655360x2xf32, #tpu.memory_space<hbm>> -> memref<256x2xf32, #tpu.memory_space<hbm>>
      tpu.enqueue_dma source(%dma_start3A_93 : memref<256x2xf32, #tpu.memory_space<hbm>>) target(%arg17 : memref<256x2xf32, #tpu.memory_space<vmem>>) target_semaphore(%arg21 : memref<!tpu.dma_semaphore, #tpu.memory_space<semaphore_mem>>)
      %jit3A = arith.constant 8 : i32
      %div3A = arith.divsi %add3A_64, %jit3A : i32
      %sign3A = arith.constant 0 : i32
      %sign3A_94 = arith.cmpi sgt, %add3A_64, %sign3A : i32
      %sign3A_95 = arith.extui %sign3A_94 : i1 to i32
      %sign3A_96 = arith.constant 0 : i32
      %sign3A_97 = arith.cmpi slt, %add3A_64, %sign3A_96 : i32
      %sign3A_98 = arith.extui %sign3A_97 : i1 to i32
      %sign3A_99 = arith.subi %sign3A_95, %sign3A_98 : i32
      %sign3A_100 = arith.constant 0 : i32
      %sign3A_101 = arith.cmpi sgt, %jit3A, %sign3A_100 : i32
      %sign3A_102 = arith.extui %sign3A_101 : i1 to i32
      %sign3A_103 = arith.constant 0 : i32
      %sign3A_104 = arith.cmpi slt, %jit3A, %sign3A_103 : i32
      %sign3A_105 = arith.extui %sign3A_104 : i1 to i32
      %sign3A_106 = arith.subi %sign3A_102, %sign3A_105 : i32
      %ne3A = arith.cmpi ne, %sign3A_99, %sign3A_106 : i32
      %rem3A = arith.remsi %add3A_64, %jit3A : i32
      %ne3A_107 = arith.constant 0 : i32
      %ne3A_108 = arith.cmpi ne, %rem3A, %ne3A_107 : i32
      %and3A = arith.andi %ne3A, %ne3A_108 : i1
      %sub3A = arith.constant 1 : i32
      %sub3A_109 = arith.subi %div3A, %sub3A : i32
      %select_n3A = arith.select %and3A, %sub3A_109, %div3A : i32
      %dma_start3A_110 = arith.constant 0 : i32
      %dma_start3A_111 = tpu.memref_slice %arg8[%select_n3A, %dma_start3A_110] : memref<40960x128xf32, #tpu.memory_space<hbm>> -> memref<32x128xf32, #tpu.memory_space<hbm>>
      %dma_start3A_112 = arith.constant 0 : i32
      %dma_start3A_113 = tpu.memref_slice %arg8[%select_n3A, %dma_start3A_112] : memref<40960x128xf32, #tpu.memory_space<hbm>> -> memref<32x128xf32, #tpu.memory_space<hbm>>
      tpu.enqueue_dma source(%dma_start3A_113 : memref<32x128xf32, #tpu.memory_space<hbm>>) target(%arg15 : memref<32x128xf32, #tpu.memory_space<vmem>>) target_semaphore(%arg21 : memref<!tpu.dma_semaphore, #tpu.memory_space<semaphore_mem>>)
      %dma_wait3A = arith.constant 0 : i32
      %dma_wait3A_114 = tpu.memref_slice %arg5[%add3A_69, %dma_wait3A] : memref<2560x128xi32, #tpu.memory_space<hbm>> -> memref<2x128xi32, #tpu.memory_space<hbm>>
      %dma_wait3A_115 = arith.constant 0 : i32
      %dma_wait3A_116 = tpu.memref_slice %arg5[%add3A_69, %dma_wait3A_115] : memref<2560x128xi32, #tpu.memory_space<hbm>> -> memref<2x128xi32, #tpu.memory_space<hbm>>
      tpu.wait_dma2 semaphore(%arg21 : memref<!tpu.dma_semaphore, #tpu.memory_space<semaphore_mem>>) src(%dma_wait3A_116 : memref<2x128xi32, #tpu.memory_space<hbm>>) dst(%arg11 : memref<2x128xi32, #tpu.memory_space<vmem>>)
      %dma_wait3A_117 = arith.constant 0 : i32
      %dma_wait3A_118 = tpu.memref_slice %arg6[%add3A_75, %dma_wait3A_117] : memref<5120x128xi32, #tpu.memory_space<hbm>> -> memref<2x128xi32, #tpu.memory_space<hbm>>
      %dma_wait3A_119 = arith.constant 0 : i32
      %dma_wait3A_120 = tpu.memref_slice %arg6[%add3A_75, %dma_wait3A_119] : memref<5120x128xi32, #tpu.memory_space<hbm>> -> memref<2x128xi32, #tpu.memory_space<hbm>>
      tpu.wait_dma2 semaphore(%arg21 : memref<!tpu.dma_semaphore, #tpu.memory_space<semaphore_mem>>) src(%dma_wait3A_120 : memref<2x128xi32, #tpu.memory_space<hbm>>) dst(%arg12 : memref<2x128xi32, #tpu.memory_space<vmem>>)
      %dma_wait3A_121 = arith.constant 0 : i32
      %dma_wait3A_122 = tpu.memref_slice %arg7[%add3A_82, %dma_wait3A_121] : memref<5120x128xi32, #tpu.memory_space<hbm>> -> memref<2x128xi32, #tpu.memory_space<hbm>>
      %dma_wait3A_123 = arith.constant 0 : i32
      %dma_wait3A_124 = tpu.memref_slice %arg7[%add3A_82, %dma_wait3A_123] : memref<5120x128xi32, #tpu.memory_space<hbm>> -> memref<2x128xi32, #tpu.memory_space<hbm>>
      tpu.wait_dma2 semaphore(%arg21 : memref<!tpu.dma_semaphore, #tpu.memory_space<semaphore_mem>>) src(%dma_wait3A_124 : memref<2x128xi32, #tpu.memory_space<hbm>>) dst(%arg13 : memref<2x128xi32, #tpu.memory_space<vmem>>)
      %dma_wait3A_125 = arith.constant 0 : i32
      %dma_wait3A_126 = tpu.memref_slice %arg3[%add3A_89, %dma_wait3A_125] : memref<655360x2xf32, #tpu.memory_space<hbm>> -> memref<256x2xf32, #tpu.memory_space<hbm>>
      %dma_wait3A_127 = arith.constant 0 : i32
      %dma_wait3A_128 = tpu.memref_slice %arg3[%add3A_89, %dma_wait3A_127] : memref<655360x2xf32, #tpu.memory_space<hbm>> -> memref<256x2xf32, #tpu.memory_space<hbm>>
      tpu.wait_dma2 semaphore(%arg21 : memref<!tpu.dma_semaphore, #tpu.memory_space<semaphore_mem>>) src(%dma_wait3A_128 : memref<256x2xf32, #tpu.memory_space<hbm>>) dst(%arg17 : memref<256x2xf32, #tpu.memory_space<vmem>>)
      %dma_wait3A_129 = arith.constant 0 : i32
      %dma_wait3A_130 = tpu.memref_slice %arg8[%select_n3A, %dma_wait3A_129] : memref<40960x128xf32, #tpu.memory_space<hbm>> -> memref<32x128xf32, #tpu.memory_space<hbm>>
      %dma_wait3A_131 = arith.constant 0 : i32
      %dma_wait3A_132 = tpu.memref_slice %arg8[%select_n3A, %dma_wait3A_131] : memref<40960x128xf32, #tpu.memory_space<hbm>> -> memref<32x128xf32, #tpu.memory_space<hbm>>
      tpu.wait_dma2 semaphore(%arg21 : memref<!tpu.dma_semaphore, #tpu.memory_space<semaphore_mem>>) src(%dma_wait3A_132 : memref<32x128xf32, #tpu.memory_space<hbm>>) dst(%arg15 : memref<32x128xf32, #tpu.memory_space<vmem>>)
      %dma_start3A_133 = arith.constant 0 : i32
      %dma_start3A_134 = arith.constant 0 : i32
      %dma_start3A_135 = arith.constant 0 : i32
      %dma_start3A_136 = tpu.memref_slice %arg14[%dma_start3A_134, %dma_start3A_135] : memref<256x64xf32, #tpu.memory_space<vmem>> -> memref<128x64xf32, #tpu.memory_space<vmem>>
      %dma_start3A_137 = arith.constant 0 : i32
      %dma_start3A_138 = tpu.memref_slice %arg13[%dma_start3A_133, %dma_start3A_137] : memref<2x128xi32, #tpu.memory_space<vmem>> -> memref<1x128xi32, #tpu.memory_space<vmem>>
      %dma_start3A_139 = tpu.memref_squeeze %dma_start3A_138 : memref<1x128xi32, #tpu.memory_space<vmem>> -> memref<128xi32, #tpu.memory_space<vmem>>
      %dma_start3A_140 = arith.constant 0 : i32
      %dma_start3A_141 = arith.constant 0 : i32
      %dma_start3A_142 = tpu.memref_slice %arg2[%dma_start3A_140, %dma_start3A_141] : memref<20480x64xf32, #tpu.memory_space<hbm>> -> memref<20480x64xf32, #tpu.memory_space<hbm>>
      tpu.enqueue_indirect_dma source(%dma_start3A_142 : memref<20480x64xf32, #tpu.memory_space<hbm>>) target(%dma_start3A_136 : memref<128x64xf32, #tpu.memory_space<vmem>>) offsets(%dma_start3A_139 : memref<128xi32, #tpu.memory_space<vmem>>) semaphore(%arg21 : memref<!tpu.dma_semaphore, #tpu.memory_space<semaphore_mem>>)
      %dma_start3A_143 = arith.constant 0 : i32
      %dma_start3A_144 = arith.constant 0 : i32
      %dma_start3A_145 = arith.constant 0 : i32
      %dma_start3A_146 = tpu.memref_slice %arg18[%dma_start3A_144, %dma_start3A_145] : memref<256x16xf32, #tpu.memory_space<vmem>> -> memref<128x16xf32, #tpu.memory_space<vmem>>
      %dma_start3A_147 = arith.constant 0 : i32
      %dma_start3A_148 = tpu.memref_slice %arg12[%dma_start3A_143, %dma_start3A_147] : memref<2x128xi32, #tpu.memory_space<vmem>> -> memref<1x128xi32, #tpu.memory_space<vmem>>
      %dma_start3A_149 = tpu.memref_squeeze %dma_start3A_148 : memref<1x128xi32, #tpu.memory_space<vmem>> -> memref<128xi32, #tpu.memory_space<vmem>>
      %dma_start3A_150 = arith.constant 0 : i32
      %dma_start3A_151 = arith.constant 0 : i32
      %dma_start3A_152 = tpu.memref_slice %arg4[%dma_start3A_150, %dma_start3A_151] : memref<20480x16xf32, #tpu.memory_space<hbm>> -> memref<20480x16xf32, #tpu.memory_space<hbm>>
      tpu.enqueue_indirect_dma source(%dma_start3A_152 : memref<20480x16xf32, #tpu.memory_space<hbm>>) target(%dma_start3A_146 : memref<128x16xf32, #tpu.memory_space<vmem>>) offsets(%dma_start3A_149 : memref<128xi32, #tpu.memory_space<vmem>>) semaphore(%arg21 : memref<!tpu.dma_semaphore, #tpu.memory_space<semaphore_mem>>)
      %dma_start3A_153 = arith.constant 1 : i32
      %dma_start3A_154 = arith.constant 128 : i32
      %dma_start3A_155 = arith.constant 0 : i32
      %dma_start3A_156 = tpu.memref_slice %arg14[%dma_start3A_154, %dma_start3A_155] : memref<256x64xf32, #tpu.memory_space<vmem>> -> memref<128x64xf32, #tpu.memory_space<vmem>>
      %dma_start3A_157 = arith.constant 0 : i32
      %dma_start3A_158 = tpu.memref_slice %arg13[%dma_start3A_153, %dma_start3A_157] : memref<2x128xi32, #tpu.memory_space<vmem>> -> memref<1x128xi32, #tpu.memory_space<vmem>>
      %dma_start3A_159 = tpu.memref_squeeze %dma_start3A_158 : memref<1x128xi32, #tpu.memory_space<vmem>> -> memref<128xi32, #tpu.memory_space<vmem>>
      %dma_start3A_160 = arith.constant 0 : i32
      %dma_start3A_161 = arith.constant 0 : i32
      %dma_start3A_162 = tpu.memref_slice %arg2[%dma_start3A_160, %dma_start3A_161] : memref<20480x64xf32, #tpu.memory_space<hbm>> -> memref<20480x64xf32, #tpu.memory_space<hbm>>
      tpu.enqueue_indirect_dma source(%dma_start3A_162 : memref<20480x64xf32, #tpu.memory_space<hbm>>) target(%dma_start3A_156 : memref<128x64xf32, #tpu.memory_space<vmem>>) offsets(%dma_start3A_159 : memref<128xi32, #tpu.memory_space<vmem>>) semaphore(%arg21 : memref<!tpu.dma_semaphore, #tpu.memory_space<semaphore_mem>>)
      %dma_start3A_163 = arith.constant 1 : i32
      %dma_start3A_164 = arith.constant 128 : i32
      %dma_start3A_165 = arith.constant 0 : i32
      %dma_start3A_166 = tpu.memref_slice %arg18[%dma_start3A_164, %dma_start3A_165] : memref<256x16xf32, #tpu.memory_space<vmem>> -> memref<128x16xf32, #tpu.memory_space<vmem>>
      %dma_start3A_167 = arith.constant 0 : i32
      %dma_start3A_168 = tpu.memref_slice %arg12[%dma_start3A_163, %dma_start3A_167] : memref<2x128xi32, #tpu.memory_space<vmem>> -> memref<1x128xi32, #tpu.memory_space<vmem>>
      %dma_start3A_169 = tpu.memref_squeeze %dma_start3A_168 : memref<1x128xi32, #tpu.memory_space<vmem>> -> memref<128xi32, #tpu.memory_space<vmem>>
      %dma_start3A_170 = arith.constant 0 : i32
      %dma_start3A_171 = arith.constant 0 : i32
      %dma_start3A_172 = tpu.memref_slice %arg4[%dma_start3A_170, %dma_start3A_171] : memref<20480x16xf32, #tpu.memory_space<hbm>> -> memref<20480x16xf32, #tpu.memory_space<hbm>>
      tpu.enqueue_indirect_dma source(%dma_start3A_172 : memref<20480x16xf32, #tpu.memory_space<hbm>>) target(%dma_start3A_166 : memref<128x16xf32, #tpu.memory_space<vmem>>) offsets(%dma_start3A_169 : memref<128xi32, #tpu.memory_space<vmem>>) semaphore(%arg21 : memref<!tpu.dma_semaphore, #tpu.memory_space<semaphore_mem>>)
      %dma_wait3A_173 = arith.constant 0 : i32
      %dma_wait3A_174 = arith.constant 0 : i32
      %dma_wait3A_175 = arith.constant 0 : i32
      %dma_wait3A_176 = tpu.memref_slice %arg14[%dma_wait3A_174, %dma_wait3A_175] : memref<256x64xf32, #tpu.memory_space<vmem>> -> memref<128x64xf32, #tpu.memory_space<vmem>>
      %dma_wait3A_177 = arith.constant 0 : i32
      %dma_wait3A_178 = tpu.memref_slice %arg13[%dma_wait3A_173, %dma_wait3A_177] : memref<2x128xi32, #tpu.memory_space<vmem>> -> memref<1x128xi32, #tpu.memory_space<vmem>>
      %dma_wait3A_179 = tpu.memref_squeeze %dma_wait3A_178 : memref<1x128xi32, #tpu.memory_space<vmem>> -> memref<128xi32, #tpu.memory_space<vmem>>
      %dma_wait3A_180 = arith.constant 0 : i32
      %dma_wait3A_181 = arith.constant 0 : i32
      %dma_wait3A_182 = tpu.memref_slice %arg2[%dma_wait3A_180, %dma_wait3A_181] : memref<20480x64xf32, #tpu.memory_space<hbm>> -> memref<20480x64xf32, #tpu.memory_space<hbm>>
      tpu.wait_indirect_dma semaphore(%arg21 : memref<!tpu.dma_semaphore, #tpu.memory_space<semaphore_mem>>) src(%dma_wait3A_182 : memref<20480x64xf32, #tpu.memory_space<hbm>>) dst(%dma_wait3A_176 : memref<128x64xf32, #tpu.memory_space<vmem>>)
      %dma_wait3A_183 = arith.constant 0 : i32
      %dma_wait3A_184 = arith.constant 0 : i32
      %dma_wait3A_185 = arith.constant 0 : i32
      %dma_wait3A_186 = tpu.memref_slice %arg18[%dma_wait3A_184, %dma_wait3A_185] : memref<256x16xf32, #tpu.memory_space<vmem>> -> memref<128x16xf32, #tpu.memory_space<vmem>>
      %dma_wait3A_187 = arith.constant 0 : i32
      %dma_wait3A_188 = tpu.memref_slice %arg12[%dma_wait3A_183, %dma_wait3A_187] : memref<2x128xi32, #tpu.memory_space<vmem>> -> memref<1x128xi32, #tpu.memory_space<vmem>>
      %dma_wait3A_189 = tpu.memref_squeeze %dma_wait3A_188 : memref<1x128xi32, #tpu.memory_space<vmem>> -> memref<128xi32, #tpu.memory_space<vmem>>
      %dma_wait3A_190 = arith.constant 0 : i32
      %dma_wait3A_191 = arith.constant 0 : i32
      %dma_wait3A_192 = tpu.memref_slice %arg4[%dma_wait3A_190, %dma_wait3A_191] : memref<20480x16xf32, #tpu.memory_space<hbm>> -> memref<20480x16xf32, #tpu.memory_space<hbm>>
      tpu.wait_indirect_dma semaphore(%arg21 : memref<!tpu.dma_semaphore, #tpu.memory_space<semaphore_mem>>) src(%dma_wait3A_192 : memref<20480x16xf32, #tpu.memory_space<hbm>>) dst(%dma_wait3A_186 : memref<128x16xf32, #tpu.memory_space<vmem>>)
      %dma_wait3A_193 = arith.constant 1 : i32
      %dma_wait3A_194 = arith.constant 128 : i32
      %dma_wait3A_195 = arith.constant 0 : i32
      %dma_wait3A_196 = tpu.memref_slice %arg14[%dma_wait3A_194, %dma_wait3A_195] : memref<256x64xf32, #tpu.memory_space<vmem>> -> memref<128x64xf32, #tpu.memory_space<vmem>>
      %dma_wait3A_197 = arith.constant 0 : i32
      %dma_wait3A_198 = tpu.memref_slice %arg13[%dma_wait3A_193, %dma_wait3A_197] : memref<2x128xi32, #tpu.memory_space<vmem>> -> memref<1x128xi32, #tpu.memory_space<vmem>>
      %dma_wait3A_199 = tpu.memref_squeeze %dma_wait3A_198 : memref<1x128xi32, #tpu.memory_space<vmem>> -> memref<128xi32, #tpu.memory_space<vmem>>
      %dma_wait3A_200 = arith.constant 0 : i32
      %dma_wait3A_201 = arith.constant 0 : i32
      %dma_wait3A_202 = tpu.memref_slice %arg2[%dma_wait3A_200, %dma_wait3A_201] : memref<20480x64xf32, #tpu.memory_space<hbm>> -> memref<20480x64xf32, #tpu.memory_space<hbm>>
      tpu.wait_indirect_dma semaphore(%arg21 : memref<!tpu.dma_semaphore, #tpu.memory_space<semaphore_mem>>) src(%dma_wait3A_202 : memref<20480x64xf32, #tpu.memory_space<hbm>>) dst(%dma_wait3A_196 : memref<128x64xf32, #tpu.memory_space<vmem>>)
      %dma_wait3A_203 = arith.constant 1 : i32
      %dma_wait3A_204 = arith.constant 128 : i32
      %dma_wait3A_205 = arith.constant 0 : i32
      %dma_wait3A_206 = tpu.memref_slice %arg18[%dma_wait3A_204, %dma_wait3A_205] : memref<256x16xf32, #tpu.memory_space<vmem>> -> memref<128x16xf32, #tpu.memory_space<vmem>>
      %dma_wait3A_207 = arith.constant 0 : i32
      %dma_wait3A_208 = tpu.memref_slice %arg12[%dma_wait3A_203, %dma_wait3A_207] : memref<2x128xi32, #tpu.memory_space<vmem>> -> memref<1x128xi32, #tpu.memory_space<vmem>>
      %dma_wait3A_209 = tpu.memref_squeeze %dma_wait3A_208 : memref<1x128xi32, #tpu.memory_space<vmem>> -> memref<128xi32, #tpu.memory_space<vmem>>
      %dma_wait3A_210 = arith.constant 0 : i32
      %dma_wait3A_211 = arith.constant 0 : i32
      %dma_wait3A_212 = tpu.memref_slice %arg4[%dma_wait3A_210, %dma_wait3A_211] : memref<20480x16xf32, #tpu.memory_space<hbm>> -> memref<20480x16xf32, #tpu.memory_space<hbm>>
      tpu.wait_indirect_dma semaphore(%arg21 : memref<!tpu.dma_semaphore, #tpu.memory_space<semaphore_mem>>) src(%dma_wait3A_212 : memref<20480x16xf32, #tpu.memory_space<hbm>>) dst(%dma_wait3A_206 : memref<128x16xf32, #tpu.memory_space<vmem>>)
      %broadcast_in_dim3A_213 = arith.constant 0 : i32
      %broadcast_in_dim3A_214 = vector.broadcast %broadcast_in_dim3A_213 : i32 to vector<16xi32>
      %scan3A_215 = arith.constant 0 : i32
      %scan3A_216 = arith.constant 0 : i32
      %scan3A_217 = arith.constant 16 : i32
      %scan3A_218 = arith.addi %scan3A_216, %scan3A_217 : i32
      %scan3A_219 = arith.constant 1 : i32
      %scan3A_220 = scf.for %scan3A_249 = %scan3A_216 to %scan3A_218 step %scan3A_219 iter_args(%scan3A_250 = %scan3A_215) -> (i32)  : i32 {
        %mul3A_251 = arith.constant 16 : i32
        %mul3A_252 = arith.muli %scan3A_249, %mul3A_251 : i32
        %add3A_253 = vector.broadcast %mul3A_252 : i32 to vector<16xi32>
        %add3A_254 = arith.addi %add3A_253, %iota3A : vector<16xi32>
        %gather3A = tpu.vector_load_idx %arg17[%add3A_254, %broadcast_in_dim3A_214] : memref<256x2xf32, #tpu.memory_space<vmem>>[vector<16xi32>, vector<16xi32>], vector<16xf32>,
        %gather3A_255 = tpu.vector_load_idx %arg18[%add3A_254, %broadcast_in_dim3A_214] : memref<256x16xf32, #tpu.memory_space<vmem>>[vector<16xi32>, vector<16xi32>], vector<16xf32>,
        %add3A_256 = arith.constant 1.000000e-16 : f32
        %add3A_257 = vector.broadcast %add3A_256 : f32 to vector<16xf32>
        %add3A_258 = arith.addf %gather3A_255, %add3A_257 : vector<16xf32>
        %div3A_259 = arith.divf %gather3A, %add3A_258 : vector<16xf32>
        tpu.vector_store_idx %arg19[%add3A_254, %broadcast_in_dim3A_214], %div3A_259 : memref<256x2xf32, #tpu.memory_space<vmem>>[vector<16xi32>, vector<16xi32>], vector<16xf32>,
        tpu.vector_store_idx %arg20[%add3A_254], %div3A_259 : memref<256xf32, #tpu.memory_space<vmem>>[vector<16xi32>], vector<16xf32>,
        %scan3A_260 = arith.constant 0 : i32
        scf.yield %scan3A_260 : i32
      }
      %scan3A_221 = arith.constant 16 : i32
      %mul3A_222 = arith.constant 2 : i32
      %mul3A_223 = arith.muli %mul3A_222, %arg0 : i32
      %add3A_224 = arith.constant 0 : i32
      %add3A_225 = arith.addi %mul3A_223, %add3A_224 : i32
      %mul3A_226 = arith.constant 327680 : i32
      %mul3A_227 = arith.muli %add3A_225, %mul3A_226 : i32
      %add3A_228 = arith.addi %mul3A_227, %add3A_64 : i32
      "tpu.region"() ({
        %run_scoped3A_249 = tpu.sem_alloc : memref<!tpu.dma_semaphore, #tpu.memory_space<semaphore_mem>>
        %dma_start3A_250 = tpu.memref_slice %arg9[%add3A_228] : memref<1310720xf32, #tpu.memory_space<hbm>> -> memref<256xf32, #tpu.memory_space<hbm>>
        %dma_start3A_251 = tpu.memref_slice %arg9[%add3A_228] : memref<1310720xf32, #tpu.memory_space<hbm>> -> memref<256xf32, #tpu.memory_space<hbm>>
        tpu.enqueue_dma source(%arg20 : memref<256xf32, #tpu.memory_space<vmem>>) target(%dma_start3A_251 : memref<256xf32, #tpu.memory_space<hbm>>) target_semaphore(%run_scoped3A_249 : memref<!tpu.dma_semaphore, #tpu.memory_space<semaphore_mem>>)
        %dma_wait3A_252 = tpu.memref_slice %arg9[%add3A_228] : memref<1310720xf32, #tpu.memory_space<hbm>> -> memref<256xf32, #tpu.memory_space<hbm>>
        %dma_wait3A_253 = tpu.memref_slice %arg9[%add3A_228] : memref<1310720xf32, #tpu.memory_space<hbm>> -> memref<256xf32, #tpu.memory_space<hbm>>
        tpu.wait_dma2 semaphore(%run_scoped3A_249 : memref<!tpu.dma_semaphore, #tpu.memory_space<semaphore_mem>>) src(%arg20 : memref<256xf32, #tpu.memory_space<vmem>>) dst(%dma_wait3A_253 : memref<256xf32, #tpu.memory_space<hbm>>)
        tpu.yield
      }) : () -> ()
      %broadcast_in_dim3A_229 = arith.constant 1 : i32
      %broadcast_in_dim3A_230 = vector.broadcast %broadcast_in_dim3A_229 : i32 to vector<16xi32>
      %scan3A_231 = arith.constant 0 : i32
      %scan3A_232 = arith.constant 0 : i32
      %scan3A_233 = arith.constant 16 : i32
      %scan3A_234 = arith.addi %scan3A_232, %scan3A_233 : i32
      %scan3A_235 = arith.constant 1 : i32
      %scan3A_236 = scf.for %scan3A_249 = %scan3A_232 to %scan3A_234 step %scan3A_235 iter_args(%scan3A_250 = %scan3A_231) -> (i32)  : i32 {
        %mul3A_251 = arith.constant 16 : i32
        %mul3A_252 = arith.muli %scan3A_249, %mul3A_251 : i32
        %add3A_253 = vector.broadcast %mul3A_252 : i32 to vector<16xi32>
        %add3A_254 = arith.addi %add3A_253, %iota3A : vector<16xi32>
        %gather3A = tpu.vector_load_idx %arg17[%add3A_254, %broadcast_in_dim3A_230] : memref<256x2xf32, #tpu.memory_space<vmem>>[vector<16xi32>, vector<16xi32>], vector<16xf32>,
        %gather3A_255 = tpu.vector_load_idx %arg18[%add3A_254, %broadcast_in_dim3A_230] : memref<256x16xf32, #tpu.memory_space<vmem>>[vector<16xi32>, vector<16xi32>], vector<16xf32>,
        %add3A_256 = arith.constant 1.000000e-16 : f32
        %add3A_257 = vector.broadcast %add3A_256 : f32 to vector<16xf32>
        %add3A_258 = arith.addf %gather3A_255, %add3A_257 : vector<16xf32>
        %div3A_259 = arith.divf %gather3A, %add3A_258 : vector<16xf32>
        tpu.vector_store_idx %arg19[%add3A_254, %broadcast_in_dim3A_230], %div3A_259 : memref<256x2xf32, #tpu.memory_space<vmem>>[vector<16xi32>, vector<16xi32>], vector<16xf32>,
        tpu.vector_store_idx %arg20[%add3A_254], %div3A_259 : memref<256xf32, #tpu.memory_space<vmem>>[vector<16xi32>], vector<16xf32>,
        %scan3A_260 = arith.constant 0 : i32
        scf.yield %scan3A_260 : i32
      }
      %scan3A_237 = arith.constant 16 : i32
      %mul3A_238 = arith.constant 2 : i32
      %mul3A_239 = arith.muli %mul3A_238, %arg0 : i32
      %add3A_240 = arith.constant 1 : i32
      %add3A_241 = arith.addi %mul3A_239, %add3A_240 : i32
      %mul3A_242 = arith.constant 327680 : i32
      %mul3A_243 = arith.muli %add3A_241, %mul3A_242 : i32
      %add3A_244 = arith.addi %mul3A_243, %add3A_64 : i32
      "tpu.region"() ({
        %run_scoped3A_249 = tpu.sem_alloc : memref<!tpu.dma_semaphore, #tpu.memory_space<semaphore_mem>>
        %dma_start3A_250 = tpu.memref_slice %arg9[%add3A_244] : memref<1310720xf32, #tpu.memory_space<hbm>> -> memref<256xf32, #tpu.memory_space<hbm>>
        %dma_start3A_251 = tpu.memref_slice %arg9[%add3A_244] : memref<1310720xf32, #tpu.memory_space<hbm>> -> memref<256xf32, #tpu.memory_space<hbm>>
        tpu.enqueue_dma source(%arg20 : memref<256xf32, #tpu.memory_space<vmem>>) target(%dma_start3A_251 : memref<256xf32, #tpu.memory_space<hbm>>) target_semaphore(%run_scoped3A_249 : memref<!tpu.dma_semaphore, #tpu.memory_space<semaphore_mem>>)
        %dma_wait3A_252 = tpu.memref_slice %arg9[%add3A_244] : memref<1310720xf32, #tpu.memory_space<hbm>> -> memref<256xf32, #tpu.memory_space<hbm>>
        %dma_wait3A_253 = tpu.memref_slice %arg9[%add3A_244] : memref<1310720xf32, #tpu.memory_space<hbm>> -> memref<256xf32, #tpu.memory_space<hbm>>
        tpu.wait_dma2 semaphore(%run_scoped3A_249 : memref<!tpu.dma_semaphore, #tpu.memory_space<semaphore_mem>>) src(%arg20 : memref<256xf32, #tpu.memory_space<vmem>>) dst(%dma_wait3A_253 : memref<256xf32, #tpu.memory_space<hbm>>)
        tpu.yield
      }) : () -> ()
      %parallel_loop3A = arith.constant 0 : i32
      %parallel_loop3A_245 = arith.constant 256 : i32
      %parallel_loop3A_246 = arith.constant 1 : i32
      scf.for %parallel_loop3A_249 = %parallel_loop3A to %parallel_loop3A_245 step %parallel_loop3A_246  : i32 {
        %parallel_loop3A_250 = vector.broadcast %parallel_loop3A_249 : i32 to vector<16xi32>
        %parallel_loop3A_251 = arith.constant 0 : i32
        %parallel_loop3A_252 = vector.broadcast %parallel_loop3A_251 : i32 to vector<16xi32>
        %parallel_loop3A_253 = tpu.vector_load_idx %arg19[%parallel_loop3A_250, %parallel_loop3A_252] : memref<256x2xf32, #tpu.memory_space<vmem>>[vector<16xi32>, vector<16xi32>], vector<16xf32>,
        %parallel_loop3A_254 = arith.constant 1 : i32
        %parallel_loop3A_255 = vector.broadcast %parallel_loop3A_254 : i32 to vector<16xi32>
        %parallel_loop3A_256 = tpu.vector_load_idx %arg19[%parallel_loop3A_250, %parallel_loop3A_255] : memref<256x2xf32, #tpu.memory_space<vmem>>[vector<16xi32>, vector<16xi32>], vector<16xf32>,
        %parallel_loop3A_257 = arith.constant 0 : i32
        %parallel_loop3A_258 = vector.broadcast %parallel_loop3A_257 : i32 to vector<16xi32>
        %parallel_loop3A_259 = arith.addi %parallel_loop3A_258, %iota3A : vector<16xi32>
        %parallel_loop3A_260 = tpu.vector_load_idx %arg14[%parallel_loop3A_250, %parallel_loop3A_259] : memref<256x64xf32, #tpu.memory_space<vmem>>[vector<16xi32>, vector<16xi32>], vector<16xf32>,
        %parallel_loop3A_261 = arith.mulf %parallel_loop3A_260, %parallel_loop3A_253 : vector<16xf32>
        tpu.vector_store_idx %arg16[%parallel_loop3A_250, %parallel_loop3A_259], %parallel_loop3A_261 : memref<256x96xf32, #tpu.memory_space<vmem>>[vector<16xi32>, vector<16xi32>], vector<16xf32>,
        %parallel_loop3A_262 = arith.constant 16 : i32
        %parallel_loop3A_263 = vector.broadcast %parallel_loop3A_262 : i32 to vector<16xi32>
        %parallel_loop3A_264 = arith.addi %parallel_loop3A_263, %iota3A : vector<16xi32>
        %parallel_loop3A_265 = tpu.vector_load_idx %arg14[%parallel_loop3A_250, %parallel_loop3A_264] : memref<256x64xf32, #tpu.memory_space<vmem>>[vector<16xi32>, vector<16xi32>], vector<16xf32>,
        %parallel_loop3A_266 = arith.mulf %parallel_loop3A_265, %parallel_loop3A_253 : vector<16xf32>
        tpu.vector_store_idx %arg16[%parallel_loop3A_250, %parallel_loop3A_264], %parallel_loop3A_266 : memref<256x96xf32, #tpu.memory_space<vmem>>[vector<16xi32>, vector<16xi32>], vector<16xf32>,
        %parallel_loop3A_267 = arith.constant 32 : i32
        %parallel_loop3A_268 = vector.broadcast %parallel_loop3A_267 : i32 to vector<16xi32>
        %parallel_loop3A_269 = arith.addi %parallel_loop3A_268, %iota3A : vector<16xi32>
        %parallel_loop3A_270 = tpu.vector_load_idx %arg14[%parallel_loop3A_250, %parallel_loop3A_269] : memref<256x64xf32, #tpu.memory_space<vmem>>[vector<16xi32>, vector<16xi32>], vector<16xf32>,
        %parallel_loop3A_271 = arith.mulf %parallel_loop3A_270, %parallel_loop3A_256 : vector<16xf32>
        tpu.vector_store_idx %arg16[%parallel_loop3A_250, %parallel_loop3A_269], %parallel_loop3A_271 : memref<256x96xf32, #tpu.memory_space<vmem>>[vector<16xi32>, vector<16xi32>], vector<16xf32>,
        %parallel_loop3A_272 = arith.constant 48 : i32
        %parallel_loop3A_273 = vector.broadcast %parallel_loop3A_272 : i32 to vector<16xi32>
        %parallel_loop3A_274 = arith.addi %parallel_loop3A_273, %iota3A : vector<16xi32>
        %parallel_loop3A_275 = tpu.vector_load_idx %arg14[%parallel_loop3A_250, %parallel_loop3A_274] : memref<256x64xf32, #tpu.memory_space<vmem>>[vector<16xi32>, vector<16xi32>], vector<16xf32>,
        %parallel_loop3A_276 = arith.mulf %parallel_loop3A_275, %parallel_loop3A_256 : vector<16xf32>
        tpu.vector_store_idx %arg16[%parallel_loop3A_250, %parallel_loop3A_274], %parallel_loop3A_276 : memref<256x96xf32, #tpu.memory_space<vmem>>[vector<16xi32>, vector<16xi32>], vector<16xf32>,
        %parallel_loop3A_277 = arith.constant 3 : i32
        %parallel_loop3A_278 = arith.shrsi %parallel_loop3A_249, %parallel_loop3A_277 : i32
        %parallel_loop3A_279 = vector.broadcast %parallel_loop3A_278 : i32 to vector<16xi32>
        %parallel_loop3A_280 = arith.constant 7 : i32
        %parallel_loop3A_281 = arith.andi %parallel_loop3A_249, %parallel_loop3A_280 : i32
        %parallel_loop3A_282 = arith.constant 16 : i32
        %parallel_loop3A_283 = arith.muli %parallel_loop3A_281, %parallel_loop3A_282 : i32
        %parallel_loop3A_284 = vector.broadcast %parallel_loop3A_283 : i32 to vector<16xi32>
        %parallel_loop3A_285 = arith.addi %parallel_loop3A_284, %iota3A : vector<16xi32>
        %parallel_loop3A_286 = tpu.vector_load_idx %arg15[%parallel_loop3A_279, %parallel_loop3A_285] : memref<32x128xf32, #tpu.memory_space<vmem>>[vector<16xi32>, vector<16xi32>], vector<16xf32>,
        %parallel_loop3A_287 = arith.constant 64 : i32
        %parallel_loop3A_288 = vector.broadcast %parallel_loop3A_287 : i32 to vector<16xi32>
        %parallel_loop3A_289 = arith.addi %parallel_loop3A_288, %iota3A : vector<16xi32>
        %parallel_loop3A_290 = arith.mulf %parallel_loop3A_286, %parallel_loop3A_253 : vector<16xf32>
        tpu.vector_store_idx %arg16[%parallel_loop3A_250, %parallel_loop3A_289], %parallel_loop3A_290 : memref<256x96xf32, #tpu.memory_space<vmem>>[vector<16xi32>, vector<16xi32>], vector<16xf32>,
        %parallel_loop3A_291 = arith.constant 80 : i32
        %parallel_loop3A_292 = vector.broadcast %parallel_loop3A_291 : i32 to vector<16xi32>
        %parallel_loop3A_293 = arith.addi %parallel_loop3A_292, %iota3A : vector<16xi32>
        %parallel_loop3A_294 = arith.mulf %parallel_loop3A_286, %parallel_loop3A_256 : vector<16xf32>
        tpu.vector_store_idx %arg16[%parallel_loop3A_250, %parallel_loop3A_293], %parallel_loop3A_294 : memref<256x96xf32, #tpu.memory_space<vmem>>[vector<16xi32>, vector<16xi32>], vector<16xf32>,
      } {sc.loop_unroll_factor = 4 : i64, sc.parallel_access}
      %run_scoped3A = arith.constant 0 : i32
      "tpu.region"() ({
        %run_scoped3A_249 = tpu.sem_alloc : memref<!tpu.dma_semaphore, #tpu.memory_space<semaphore_mem>>
        %dma_start3A_250 = arith.constant 0 : i32
        %dma_start3A_251 = arith.constant 0 : i32
        %dma_start3A_252 = tpu.memref_slice %arg16[%dma_start3A_250, %dma_start3A_251] : memref<256x96xf32, #tpu.memory_space<vmem>> -> memref<128x96xf32, #tpu.memory_space<vmem>>
        %dma_start3A_253 = arith.constant 0 : i32
        %dma_start3A_254 = tpu.memref_slice %arg11[%run_scoped3A, %dma_start3A_253] : memref<2x128xi32, #tpu.memory_space<vmem>> -> memref<1x128xi32, #tpu.memory_space<vmem>>
        %dma_start3A_255 = tpu.memref_squeeze %dma_start3A_254 : memref<1x128xi32, #tpu.memory_space<vmem>> -> memref<128xi32, #tpu.memory_space<vmem>>
        %dma_start3A_256 = arith.constant 0 : i32
        %dma_start3A_257 = arith.constant 0 : i32
        %dma_start3A_258 = tpu.memref_slice %arg22[%dma_start3A_256, %dma_start3A_257] : memref<10240x96xf32, #tpu.memory_space<vmem_shared>> -> memref<10240x96xf32, #tpu.memory_space<vmem_shared>>
        tpu.enqueue_indirect_dma source(%dma_start3A_252 : memref<128x96xf32, #tpu.memory_space<vmem>>) target(%dma_start3A_258 : memref<10240x96xf32, #tpu.memory_space<vmem_shared>>) offsets(%dma_start3A_255 : memref<128xi32, #tpu.memory_space<vmem>>) semaphore(%run_scoped3A_249 : memref<!tpu.dma_semaphore, #tpu.memory_space<semaphore_mem>>) {add = true}
        %dma_wait3A_259 = arith.constant 0 : i32
        %dma_wait3A_260 = arith.constant 0 : i32
        %dma_wait3A_261 = tpu.memref_slice %arg16[%dma_wait3A_259, %dma_wait3A_260] : memref<256x96xf32, #tpu.memory_space<vmem>> -> memref<128x96xf32, #tpu.memory_space<vmem>>
        %dma_wait3A_262 = arith.constant 0 : i32
        %dma_wait3A_263 = tpu.memref_slice %arg11[%run_scoped3A, %dma_wait3A_262] : memref<2x128xi32, #tpu.memory_space<vmem>> -> memref<1x128xi32, #tpu.memory_space<vmem>>
        %dma_wait3A_264 = tpu.memref_squeeze %dma_wait3A_263 : memref<1x128xi32, #tpu.memory_space<vmem>> -> memref<128xi32, #tpu.memory_space<vmem>>
        %dma_wait3A_265 = arith.constant 0 : i32
        %dma_wait3A_266 = arith.constant 0 : i32
        %dma_wait3A_267 = tpu.memref_slice %arg22[%dma_wait3A_265, %dma_wait3A_266] : memref<10240x96xf32, #tpu.memory_space<vmem_shared>> -> memref<10240x96xf32, #tpu.memory_space<vmem_shared>>
        tpu.wait_indirect_dma semaphore(%run_scoped3A_249 : memref<!tpu.dma_semaphore, #tpu.memory_space<semaphore_mem>>) src(%dma_wait3A_261 : memref<128x96xf32, #tpu.memory_space<vmem>>) dst(%dma_wait3A_267 : memref<10240x96xf32, #tpu.memory_space<vmem_shared>>)
        tpu.yield
      }) : () -> ()
      %run_scoped3A_247 = arith.constant 1 : i32
      "tpu.region"() ({
        %run_scoped3A_249 = tpu.sem_alloc : memref<!tpu.dma_semaphore, #tpu.memory_space<semaphore_mem>>
        %dma_start3A_250 = arith.constant 128 : i32
        %dma_start3A_251 = arith.constant 0 : i32
        %dma_start3A_252 = tpu.memref_slice %arg16[%dma_start3A_250, %dma_start3A_251] : memref<256x96xf32, #tpu.memory_space<vmem>> -> memref<128x96xf32, #tpu.memory_space<vmem>>
        %dma_start3A_253 = arith.constant 0 : i32
        %dma_start3A_254 = tpu.memref_slice %arg11[%run_scoped3A_247, %dma_start3A_253] : memref<2x128xi32, #tpu.memory_space<vmem>> -> memref<1x128xi32, #tpu.memory_space<vmem>>
        %dma_start3A_255 = tpu.memref_squeeze %dma_start3A_254 : memref<1x128xi32, #tpu.memory_space<vmem>> -> memref<128xi32, #tpu.memory_space<vmem>>
        %dma_start3A_256 = arith.constant 0 : i32
        %dma_start3A_257 = arith.constant 0 : i32
        %dma_start3A_258 = tpu.memref_slice %arg22[%dma_start3A_256, %dma_start3A_257] : memref<10240x96xf32, #tpu.memory_space<vmem_shared>> -> memref<10240x96xf32, #tpu.memory_space<vmem_shared>>
        tpu.enqueue_indirect_dma source(%dma_start3A_252 : memref<128x96xf32, #tpu.memory_space<vmem>>) target(%dma_start3A_258 : memref<10240x96xf32, #tpu.memory_space<vmem_shared>>) offsets(%dma_start3A_255 : memref<128xi32, #tpu.memory_space<vmem>>) semaphore(%run_scoped3A_249 : memref<!tpu.dma_semaphore, #tpu.memory_space<semaphore_mem>>) {add = true}
        %dma_wait3A_259 = arith.constant 128 : i32
        %dma_wait3A_260 = arith.constant 0 : i32
        %dma_wait3A_261 = tpu.memref_slice %arg16[%dma_wait3A_259, %dma_wait3A_260] : memref<256x96xf32, #tpu.memory_space<vmem>> -> memref<128x96xf32, #tpu.memory_space<vmem>>
        %dma_wait3A_262 = arith.constant 0 : i32
        %dma_wait3A_263 = tpu.memref_slice %arg11[%run_scoped3A_247, %dma_wait3A_262] : memref<2x128xi32, #tpu.memory_space<vmem>> -> memref<1x128xi32, #tpu.memory_space<vmem>>
        %dma_wait3A_264 = tpu.memref_squeeze %dma_wait3A_263 : memref<1x128xi32, #tpu.memory_space<vmem>> -> memref<128xi32, #tpu.memory_space<vmem>>
        %dma_wait3A_265 = arith.constant 0 : i32
        %dma_wait3A_266 = arith.constant 0 : i32
        %dma_wait3A_267 = tpu.memref_slice %arg22[%dma_wait3A_265, %dma_wait3A_266] : memref<10240x96xf32, #tpu.memory_space<vmem_shared>> -> memref<10240x96xf32, #tpu.memory_space<vmem_shared>>
        tpu.wait_indirect_dma semaphore(%run_scoped3A_249 : memref<!tpu.dma_semaphore, #tpu.memory_space<semaphore_mem>>) src(%dma_wait3A_261 : memref<128x96xf32, #tpu.memory_space<vmem>>) dst(%dma_wait3A_267 : memref<10240x96xf32, #tpu.memory_space<vmem_shared>>)
        tpu.yield
      }) : () -> ()
      %scan3A_248 = arith.constant 0 : i32
      scf.yield %scan3A_248 : i32
    }
    %scan3A_23 = arith.constant 80 : i32
    %barrier3A_24 = arith.constant 0 : index
    tpu.barrier barrier_id(%barrier3A_24)
    %mul3A_25 = arith.constant 640 : i32
    %mul3A_26 = arith.muli %arg1, %mul3A_25 : i32
    %add3A_27 = arith.constant 0 : i32
    %add3A_28 = arith.addi %mul3A_26, %add3A_27 : i32
    "tpu.region"() ({
      %run_scoped3A = tpu.sem_alloc : memref<!tpu.dma_semaphore, #tpu.memory_space<semaphore_mem>>
      %dma_start3A = arith.constant 0 : i32
      %dma_start3A_58 = arith.constant 0 : i32
      %dma_start3A_59 = tpu.memref_slice %arg16[%dma_start3A, %dma_start3A_58] : memref<256x96xf32, #tpu.memory_space<vmem>> -> memref<256x96xf32, #tpu.memory_space<vmem>>
      %dma_start3A_60 = arith.constant 0 : i32
      %dma_start3A_61 = tpu.memref_slice %arg22[%add3A_28, %dma_start3A_60] : memref<10240x96xf32, #tpu.memory_space<vmem_shared>> -> memref<256x96xf32, #tpu.memory_space<vmem_shared>>
      %dma_start3A_62 = arith.constant 0 : i32
      %dma_start3A_63 = arith.constant 0 : i32
      %dma_start3A_64 = tpu.memref_slice %arg16[%dma_start3A_62, %dma_start3A_63] : memref<256x96xf32, #tpu.memory_space<vmem>> -> memref<256x96xf32, #tpu.memory_space<vmem>>
      %dma_start3A_65 = arith.constant 0 : i32
      %dma_start3A_66 = tpu.memref_slice %arg22[%add3A_28, %dma_start3A_65] : memref<10240x96xf32, #tpu.memory_space<vmem_shared>> -> memref<256x96xf32, #tpu.memory_space<vmem_shared>>
      tpu.enqueue_dma source(%dma_start3A_66 : memref<256x96xf32, #tpu.memory_space<vmem_shared>>) target(%dma_start3A_64 : memref<256x96xf32, #tpu.memory_space<vmem>>) target_semaphore(%run_scoped3A : memref<!tpu.dma_semaphore, #tpu.memory_space<semaphore_mem>>)
      %dma_wait3A = arith.constant 0 : i32
      %dma_wait3A_67 = arith.constant 0 : i32
      %dma_wait3A_68 = tpu.memref_slice %arg16[%dma_wait3A, %dma_wait3A_67] : memref<256x96xf32, #tpu.memory_space<vmem>> -> memref<256x96xf32, #tpu.memory_space<vmem>>
      %dma_wait3A_69 = arith.constant 0 : i32
      %dma_wait3A_70 = tpu.memref_slice %arg22[%add3A_28, %dma_wait3A_69] : memref<10240x96xf32, #tpu.memory_space<vmem_shared>> -> memref<256x96xf32, #tpu.memory_space<vmem_shared>>
      %dma_wait3A_71 = arith.constant 0 : i32
      %dma_wait3A_72 = arith.constant 0 : i32
      %dma_wait3A_73 = tpu.memref_slice %arg16[%dma_wait3A_71, %dma_wait3A_72] : memref<256x96xf32, #tpu.memory_space<vmem>> -> memref<256x96xf32, #tpu.memory_space<vmem>>
      %dma_wait3A_74 = arith.constant 0 : i32
      %dma_wait3A_75 = tpu.memref_slice %arg22[%add3A_28, %dma_wait3A_74] : memref<10240x96xf32, #tpu.memory_space<vmem_shared>> -> memref<256x96xf32, #tpu.memory_space<vmem_shared>>
      tpu.wait_dma2 semaphore(%run_scoped3A : memref<!tpu.dma_semaphore, #tpu.memory_space<semaphore_mem>>) src(%dma_wait3A_75 : memref<256x96xf32, #tpu.memory_space<vmem_shared>>) dst(%dma_wait3A_73 : memref<256x96xf32, #tpu.memory_space<vmem>>)
      tpu.yield
    }) : () -> ()
    %mul3A_29 = arith.constant 10240 : i32
    %mul3A_30 = arith.muli %arg0, %mul3A_29 : i32
    %mul3A_31 = arith.constant 640 : i32
    %mul3A_32 = arith.muli %arg1, %mul3A_31 : i32
    %add3A_33 = arith.addi %mul3A_30, %mul3A_32 : i32
    %add3A_34 = arith.constant 0 : i32
    %add3A_35 = arith.addi %add3A_33, %add3A_34 : i32
    "tpu.region"() ({
      %run_scoped3A = tpu.sem_alloc : memref<!tpu.dma_semaphore, #tpu.memory_space<semaphore_mem>>
      %dma_start3A = arith.constant 0 : i32
      %dma_start3A_58 = arith.constant 0 : i32
      %dma_start3A_59 = tpu.memref_slice %arg16[%dma_start3A, %dma_start3A_58] : memref<256x96xf32, #tpu.memory_space<vmem>> -> memref<256x96xf32, #tpu.memory_space<vmem>>
      %dma_start3A_60 = arith.constant 0 : i32
      %dma_start3A_61 = tpu.memref_slice %arg10[%add3A_35, %dma_start3A_60] : memref<20480x96xf32, #tpu.memory_space<hbm>> -> memref<256x96xf32, #tpu.memory_space<hbm>>
      %dma_start3A_62 = arith.constant 0 : i32
      %dma_start3A_63 = tpu.memref_slice %arg10[%add3A_35, %dma_start3A_62] : memref<20480x96xf32, #tpu.memory_space<hbm>> -> memref<256x96xf32, #tpu.memory_space<hbm>>
      %dma_start3A_64 = arith.constant 0 : i32
      %dma_start3A_65 = arith.constant 0 : i32
      %dma_start3A_66 = tpu.memref_slice %arg16[%dma_start3A_64, %dma_start3A_65] : memref<256x96xf32, #tpu.memory_space<vmem>> -> memref<256x96xf32, #tpu.memory_space<vmem>>
      tpu.enqueue_dma source(%dma_start3A_66 : memref<256x96xf32, #tpu.memory_space<vmem>>) target(%dma_start3A_63 : memref<256x96xf32, #tpu.memory_space<hbm>>) target_semaphore(%run_scoped3A : memref<!tpu.dma_semaphore, #tpu.memory_space<semaphore_mem>>)
      %dma_wait3A = arith.constant 0 : i32
      %dma_wait3A_67 = arith.constant 0 : i32
      %dma_wait3A_68 = tpu.memref_slice %arg16[%dma_wait3A, %dma_wait3A_67] : memref<256x96xf32, #tpu.memory_space<vmem>> -> memref<256x96xf32, #tpu.memory_space<vmem>>
      %dma_wait3A_69 = arith.constant 0 : i32
      %dma_wait3A_70 = tpu.memref_slice %arg10[%add3A_35, %dma_wait3A_69] : memref<20480x96xf32, #tpu.memory_space<hbm>> -> memref<256x96xf32, #tpu.memory_space<hbm>>
      %dma_wait3A_71 = arith.constant 0 : i32
      %dma_wait3A_72 = tpu.memref_slice %arg10[%add3A_35, %dma_wait3A_71] : memref<20480x96xf32, #tpu.memory_space<hbm>> -> memref<256x96xf32, #tpu.memory_space<hbm>>
      %dma_wait3A_73 = arith.constant 0 : i32
      %dma_wait3A_74 = arith.constant 0 : i32
      %dma_wait3A_75 = tpu.memref_slice %arg16[%dma_wait3A_73, %dma_wait3A_74] : memref<256x96xf32, #tpu.memory_space<vmem>> -> memref<256x96xf32, #tpu.memory_space<vmem>>
      tpu.wait_dma2 semaphore(%run_scoped3A : memref<!tpu.dma_semaphore, #tpu.memory_space<semaphore_mem>>) src(%dma_wait3A_75 : memref<256x96xf32, #tpu.memory_space<vmem>>) dst(%dma_wait3A_72 : memref<256x96xf32, #tpu.memory_space<hbm>>)
      tpu.yield
    }) : () -> ()
    %mul3A_36 = arith.constant 640 : i32
    %mul3A_37 = arith.muli %arg1, %mul3A_36 : i32
    %add3A_38 = arith.constant 256 : i32
    %add3A_39 = arith.addi %mul3A_37, %add3A_38 : i32
    "tpu.region"() ({
      %run_scoped3A = tpu.sem_alloc : memref<!tpu.dma_semaphore, #tpu.memory_space<semaphore_mem>>
      %dma_start3A = arith.constant 0 : i32
      %dma_start3A_58 = arith.constant 0 : i32
      %dma_start3A_59 = tpu.memref_slice %arg16[%dma_start3A, %dma_start3A_58] : memref<256x96xf32, #tpu.memory_space<vmem>> -> memref<256x96xf32, #tpu.memory_space<vmem>>
      %dma_start3A_60 = arith.constant 0 : i32
      %dma_start3A_61 = tpu.memref_slice %arg22[%add3A_39, %dma_start3A_60] : memref<10240x96xf32, #tpu.memory_space<vmem_shared>> -> memref<256x96xf32, #tpu.memory_space<vmem_shared>>
      %dma_start3A_62 = arith.constant 0 : i32
      %dma_start3A_63 = arith.constant 0 : i32
      %dma_start3A_64 = tpu.memref_slice %arg16[%dma_start3A_62, %dma_start3A_63] : memref<256x96xf32, #tpu.memory_space<vmem>> -> memref<256x96xf32, #tpu.memory_space<vmem>>
      %dma_start3A_65 = arith.constant 0 : i32
      %dma_start3A_66 = tpu.memref_slice %arg22[%add3A_39, %dma_start3A_65] : memref<10240x96xf32, #tpu.memory_space<vmem_shared>> -> memref<256x96xf32, #tpu.memory_space<vmem_shared>>
      tpu.enqueue_dma source(%dma_start3A_66 : memref<256x96xf32, #tpu.memory_space<vmem_shared>>) target(%dma_start3A_64 : memref<256x96xf32, #tpu.memory_space<vmem>>) target_semaphore(%run_scoped3A : memref<!tpu.dma_semaphore, #tpu.memory_space<semaphore_mem>>)
      %dma_wait3A = arith.constant 0 : i32
      %dma_wait3A_67 = arith.constant 0 : i32
      %dma_wait3A_68 = tpu.memref_slice %arg16[%dma_wait3A, %dma_wait3A_67] : memref<256x96xf32, #tpu.memory_space<vmem>> -> memref<256x96xf32, #tpu.memory_space<vmem>>
      %dma_wait3A_69 = arith.constant 0 : i32
      %dma_wait3A_70 = tpu.memref_slice %arg22[%add3A_39, %dma_wait3A_69] : memref<10240x96xf32, #tpu.memory_space<vmem_shared>> -> memref<256x96xf32, #tpu.memory_space<vmem_shared>>
      %dma_wait3A_71 = arith.constant 0 : i32
      %dma_wait3A_72 = arith.constant 0 : i32
      %dma_wait3A_73 = tpu.memref_slice %arg16[%dma_wait3A_71, %dma_wait3A_72] : memref<256x96xf32, #tpu.memory_space<vmem>> -> memref<256x96xf32, #tpu.memory_space<vmem>>
      %dma_wait3A_74 = arith.constant 0 : i32
      %dma_wait3A_75 = tpu.memref_slice %arg22[%add3A_39, %dma_wait3A_74] : memref<10240x96xf32, #tpu.memory_space<vmem_shared>> -> memref<256x96xf32, #tpu.memory_space<vmem_shared>>
      tpu.wait_dma2 semaphore(%run_scoped3A : memref<!tpu.dma_semaphore, #tpu.memory_space<semaphore_mem>>) src(%dma_wait3A_75 : memref<256x96xf32, #tpu.memory_space<vmem_shared>>) dst(%dma_wait3A_73 : memref<256x96xf32, #tpu.memory_space<vmem>>)
      tpu.yield
    }) : () -> ()
    %mul3A_40 = arith.constant 10240 : i32
    %mul3A_41 = arith.muli %arg0, %mul3A_40 : i32
    %mul3A_42 = arith.constant 640 : i32
    %mul3A_43 = arith.muli %arg1, %mul3A_42 : i32
    %add3A_44 = arith.addi %mul3A_41, %mul3A_43 : i32
    %add3A_45 = arith.constant 256 : i32
    %add3A_46 = arith.addi %add3A_44, %add3A_45 : i32
    "tpu.region"() ({
      %run_scoped3A = tpu.sem_alloc : memref<!tpu.dma_semaphore, #tpu.memory_space<semaphore_mem>>
      %dma_start3A = arith.constant 0 : i32
      %dma_start3A_58 = arith.constant 0 : i32
      %dma_start3A_59 = tpu.memref_slice %arg16[%dma_start3A, %dma_start3A_58] : memref<256x96xf32, #tpu.memory_space<vmem>> -> memref<256x96xf32, #tpu.memory_space<vmem>>
      %dma_start3A_60 = arith.constant 0 : i32
      %dma_start3A_61 = tpu.memref_slice %arg10[%add3A_46, %dma_start3A_60] : memref<20480x96xf32, #tpu.memory_space<hbm>> -> memref<256x96xf32, #tpu.memory_space<hbm>>
      %dma_start3A_62 = arith.constant 0 : i32
      %dma_start3A_63 = tpu.memref_slice %arg10[%add3A_46, %dma_start3A_62] : memref<20480x96xf32, #tpu.memory_space<hbm>> -> memref<256x96xf32, #tpu.memory_space<hbm>>
      %dma_start3A_64 = arith.constant 0 : i32
      %dma_start3A_65 = arith.constant 0 : i32
      %dma_start3A_66 = tpu.memref_slice %arg16[%dma_start3A_64, %dma_start3A_65] : memref<256x96xf32, #tpu.memory_space<vmem>> -> memref<256x96xf32, #tpu.memory_space<vmem>>
      tpu.enqueue_dma source(%dma_start3A_66 : memref<256x96xf32, #tpu.memory_space<vmem>>) target(%dma_start3A_63 : memref<256x96xf32, #tpu.memory_space<hbm>>) target_semaphore(%run_scoped3A : memref<!tpu.dma_semaphore, #tpu.memory_space<semaphore_mem>>)
      %dma_wait3A = arith.constant 0 : i32
      %dma_wait3A_67 = arith.constant 0 : i32
      %dma_wait3A_68 = tpu.memref_slice %arg16[%dma_wait3A, %dma_wait3A_67] : memref<256x96xf32, #tpu.memory_space<vmem>> -> memref<256x96xf32, #tpu.memory_space<vmem>>
      %dma_wait3A_69 = arith.constant 0 : i32
      %dma_wait3A_70 = tpu.memref_slice %arg10[%add3A_46, %dma_wait3A_69] : memref<20480x96xf32, #tpu.memory_space<hbm>> -> memref<256x96xf32, #tpu.memory_space<hbm>>
      %dma_wait3A_71 = arith.constant 0 : i32
      %dma_wait3A_72 = tpu.memref_slice %arg10[%add3A_46, %dma_wait3A_71] : memref<20480x96xf32, #tpu.memory_space<hbm>> -> memref<256x96xf32, #tpu.memory_space<hbm>>
      %dma_wait3A_73 = arith.constant 0 : i32
      %dma_wait3A_74 = arith.constant 0 : i32
      %dma_wait3A_75 = tpu.memref_slice %arg16[%dma_wait3A_73, %dma_wait3A_74] : memref<256x96xf32, #tpu.memory_space<vmem>> -> memref<256x96xf32, #tpu.memory_space<vmem>>
      tpu.wait_dma2 semaphore(%run_scoped3A : memref<!tpu.dma_semaphore, #tpu.memory_space<semaphore_mem>>) src(%dma_wait3A_75 : memref<256x96xf32, #tpu.memory_space<vmem>>) dst(%dma_wait3A_72 : memref<256x96xf32, #tpu.memory_space<hbm>>)
      tpu.yield
    }) : () -> ()
    %mul3A_47 = arith.constant 640 : i32
    %mul3A_48 = arith.muli %arg1, %mul3A_47 : i32
    %add3A_49 = arith.constant 512 : i32
    %add3A_50 = arith.addi %mul3A_48, %add3A_49 : i32
    "tpu.region"() ({
      %run_scoped3A = tpu.sem_alloc : memref<!tpu.dma_semaphore, #tpu.memory_space<semaphore_mem>>
      %dma_start3A = arith.constant 0 : i32
      %dma_start3A_58 = arith.constant 0 : i32
      %dma_start3A_59 = tpu.memref_slice %arg16[%dma_start3A, %dma_start3A_58] : memref<256x96xf32, #tpu.memory_space<vmem>> -> memref<128x96xf32, #tpu.memory_space<vmem>>
      %dma_start3A_60 = arith.constant 0 : i32
      %dma_start3A_61 = tpu.memref_slice %arg22[%add3A_50, %dma_start3A_60] : memref<10240x96xf32, #tpu.memory_space<vmem_shared>> -> memref<128x96xf32, #tpu.memory_space<vmem_shared>>
      %dma_start3A_62 = arith.constant 0 : i32
      %dma_start3A_63 = arith.constant 0 : i32
      %dma_start3A_64 = tpu.memref_slice %arg16[%dma_start3A_62, %dma_start3A_63] : memref<256x96xf32, #tpu.memory_space<vmem>> -> memref<128x96xf32, #tpu.memory_space<vmem>>
      %dma_start3A_65 = arith.constant 0 : i32
      %dma_start3A_66 = tpu.memref_slice %arg22[%add3A_50, %dma_start3A_65] : memref<10240x96xf32, #tpu.memory_space<vmem_shared>> -> memref<128x96xf32, #tpu.memory_space<vmem_shared>>
      tpu.enqueue_dma source(%dma_start3A_66 : memref<128x96xf32, #tpu.memory_space<vmem_shared>>) target(%dma_start3A_64 : memref<128x96xf32, #tpu.memory_space<vmem>>) target_semaphore(%run_scoped3A : memref<!tpu.dma_semaphore, #tpu.memory_space<semaphore_mem>>)
      %dma_wait3A = arith.constant 0 : i32
      %dma_wait3A_67 = arith.constant 0 : i32
      %dma_wait3A_68 = tpu.memref_slice %arg16[%dma_wait3A, %dma_wait3A_67] : memref<256x96xf32, #tpu.memory_space<vmem>> -> memref<128x96xf32, #tpu.memory_space<vmem>>
      %dma_wait3A_69 = arith.constant 0 : i32
      %dma_wait3A_70 = tpu.memref_slice %arg22[%add3A_50, %dma_wait3A_69] : memref<10240x96xf32, #tpu.memory_space<vmem_shared>> -> memref<128x96xf32, #tpu.memory_space<vmem_shared>>
      %dma_wait3A_71 = arith.constant 0 : i32
      %dma_wait3A_72 = arith.constant 0 : i32
      %dma_wait3A_73 = tpu.memref_slice %arg16[%dma_wait3A_71, %dma_wait3A_72] : memref<256x96xf32, #tpu.memory_space<vmem>> -> memref<128x96xf32, #tpu.memory_space<vmem>>
      %dma_wait3A_74 = arith.constant 0 : i32
      %dma_wait3A_75 = tpu.memref_slice %arg22[%add3A_50, %dma_wait3A_74] : memref<10240x96xf32, #tpu.memory_space<vmem_shared>> -> memref<128x96xf32, #tpu.memory_space<vmem_shared>>
      tpu.wait_dma2 semaphore(%run_scoped3A : memref<!tpu.dma_semaphore, #tpu.memory_space<semaphore_mem>>) src(%dma_wait3A_75 : memref<128x96xf32, #tpu.memory_space<vmem_shared>>) dst(%dma_wait3A_73 : memref<128x96xf32, #tpu.memory_space<vmem>>)
      tpu.yield
    }) : () -> ()
    %mul3A_51 = arith.constant 10240 : i32
    %mul3A_52 = arith.muli %arg0, %mul3A_51 : i32
    %mul3A_53 = arith.constant 640 : i32
    %mul3A_54 = arith.muli %arg1, %mul3A_53 : i32
    %add3A_55 = arith.addi %mul3A_52, %mul3A_54 : i32
    %add3A_56 = arith.constant 512 : i32
    %add3A_57 = arith.addi %add3A_55, %add3A_56 : i32
    "tpu.region"() ({
      %run_scoped3A = tpu.sem_alloc : memref<!tpu.dma_semaphore, #tpu.memory_space<semaphore_mem>>
      %dma_start3A = arith.constant 0 : i32
      %dma_start3A_58 = arith.constant 0 : i32
      %dma_start3A_59 = tpu.memref_slice %arg16[%dma_start3A, %dma_start3A_58] : memref<256x96xf32, #tpu.memory_space<vmem>> -> memref<128x96xf32, #tpu.memory_space<vmem>>
      %dma_start3A_60 = arith.constant 0 : i32
      %dma_start3A_61 = tpu.memref_slice %arg10[%add3A_57, %dma_start3A_60] : memref<20480x96xf32, #tpu.memory_space<hbm>> -> memref<128x96xf32, #tpu.memory_space<hbm>>
      %dma_start3A_62 = arith.constant 0 : i32
      %dma_start3A_63 = tpu.memref_slice %arg10[%add3A_57, %dma_start3A_62] : memref<20480x96xf32, #tpu.memory_space<hbm>> -> memref<128x96xf32, #tpu.memory_space<hbm>>
      %dma_start3A_64 = arith.constant 0 : i32
      %dma_start3A_65 = arith.constant 0 : i32
      %dma_start3A_66 = tpu.memref_slice %arg16[%dma_start3A_64, %dma_start3A_65] : memref<256x96xf32, #tpu.memory_space<vmem>> -> memref<128x96xf32, #tpu.memory_space<vmem>>
      tpu.enqueue_dma source(%dma_start3A_66 : memref<128x96xf32, #tpu.memory_space<vmem>>) target(%dma_start3A_63 : memref<128x96xf32, #tpu.memory_space<hbm>>) target_semaphore(%run_scoped3A : memref<!tpu.dma_semaphore, #tpu.memory_space<semaphore_mem>>)
      %dma_wait3A = arith.constant 0 : i32
      %dma_wait3A_67 = arith.constant 0 : i32
      %dma_wait3A_68 = tpu.memref_slice %arg16[%dma_wait3A, %dma_wait3A_67] : memref<256x96xf32, #tpu.memory_space<vmem>> -> memref<128x96xf32, #tpu.memory_space<vmem>>
      %dma_wait3A_69 = arith.constant 0 : i32
      %dma_wait3A_70 = tpu.memref_slice %arg10[%add3A_57, %dma_wait3A_69] : memref<20480x96xf32, #tpu.memory_space<hbm>> -> memref<128x96xf32, #tpu.memory_space<hbm>>
      %dma_wait3A_71 = arith.constant 0 : i32
      %dma_wait3A_72 = tpu.memref_slice %arg10[%add3A_57, %dma_wait3A_71] : memref<20480x96xf32, #tpu.memory_space<hbm>> -> memref<128x96xf32, #tpu.memory_space<hbm>>
      %dma_wait3A_73 = arith.constant 0 : i32
      %dma_wait3A_74 = arith.constant 0 : i32
      %dma_wait3A_75 = tpu.memref_slice %arg16[%dma_wait3A_73, %dma_wait3A_74] : memref<256x96xf32, #tpu.memory_space<vmem>> -> memref<128x96xf32, #tpu.memory_space<vmem>>
      tpu.wait_dma2 semaphore(%run_scoped3A : memref<!tpu.dma_semaphore, #tpu.memory_space<semaphore_mem>>) src(%dma_wait3A_75 : memref<128x96xf32, #tpu.memory_space<vmem>>) dst(%dma_wait3A_72 : memref<128x96xf32, #tpu.memory_space<hbm>>)
      tpu.yield
    }) : () -> ()
    return
  }
}

#map = affine_map<(d0, d1) -> (0, 0)>
module attributes {stable_mosaic.version = 14 : i64} {
  func.func @_sc_pass1(%arg0: i32, %arg1: i32, %arg2: memref<20480x16xf32, #tpu.memory_space<hbm>>, %arg3: memref<40960x32xf32, #tpu.memory_space<hbm>>, %arg4: memref<2560x128xi32, #tpu.memory_space<hbm>>, %arg5: memref<5120x128xi32, #tpu.memory_space<hbm>>, %arg6: memref<5120x128xi32, #tpu.memory_space<hbm>>, %arg7: memref<655360x2xf32, #tpu.memory_space<hbm>>, %arg8: memref<20480x16xf32, #tpu.memory_space<hbm>>, %arg9: memref<8x128xi32, #tpu.memory_space<vmem>>, %arg10: memref<8x128xi32, #tpu.memory_space<vmem>>, %arg11: memref<8x128xi32, #tpu.memory_space<vmem>>, %arg12: memref<1024x16xf32, #tpu.memory_space<vmem>>, %arg13: memref<1024x16xf32, #tpu.memory_space<vmem>>, %arg14: memref<128x32xf32, #tpu.memory_space<vmem>>, %arg15: memref<1024x16xf32, #tpu.memory_space<vmem>>, %arg16: memref<1024x2xf32, #tpu.memory_space<vmem>>, %arg17: memref<640x16xf32, #tpu.memory_space<vmem>>, %arg18: memref<!tpu.dma_semaphore, #tpu.memory_space<semaphore_mem>>, %arg19: memref<10240x16xf32, #tpu.memory_space<vmem_shared>>) attributes {dimension_semantics = [#tpu.dimension_semantics<core_parallel>, #tpu.dimension_semantics<subcore_parallel>], iteration_bounds = array<i64: 2, 16>, scalar_prefetch = 0 : i64, scratch_operands = 11 : i64, tpu.core_type = #tpu.core_type<sc_vector_subcore>, window_params = [{transform_indices = #map}, {transform_indices = #map}, {transform_indices = #map}, {transform_indices = #map}, {transform_indices = #map}, {transform_indices = #map}, {transform_indices = #map}]} {
    %iota3A = tpu.iota {dimensions = array<i32: 0>} : vector<16xi32>
    %broadcast_in_dim3A = arith.constant 0.000000e+00 : f32
    %broadcast_in_dim3A_0 = vector.broadcast %broadcast_in_dim3A : f32 to vector<16xf32>
    %scan3A = arith.constant 0 : i32
    %scan3A_1 = arith.constant 0 : i32
    %scan3A_2 = arith.constant 1024 : i32
    %scan3A_3 = arith.addi %scan3A_1, %scan3A_2 : i32
    %scan3A_4 = arith.constant 1 : i32
    %scan3A_5 = scf.for %scan3A_29 = %scan3A_1 to %scan3A_3 step %scan3A_4 iter_args(%scan3A_30 = %scan3A) -> (i32)  : i32 {
      %mul3A_31 = arith.constant 16 : i32
      %mul3A_32 = arith.muli %scan3A_29, %mul3A_31 : i32
      %add3A_33 = vector.broadcast %mul3A_32 : i32 to vector<16xi32>
      %add3A_34 = arith.addi %add3A_33, %iota3A : vector<16xi32>
      %shift_right_arithmetic3A = arith.constant 4 : i32
      %shift_right_arithmetic3A_35 = vector.broadcast %shift_right_arithmetic3A : i32 to vector<16xi32>
      %shift_right_arithmetic3A_36 = arith.shrsi %add3A_34, %shift_right_arithmetic3A_35 : vector<16xi32>
      %and3A = arith.constant 15 : i32
      %and3A_37 = vector.broadcast %and3A : i32 to vector<16xi32>
      %and3A_38 = arith.andi %add3A_34, %and3A_37 : vector<16xi32>
      tpu.vector_store_idx %arg15[%shift_right_arithmetic3A_36, %and3A_38], %broadcast_in_dim3A_0 : memref<1024x16xf32, #tpu.memory_space<vmem>>[vector<16xi32>, vector<16xi32>], vector<16xf32>,
      %scan3A_39 = arith.constant 0 : i32
      scf.yield %scan3A_39 : i32
    }
    %scan3A_6 = arith.constant 1024 : i32
    %scan3A_7 = arith.constant 0 : i32
    %scan3A_8 = arith.constant 0 : i32
    %scan3A_9 = arith.constant 640 : i32
    %scan3A_10 = arith.addi %scan3A_8, %scan3A_9 : i32
    %scan3A_11 = arith.constant 1 : i32
    %scan3A_12 = scf.for %scan3A_29 = %scan3A_8 to %scan3A_10 step %scan3A_11 iter_args(%scan3A_30 = %scan3A_7) -> (i32)  : i32 {
      %mul3A_31 = arith.constant 16 : i32
      %mul3A_32 = arith.muli %scan3A_29, %mul3A_31 : i32
      %add3A_33 = vector.broadcast %mul3A_32 : i32 to vector<16xi32>
      %add3A_34 = arith.addi %add3A_33, %iota3A : vector<16xi32>
      %shift_right_arithmetic3A = arith.constant 4 : i32
      %shift_right_arithmetic3A_35 = vector.broadcast %shift_right_arithmetic3A : i32 to vector<16xi32>
      %shift_right_arithmetic3A_36 = arith.shrsi %add3A_34, %shift_right_arithmetic3A_35 : vector<16xi32>
      %and3A = arith.constant 15 : i32
      %and3A_37 = vector.broadcast %and3A : i32 to vector<16xi32>
      %and3A_38 = arith.andi %add3A_34, %and3A_37 : vector<16xi32>
      tpu.vector_store_idx %arg17[%shift_right_arithmetic3A_36, %and3A_38], %broadcast_in_dim3A_0 : memref<640x16xf32, #tpu.memory_space<vmem>>[vector<16xi32>, vector<16xi32>], vector<16xf32>,
      %scan3A_39 = arith.constant 0 : i32
      scf.yield %scan3A_39 : i32
    }
    %scan3A_13 = arith.constant 640 : i32
    %mul3A = arith.constant 640 : i32
    %mul3A_14 = arith.muli %arg1, %mul3A : i32
    "tpu.region"() ({
      %run_scoped3A = tpu.sem_alloc : memref<!tpu.dma_semaphore, #tpu.memory_space<semaphore_mem>>
      %dma_start3A = arith.constant 0 : i32
      %dma_start3A_29 = tpu.memref_slice %arg19[%mul3A_14, %dma_start3A] : memref<10240x16xf32, #tpu.memory_space<vmem_shared>> -> memref<640x16xf32, #tpu.memory_space<vmem_shared>>
      %dma_start3A_30 = arith.constant 0 : i32
      %dma_start3A_31 = tpu.memref_slice %arg19[%mul3A_14, %dma_start3A_30] : memref<10240x16xf32, #tpu.memory_space<vmem_shared>> -> memref<640x16xf32, #tpu.memory_space<vmem_shared>>
      tpu.enqueue_dma source(%arg17 : memref<640x16xf32, #tpu.memory_space<vmem>>) target(%dma_start3A_31 : memref<640x16xf32, #tpu.memory_space<vmem_shared>>) target_semaphore(%run_scoped3A : memref<!tpu.dma_semaphore, #tpu.memory_space<semaphore_mem>>)
      %dma_wait3A = arith.constant 0 : i32
      %dma_wait3A_32 = tpu.memref_slice %arg19[%mul3A_14, %dma_wait3A] : memref<10240x16xf32, #tpu.memory_space<vmem_shared>> -> memref<640x16xf32, #tpu.memory_space<vmem_shared>>
      %dma_wait3A_33 = arith.constant 0 : i32
      %dma_wait3A_34 = tpu.memref_slice %arg19[%mul3A_14, %dma_wait3A_33] : memref<10240x16xf32, #tpu.memory_space<vmem_shared>> -> memref<640x16xf32, #tpu.memory_space<vmem_shared>>
      tpu.wait_dma2 semaphore(%run_scoped3A : memref<!tpu.dma_semaphore, #tpu.memory_space<semaphore_mem>>) src(%arg17 : memref<640x16xf32, #tpu.memory_space<vmem>>) dst(%dma_wait3A_34 : memref<640x16xf32, #tpu.memory_space<vmem_shared>>)
      tpu.yield
    }) : () -> ()
    %barrier3A = arith.constant 0 : index
    tpu.barrier barrier_id(%barrier3A)
    %scan3A_15 = arith.constant 0 : i32
    %scan3A_16 = arith.constant 0 : i32
    %scan3A_17 = arith.constant 20 : i32
    %scan3A_18 = arith.addi %scan3A_16, %scan3A_17 : i32
    %scan3A_19 = arith.constant 1 : i32
    %scan3A_20 = scf.for %scan3A_29 = %scan3A_16 to %scan3A_18 step %scan3A_19 iter_args(%scan3A_30 = %scan3A_15) -> (i32)  : i32 {
      %mul3A_31 = arith.constant 20480 : i32
      %mul3A_32 = arith.muli %arg1, %mul3A_31 : i32
      %mul3A_33 = arith.constant 1024 : i32
      %mul3A_34 = arith.muli %scan3A_29, %mul3A_33 : i32
      %add3A_35 = arith.addi %mul3A_32, %mul3A_34 : i32
      %mul3A_36 = arith.constant 160 : i32
      %mul3A_37 = arith.muli %arg1, %mul3A_36 : i32
      %mul3A_38 = arith.constant 8 : i32
      %mul3A_39 = arith.muli %scan3A_29, %mul3A_38 : i32
      %add3A_40 = arith.addi %mul3A_37, %mul3A_39 : i32
      %dma_start3A = arith.constant 0 : i32
      %dma_start3A_41 = tpu.memref_slice %arg4[%add3A_40, %dma_start3A] : memref<2560x128xi32, #tpu.memory_space<hbm>> -> memref<8x128xi32, #tpu.memory_space<hbm>>
      %dma_start3A_42 = arith.constant 0 : i32
      %dma_start3A_43 = tpu.memref_slice %arg4[%add3A_40, %dma_start3A_42] : memref<2560x128xi32, #tpu.memory_space<hbm>> -> memref<8x128xi32, #tpu.memory_space<hbm>>
      tpu.enqueue_dma source(%dma_start3A_43 : memref<8x128xi32, #tpu.memory_space<hbm>>) target(%arg9 : memref<8x128xi32, #tpu.memory_space<vmem>>) target_semaphore(%arg18 : memref<!tpu.dma_semaphore, #tpu.memory_space<semaphore_mem>>)
      %mul3A_44 = arith.constant 2560 : i32
      %mul3A_45 = arith.muli %arg0, %mul3A_44 : i32
      %add3A_46 = arith.addi %mul3A_45, %add3A_40 : i32
      %dma_start3A_47 = arith.constant 0 : i32
      %dma_start3A_48 = tpu.memref_slice %arg5[%add3A_46, %dma_start3A_47] : memref<5120x128xi32, #tpu.memory_space<hbm>> -> memref<8x128xi32, #tpu.memory_space<hbm>>
      %dma_start3A_49 = arith.constant 0 : i32
      %dma_start3A_50 = tpu.memref_slice %arg5[%add3A_46, %dma_start3A_49] : memref<5120x128xi32, #tpu.memory_space<hbm>> -> memref<8x128xi32, #tpu.memory_space<hbm>>
      tpu.enqueue_dma source(%dma_start3A_50 : memref<8x128xi32, #tpu.memory_space<hbm>>) target(%arg10 : memref<8x128xi32, #tpu.memory_space<vmem>>) target_semaphore(%arg18 : memref<!tpu.dma_semaphore, #tpu.memory_space<semaphore_mem>>)
      %mul3A_51 = arith.constant 2560 : i32
      %mul3A_52 = arith.muli %arg0, %mul3A_51 : i32
      %add3A_53 = arith.addi %mul3A_52, %add3A_40 : i32
      %dma_start3A_54 = arith.constant 0 : i32
      %dma_start3A_55 = tpu.memref_slice %arg6[%add3A_53, %dma_start3A_54] : memref<5120x128xi32, #tpu.memory_space<hbm>> -> memref<8x128xi32, #tpu.memory_space<hbm>>
      %dma_start3A_56 = arith.constant 0 : i32
      %dma_start3A_57 = tpu.memref_slice %arg6[%add3A_53, %dma_start3A_56] : memref<5120x128xi32, #tpu.memory_space<hbm>> -> memref<8x128xi32, #tpu.memory_space<hbm>>
      tpu.enqueue_dma source(%dma_start3A_57 : memref<8x128xi32, #tpu.memory_space<hbm>>) target(%arg11 : memref<8x128xi32, #tpu.memory_space<vmem>>) target_semaphore(%arg18 : memref<!tpu.dma_semaphore, #tpu.memory_space<semaphore_mem>>)
      %jit3A = arith.constant 8 : i32
      %div3A = arith.divsi %add3A_35, %jit3A : i32
      %sign3A = arith.constant 0 : i32
      %sign3A_58 = arith.cmpi sgt, %add3A_35, %sign3A : i32
      %sign3A_59 = arith.extui %sign3A_58 : i1 to i32
      %sign3A_60 = arith.constant 0 : i32
      %sign3A_61 = arith.cmpi slt, %add3A_35, %sign3A_60 : i32
      %sign3A_62 = arith.extui %sign3A_61 : i1 to i32
      %sign3A_63 = arith.subi %sign3A_59, %sign3A_62 : i32
      %sign3A_64 = arith.constant 0 : i32
      %sign3A_65 = arith.cmpi sgt, %jit3A, %sign3A_64 : i32
      %sign3A_66 = arith.extui %sign3A_65 : i1 to i32
      %sign3A_67 = arith.constant 0 : i32
      %sign3A_68 = arith.cmpi slt, %jit3A, %sign3A_67 : i32
      %sign3A_69 = arith.extui %sign3A_68 : i1 to i32
      %sign3A_70 = arith.subi %sign3A_66, %sign3A_69 : i32
      %ne3A = arith.cmpi ne, %sign3A_63, %sign3A_70 : i32
      %rem3A = arith.remsi %add3A_35, %jit3A : i32
      %ne3A_71 = arith.constant 0 : i32
      %ne3A_72 = arith.cmpi ne, %rem3A, %ne3A_71 : i32
      %and3A = arith.andi %ne3A, %ne3A_72 : i1
      %sub3A = arith.constant 1 : i32
      %sub3A_73 = arith.subi %div3A, %sub3A : i32
      %select_n3A = arith.select %and3A, %sub3A_73, %div3A : i32
      %dma_start3A_74 = arith.constant 0 : i32
      %dma_start3A_75 = tpu.memref_slice %arg3[%select_n3A, %dma_start3A_74] : memref<40960x32xf32, #tpu.memory_space<hbm>> -> memref<128x32xf32, #tpu.memory_space<hbm>>
      %dma_start3A_76 = arith.constant 0 : i32
      %dma_start3A_77 = tpu.memref_slice %arg3[%select_n3A, %dma_start3A_76] : memref<40960x32xf32, #tpu.memory_space<hbm>> -> memref<128x32xf32, #tpu.memory_space<hbm>>
      tpu.enqueue_dma source(%dma_start3A_77 : memref<128x32xf32, #tpu.memory_space<hbm>>) target(%arg14 : memref<128x32xf32, #tpu.memory_space<vmem>>) target_semaphore(%arg18 : memref<!tpu.dma_semaphore, #tpu.memory_space<semaphore_mem>>)
      %dma_wait3A = arith.constant 0 : i32
      %dma_wait3A_78 = tpu.memref_slice %arg4[%add3A_40, %dma_wait3A] : memref<2560x128xi32, #tpu.memory_space<hbm>> -> memref<8x128xi32, #tpu.memory_space<hbm>>
      %dma_wait3A_79 = arith.constant 0 : i32
      %dma_wait3A_80 = tpu.memref_slice %arg4[%add3A_40, %dma_wait3A_79] : memref<2560x128xi32, #tpu.memory_space<hbm>> -> memref<8x128xi32, #tpu.memory_space<hbm>>
      tpu.wait_dma2 semaphore(%arg18 : memref<!tpu.dma_semaphore, #tpu.memory_space<semaphore_mem>>) src(%dma_wait3A_80 : memref<8x128xi32, #tpu.memory_space<hbm>>) dst(%arg9 : memref<8x128xi32, #tpu.memory_space<vmem>>)
      %dma_wait3A_81 = arith.constant 0 : i32
      %dma_wait3A_82 = tpu.memref_slice %arg5[%add3A_46, %dma_wait3A_81] : memref<5120x128xi32, #tpu.memory_space<hbm>> -> memref<8x128xi32, #tpu.memory_space<hbm>>
      %dma_wait3A_83 = arith.constant 0 : i32
      %dma_wait3A_84 = tpu.memref_slice %arg5[%add3A_46, %dma_wait3A_83] : memref<5120x128xi32, #tpu.memory_space<hbm>> -> memref<8x128xi32, #tpu.memory_space<hbm>>
      tpu.wait_dma2 semaphore(%arg18 : memref<!tpu.dma_semaphore, #tpu.memory_space<semaphore_mem>>) src(%dma_wait3A_84 : memref<8x128xi32, #tpu.memory_space<hbm>>) dst(%arg10 : memref<8x128xi32, #tpu.memory_space<vmem>>)
      %dma_wait3A_85 = arith.constant 0 : i32
      %dma_wait3A_86 = tpu.memref_slice %arg6[%add3A_53, %dma_wait3A_85] : memref<5120x128xi32, #tpu.memory_space<hbm>> -> memref<8x128xi32, #tpu.memory_space<hbm>>
      %dma_wait3A_87 = arith.constant 0 : i32
      %dma_wait3A_88 = tpu.memref_slice %arg6[%add3A_53, %dma_wait3A_87] : memref<5120x128xi32, #tpu.memory_space<hbm>> -> memref<8x128xi32, #tpu.memory_space<hbm>>
      tpu.wait_dma2 semaphore(%arg18 : memref<!tpu.dma_semaphore, #tpu.memory_space<semaphore_mem>>) src(%dma_wait3A_88 : memref<8x128xi32, #tpu.memory_space<hbm>>) dst(%arg11 : memref<8x128xi32, #tpu.memory_space<vmem>>)
      %dma_wait3A_89 = arith.constant 0 : i32
      %dma_wait3A_90 = tpu.memref_slice %arg3[%select_n3A, %dma_wait3A_89] : memref<40960x32xf32, #tpu.memory_space<hbm>> -> memref<128x32xf32, #tpu.memory_space<hbm>>
      %dma_wait3A_91 = arith.constant 0 : i32
      %dma_wait3A_92 = tpu.memref_slice %arg3[%select_n3A, %dma_wait3A_91] : memref<40960x32xf32, #tpu.memory_space<hbm>> -> memref<128x32xf32, #tpu.memory_space<hbm>>
      tpu.wait_dma2 semaphore(%arg18 : memref<!tpu.dma_semaphore, #tpu.memory_space<semaphore_mem>>) src(%dma_wait3A_92 : memref<128x32xf32, #tpu.memory_space<hbm>>) dst(%arg14 : memref<128x32xf32, #tpu.memory_space<vmem>>)
      %dma_start3A_93 = arith.constant 0 : i32
      %dma_start3A_94 = arith.constant 0 : i32
      %dma_start3A_95 = arith.constant 0 : i32
      %dma_start3A_96 = tpu.memref_slice %arg12[%dma_start3A_94, %dma_start3A_95] : memref<1024x16xf32, #tpu.memory_space<vmem>> -> memref<128x16xf32, #tpu.memory_space<vmem>>
      %dma_start3A_97 = arith.constant 0 : i32
      %dma_start3A_98 = tpu.memref_slice %arg10[%dma_start3A_93, %dma_start3A_97] : memref<8x128xi32, #tpu.memory_space<vmem>> -> memref<1x128xi32, #tpu.memory_space<vmem>>
      %dma_start3A_99 = tpu.memref_squeeze %dma_start3A_98 : memref<1x128xi32, #tpu.memory_space<vmem>> -> memref<128xi32, #tpu.memory_space<vmem>>
      %dma_start3A_100 = arith.constant 0 : i32
      %dma_start3A_101 = arith.constant 0 : i32
      %dma_start3A_102 = tpu.memref_slice %arg2[%dma_start3A_100, %dma_start3A_101] : memref<20480x16xf32, #tpu.memory_space<hbm>> -> memref<20480x16xf32, #tpu.memory_space<hbm>>
      tpu.enqueue_indirect_dma source(%dma_start3A_102 : memref<20480x16xf32, #tpu.memory_space<hbm>>) target(%dma_start3A_96 : memref<128x16xf32, #tpu.memory_space<vmem>>) offsets(%dma_start3A_99 : memref<128xi32, #tpu.memory_space<vmem>>) semaphore(%arg18 : memref<!tpu.dma_semaphore, #tpu.memory_space<semaphore_mem>>)
      %dma_start3A_103 = arith.constant 0 : i32
      %dma_start3A_104 = arith.constant 0 : i32
      %dma_start3A_105 = arith.constant 0 : i32
      %dma_start3A_106 = tpu.memref_slice %arg13[%dma_start3A_104, %dma_start3A_105] : memref<1024x16xf32, #tpu.memory_space<vmem>> -> memref<128x16xf32, #tpu.memory_space<vmem>>
      %dma_start3A_107 = arith.constant 0 : i32
      %dma_start3A_108 = tpu.memref_slice %arg11[%dma_start3A_103, %dma_start3A_107] : memref<8x128xi32, #tpu.memory_space<vmem>> -> memref<1x128xi32, #tpu.memory_space<vmem>>
      %dma_start3A_109 = tpu.memref_squeeze %dma_start3A_108 : memref<1x128xi32, #tpu.memory_space<vmem>> -> memref<128xi32, #tpu.memory_space<vmem>>
      %dma_start3A_110 = arith.constant 0 : i32
      %dma_start3A_111 = arith.constant 0 : i32
      %dma_start3A_112 = tpu.memref_slice %arg2[%dma_start3A_110, %dma_start3A_111] : memref<20480x16xf32, #tpu.memory_space<hbm>> -> memref<20480x16xf32, #tpu.memory_space<hbm>>
      tpu.enqueue_indirect_dma source(%dma_start3A_112 : memref<20480x16xf32, #tpu.memory_space<hbm>>) target(%dma_start3A_106 : memref<128x16xf32, #tpu.memory_space<vmem>>) offsets(%dma_start3A_109 : memref<128xi32, #tpu.memory_space<vmem>>) semaphore(%arg18 : memref<!tpu.dma_semaphore, #tpu.memory_space<semaphore_mem>>)
      %dma_start3A_113 = arith.constant 1 : i32
      %dma_start3A_114 = arith.constant 128 : i32
      %dma_start3A_115 = arith.constant 0 : i32
      %dma_start3A_116 = tpu.memref_slice %arg12[%dma_start3A_114, %dma_start3A_115] : memref<1024x16xf32, #tpu.memory_space<vmem>> -> memref<128x16xf32, #tpu.memory_space<vmem>>
      %dma_start3A_117 = arith.constant 0 : i32
      %dma_start3A_118 = tpu.memref_slice %arg10[%dma_start3A_113, %dma_start3A_117] : memref<8x128xi32, #tpu.memory_space<vmem>> -> memref<1x128xi32, #tpu.memory_space<vmem>>
      %dma_start3A_119 = tpu.memref_squeeze %dma_start3A_118 : memref<1x128xi32, #tpu.memory_space<vmem>> -> memref<128xi32, #tpu.memory_space<vmem>>
      %dma_start3A_120 = arith.constant 0 : i32
      %dma_start3A_121 = arith.constant 0 : i32
      %dma_start3A_122 = tpu.memref_slice %arg2[%dma_start3A_120, %dma_start3A_121] : memref<20480x16xf32, #tpu.memory_space<hbm>> -> memref<20480x16xf32, #tpu.memory_space<hbm>>
      tpu.enqueue_indirect_dma source(%dma_start3A_122 : memref<20480x16xf32, #tpu.memory_space<hbm>>) target(%dma_start3A_116 : memref<128x16xf32, #tpu.memory_space<vmem>>) offsets(%dma_start3A_119 : memref<128xi32, #tpu.memory_space<vmem>>) semaphore(%arg18 : memref<!tpu.dma_semaphore, #tpu.memory_space<semaphore_mem>>)
      %dma_start3A_123 = arith.constant 1 : i32
      %dma_start3A_124 = arith.constant 128 : i32
      %dma_start3A_125 = arith.constant 0 : i32
      %dma_start3A_126 = tpu.memref_slice %arg13[%dma_start3A_124, %dma_start3A_125] : memref<1024x16xf32, #tpu.memory_space<vmem>> -> memref<128x16xf32, #tpu.memory_space<vmem>>
      %dma_start3A_127 = arith.constant 0 : i32
      %dma_start3A_128 = tpu.memref_slice %arg11[%dma_start3A_123, %dma_start3A_127] : memref<8x128xi32, #tpu.memory_space<vmem>> -> memref<1x128xi32, #tpu.memory_space<vmem>>
      %dma_start3A_129 = tpu.memref_squeeze %dma_start3A_128 : memref<1x128xi32, #tpu.memory_space<vmem>> -> memref<128xi32, #tpu.memory_space<vmem>>
      %dma_start3A_130 = arith.constant 0 : i32
      %dma_start3A_131 = arith.constant 0 : i32
      %dma_start3A_132 = tpu.memref_slice %arg2[%dma_start3A_130, %dma_start3A_131] : memref<20480x16xf32, #tpu.memory_space<hbm>> -> memref<20480x16xf32, #tpu.memory_space<hbm>>
      tpu.enqueue_indirect_dma source(%dma_start3A_132 : memref<20480x16xf32, #tpu.memory_space<hbm>>) target(%dma_start3A_126 : memref<128x16xf32, #tpu.memory_space<vmem>>) offsets(%dma_start3A_129 : memref<128xi32, #tpu.memory_space<vmem>>) semaphore(%arg18 : memref<!tpu.dma_semaphore, #tpu.memory_space<semaphore_mem>>)
      %dma_start3A_133 = arith.constant 2 : i32
      %dma_start3A_134 = arith.constant 256 : i32
      %dma_start3A_135 = arith.constant 0 : i32
      %dma_start3A_136 = tpu.memref_slice %arg12[%dma_start3A_134, %dma_start3A_135] : memref<1024x16xf32, #tpu.memory_space<vmem>> -> memref<128x16xf32, #tpu.memory_space<vmem>>
      %dma_start3A_137 = arith.constant 0 : i32
      %dma_start3A_138 = tpu.memref_slice %arg10[%dma_start3A_133, %dma_start3A_137] : memref<8x128xi32, #tpu.memory_space<vmem>> -> memref<1x128xi32, #tpu.memory_space<vmem>>
      %dma_start3A_139 = tpu.memref_squeeze %dma_start3A_138 : memref<1x128xi32, #tpu.memory_space<vmem>> -> memref<128xi32, #tpu.memory_space<vmem>>
      %dma_start3A_140 = arith.constant 0 : i32
      %dma_start3A_141 = arith.constant 0 : i32
      %dma_start3A_142 = tpu.memref_slice %arg2[%dma_start3A_140, %dma_start3A_141] : memref<20480x16xf32, #tpu.memory_space<hbm>> -> memref<20480x16xf32, #tpu.memory_space<hbm>>
      tpu.enqueue_indirect_dma source(%dma_start3A_142 : memref<20480x16xf32, #tpu.memory_space<hbm>>) target(%dma_start3A_136 : memref<128x16xf32, #tpu.memory_space<vmem>>) offsets(%dma_start3A_139 : memref<128xi32, #tpu.memory_space<vmem>>) semaphore(%arg18 : memref<!tpu.dma_semaphore, #tpu.memory_space<semaphore_mem>>)
      %dma_start3A_143 = arith.constant 2 : i32
      %dma_start3A_144 = arith.constant 256 : i32
      %dma_start3A_145 = arith.constant 0 : i32
      %dma_start3A_146 = tpu.memref_slice %arg13[%dma_start3A_144, %dma_start3A_145] : memref<1024x16xf32, #tpu.memory_space<vmem>> -> memref<128x16xf32, #tpu.memory_space<vmem>>
      %dma_start3A_147 = arith.constant 0 : i32
      %dma_start3A_148 = tpu.memref_slice %arg11[%dma_start3A_143, %dma_start3A_147] : memref<8x128xi32, #tpu.memory_space<vmem>> -> memref<1x128xi32, #tpu.memory_space<vmem>>
      %dma_start3A_149 = tpu.memref_squeeze %dma_start3A_148 : memref<1x128xi32, #tpu.memory_space<vmem>> -> memref<128xi32, #tpu.memory_space<vmem>>
      %dma_start3A_150 = arith.constant 0 : i32
      %dma_start3A_151 = arith.constant 0 : i32
      %dma_start3A_152 = tpu.memref_slice %arg2[%dma_start3A_150, %dma_start3A_151] : memref<20480x16xf32, #tpu.memory_space<hbm>> -> memref<20480x16xf32, #tpu.memory_space<hbm>>
      tpu.enqueue_indirect_dma source(%dma_start3A_152 : memref<20480x16xf32, #tpu.memory_space<hbm>>) target(%dma_start3A_146 : memref<128x16xf32, #tpu.memory_space<vmem>>) offsets(%dma_start3A_149 : memref<128xi32, #tpu.memory_space<vmem>>) semaphore(%arg18 : memref<!tpu.dma_semaphore, #tpu.memory_space<semaphore_mem>>)
      %dma_start3A_153 = arith.constant 3 : i32
      %dma_start3A_154 = arith.constant 384 : i32
      %dma_start3A_155 = arith.constant 0 : i32
      %dma_start3A_156 = tpu.memref_slice %arg12[%dma_start3A_154, %dma_start3A_155] : memref<1024x16xf32, #tpu.memory_space<vmem>> -> memref<128x16xf32, #tpu.memory_space<vmem>>
      %dma_start3A_157 = arith.constant 0 : i32
      %dma_start3A_158 = tpu.memref_slice %arg10[%dma_start3A_153, %dma_start3A_157] : memref<8x128xi32, #tpu.memory_space<vmem>> -> memref<1x128xi32, #tpu.memory_space<vmem>>
      %dma_start3A_159 = tpu.memref_squeeze %dma_start3A_158 : memref<1x128xi32, #tpu.memory_space<vmem>> -> memref<128xi32, #tpu.memory_space<vmem>>
      %dma_start3A_160 = arith.constant 0 : i32
      %dma_start3A_161 = arith.constant 0 : i32
      %dma_start3A_162 = tpu.memref_slice %arg2[%dma_start3A_160, %dma_start3A_161] : memref<20480x16xf32, #tpu.memory_space<hbm>> -> memref<20480x16xf32, #tpu.memory_space<hbm>>
      tpu.enqueue_indirect_dma source(%dma_start3A_162 : memref<20480x16xf32, #tpu.memory_space<hbm>>) target(%dma_start3A_156 : memref<128x16xf32, #tpu.memory_space<vmem>>) offsets(%dma_start3A_159 : memref<128xi32, #tpu.memory_space<vmem>>) semaphore(%arg18 : memref<!tpu.dma_semaphore, #tpu.memory_space<semaphore_mem>>)
      %dma_start3A_163 = arith.constant 3 : i32
      %dma_start3A_164 = arith.constant 384 : i32
      %dma_start3A_165 = arith.constant 0 : i32
      %dma_start3A_166 = tpu.memref_slice %arg13[%dma_start3A_164, %dma_start3A_165] : memref<1024x16xf32, #tpu.memory_space<vmem>> -> memref<128x16xf32, #tpu.memory_space<vmem>>
      %dma_start3A_167 = arith.constant 0 : i32
      %dma_start3A_168 = tpu.memref_slice %arg11[%dma_start3A_163, %dma_start3A_167] : memref<8x128xi32, #tpu.memory_space<vmem>> -> memref<1x128xi32, #tpu.memory_space<vmem>>
      %dma_start3A_169 = tpu.memref_squeeze %dma_start3A_168 : memref<1x128xi32, #tpu.memory_space<vmem>> -> memref<128xi32, #tpu.memory_space<vmem>>
      %dma_start3A_170 = arith.constant 0 : i32
      %dma_start3A_171 = arith.constant 0 : i32
      %dma_start3A_172 = tpu.memref_slice %arg2[%dma_start3A_170, %dma_start3A_171] : memref<20480x16xf32, #tpu.memory_space<hbm>> -> memref<20480x16xf32, #tpu.memory_space<hbm>>
      tpu.enqueue_indirect_dma source(%dma_start3A_172 : memref<20480x16xf32, #tpu.memory_space<hbm>>) target(%dma_start3A_166 : memref<128x16xf32, #tpu.memory_space<vmem>>) offsets(%dma_start3A_169 : memref<128xi32, #tpu.memory_space<vmem>>) semaphore(%arg18 : memref<!tpu.dma_semaphore, #tpu.memory_space<semaphore_mem>>)
      %dma_start3A_173 = arith.constant 4 : i32
      %dma_start3A_174 = arith.constant 512 : i32
      %dma_start3A_175 = arith.constant 0 : i32
      %dma_start3A_176 = tpu.memref_slice %arg12[%dma_start3A_174, %dma_start3A_175] : memref<1024x16xf32, #tpu.memory_space<vmem>> -> memref<128x16xf32, #tpu.memory_space<vmem>>
      %dma_start3A_177 = arith.constant 0 : i32
      %dma_start3A_178 = tpu.memref_slice %arg10[%dma_start3A_173, %dma_start3A_177] : memref<8x128xi32, #tpu.memory_space<vmem>> -> memref<1x128xi32, #tpu.memory_space<vmem>>
      %dma_start3A_179 = tpu.memref_squeeze %dma_start3A_178 : memref<1x128xi32, #tpu.memory_space<vmem>> -> memref<128xi32, #tpu.memory_space<vmem>>
      %dma_start3A_180 = arith.constant 0 : i32
      %dma_start3A_181 = arith.constant 0 : i32
      %dma_start3A_182 = tpu.memref_slice %arg2[%dma_start3A_180, %dma_start3A_181] : memref<20480x16xf32, #tpu.memory_space<hbm>> -> memref<20480x16xf32, #tpu.memory_space<hbm>>
      tpu.enqueue_indirect_dma source(%dma_start3A_182 : memref<20480x16xf32, #tpu.memory_space<hbm>>) target(%dma_start3A_176 : memref<128x16xf32, #tpu.memory_space<vmem>>) offsets(%dma_start3A_179 : memref<128xi32, #tpu.memory_space<vmem>>) semaphore(%arg18 : memref<!tpu.dma_semaphore, #tpu.memory_space<semaphore_mem>>)
      %dma_start3A_183 = arith.constant 4 : i32
      %dma_start3A_184 = arith.constant 512 : i32
      %dma_start3A_185 = arith.constant 0 : i32
      %dma_start3A_186 = tpu.memref_slice %arg13[%dma_start3A_184, %dma_start3A_185] : memref<1024x16xf32, #tpu.memory_space<vmem>> -> memref<128x16xf32, #tpu.memory_space<vmem>>
      %dma_start3A_187 = arith.constant 0 : i32
      %dma_start3A_188 = tpu.memref_slice %arg11[%dma_start3A_183, %dma_start3A_187] : memref<8x128xi32, #tpu.memory_space<vmem>> -> memref<1x128xi32, #tpu.memory_space<vmem>>
      %dma_start3A_189 = tpu.memref_squeeze %dma_start3A_188 : memref<1x128xi32, #tpu.memory_space<vmem>> -> memref<128xi32, #tpu.memory_space<vmem>>
      %dma_start3A_190 = arith.constant 0 : i32
      %dma_start3A_191 = arith.constant 0 : i32
      %dma_start3A_192 = tpu.memref_slice %arg2[%dma_start3A_190, %dma_start3A_191] : memref<20480x16xf32, #tpu.memory_space<hbm>> -> memref<20480x16xf32, #tpu.memory_space<hbm>>
      tpu.enqueue_indirect_dma source(%dma_start3A_192 : memref<20480x16xf32, #tpu.memory_space<hbm>>) target(%dma_start3A_186 : memref<128x16xf32, #tpu.memory_space<vmem>>) offsets(%dma_start3A_189 : memref<128xi32, #tpu.memory_space<vmem>>) semaphore(%arg18 : memref<!tpu.dma_semaphore, #tpu.memory_space<semaphore_mem>>)
      %dma_start3A_193 = arith.constant 5 : i32
      %dma_start3A_194 = arith.constant 640 : i32
      %dma_start3A_195 = arith.constant 0 : i32
      %dma_start3A_196 = tpu.memref_slice %arg12[%dma_start3A_194, %dma_start3A_195] : memref<1024x16xf32, #tpu.memory_space<vmem>> -> memref<128x16xf32, #tpu.memory_space<vmem>>
      %dma_start3A_197 = arith.constant 0 : i32
      %dma_start3A_198 = tpu.memref_slice %arg10[%dma_start3A_193, %dma_start3A_197] : memref<8x128xi32, #tpu.memory_space<vmem>> -> memref<1x128xi32, #tpu.memory_space<vmem>>
      %dma_start3A_199 = tpu.memref_squeeze %dma_start3A_198 : memref<1x128xi32, #tpu.memory_space<vmem>> -> memref<128xi32, #tpu.memory_space<vmem>>
      %dma_start3A_200 = arith.constant 0 : i32
      %dma_start3A_201 = arith.constant 0 : i32
      %dma_start3A_202 = tpu.memref_slice %arg2[%dma_start3A_200, %dma_start3A_201] : memref<20480x16xf32, #tpu.memory_space<hbm>> -> memref<20480x16xf32, #tpu.memory_space<hbm>>
      tpu.enqueue_indirect_dma source(%dma_start3A_202 : memref<20480x16xf32, #tpu.memory_space<hbm>>) target(%dma_start3A_196 : memref<128x16xf32, #tpu.memory_space<vmem>>) offsets(%dma_start3A_199 : memref<128xi32, #tpu.memory_space<vmem>>) semaphore(%arg18 : memref<!tpu.dma_semaphore, #tpu.memory_space<semaphore_mem>>)
      %dma_start3A_203 = arith.constant 5 : i32
      %dma_start3A_204 = arith.constant 640 : i32
      %dma_start3A_205 = arith.constant 0 : i32
      %dma_start3A_206 = tpu.memref_slice %arg13[%dma_start3A_204, %dma_start3A_205] : memref<1024x16xf32, #tpu.memory_space<vmem>> -> memref<128x16xf32, #tpu.memory_space<vmem>>
      %dma_start3A_207 = arith.constant 0 : i32
      %dma_start3A_208 = tpu.memref_slice %arg11[%dma_start3A_203, %dma_start3A_207] : memref<8x128xi32, #tpu.memory_space<vmem>> -> memref<1x128xi32, #tpu.memory_space<vmem>>
      %dma_start3A_209 = tpu.memref_squeeze %dma_start3A_208 : memref<1x128xi32, #tpu.memory_space<vmem>> -> memref<128xi32, #tpu.memory_space<vmem>>
      %dma_start3A_210 = arith.constant 0 : i32
      %dma_start3A_211 = arith.constant 0 : i32
      %dma_start3A_212 = tpu.memref_slice %arg2[%dma_start3A_210, %dma_start3A_211] : memref<20480x16xf32, #tpu.memory_space<hbm>> -> memref<20480x16xf32, #tpu.memory_space<hbm>>
      tpu.enqueue_indirect_dma source(%dma_start3A_212 : memref<20480x16xf32, #tpu.memory_space<hbm>>) target(%dma_start3A_206 : memref<128x16xf32, #tpu.memory_space<vmem>>) offsets(%dma_start3A_209 : memref<128xi32, #tpu.memory_space<vmem>>) semaphore(%arg18 : memref<!tpu.dma_semaphore, #tpu.memory_space<semaphore_mem>>)
      %dma_start3A_213 = arith.constant 6 : i32
      %dma_start3A_214 = arith.constant 768 : i32
      %dma_start3A_215 = arith.constant 0 : i32
      %dma_start3A_216 = tpu.memref_slice %arg12[%dma_start3A_214, %dma_start3A_215] : memref<1024x16xf32, #tpu.memory_space<vmem>> -> memref<128x16xf32, #tpu.memory_space<vmem>>
      %dma_start3A_217 = arith.constant 0 : i32
      %dma_start3A_218 = tpu.memref_slice %arg10[%dma_start3A_213, %dma_start3A_217] : memref<8x128xi32, #tpu.memory_space<vmem>> -> memref<1x128xi32, #tpu.memory_space<vmem>>
      %dma_start3A_219 = tpu.memref_squeeze %dma_start3A_218 : memref<1x128xi32, #tpu.memory_space<vmem>> -> memref<128xi32, #tpu.memory_space<vmem>>
      %dma_start3A_220 = arith.constant 0 : i32
      %dma_start3A_221 = arith.constant 0 : i32
      %dma_start3A_222 = tpu.memref_slice %arg2[%dma_start3A_220, %dma_start3A_221] : memref<20480x16xf32, #tpu.memory_space<hbm>> -> memref<20480x16xf32, #tpu.memory_space<hbm>>
      tpu.enqueue_indirect_dma source(%dma_start3A_222 : memref<20480x16xf32, #tpu.memory_space<hbm>>) target(%dma_start3A_216 : memref<128x16xf32, #tpu.memory_space<vmem>>) offsets(%dma_start3A_219 : memref<128xi32, #tpu.memory_space<vmem>>) semaphore(%arg18 : memref<!tpu.dma_semaphore, #tpu.memory_space<semaphore_mem>>)
      %dma_start3A_223 = arith.constant 6 : i32
      %dma_start3A_224 = arith.constant 768 : i32
      %dma_start3A_225 = arith.constant 0 : i32
      %dma_start3A_226 = tpu.memref_slice %arg13[%dma_start3A_224, %dma_start3A_225] : memref<1024x16xf32, #tpu.memory_space<vmem>> -> memref<128x16xf32, #tpu.memory_space<vmem>>
      %dma_start3A_227 = arith.constant 0 : i32
      %dma_start3A_228 = tpu.memref_slice %arg11[%dma_start3A_223, %dma_start3A_227] : memref<8x128xi32, #tpu.memory_space<vmem>> -> memref<1x128xi32, #tpu.memory_space<vmem>>
      %dma_start3A_229 = tpu.memref_squeeze %dma_start3A_228 : memref<1x128xi32, #tpu.memory_space<vmem>> -> memref<128xi32, #tpu.memory_space<vmem>>
      %dma_start3A_230 = arith.constant 0 : i32
      %dma_start3A_231 = arith.constant 0 : i32
      %dma_start3A_232 = tpu.memref_slice %arg2[%dma_start3A_230, %dma_start3A_231] : memref<20480x16xf32, #tpu.memory_space<hbm>> -> memref<20480x16xf32, #tpu.memory_space<hbm>>
      tpu.enqueue_indirect_dma source(%dma_start3A_232 : memref<20480x16xf32, #tpu.memory_space<hbm>>) target(%dma_start3A_226 : memref<128x16xf32, #tpu.memory_space<vmem>>) offsets(%dma_start3A_229 : memref<128xi32, #tpu.memory_space<vmem>>) semaphore(%arg18 : memref<!tpu.dma_semaphore, #tpu.memory_space<semaphore_mem>>)
      %dma_start3A_233 = arith.constant 7 : i32
      %dma_start3A_234 = arith.constant 896 : i32
      %dma_start3A_235 = arith.constant 0 : i32
      %dma_start3A_236 = tpu.memref_slice %arg12[%dma_start3A_234, %dma_start3A_235] : memref<1024x16xf32, #tpu.memory_space<vmem>> -> memref<128x16xf32, #tpu.memory_space<vmem>>
      %dma_start3A_237 = arith.constant 0 : i32
      %dma_start3A_238 = tpu.memref_slice %arg10[%dma_start3A_233, %dma_start3A_237] : memref<8x128xi32, #tpu.memory_space<vmem>> -> memref<1x128xi32, #tpu.memory_space<vmem>>
      %dma_start3A_239 = tpu.memref_squeeze %dma_start3A_238 : memref<1x128xi32, #tpu.memory_space<vmem>> -> memref<128xi32, #tpu.memory_space<vmem>>
      %dma_start3A_240 = arith.constant 0 : i32
      %dma_start3A_241 = arith.constant 0 : i32
      %dma_start3A_242 = tpu.memref_slice %arg2[%dma_start3A_240, %dma_start3A_241] : memref<20480x16xf32, #tpu.memory_space<hbm>> -> memref<20480x16xf32, #tpu.memory_space<hbm>>
      tpu.enqueue_indirect_dma source(%dma_start3A_242 : memref<20480x16xf32, #tpu.memory_space<hbm>>) target(%dma_start3A_236 : memref<128x16xf32, #tpu.memory_space<vmem>>) offsets(%dma_start3A_239 : memref<128xi32, #tpu.memory_space<vmem>>) semaphore(%arg18 : memref<!tpu.dma_semaphore, #tpu.memory_space<semaphore_mem>>)
      %dma_start3A_243 = arith.constant 7 : i32
      %dma_start3A_244 = arith.constant 896 : i32
      %dma_start3A_245 = arith.constant 0 : i32
      %dma_start3A_246 = tpu.memref_slice %arg13[%dma_start3A_244, %dma_start3A_245] : memref<1024x16xf32, #tpu.memory_space<vmem>> -> memref<128x16xf32, #tpu.memory_space<vmem>>
      %dma_start3A_247 = arith.constant 0 : i32
      %dma_start3A_248 = tpu.memref_slice %arg11[%dma_start3A_243, %dma_start3A_247] : memref<8x128xi32, #tpu.memory_space<vmem>> -> memref<1x128xi32, #tpu.memory_space<vmem>>
      %dma_start3A_249 = tpu.memref_squeeze %dma_start3A_248 : memref<1x128xi32, #tpu.memory_space<vmem>> -> memref<128xi32, #tpu.memory_space<vmem>>
      %dma_start3A_250 = arith.constant 0 : i32
      %dma_start3A_251 = arith.constant 0 : i32
      %dma_start3A_252 = tpu.memref_slice %arg2[%dma_start3A_250, %dma_start3A_251] : memref<20480x16xf32, #tpu.memory_space<hbm>> -> memref<20480x16xf32, #tpu.memory_space<hbm>>
      tpu.enqueue_indirect_dma source(%dma_start3A_252 : memref<20480x16xf32, #tpu.memory_space<hbm>>) target(%dma_start3A_246 : memref<128x16xf32, #tpu.memory_space<vmem>>) offsets(%dma_start3A_249 : memref<128xi32, #tpu.memory_space<vmem>>) semaphore(%arg18 : memref<!tpu.dma_semaphore, #tpu.memory_space<semaphore_mem>>)
      %dma_wait3A_253 = arith.constant 0 : i32
      %dma_wait3A_254 = arith.constant 0 : i32
      %dma_wait3A_255 = arith.constant 0 : i32
      %dma_wait3A_256 = tpu.memref_slice %arg12[%dma_wait3A_254, %dma_wait3A_255] : memref<1024x16xf32, #tpu.memory_space<vmem>> -> memref<128x16xf32, #tpu.memory_space<vmem>>
      %dma_wait3A_257 = arith.constant 0 : i32
      %dma_wait3A_258 = tpu.memref_slice %arg10[%dma_wait3A_253, %dma_wait3A_257] : memref<8x128xi32, #tpu.memory_space<vmem>> -> memref<1x128xi32, #tpu.memory_space<vmem>>
      %dma_wait3A_259 = tpu.memref_squeeze %dma_wait3A_258 : memref<1x128xi32, #tpu.memory_space<vmem>> -> memref<128xi32, #tpu.memory_space<vmem>>
      %dma_wait3A_260 = arith.constant 0 : i32
      %dma_wait3A_261 = arith.constant 0 : i32
      %dma_wait3A_262 = tpu.memref_slice %arg2[%dma_wait3A_260, %dma_wait3A_261] : memref<20480x16xf32, #tpu.memory_space<hbm>> -> memref<20480x16xf32, #tpu.memory_space<hbm>>
      tpu.wait_indirect_dma semaphore(%arg18 : memref<!tpu.dma_semaphore, #tpu.memory_space<semaphore_mem>>) src(%dma_wait3A_262 : memref<20480x16xf32, #tpu.memory_space<hbm>>) dst(%dma_wait3A_256 : memref<128x16xf32, #tpu.memory_space<vmem>>)
      %dma_wait3A_263 = arith.constant 0 : i32
      %dma_wait3A_264 = arith.constant 0 : i32
      %dma_wait3A_265 = arith.constant 0 : i32
      %dma_wait3A_266 = tpu.memref_slice %arg13[%dma_wait3A_264, %dma_wait3A_265] : memref<1024x16xf32, #tpu.memory_space<vmem>> -> memref<128x16xf32, #tpu.memory_space<vmem>>
      %dma_wait3A_267 = arith.constant 0 : i32
      %dma_wait3A_268 = tpu.memref_slice %arg11[%dma_wait3A_263, %dma_wait3A_267] : memref<8x128xi32, #tpu.memory_space<vmem>> -> memref<1x128xi32, #tpu.memory_space<vmem>>
      %dma_wait3A_269 = tpu.memref_squeeze %dma_wait3A_268 : memref<1x128xi32, #tpu.memory_space<vmem>> -> memref<128xi32, #tpu.memory_space<vmem>>
      %dma_wait3A_270 = arith.constant 0 : i32
      %dma_wait3A_271 = arith.constant 0 : i32
      %dma_wait3A_272 = tpu.memref_slice %arg2[%dma_wait3A_270, %dma_wait3A_271] : memref<20480x16xf32, #tpu.memory_space<hbm>> -> memref<20480x16xf32, #tpu.memory_space<hbm>>
      tpu.wait_indirect_dma semaphore(%arg18 : memref<!tpu.dma_semaphore, #tpu.memory_space<semaphore_mem>>) src(%dma_wait3A_272 : memref<20480x16xf32, #tpu.memory_space<hbm>>) dst(%dma_wait3A_266 : memref<128x16xf32, #tpu.memory_space<vmem>>)
      %dma_wait3A_273 = arith.constant 1 : i32
      %dma_wait3A_274 = arith.constant 128 : i32
      %dma_wait3A_275 = arith.constant 0 : i32
      %dma_wait3A_276 = tpu.memref_slice %arg12[%dma_wait3A_274, %dma_wait3A_275] : memref<1024x16xf32, #tpu.memory_space<vmem>> -> memref<128x16xf32, #tpu.memory_space<vmem>>
      %dma_wait3A_277 = arith.constant 0 : i32
      %dma_wait3A_278 = tpu.memref_slice %arg10[%dma_wait3A_273, %dma_wait3A_277] : memref<8x128xi32, #tpu.memory_space<vmem>> -> memref<1x128xi32, #tpu.memory_space<vmem>>
      %dma_wait3A_279 = tpu.memref_squeeze %dma_wait3A_278 : memref<1x128xi32, #tpu.memory_space<vmem>> -> memref<128xi32, #tpu.memory_space<vmem>>
      %dma_wait3A_280 = arith.constant 0 : i32
      %dma_wait3A_281 = arith.constant 0 : i32
      %dma_wait3A_282 = tpu.memref_slice %arg2[%dma_wait3A_280, %dma_wait3A_281] : memref<20480x16xf32, #tpu.memory_space<hbm>> -> memref<20480x16xf32, #tpu.memory_space<hbm>>
      tpu.wait_indirect_dma semaphore(%arg18 : memref<!tpu.dma_semaphore, #tpu.memory_space<semaphore_mem>>) src(%dma_wait3A_282 : memref<20480x16xf32, #tpu.memory_space<hbm>>) dst(%dma_wait3A_276 : memref<128x16xf32, #tpu.memory_space<vmem>>)
      %dma_wait3A_283 = arith.constant 1 : i32
      %dma_wait3A_284 = arith.constant 128 : i32
      %dma_wait3A_285 = arith.constant 0 : i32
      %dma_wait3A_286 = tpu.memref_slice %arg13[%dma_wait3A_284, %dma_wait3A_285] : memref<1024x16xf32, #tpu.memory_space<vmem>> -> memref<128x16xf32, #tpu.memory_space<vmem>>
      %dma_wait3A_287 = arith.constant 0 : i32
      %dma_wait3A_288 = tpu.memref_slice %arg11[%dma_wait3A_283, %dma_wait3A_287] : memref<8x128xi32, #tpu.memory_space<vmem>> -> memref<1x128xi32, #tpu.memory_space<vmem>>
      %dma_wait3A_289 = tpu.memref_squeeze %dma_wait3A_288 : memref<1x128xi32, #tpu.memory_space<vmem>> -> memref<128xi32, #tpu.memory_space<vmem>>
      %dma_wait3A_290 = arith.constant 0 : i32
      %dma_wait3A_291 = arith.constant 0 : i32
      %dma_wait3A_292 = tpu.memref_slice %arg2[%dma_wait3A_290, %dma_wait3A_291] : memref<20480x16xf32, #tpu.memory_space<hbm>> -> memref<20480x16xf32, #tpu.memory_space<hbm>>
      tpu.wait_indirect_dma semaphore(%arg18 : memref<!tpu.dma_semaphore, #tpu.memory_space<semaphore_mem>>) src(%dma_wait3A_292 : memref<20480x16xf32, #tpu.memory_space<hbm>>) dst(%dma_wait3A_286 : memref<128x16xf32, #tpu.memory_space<vmem>>)
      %dma_wait3A_293 = arith.constant 2 : i32
      %dma_wait3A_294 = arith.constant 256 : i32
      %dma_wait3A_295 = arith.constant 0 : i32
      %dma_wait3A_296 = tpu.memref_slice %arg12[%dma_wait3A_294, %dma_wait3A_295] : memref<1024x16xf32, #tpu.memory_space<vmem>> -> memref<128x16xf32, #tpu.memory_space<vmem>>
      %dma_wait3A_297 = arith.constant 0 : i32
      %dma_wait3A_298 = tpu.memref_slice %arg10[%dma_wait3A_293, %dma_wait3A_297] : memref<8x128xi32, #tpu.memory_space<vmem>> -> memref<1x128xi32, #tpu.memory_space<vmem>>
      %dma_wait3A_299 = tpu.memref_squeeze %dma_wait3A_298 : memref<1x128xi32, #tpu.memory_space<vmem>> -> memref<128xi32, #tpu.memory_space<vmem>>
      %dma_wait3A_300 = arith.constant 0 : i32
      %dma_wait3A_301 = arith.constant 0 : i32
      %dma_wait3A_302 = tpu.memref_slice %arg2[%dma_wait3A_300, %dma_wait3A_301] : memref<20480x16xf32, #tpu.memory_space<hbm>> -> memref<20480x16xf32, #tpu.memory_space<hbm>>
      tpu.wait_indirect_dma semaphore(%arg18 : memref<!tpu.dma_semaphore, #tpu.memory_space<semaphore_mem>>) src(%dma_wait3A_302 : memref<20480x16xf32, #tpu.memory_space<hbm>>) dst(%dma_wait3A_296 : memref<128x16xf32, #tpu.memory_space<vmem>>)
      %dma_wait3A_303 = arith.constant 2 : i32
      %dma_wait3A_304 = arith.constant 256 : i32
      %dma_wait3A_305 = arith.constant 0 : i32
      %dma_wait3A_306 = tpu.memref_slice %arg13[%dma_wait3A_304, %dma_wait3A_305] : memref<1024x16xf32, #tpu.memory_space<vmem>> -> memref<128x16xf32, #tpu.memory_space<vmem>>
      %dma_wait3A_307 = arith.constant 0 : i32
      %dma_wait3A_308 = tpu.memref_slice %arg11[%dma_wait3A_303, %dma_wait3A_307] : memref<8x128xi32, #tpu.memory_space<vmem>> -> memref<1x128xi32, #tpu.memory_space<vmem>>
      %dma_wait3A_309 = tpu.memref_squeeze %dma_wait3A_308 : memref<1x128xi32, #tpu.memory_space<vmem>> -> memref<128xi32, #tpu.memory_space<vmem>>
      %dma_wait3A_310 = arith.constant 0 : i32
      %dma_wait3A_311 = arith.constant 0 : i32
      %dma_wait3A_312 = tpu.memref_slice %arg2[%dma_wait3A_310, %dma_wait3A_311] : memref<20480x16xf32, #tpu.memory_space<hbm>> -> memref<20480x16xf32, #tpu.memory_space<hbm>>
      tpu.wait_indirect_dma semaphore(%arg18 : memref<!tpu.dma_semaphore, #tpu.memory_space<semaphore_mem>>) src(%dma_wait3A_312 : memref<20480x16xf32, #tpu.memory_space<hbm>>) dst(%dma_wait3A_306 : memref<128x16xf32, #tpu.memory_space<vmem>>)
      %dma_wait3A_313 = arith.constant 3 : i32
      %dma_wait3A_314 = arith.constant 384 : i32
      %dma_wait3A_315 = arith.constant 0 : i32
      %dma_wait3A_316 = tpu.memref_slice %arg12[%dma_wait3A_314, %dma_wait3A_315] : memref<1024x16xf32, #tpu.memory_space<vmem>> -> memref<128x16xf32, #tpu.memory_space<vmem>>
      %dma_wait3A_317 = arith.constant 0 : i32
      %dma_wait3A_318 = tpu.memref_slice %arg10[%dma_wait3A_313, %dma_wait3A_317] : memref<8x128xi32, #tpu.memory_space<vmem>> -> memref<1x128xi32, #tpu.memory_space<vmem>>
      %dma_wait3A_319 = tpu.memref_squeeze %dma_wait3A_318 : memref<1x128xi32, #tpu.memory_space<vmem>> -> memref<128xi32, #tpu.memory_space<vmem>>
      %dma_wait3A_320 = arith.constant 0 : i32
      %dma_wait3A_321 = arith.constant 0 : i32
      %dma_wait3A_322 = tpu.memref_slice %arg2[%dma_wait3A_320, %dma_wait3A_321] : memref<20480x16xf32, #tpu.memory_space<hbm>> -> memref<20480x16xf32, #tpu.memory_space<hbm>>
      tpu.wait_indirect_dma semaphore(%arg18 : memref<!tpu.dma_semaphore, #tpu.memory_space<semaphore_mem>>) src(%dma_wait3A_322 : memref<20480x16xf32, #tpu.memory_space<hbm>>) dst(%dma_wait3A_316 : memref<128x16xf32, #tpu.memory_space<vmem>>)
      %dma_wait3A_323 = arith.constant 3 : i32
      %dma_wait3A_324 = arith.constant 384 : i32
      %dma_wait3A_325 = arith.constant 0 : i32
      %dma_wait3A_326 = tpu.memref_slice %arg13[%dma_wait3A_324, %dma_wait3A_325] : memref<1024x16xf32, #tpu.memory_space<vmem>> -> memref<128x16xf32, #tpu.memory_space<vmem>>
      %dma_wait3A_327 = arith.constant 0 : i32
      %dma_wait3A_328 = tpu.memref_slice %arg11[%dma_wait3A_323, %dma_wait3A_327] : memref<8x128xi32, #tpu.memory_space<vmem>> -> memref<1x128xi32, #tpu.memory_space<vmem>>
      %dma_wait3A_329 = tpu.memref_squeeze %dma_wait3A_328 : memref<1x128xi32, #tpu.memory_space<vmem>> -> memref<128xi32, #tpu.memory_space<vmem>>
      %dma_wait3A_330 = arith.constant 0 : i32
      %dma_wait3A_331 = arith.constant 0 : i32
      %dma_wait3A_332 = tpu.memref_slice %arg2[%dma_wait3A_330, %dma_wait3A_331] : memref<20480x16xf32, #tpu.memory_space<hbm>> -> memref<20480x16xf32, #tpu.memory_space<hbm>>
      tpu.wait_indirect_dma semaphore(%arg18 : memref<!tpu.dma_semaphore, #tpu.memory_space<semaphore_mem>>) src(%dma_wait3A_332 : memref<20480x16xf32, #tpu.memory_space<hbm>>) dst(%dma_wait3A_326 : memref<128x16xf32, #tpu.memory_space<vmem>>)
      %dma_wait3A_333 = arith.constant 4 : i32
      %dma_wait3A_334 = arith.constant 512 : i32
      %dma_wait3A_335 = arith.constant 0 : i32
      %dma_wait3A_336 = tpu.memref_slice %arg12[%dma_wait3A_334, %dma_wait3A_335] : memref<1024x16xf32, #tpu.memory_space<vmem>> -> memref<128x16xf32, #tpu.memory_space<vmem>>
      %dma_wait3A_337 = arith.constant 0 : i32
      %dma_wait3A_338 = tpu.memref_slice %arg10[%dma_wait3A_333, %dma_wait3A_337] : memref<8x128xi32, #tpu.memory_space<vmem>> -> memref<1x128xi32, #tpu.memory_space<vmem>>
      %dma_wait3A_339 = tpu.memref_squeeze %dma_wait3A_338 : memref<1x128xi32, #tpu.memory_space<vmem>> -> memref<128xi32, #tpu.memory_space<vmem>>
      %dma_wait3A_340 = arith.constant 0 : i32
      %dma_wait3A_341 = arith.constant 0 : i32
      %dma_wait3A_342 = tpu.memref_slice %arg2[%dma_wait3A_340, %dma_wait3A_341] : memref<20480x16xf32, #tpu.memory_space<hbm>> -> memref<20480x16xf32, #tpu.memory_space<hbm>>
      tpu.wait_indirect_dma semaphore(%arg18 : memref<!tpu.dma_semaphore, #tpu.memory_space<semaphore_mem>>) src(%dma_wait3A_342 : memref<20480x16xf32, #tpu.memory_space<hbm>>) dst(%dma_wait3A_336 : memref<128x16xf32, #tpu.memory_space<vmem>>)
      %dma_wait3A_343 = arith.constant 4 : i32
      %dma_wait3A_344 = arith.constant 512 : i32
      %dma_wait3A_345 = arith.constant 0 : i32
      %dma_wait3A_346 = tpu.memref_slice %arg13[%dma_wait3A_344, %dma_wait3A_345] : memref<1024x16xf32, #tpu.memory_space<vmem>> -> memref<128x16xf32, #tpu.memory_space<vmem>>
      %dma_wait3A_347 = arith.constant 0 : i32
      %dma_wait3A_348 = tpu.memref_slice %arg11[%dma_wait3A_343, %dma_wait3A_347] : memref<8x128xi32, #tpu.memory_space<vmem>> -> memref<1x128xi32, #tpu.memory_space<vmem>>
      %dma_wait3A_349 = tpu.memref_squeeze %dma_wait3A_348 : memref<1x128xi32, #tpu.memory_space<vmem>> -> memref<128xi32, #tpu.memory_space<vmem>>
      %dma_wait3A_350 = arith.constant 0 : i32
      %dma_wait3A_351 = arith.constant 0 : i32
      %dma_wait3A_352 = tpu.memref_slice %arg2[%dma_wait3A_350, %dma_wait3A_351] : memref<20480x16xf32, #tpu.memory_space<hbm>> -> memref<20480x16xf32, #tpu.memory_space<hbm>>
      tpu.wait_indirect_dma semaphore(%arg18 : memref<!tpu.dma_semaphore, #tpu.memory_space<semaphore_mem>>) src(%dma_wait3A_352 : memref<20480x16xf32, #tpu.memory_space<hbm>>) dst(%dma_wait3A_346 : memref<128x16xf32, #tpu.memory_space<vmem>>)
      %dma_wait3A_353 = arith.constant 5 : i32
      %dma_wait3A_354 = arith.constant 640 : i32
      %dma_wait3A_355 = arith.constant 0 : i32
      %dma_wait3A_356 = tpu.memref_slice %arg12[%dma_wait3A_354, %dma_wait3A_355] : memref<1024x16xf32, #tpu.memory_space<vmem>> -> memref<128x16xf32, #tpu.memory_space<vmem>>
      %dma_wait3A_357 = arith.constant 0 : i32
      %dma_wait3A_358 = tpu.memref_slice %arg10[%dma_wait3A_353, %dma_wait3A_357] : memref<8x128xi32, #tpu.memory_space<vmem>> -> memref<1x128xi32, #tpu.memory_space<vmem>>
      %dma_wait3A_359 = tpu.memref_squeeze %dma_wait3A_358 : memref<1x128xi32, #tpu.memory_space<vmem>> -> memref<128xi32, #tpu.memory_space<vmem>>
      %dma_wait3A_360 = arith.constant 0 : i32
      %dma_wait3A_361 = arith.constant 0 : i32
      %dma_wait3A_362 = tpu.memref_slice %arg2[%dma_wait3A_360, %dma_wait3A_361] : memref<20480x16xf32, #tpu.memory_space<hbm>> -> memref<20480x16xf32, #tpu.memory_space<hbm>>
      tpu.wait_indirect_dma semaphore(%arg18 : memref<!tpu.dma_semaphore, #tpu.memory_space<semaphore_mem>>) src(%dma_wait3A_362 : memref<20480x16xf32, #tpu.memory_space<hbm>>) dst(%dma_wait3A_356 : memref<128x16xf32, #tpu.memory_space<vmem>>)
      %dma_wait3A_363 = arith.constant 5 : i32
      %dma_wait3A_364 = arith.constant 640 : i32
      %dma_wait3A_365 = arith.constant 0 : i32
      %dma_wait3A_366 = tpu.memref_slice %arg13[%dma_wait3A_364, %dma_wait3A_365] : memref<1024x16xf32, #tpu.memory_space<vmem>> -> memref<128x16xf32, #tpu.memory_space<vmem>>
      %dma_wait3A_367 = arith.constant 0 : i32
      %dma_wait3A_368 = tpu.memref_slice %arg11[%dma_wait3A_363, %dma_wait3A_367] : memref<8x128xi32, #tpu.memory_space<vmem>> -> memref<1x128xi32, #tpu.memory_space<vmem>>
      %dma_wait3A_369 = tpu.memref_squeeze %dma_wait3A_368 : memref<1x128xi32, #tpu.memory_space<vmem>> -> memref<128xi32, #tpu.memory_space<vmem>>
      %dma_wait3A_370 = arith.constant 0 : i32
      %dma_wait3A_371 = arith.constant 0 : i32
      %dma_wait3A_372 = tpu.memref_slice %arg2[%dma_wait3A_370, %dma_wait3A_371] : memref<20480x16xf32, #tpu.memory_space<hbm>> -> memref<20480x16xf32, #tpu.memory_space<hbm>>
      tpu.wait_indirect_dma semaphore(%arg18 : memref<!tpu.dma_semaphore, #tpu.memory_space<semaphore_mem>>) src(%dma_wait3A_372 : memref<20480x16xf32, #tpu.memory_space<hbm>>) dst(%dma_wait3A_366 : memref<128x16xf32, #tpu.memory_space<vmem>>)
      %dma_wait3A_373 = arith.constant 6 : i32
      %dma_wait3A_374 = arith.constant 768 : i32
      %dma_wait3A_375 = arith.constant 0 : i32
      %dma_wait3A_376 = tpu.memref_slice %arg12[%dma_wait3A_374, %dma_wait3A_375] : memref<1024x16xf32, #tpu.memory_space<vmem>> -> memref<128x16xf32, #tpu.memory_space<vmem>>
      %dma_wait3A_377 = arith.constant 0 : i32
      %dma_wait3A_378 = tpu.memref_slice %arg10[%dma_wait3A_373, %dma_wait3A_377] : memref<8x128xi32, #tpu.memory_space<vmem>> -> memref<1x128xi32, #tpu.memory_space<vmem>>
      %dma_wait3A_379 = tpu.memref_squeeze %dma_wait3A_378 : memref<1x128xi32, #tpu.memory_space<vmem>> -> memref<128xi32, #tpu.memory_space<vmem>>
      %dma_wait3A_380 = arith.constant 0 : i32
      %dma_wait3A_381 = arith.constant 0 : i32
      %dma_wait3A_382 = tpu.memref_slice %arg2[%dma_wait3A_380, %dma_wait3A_381] : memref<20480x16xf32, #tpu.memory_space<hbm>> -> memref<20480x16xf32, #tpu.memory_space<hbm>>
      tpu.wait_indirect_dma semaphore(%arg18 : memref<!tpu.dma_semaphore, #tpu.memory_space<semaphore_mem>>) src(%dma_wait3A_382 : memref<20480x16xf32, #tpu.memory_space<hbm>>) dst(%dma_wait3A_376 : memref<128x16xf32, #tpu.memory_space<vmem>>)
      %dma_wait3A_383 = arith.constant 6 : i32
      %dma_wait3A_384 = arith.constant 768 : i32
      %dma_wait3A_385 = arith.constant 0 : i32
      %dma_wait3A_386 = tpu.memref_slice %arg13[%dma_wait3A_384, %dma_wait3A_385] : memref<1024x16xf32, #tpu.memory_space<vmem>> -> memref<128x16xf32, #tpu.memory_space<vmem>>
      %dma_wait3A_387 = arith.constant 0 : i32
      %dma_wait3A_388 = tpu.memref_slice %arg11[%dma_wait3A_383, %dma_wait3A_387] : memref<8x128xi32, #tpu.memory_space<vmem>> -> memref<1x128xi32, #tpu.memory_space<vmem>>
      %dma_wait3A_389 = tpu.memref_squeeze %dma_wait3A_388 : memref<1x128xi32, #tpu.memory_space<vmem>> -> memref<128xi32, #tpu.memory_space<vmem>>
      %dma_wait3A_390 = arith.constant 0 : i32
      %dma_wait3A_391 = arith.constant 0 : i32
      %dma_wait3A_392 = tpu.memref_slice %arg2[%dma_wait3A_390, %dma_wait3A_391] : memref<20480x16xf32, #tpu.memory_space<hbm>> -> memref<20480x16xf32, #tpu.memory_space<hbm>>
      tpu.wait_indirect_dma semaphore(%arg18 : memref<!tpu.dma_semaphore, #tpu.memory_space<semaphore_mem>>) src(%dma_wait3A_392 : memref<20480x16xf32, #tpu.memory_space<hbm>>) dst(%dma_wait3A_386 : memref<128x16xf32, #tpu.memory_space<vmem>>)
      %dma_wait3A_393 = arith.constant 7 : i32
      %dma_wait3A_394 = arith.constant 896 : i32
      %dma_wait3A_395 = arith.constant 0 : i32
      %dma_wait3A_396 = tpu.memref_slice %arg12[%dma_wait3A_394, %dma_wait3A_395] : memref<1024x16xf32, #tpu.memory_space<vmem>> -> memref<128x16xf32, #tpu.memory_space<vmem>>
      %dma_wait3A_397 = arith.constant 0 : i32
      %dma_wait3A_398 = tpu.memref_slice %arg10[%dma_wait3A_393, %dma_wait3A_397] : memref<8x128xi32, #tpu.memory_space<vmem>> -> memref<1x128xi32, #tpu.memory_space<vmem>>
      %dma_wait3A_399 = tpu.memref_squeeze %dma_wait3A_398 : memref<1x128xi32, #tpu.memory_space<vmem>> -> memref<128xi32, #tpu.memory_space<vmem>>
      %dma_wait3A_400 = arith.constant 0 : i32
      %dma_wait3A_401 = arith.constant 0 : i32
      %dma_wait3A_402 = tpu.memref_slice %arg2[%dma_wait3A_400, %dma_wait3A_401] : memref<20480x16xf32, #tpu.memory_space<hbm>> -> memref<20480x16xf32, #tpu.memory_space<hbm>>
      tpu.wait_indirect_dma semaphore(%arg18 : memref<!tpu.dma_semaphore, #tpu.memory_space<semaphore_mem>>) src(%dma_wait3A_402 : memref<20480x16xf32, #tpu.memory_space<hbm>>) dst(%dma_wait3A_396 : memref<128x16xf32, #tpu.memory_space<vmem>>)
      %dma_wait3A_403 = arith.constant 7 : i32
      %dma_wait3A_404 = arith.constant 896 : i32
      %dma_wait3A_405 = arith.constant 0 : i32
      %dma_wait3A_406 = tpu.memref_slice %arg13[%dma_wait3A_404, %dma_wait3A_405] : memref<1024x16xf32, #tpu.memory_space<vmem>> -> memref<128x16xf32, #tpu.memory_space<vmem>>
      %dma_wait3A_407 = arith.constant 0 : i32
      %dma_wait3A_408 = tpu.memref_slice %arg11[%dma_wait3A_403, %dma_wait3A_407] : memref<8x128xi32, #tpu.memory_space<vmem>> -> memref<1x128xi32, #tpu.memory_space<vmem>>
      %dma_wait3A_409 = tpu.memref_squeeze %dma_wait3A_408 : memref<1x128xi32, #tpu.memory_space<vmem>> -> memref<128xi32, #tpu.memory_space<vmem>>
      %dma_wait3A_410 = arith.constant 0 : i32
      %dma_wait3A_411 = arith.constant 0 : i32
      %dma_wait3A_412 = tpu.memref_slice %arg2[%dma_wait3A_410, %dma_wait3A_411] : memref<20480x16xf32, #tpu.memory_space<hbm>> -> memref<20480x16xf32, #tpu.memory_space<hbm>>
      tpu.wait_indirect_dma semaphore(%arg18 : memref<!tpu.dma_semaphore, #tpu.memory_space<semaphore_mem>>) src(%dma_wait3A_412 : memref<20480x16xf32, #tpu.memory_space<hbm>>) dst(%dma_wait3A_406 : memref<128x16xf32, #tpu.memory_space<vmem>>)
      %broadcast_in_dim3A_413 = arith.constant 0 : i32
      %broadcast_in_dim3A_414 = vector.broadcast %broadcast_in_dim3A_413 : i32 to vector<16xi32>
      %broadcast_in_dim3A_415 = arith.constant 2 : i32
      %broadcast_in_dim3A_416 = vector.broadcast %broadcast_in_dim3A_415 : i32 to vector<16xi32>
      %mul3A_417 = arith.constant 2 : i32
      %mul3A_418 = arith.muli %mul3A_417, %arg0 : i32
      %add3A_419 = arith.constant 0 : i32
      %add3A_420 = arith.addi %mul3A_418, %add3A_419 : i32
      %scan3A_421 = arith.constant 0 : i32
      %scan3A_422 = arith.constant 0 : i32
      %scan3A_423 = arith.constant 64 : i32
      %scan3A_424 = arith.addi %scan3A_422, %scan3A_423 : i32
      %scan3A_425 = arith.constant 1 : i32
      %scan3A_426 = scf.for %scan3A_454 = %scan3A_422 to %scan3A_424 step %scan3A_425 iter_args(%scan3A_455 = %scan3A_421) -> (i32)  : i32 {
        %mul3A_456 = arith.constant 16 : i32
        %mul3A_457 = arith.muli %scan3A_454, %mul3A_456 : i32
        %add3A_458 = vector.broadcast %mul3A_457 : i32 to vector<16xi32>
        %add3A_459 = arith.addi %add3A_458, %iota3A : vector<16xi32>
        %mul3A_460 = arith.constant 4 : i32
        %mul3A_461 = vector.broadcast %mul3A_460 : i32 to vector<16xi32>
        %mul3A_462 = arith.muli %add3A_459, %mul3A_461 : vector<16xi32>
        %add3A_463 = vector.broadcast %add3A_420 : i32 to vector<16xi32>
        %add3A_464 = arith.addi %mul3A_462, %add3A_463 : vector<16xi32>
        %gather3A = tpu.vector_load_idx %arg12[%add3A_459, %broadcast_in_dim3A_414] : memref<1024x16xf32, #tpu.memory_space<vmem>>[vector<16xi32>, vector<16xi32>], vector<16xf32>,
        %gather3A_465 = tpu.vector_load_idx %arg13[%add3A_459, %broadcast_in_dim3A_416] : memref<1024x16xf32, #tpu.memory_space<vmem>>[vector<16xi32>, vector<16xi32>], vector<16xf32>,
        %add3A_466 = arith.addf %gather3A, %gather3A_465 : vector<16xf32>
        %shift_right_arithmetic3A = arith.constant 5 : i32
        %shift_right_arithmetic3A_467 = vector.broadcast %shift_right_arithmetic3A : i32 to vector<16xi32>
        %shift_right_arithmetic3A_468 = arith.shrsi %add3A_464, %shift_right_arithmetic3A_467 : vector<16xi32>
        %and3A_469 = arith.constant 31 : i32
        %and3A_470 = vector.broadcast %and3A_469 : i32 to vector<16xi32>
        %and3A_471 = arith.andi %add3A_464, %and3A_470 : vector<16xi32>
        %gather3A_472 = tpu.vector_load_idx %arg14[%shift_right_arithmetic3A_468, %and3A_471] : memref<128x32xf32, #tpu.memory_space<vmem>>[vector<16xi32>, vector<16xi32>], vector<16xf32>,
        %add3A_473 = arith.addf %add3A_466, %gather3A_472 : vector<16xf32>
        %gt3A = arith.constant 0.000000e+00 : f32
        %gt3A_474 = vector.broadcast %gt3A : f32 to vector<16xf32>
        %gt3A_475 = arith.cmpf ogt, %add3A_473, %gt3A_474 : vector<16xf32>
        %mul3A_476 = arith.constant 2.000000e-01 : f32
        %mul3A_477 = vector.broadcast %mul3A_476 : f32 to vector<16xf32>
        %mul3A_478 = arith.mulf %mul3A_477, %add3A_473 : vector<16xf32>
        %select_n3A_479 = arith.select %gt3A_475, %add3A_473, %mul3A_478 : vector<16xi1>, vector<16xf32>
        %exp3A = math.exp %select_n3A_479 : vector<16xf32>
        tpu.vector_store_idx %arg15[%add3A_459, %broadcast_in_dim3A_414], %exp3A : memref<1024x16xf32, #tpu.memory_space<vmem>>[vector<16xi32>, vector<16xi32>], vector<16xf32>,
        tpu.vector_store_idx %arg16[%add3A_459, %broadcast_in_dim3A_414], %exp3A : memref<1024x2xf32, #tpu.memory_space<vmem>>[vector<16xi32>, vector<16xi32>], vector<16xf32>,
        %scan3A_480 = arith.constant 0 : i32
        scf.yield %scan3A_480 : i32
      }
      %scan3A_427 = arith.constant 64 : i32
      %broadcast_in_dim3A_428 = arith.constant 1 : i32
      %broadcast_in_dim3A_429 = vector.broadcast %broadcast_in_dim3A_428 : i32 to vector<16xi32>
      %broadcast_in_dim3A_430 = arith.constant 3 : i32
      %broadcast_in_dim3A_431 = vector.broadcast %broadcast_in_dim3A_430 : i32 to vector<16xi32>
      %mul3A_432 = arith.constant 2 : i32
      %mul3A_433 = arith.muli %mul3A_432, %arg0 : i32
      %add3A_434 = arith.constant 1 : i32
      %add3A_435 = arith.addi %mul3A_433, %add3A_434 : i32
      %scan3A_436 = arith.constant 0 : i32
      %scan3A_437 = arith.constant 0 : i32
      %scan3A_438 = arith.constant 64 : i32
      %scan3A_439 = arith.addi %scan3A_437, %scan3A_438 : i32
      %scan3A_440 = arith.constant 1 : i32
      %scan3A_441 = scf.for %scan3A_454 = %scan3A_437 to %scan3A_439 step %scan3A_440 iter_args(%scan3A_455 = %scan3A_436) -> (i32)  : i32 {
        %mul3A_456 = arith.constant 16 : i32
        %mul3A_457 = arith.muli %scan3A_454, %mul3A_456 : i32
        %add3A_458 = vector.broadcast %mul3A_457 : i32 to vector<16xi32>
        %add3A_459 = arith.addi %add3A_458, %iota3A : vector<16xi32>
        %mul3A_460 = arith.constant 4 : i32
        %mul3A_461 = vector.broadcast %mul3A_460 : i32 to vector<16xi32>
        %mul3A_462 = arith.muli %add3A_459, %mul3A_461 : vector<16xi32>
        %add3A_463 = vector.broadcast %add3A_435 : i32 to vector<16xi32>
        %add3A_464 = arith.addi %mul3A_462, %add3A_463 : vector<16xi32>
        %gather3A = tpu.vector_load_idx %arg12[%add3A_459, %broadcast_in_dim3A_429] : memref<1024x16xf32, #tpu.memory_space<vmem>>[vector<16xi32>, vector<16xi32>], vector<16xf32>,
        %gather3A_465 = tpu.vector_load_idx %arg13[%add3A_459, %broadcast_in_dim3A_431] : memref<1024x16xf32, #tpu.memory_space<vmem>>[vector<16xi32>, vector<16xi32>], vector<16xf32>,
        %add3A_466 = arith.addf %gather3A, %gather3A_465 : vector<16xf32>
        %shift_right_arithmetic3A = arith.constant 5 : i32
        %shift_right_arithmetic3A_467 = vector.broadcast %shift_right_arithmetic3A : i32 to vector<16xi32>
        %shift_right_arithmetic3A_468 = arith.shrsi %add3A_464, %shift_right_arithmetic3A_467 : vector<16xi32>
        %and3A_469 = arith.constant 31 : i32
        %and3A_470 = vector.broadcast %and3A_469 : i32 to vector<16xi32>
        %and3A_471 = arith.andi %add3A_464, %and3A_470 : vector<16xi32>
        %gather3A_472 = tpu.vector_load_idx %arg14[%shift_right_arithmetic3A_468, %and3A_471] : memref<128x32xf32, #tpu.memory_space<vmem>>[vector<16xi32>, vector<16xi32>], vector<16xf32>,
        %add3A_473 = arith.addf %add3A_466, %gather3A_472 : vector<16xf32>
        %gt3A = arith.constant 0.000000e+00 : f32
        %gt3A_474 = vector.broadcast %gt3A : f32 to vector<16xf32>
        %gt3A_475 = arith.cmpf ogt, %add3A_473, %gt3A_474 : vector<16xf32>
        %mul3A_476 = arith.constant 2.000000e-01 : f32
        %mul3A_477 = vector.broadcast %mul3A_476 : f32 to vector<16xf32>
        %mul3A_478 = arith.mulf %mul3A_477, %add3A_473 : vector<16xf32>
        %select_n3A_479 = arith.select %gt3A_475, %add3A_473, %mul3A_478 : vector<16xi1>, vector<16xf32>
        %exp3A = math.exp %select_n3A_479 : vector<16xf32>
        tpu.vector_store_idx %arg15[%add3A_459, %broadcast_in_dim3A_429], %exp3A : memref<1024x16xf32, #tpu.memory_space<vmem>>[vector<16xi32>, vector<16xi32>], vector<16xf32>,
        tpu.vector_store_idx %arg16[%add3A_459, %broadcast_in_dim3A_429], %exp3A : memref<1024x2xf32, #tpu.memory_space<vmem>>[vector<16xi32>, vector<16xi32>], vector<16xf32>,
        %scan3A_480 = arith.constant 0 : i32
        scf.yield %scan3A_480 : i32
      }
      %scan3A_442 = arith.constant 64 : i32
      %mul3A_443 = arith.constant 327680 : i32
      %mul3A_444 = arith.muli %arg0, %mul3A_443 : i32
      %add3A_445 = arith.addi %mul3A_444, %add3A_35 : i32
      "tpu.region"() ({
        %run_scoped3A_454 = tpu.sem_alloc : memref<!tpu.dma_semaphore, #tpu.memory_space<semaphore_mem>>
        %dma_start3A_455 = arith.constant 0 : i32
        %dma_start3A_456 = tpu.memref_slice %arg7[%add3A_445, %dma_start3A_455] : memref<655360x2xf32, #tpu.memory_space<hbm>> -> memref<1024x2xf32, #tpu.memory_space<hbm>>
        %dma_start3A_457 = arith.constant 0 : i32
        %dma_start3A_458 = tpu.memref_slice %arg7[%add3A_445, %dma_start3A_457] : memref<655360x2xf32, #tpu.memory_space<hbm>> -> memref<1024x2xf32, #tpu.memory_space<hbm>>
        tpu.enqueue_dma source(%arg16 : memref<1024x2xf32, #tpu.memory_space<vmem>>) target(%dma_start3A_458 : memref<1024x2xf32, #tpu.memory_space<hbm>>) target_semaphore(%run_scoped3A_454 : memref<!tpu.dma_semaphore, #tpu.memory_space<semaphore_mem>>)
        %dma_wait3A_459 = arith.constant 0 : i32
        %dma_wait3A_460 = tpu.memref_slice %arg7[%add3A_445, %dma_wait3A_459] : memref<655360x2xf32, #tpu.memory_space<hbm>> -> memref<1024x2xf32, #tpu.memory_space<hbm>>
        %dma_wait3A_461 = arith.constant 0 : i32
        %dma_wait3A_462 = tpu.memref_slice %arg7[%add3A_445, %dma_wait3A_461] : memref<655360x2xf32, #tpu.memory_space<hbm>> -> memref<1024x2xf32, #tpu.memory_space<hbm>>
        tpu.wait_dma2 semaphore(%run_scoped3A_454 : memref<!tpu.dma_semaphore, #tpu.memory_space<semaphore_mem>>) src(%arg16 : memref<1024x2xf32, #tpu.memory_space<vmem>>) dst(%dma_wait3A_462 : memref<1024x2xf32, #tpu.memory_space<hbm>>)
        tpu.yield
      }) : () -> ()
      %run_scoped3A = arith.constant 0 : i32
      "tpu.region"() ({
        %run_scoped3A_454 = tpu.sem_alloc : memref<!tpu.dma_semaphore, #tpu.memory_space<semaphore_mem>>
        %dma_start3A_455 = arith.constant 0 : i32
        %dma_start3A_456 = arith.constant 0 : i32
        %dma_start3A_457 = tpu.memref_slice %arg15[%dma_start3A_455, %dma_start3A_456] : memref<1024x16xf32, #tpu.memory_space<vmem>> -> memref<128x16xf32, #tpu.memory_space<vmem>>
        %dma_start3A_458 = arith.constant 0 : i32
        %dma_start3A_459 = tpu.memref_slice %arg9[%run_scoped3A, %dma_start3A_458] : memref<8x128xi32, #tpu.memory_space<vmem>> -> memref<1x128xi32, #tpu.memory_space<vmem>>
        %dma_start3A_460 = tpu.memref_squeeze %dma_start3A_459 : memref<1x128xi32, #tpu.memory_space<vmem>> -> memref<128xi32, #tpu.memory_space<vmem>>
        %dma_start3A_461 = arith.constant 0 : i32
        %dma_start3A_462 = arith.constant 0 : i32
        %dma_start3A_463 = tpu.memref_slice %arg19[%dma_start3A_461, %dma_start3A_462] : memref<10240x16xf32, #tpu.memory_space<vmem_shared>> -> memref<10240x16xf32, #tpu.memory_space<vmem_shared>>
        tpu.enqueue_indirect_dma source(%dma_start3A_457 : memref<128x16xf32, #tpu.memory_space<vmem>>) target(%dma_start3A_463 : memref<10240x16xf32, #tpu.memory_space<vmem_shared>>) offsets(%dma_start3A_460 : memref<128xi32, #tpu.memory_space<vmem>>) semaphore(%run_scoped3A_454 : memref<!tpu.dma_semaphore, #tpu.memory_space<semaphore_mem>>) {add = true}
        %dma_wait3A_464 = arith.constant 0 : i32
        %dma_wait3A_465 = arith.constant 0 : i32
        %dma_wait3A_466 = tpu.memref_slice %arg15[%dma_wait3A_464, %dma_wait3A_465] : memref<1024x16xf32, #tpu.memory_space<vmem>> -> memref<128x16xf32, #tpu.memory_space<vmem>>
        %dma_wait3A_467 = arith.constant 0 : i32
        %dma_wait3A_468 = tpu.memref_slice %arg9[%run_scoped3A, %dma_wait3A_467] : memref<8x128xi32, #tpu.memory_space<vmem>> -> memref<1x128xi32, #tpu.memory_space<vmem>>
        %dma_wait3A_469 = tpu.memref_squeeze %dma_wait3A_468 : memref<1x128xi32, #tpu.memory_space<vmem>> -> memref<128xi32, #tpu.memory_space<vmem>>
        %dma_wait3A_470 = arith.constant 0 : i32
        %dma_wait3A_471 = arith.constant 0 : i32
        %dma_wait3A_472 = tpu.memref_slice %arg19[%dma_wait3A_470, %dma_wait3A_471] : memref<10240x16xf32, #tpu.memory_space<vmem_shared>> -> memref<10240x16xf32, #tpu.memory_space<vmem_shared>>
        tpu.wait_indirect_dma semaphore(%run_scoped3A_454 : memref<!tpu.dma_semaphore, #tpu.memory_space<semaphore_mem>>) src(%dma_wait3A_466 : memref<128x16xf32, #tpu.memory_space<vmem>>) dst(%dma_wait3A_472 : memref<10240x16xf32, #tpu.memory_space<vmem_shared>>)
        tpu.yield
      }) : () -> ()
      %run_scoped3A_446 = arith.constant 1 : i32
      "tpu.region"() ({
        %run_scoped3A_454 = tpu.sem_alloc : memref<!tpu.dma_semaphore, #tpu.memory_space<semaphore_mem>>
        %dma_start3A_455 = arith.constant 128 : i32
        %dma_start3A_456 = arith.constant 0 : i32
        %dma_start3A_457 = tpu.memref_slice %arg15[%dma_start3A_455, %dma_start3A_456] : memref<1024x16xf32, #tpu.memory_space<vmem>> -> memref<128x16xf32, #tpu.memory_space<vmem>>
        %dma_start3A_458 = arith.constant 0 : i32
        %dma_start3A_459 = tpu.memref_slice %arg9[%run_scoped3A_446, %dma_start3A_458] : memref<8x128xi32, #tpu.memory_space<vmem>> -> memref<1x128xi32, #tpu.memory_space<vmem>>
        %dma_start3A_460 = tpu.memref_squeeze %dma_start3A_459 : memref<1x128xi32, #tpu.memory_space<vmem>> -> memref<128xi32, #tpu.memory_space<vmem>>
        %dma_start3A_461 = arith.constant 0 : i32
        %dma_start3A_462 = arith.constant 0 : i32
        %dma_start3A_463 = tpu.memref_slice %arg19[%dma_start3A_461, %dma_start3A_462] : memref<10240x16xf32, #tpu.memory_space<vmem_shared>> -> memref<10240x16xf32, #tpu.memory_space<vmem_shared>>
        tpu.enqueue_indirect_dma source(%dma_start3A_457 : memref<128x16xf32, #tpu.memory_space<vmem>>) target(%dma_start3A_463 : memref<10240x16xf32, #tpu.memory_space<vmem_shared>>) offsets(%dma_start3A_460 : memref<128xi32, #tpu.memory_space<vmem>>) semaphore(%run_scoped3A_454 : memref<!tpu.dma_semaphore, #tpu.memory_space<semaphore_mem>>) {add = true}
        %dma_wait3A_464 = arith.constant 128 : i32
        %dma_wait3A_465 = arith.constant 0 : i32
        %dma_wait3A_466 = tpu.memref_slice %arg15[%dma_wait3A_464, %dma_wait3A_465] : memref<1024x16xf32, #tpu.memory_space<vmem>> -> memref<128x16xf32, #tpu.memory_space<vmem>>
        %dma_wait3A_467 = arith.constant 0 : i32
        %dma_wait3A_468 = tpu.memref_slice %arg9[%run_scoped3A_446, %dma_wait3A_467] : memref<8x128xi32, #tpu.memory_space<vmem>> -> memref<1x128xi32, #tpu.memory_space<vmem>>
        %dma_wait3A_469 = tpu.memref_squeeze %dma_wait3A_468 : memref<1x128xi32, #tpu.memory_space<vmem>> -> memref<128xi32, #tpu.memory_space<vmem>>
        %dma_wait3A_470 = arith.constant 0 : i32
        %dma_wait3A_471 = arith.constant 0 : i32
        %dma_wait3A_472 = tpu.memref_slice %arg19[%dma_wait3A_470, %dma_wait3A_471] : memref<10240x16xf32, #tpu.memory_space<vmem_shared>> -> memref<10240x16xf32, #tpu.memory_space<vmem_shared>>
        tpu.wait_indirect_dma semaphore(%run_scoped3A_454 : memref<!tpu.dma_semaphore, #tpu.memory_space<semaphore_mem>>) src(%dma_wait3A_466 : memref<128x16xf32, #tpu.memory_space<vmem>>) dst(%dma_wait3A_472 : memref<10240x16xf32, #tpu.memory_space<vmem_shared>>)
        tpu.yield
      }) : () -> ()
      %run_scoped3A_447 = arith.constant 2 : i32
      "tpu.region"() ({
        %run_scoped3A_454 = tpu.sem_alloc : memref<!tpu.dma_semaphore, #tpu.memory_space<semaphore_mem>>
        %dma_start3A_455 = arith.constant 256 : i32
        %dma_start3A_456 = arith.constant 0 : i32
        %dma_start3A_457 = tpu.memref_slice %arg15[%dma_start3A_455, %dma_start3A_456] : memref<1024x16xf32, #tpu.memory_space<vmem>> -> memref<128x16xf32, #tpu.memory_space<vmem>>
        %dma_start3A_458 = arith.constant 0 : i32
        %dma_start3A_459 = tpu.memref_slice %arg9[%run_scoped3A_447, %dma_start3A_458] : memref<8x128xi32, #tpu.memory_space<vmem>> -> memref<1x128xi32, #tpu.memory_space<vmem>>
        %dma_start3A_460 = tpu.memref_squeeze %dma_start3A_459 : memref<1x128xi32, #tpu.memory_space<vmem>> -> memref<128xi32, #tpu.memory_space<vmem>>
        %dma_start3A_461 = arith.constant 0 : i32
        %dma_start3A_462 = arith.constant 0 : i32
        %dma_start3A_463 = tpu.memref_slice %arg19[%dma_start3A_461, %dma_start3A_462] : memref<10240x16xf32, #tpu.memory_space<vmem_shared>> -> memref<10240x16xf32, #tpu.memory_space<vmem_shared>>
        tpu.enqueue_indirect_dma source(%dma_start3A_457 : memref<128x16xf32, #tpu.memory_space<vmem>>) target(%dma_start3A_463 : memref<10240x16xf32, #tpu.memory_space<vmem_shared>>) offsets(%dma_start3A_460 : memref<128xi32, #tpu.memory_space<vmem>>) semaphore(%run_scoped3A_454 : memref<!tpu.dma_semaphore, #tpu.memory_space<semaphore_mem>>) {add = true}
        %dma_wait3A_464 = arith.constant 256 : i32
        %dma_wait3A_465 = arith.constant 0 : i32
        %dma_wait3A_466 = tpu.memref_slice %arg15[%dma_wait3A_464, %dma_wait3A_465] : memref<1024x16xf32, #tpu.memory_space<vmem>> -> memref<128x16xf32, #tpu.memory_space<vmem>>
        %dma_wait3A_467 = arith.constant 0 : i32
        %dma_wait3A_468 = tpu.memref_slice %arg9[%run_scoped3A_447, %dma_wait3A_467] : memref<8x128xi32, #tpu.memory_space<vmem>> -> memref<1x128xi32, #tpu.memory_space<vmem>>
        %dma_wait3A_469 = tpu.memref_squeeze %dma_wait3A_468 : memref<1x128xi32, #tpu.memory_space<vmem>> -> memref<128xi32, #tpu.memory_space<vmem>>
        %dma_wait3A_470 = arith.constant 0 : i32
        %dma_wait3A_471 = arith.constant 0 : i32
        %dma_wait3A_472 = tpu.memref_slice %arg19[%dma_wait3A_470, %dma_wait3A_471] : memref<10240x16xf32, #tpu.memory_space<vmem_shared>> -> memref<10240x16xf32, #tpu.memory_space<vmem_shared>>
        tpu.wait_indirect_dma semaphore(%run_scoped3A_454 : memref<!tpu.dma_semaphore, #tpu.memory_space<semaphore_mem>>) src(%dma_wait3A_466 : memref<128x16xf32, #tpu.memory_space<vmem>>) dst(%dma_wait3A_472 : memref<10240x16xf32, #tpu.memory_space<vmem_shared>>)
        tpu.yield
      }) : () -> ()
      %run_scoped3A_448 = arith.constant 3 : i32
      "tpu.region"() ({
        %run_scoped3A_454 = tpu.sem_alloc : memref<!tpu.dma_semaphore, #tpu.memory_space<semaphore_mem>>
        %dma_start3A_455 = arith.constant 384 : i32
        %dma_start3A_456 = arith.constant 0 : i32
        %dma_start3A_457 = tpu.memref_slice %arg15[%dma_start3A_455, %dma_start3A_456] : memref<1024x16xf32, #tpu.memory_space<vmem>> -> memref<128x16xf32, #tpu.memory_space<vmem>>
        %dma_start3A_458 = arith.constant 0 : i32
        %dma_start3A_459 = tpu.memref_slice %arg9[%run_scoped3A_448, %dma_start3A_458] : memref<8x128xi32, #tpu.memory_space<vmem>> -> memref<1x128xi32, #tpu.memory_space<vmem>>
        %dma_start3A_460 = tpu.memref_squeeze %dma_start3A_459 : memref<1x128xi32, #tpu.memory_space<vmem>> -> memref<128xi32, #tpu.memory_space<vmem>>
        %dma_start3A_461 = arith.constant 0 : i32
        %dma_start3A_462 = arith.constant 0 : i32
        %dma_start3A_463 = tpu.memref_slice %arg19[%dma_start3A_461, %dma_start3A_462] : memref<10240x16xf32, #tpu.memory_space<vmem_shared>> -> memref<10240x16xf32, #tpu.memory_space<vmem_shared>>
        tpu.enqueue_indirect_dma source(%dma_start3A_457 : memref<128x16xf32, #tpu.memory_space<vmem>>) target(%dma_start3A_463 : memref<10240x16xf32, #tpu.memory_space<vmem_shared>>) offsets(%dma_start3A_460 : memref<128xi32, #tpu.memory_space<vmem>>) semaphore(%run_scoped3A_454 : memref<!tpu.dma_semaphore, #tpu.memory_space<semaphore_mem>>) {add = true}
        %dma_wait3A_464 = arith.constant 384 : i32
        %dma_wait3A_465 = arith.constant 0 : i32
        %dma_wait3A_466 = tpu.memref_slice %arg15[%dma_wait3A_464, %dma_wait3A_465] : memref<1024x16xf32, #tpu.memory_space<vmem>> -> memref<128x16xf32, #tpu.memory_space<vmem>>
        %dma_wait3A_467 = arith.constant 0 : i32
        %dma_wait3A_468 = tpu.memref_slice %arg9[%run_scoped3A_448, %dma_wait3A_467] : memref<8x128xi32, #tpu.memory_space<vmem>> -> memref<1x128xi32, #tpu.memory_space<vmem>>
        %dma_wait3A_469 = tpu.memref_squeeze %dma_wait3A_468 : memref<1x128xi32, #tpu.memory_space<vmem>> -> memref<128xi32, #tpu.memory_space<vmem>>
        %dma_wait3A_470 = arith.constant 0 : i32
        %dma_wait3A_471 = arith.constant 0 : i32
        %dma_wait3A_472 = tpu.memref_slice %arg19[%dma_wait3A_470, %dma_wait3A_471] : memref<10240x16xf32, #tpu.memory_space<vmem_shared>> -> memref<10240x16xf32, #tpu.memory_space<vmem_shared>>
        tpu.wait_indirect_dma semaphore(%run_scoped3A_454 : memref<!tpu.dma_semaphore, #tpu.memory_space<semaphore_mem>>) src(%dma_wait3A_466 : memref<128x16xf32, #tpu.memory_space<vmem>>) dst(%dma_wait3A_472 : memref<10240x16xf32, #tpu.memory_space<vmem_shared>>)
        tpu.yield
      }) : () -> ()
      %run_scoped3A_449 = arith.constant 4 : i32
      "tpu.region"() ({
        %run_scoped3A_454 = tpu.sem_alloc : memref<!tpu.dma_semaphore, #tpu.memory_space<semaphore_mem>>
        %dma_start3A_455 = arith.constant 512 : i32
        %dma_start3A_456 = arith.constant 0 : i32
        %dma_start3A_457 = tpu.memref_slice %arg15[%dma_start3A_455, %dma_start3A_456] : memref<1024x16xf32, #tpu.memory_space<vmem>> -> memref<128x16xf32, #tpu.memory_space<vmem>>
        %dma_start3A_458 = arith.constant 0 : i32
        %dma_start3A_459 = tpu.memref_slice %arg9[%run_scoped3A_449, %dma_start3A_458] : memref<8x128xi32, #tpu.memory_space<vmem>> -> memref<1x128xi32, #tpu.memory_space<vmem>>
        %dma_start3A_460 = tpu.memref_squeeze %dma_start3A_459 : memref<1x128xi32, #tpu.memory_space<vmem>> -> memref<128xi32, #tpu.memory_space<vmem>>
        %dma_start3A_461 = arith.constant 0 : i32
        %dma_start3A_462 = arith.constant 0 : i32
        %dma_start3A_463 = tpu.memref_slice %arg19[%dma_start3A_461, %dma_start3A_462] : memref<10240x16xf32, #tpu.memory_space<vmem_shared>> -> memref<10240x16xf32, #tpu.memory_space<vmem_shared>>
        tpu.enqueue_indirect_dma source(%dma_start3A_457 : memref<128x16xf32, #tpu.memory_space<vmem>>) target(%dma_start3A_463 : memref<10240x16xf32, #tpu.memory_space<vmem_shared>>) offsets(%dma_start3A_460 : memref<128xi32, #tpu.memory_space<vmem>>) semaphore(%run_scoped3A_454 : memref<!tpu.dma_semaphore, #tpu.memory_space<semaphore_mem>>) {add = true}
        %dma_wait3A_464 = arith.constant 512 : i32
        %dma_wait3A_465 = arith.constant 0 : i32
        %dma_wait3A_466 = tpu.memref_slice %arg15[%dma_wait3A_464, %dma_wait3A_465] : memref<1024x16xf32, #tpu.memory_space<vmem>> -> memref<128x16xf32, #tpu.memory_space<vmem>>
        %dma_wait3A_467 = arith.constant 0 : i32
        %dma_wait3A_468 = tpu.memref_slice %arg9[%run_scoped3A_449, %dma_wait3A_467] : memref<8x128xi32, #tpu.memory_space<vmem>> -> memref<1x128xi32, #tpu.memory_space<vmem>>
        %dma_wait3A_469 = tpu.memref_squeeze %dma_wait3A_468 : memref<1x128xi32, #tpu.memory_space<vmem>> -> memref<128xi32, #tpu.memory_space<vmem>>
        %dma_wait3A_470 = arith.constant 0 : i32
        %dma_wait3A_471 = arith.constant 0 : i32
        %dma_wait3A_472 = tpu.memref_slice %arg19[%dma_wait3A_470, %dma_wait3A_471] : memref<10240x16xf32, #tpu.memory_space<vmem_shared>> -> memref<10240x16xf32, #tpu.memory_space<vmem_shared>>
        tpu.wait_indirect_dma semaphore(%run_scoped3A_454 : memref<!tpu.dma_semaphore, #tpu.memory_space<semaphore_mem>>) src(%dma_wait3A_466 : memref<128x16xf32, #tpu.memory_space<vmem>>) dst(%dma_wait3A_472 : memref<10240x16xf32, #tpu.memory_space<vmem_shared>>)
        tpu.yield
      }) : () -> ()
      %run_scoped3A_450 = arith.constant 5 : i32
      "tpu.region"() ({
        %run_scoped3A_454 = tpu.sem_alloc : memref<!tpu.dma_semaphore, #tpu.memory_space<semaphore_mem>>
        %dma_start3A_455 = arith.constant 640 : i32
        %dma_start3A_456 = arith.constant 0 : i32
        %dma_start3A_457 = tpu.memref_slice %arg15[%dma_start3A_455, %dma_start3A_456] : memref<1024x16xf32, #tpu.memory_space<vmem>> -> memref<128x16xf32, #tpu.memory_space<vmem>>
        %dma_start3A_458 = arith.constant 0 : i32
        %dma_start3A_459 = tpu.memref_slice %arg9[%run_scoped3A_450, %dma_start3A_458] : memref<8x128xi32, #tpu.memory_space<vmem>> -> memref<1x128xi32, #tpu.memory_space<vmem>>
        %dma_start3A_460 = tpu.memref_squeeze %dma_start3A_459 : memref<1x128xi32, #tpu.memory_space<vmem>> -> memref<128xi32, #tpu.memory_space<vmem>>
        %dma_start3A_461 = arith.constant 0 : i32
        %dma_start3A_462 = arith.constant 0 : i32
        %dma_start3A_463 = tpu.memref_slice %arg19[%dma_start3A_461, %dma_start3A_462] : memref<10240x16xf32, #tpu.memory_space<vmem_shared>> -> memref<10240x16xf32, #tpu.memory_space<vmem_shared>>
        tpu.enqueue_indirect_dma source(%dma_start3A_457 : memref<128x16xf32, #tpu.memory_space<vmem>>) target(%dma_start3A_463 : memref<10240x16xf32, #tpu.memory_space<vmem_shared>>) offsets(%dma_start3A_460 : memref<128xi32, #tpu.memory_space<vmem>>) semaphore(%run_scoped3A_454 : memref<!tpu.dma_semaphore, #tpu.memory_space<semaphore_mem>>) {add = true}
        %dma_wait3A_464 = arith.constant 640 : i32
        %dma_wait3A_465 = arith.constant 0 : i32
        %dma_wait3A_466 = tpu.memref_slice %arg15[%dma_wait3A_464, %dma_wait3A_465] : memref<1024x16xf32, #tpu.memory_space<vmem>> -> memref<128x16xf32, #tpu.memory_space<vmem>>
        %dma_wait3A_467 = arith.constant 0 : i32
        %dma_wait3A_468 = tpu.memref_slice %arg9[%run_scoped3A_450, %dma_wait3A_467] : memref<8x128xi32, #tpu.memory_space<vmem>> -> memref<1x128xi32, #tpu.memory_space<vmem>>
        %dma_wait3A_469 = tpu.memref_squeeze %dma_wait3A_468 : memref<1x128xi32, #tpu.memory_space<vmem>> -> memref<128xi32, #tpu.memory_space<vmem>>
        %dma_wait3A_470 = arith.constant 0 : i32
        %dma_wait3A_471 = arith.constant 0 : i32
        %dma_wait3A_472 = tpu.memref_slice %arg19[%dma_wait3A_470, %dma_wait3A_471] : memref<10240x16xf32, #tpu.memory_space<vmem_shared>> -> memref<10240x16xf32, #tpu.memory_space<vmem_shared>>
        tpu.wait_indirect_dma semaphore(%run_scoped3A_454 : memref<!tpu.dma_semaphore, #tpu.memory_space<semaphore_mem>>) src(%dma_wait3A_466 : memref<128x16xf32, #tpu.memory_space<vmem>>) dst(%dma_wait3A_472 : memref<10240x16xf32, #tpu.memory_space<vmem_shared>>)
        tpu.yield
      }) : () -> ()
      %run_scoped3A_451 = arith.constant 6 : i32
      "tpu.region"() ({
        %run_scoped3A_454 = tpu.sem_alloc : memref<!tpu.dma_semaphore, #tpu.memory_space<semaphore_mem>>
        %dma_start3A_455 = arith.constant 768 : i32
        %dma_start3A_456 = arith.constant 0 : i32
        %dma_start3A_457 = tpu.memref_slice %arg15[%dma_start3A_455, %dma_start3A_456] : memref<1024x16xf32, #tpu.memory_space<vmem>> -> memref<128x16xf32, #tpu.memory_space<vmem>>
        %dma_start3A_458 = arith.constant 0 : i32
        %dma_start3A_459 = tpu.memref_slice %arg9[%run_scoped3A_451, %dma_start3A_458] : memref<8x128xi32, #tpu.memory_space<vmem>> -> memref<1x128xi32, #tpu.memory_space<vmem>>
        %dma_start3A_460 = tpu.memref_squeeze %dma_start3A_459 : memref<1x128xi32, #tpu.memory_space<vmem>> -> memref<128xi32, #tpu.memory_space<vmem>>
        %dma_start3A_461 = arith.constant 0 : i32
        %dma_start3A_462 = arith.constant 0 : i32
        %dma_start3A_463 = tpu.memref_slice %arg19[%dma_start3A_461, %dma_start3A_462] : memref<10240x16xf32, #tpu.memory_space<vmem_shared>> -> memref<10240x16xf32, #tpu.memory_space<vmem_shared>>
        tpu.enqueue_indirect_dma source(%dma_start3A_457 : memref<128x16xf32, #tpu.memory_space<vmem>>) target(%dma_start3A_463 : memref<10240x16xf32, #tpu.memory_space<vmem_shared>>) offsets(%dma_start3A_460 : memref<128xi32, #tpu.memory_space<vmem>>) semaphore(%run_scoped3A_454 : memref<!tpu.dma_semaphore, #tpu.memory_space<semaphore_mem>>) {add = true}
        %dma_wait3A_464 = arith.constant 768 : i32
        %dma_wait3A_465 = arith.constant 0 : i32
        %dma_wait3A_466 = tpu.memref_slice %arg15[%dma_wait3A_464, %dma_wait3A_465] : memref<1024x16xf32, #tpu.memory_space<vmem>> -> memref<128x16xf32, #tpu.memory_space<vmem>>
        %dma_wait3A_467 = arith.constant 0 : i32
        %dma_wait3A_468 = tpu.memref_slice %arg9[%run_scoped3A_451, %dma_wait3A_467] : memref<8x128xi32, #tpu.memory_space<vmem>> -> memref<1x128xi32, #tpu.memory_space<vmem>>
        %dma_wait3A_469 = tpu.memref_squeeze %dma_wait3A_468 : memref<1x128xi32, #tpu.memory_space<vmem>> -> memref<128xi32, #tpu.memory_space<vmem>>
        %dma_wait3A_470 = arith.constant 0 : i32
        %dma_wait3A_471 = arith.constant 0 : i32
        %dma_wait3A_472 = tpu.memref_slice %arg19[%dma_wait3A_470, %dma_wait3A_471] : memref<10240x16xf32, #tpu.memory_space<vmem_shared>> -> memref<10240x16xf32, #tpu.memory_space<vmem_shared>>
        tpu.wait_indirect_dma semaphore(%run_scoped3A_454 : memref<!tpu.dma_semaphore, #tpu.memory_space<semaphore_mem>>) src(%dma_wait3A_466 : memref<128x16xf32, #tpu.memory_space<vmem>>) dst(%dma_wait3A_472 : memref<10240x16xf32, #tpu.memory_space<vmem_shared>>)
        tpu.yield
      }) : () -> ()
      %run_scoped3A_452 = arith.constant 7 : i32
      "tpu.region"() ({
        %run_scoped3A_454 = tpu.sem_alloc : memref<!tpu.dma_semaphore, #tpu.memory_space<semaphore_mem>>
        %dma_start3A_455 = arith.constant 896 : i32
        %dma_start3A_456 = arith.constant 0 : i32
        %dma_start3A_457 = tpu.memref_slice %arg15[%dma_start3A_455, %dma_start3A_456] : memref<1024x16xf32, #tpu.memory_space<vmem>> -> memref<128x16xf32, #tpu.memory_space<vmem>>
        %dma_start3A_458 = arith.constant 0 : i32
        %dma_start3A_459 = tpu.memref_slice %arg9[%run_scoped3A_452, %dma_start3A_458] : memref<8x128xi32, #tpu.memory_space<vmem>> -> memref<1x128xi32, #tpu.memory_space<vmem>>
        %dma_start3A_460 = tpu.memref_squeeze %dma_start3A_459 : memref<1x128xi32, #tpu.memory_space<vmem>> -> memref<128xi32, #tpu.memory_space<vmem>>
        %dma_start3A_461 = arith.constant 0 : i32
        %dma_start3A_462 = arith.constant 0 : i32
        %dma_start3A_463 = tpu.memref_slice %arg19[%dma_start3A_461, %dma_start3A_462] : memref<10240x16xf32, #tpu.memory_space<vmem_shared>> -> memref<10240x16xf32, #tpu.memory_space<vmem_shared>>
        tpu.enqueue_indirect_dma source(%dma_start3A_457 : memref<128x16xf32, #tpu.memory_space<vmem>>) target(%dma_start3A_463 : memref<10240x16xf32, #tpu.memory_space<vmem_shared>>) offsets(%dma_start3A_460 : memref<128xi32, #tpu.memory_space<vmem>>) semaphore(%run_scoped3A_454 : memref<!tpu.dma_semaphore, #tpu.memory_space<semaphore_mem>>) {add = true}
        %dma_wait3A_464 = arith.constant 896 : i32
        %dma_wait3A_465 = arith.constant 0 : i32
        %dma_wait3A_466 = tpu.memref_slice %arg15[%dma_wait3A_464, %dma_wait3A_465] : memref<1024x16xf32, #tpu.memory_space<vmem>> -> memref<128x16xf32, #tpu.memory_space<vmem>>
        %dma_wait3A_467 = arith.constant 0 : i32
        %dma_wait3A_468 = tpu.memref_slice %arg9[%run_scoped3A_452, %dma_wait3A_467] : memref<8x128xi32, #tpu.memory_space<vmem>> -> memref<1x128xi32, #tpu.memory_space<vmem>>
        %dma_wait3A_469 = tpu.memref_squeeze %dma_wait3A_468 : memref<1x128xi32, #tpu.memory_space<vmem>> -> memref<128xi32, #tpu.memory_space<vmem>>
        %dma_wait3A_470 = arith.constant 0 : i32
        %dma_wait3A_471 = arith.constant 0 : i32
        %dma_wait3A_472 = tpu.memref_slice %arg19[%dma_wait3A_470, %dma_wait3A_471] : memref<10240x16xf32, #tpu.memory_space<vmem_shared>> -> memref<10240x16xf32, #tpu.memory_space<vmem_shared>>
        tpu.wait_indirect_dma semaphore(%run_scoped3A_454 : memref<!tpu.dma_semaphore, #tpu.memory_space<semaphore_mem>>) src(%dma_wait3A_466 : memref<128x16xf32, #tpu.memory_space<vmem>>) dst(%dma_wait3A_472 : memref<10240x16xf32, #tpu.memory_space<vmem_shared>>)
        tpu.yield
      }) : () -> ()
      %scan3A_453 = arith.constant 0 : i32
      scf.yield %scan3A_453 : i32
    }
    %scan3A_21 = arith.constant 20 : i32
    %barrier3A_22 = arith.constant 0 : index
    tpu.barrier barrier_id(%barrier3A_22)
    %mul3A_23 = arith.constant 640 : i32
    %mul3A_24 = arith.muli %arg1, %mul3A_23 : i32
    "tpu.region"() ({
      %run_scoped3A = tpu.sem_alloc : memref<!tpu.dma_semaphore, #tpu.memory_space<semaphore_mem>>
      %dma_start3A = arith.constant 0 : i32
      %dma_start3A_29 = tpu.memref_slice %arg19[%mul3A_24, %dma_start3A] : memref<10240x16xf32, #tpu.memory_space<vmem_shared>> -> memref<640x16xf32, #tpu.memory_space<vmem_shared>>
      %dma_start3A_30 = arith.constant 0 : i32
      %dma_start3A_31 = tpu.memref_slice %arg19[%mul3A_24, %dma_start3A_30] : memref<10240x16xf32, #tpu.memory_space<vmem_shared>> -> memref<640x16xf32, #tpu.memory_space<vmem_shared>>
      tpu.enqueue_dma source(%dma_start3A_31 : memref<640x16xf32, #tpu.memory_space<vmem_shared>>) target(%arg17 : memref<640x16xf32, #tpu.memory_space<vmem>>) target_semaphore(%run_scoped3A : memref<!tpu.dma_semaphore, #tpu.memory_space<semaphore_mem>>)
      %dma_wait3A = arith.constant 0 : i32
      %dma_wait3A_32 = tpu.memref_slice %arg19[%mul3A_24, %dma_wait3A] : memref<10240x16xf32, #tpu.memory_space<vmem_shared>> -> memref<640x16xf32, #tpu.memory_space<vmem_shared>>
      %dma_wait3A_33 = arith.constant 0 : i32
      %dma_wait3A_34 = tpu.memref_slice %arg19[%mul3A_24, %dma_wait3A_33] : memref<10240x16xf32, #tpu.memory_space<vmem_shared>> -> memref<640x16xf32, #tpu.memory_space<vmem_shared>>
      tpu.wait_dma2 semaphore(%run_scoped3A : memref<!tpu.dma_semaphore, #tpu.memory_space<semaphore_mem>>) src(%dma_wait3A_34 : memref<640x16xf32, #tpu.memory_space<vmem_shared>>) dst(%arg17 : memref<640x16xf32, #tpu.memory_space<vmem>>)
      tpu.yield
    }) : () -> ()
    %mul3A_25 = arith.constant 10240 : i32
    %mul3A_26 = arith.muli %arg0, %mul3A_25 : i32
    %mul3A_27 = arith.constant 640 : i32
    %mul3A_28 = arith.muli %arg1, %mul3A_27 : i32
    %add3A = arith.addi %mul3A_26, %mul3A_28 : i32
    "tpu.region"() ({
      %run_scoped3A = tpu.sem_alloc : memref<!tpu.dma_semaphore, #tpu.memory_space<semaphore_mem>>
      %dma_start3A = arith.constant 0 : i32
      %dma_start3A_29 = tpu.memref_slice %arg8[%add3A, %dma_start3A] : memref<20480x16xf32, #tpu.memory_space<hbm>> -> memref<640x16xf32, #tpu.memory_space<hbm>>
      %dma_start3A_30 = arith.constant 0 : i32
      %dma_start3A_31 = tpu.memref_slice %arg8[%add3A, %dma_start3A_30] : memref<20480x16xf32, #tpu.memory_space<hbm>> -> memref<640x16xf32, #tpu.memory_space<hbm>>
      tpu.enqueue_dma source(%arg17 : memref<640x16xf32, #tpu.memory_space<vmem>>) target(%dma_start3A_31 : memref<640x16xf32, #tpu.memory_space<hbm>>) target_semaphore(%run_scoped3A : memref<!tpu.dma_semaphore, #tpu.memory_space<semaphore_mem>>)
      %dma_wait3A = arith.constant 0 : i32
      %dma_wait3A_32 = tpu.memref_slice %arg8[%add3A, %dma_wait3A] : memref<20480x16xf32, #tpu.memory_space<hbm>> -> memref<640x16xf32, #tpu.memory_space<hbm>>
      %dma_wait3A_33 = arith.constant 0 : i32
      %dma_wait3A_34 = tpu.memref_slice %arg8[%add3A, %dma_wait3A_33] : memref<20480x16xf32, #tpu.memory_space<hbm>> -> memref<640x16xf32, #tpu.memory_space<hbm>>
      tpu.wait_dma2 semaphore(%run_scoped3A : memref<!tpu.dma_semaphore, #tpu.memory_space<semaphore_mem>>) src(%arg17 : memref<640x16xf32, #tpu.memory_space<vmem>>) dst(%dma_wait3A_34 : memref<640x16xf32, #tpu.memory_space<hbm>>)
      tpu.yield
    }) : () -> ()
    return
  }
}

module attributes {stable_mosaic.version = 14 : i64} {
  func.func @_prep_node_body(%arg0: i32, %arg1: memref<512x128xf32, #tpu.memory_space<vmem>>, %arg2: memref<128x128xf32, #tpu.memory_space<vmem>>, %arg3: memref<1x128xf32, #tpu.memory_space<vmem>>, %arg4: memref<128x4xf32, #tpu.memory_space<vmem>>, %arg5: memref<128x4xf32, #tpu.memory_space<vmem>>, %arg6: memref<512x64xf32, #tpu.memory_space<vmem>>, %arg7: memref<512x16xf32, #tpu.memory_space<vmem>>) attributes {dimension_semantics = [#tpu.dimension_semantics<arbitrary>], iteration_bounds = array<i64: 40>, scalar_prefetch = 0 : i64, scratch_operands = 0 : i64, tpu.core_type = #tpu.core_type<tc>, window_params = [{transform_indices = @transform_0, window_bounds = array<i64: 512, 128>}, {pipeline_mode = #tpu.pipeline_mode<synchronous>, transform_indices = @transform_1, window_bounds = array<i64: 128, 128>}, {pipeline_mode = #tpu.pipeline_mode<synchronous>, transform_indices = @transform_2, window_bounds = array<i64: 1, 128>}, {pipeline_mode = #tpu.pipeline_mode<synchronous>, transform_indices = @transform_3, window_bounds = array<i64: 128, 4>}, {pipeline_mode = #tpu.pipeline_mode<synchronous>, transform_indices = @transform_4, window_bounds = array<i64: 128, 4>}, {transform_indices = @transform_5, window_bounds = array<i64: 512, 64>}, {transform_indices = @transform_6, window_bounds = array<i64: 512, 16>}]} {
    %lt3A = arith.constant 20 : i32
    %lt3A_0 = arith.cmpi slt, %arg0, %lt3A : i32
    %get3A = arith.constant 0 : index
    %get3A_1 = arith.constant 0 : index
    %get3A_2 = vector.load %arg1[%get3A, %get3A_1] : memref<512x128xf32, #tpu.memory_space<vmem>>, vector<512x128xf32>
    %get3A_3 = arith.constant 0 : index
    %get3A_4 = arith.constant 0 : index
    %get3A_5 = vector.load %arg2[%get3A_3, %get3A_4] : memref<128x128xf32, #tpu.memory_space<vmem>>, vector<128x128xf32>
    %dot_general3A = arith.constant dense<0.000000e+00> : vector<512x128xf32>
    %dot_general3A_6 = tpu.matmul %get3A_2, %get3A_5, %dot_general3A {dimension_numbers = #tpu.dot_dimension_numbers<[1], [0], [0], [1], [0, 0, 1, 1], [], []>, transpose_lhs_hint = false} : vector<512x128xf32>, vector<128x128xf32>, vector<512x128xf32> -> vector<512x128xf32>
    %get3A_7 = arith.constant 0 : index
    %get3A_8 = arith.constant 0 : index
    %get3A_9 = vector.load %arg3[%get3A_7, %get3A_8] : memref<1x128xf32, #tpu.memory_space<vmem>>, vector<1x128xf32>
    %add3A = vector.broadcast %get3A_9 : vector<1x128xf32> to vector<512x128xf32>
    %add3A_10 = arith.addf %dot_general3A_6, %add3A : vector<512x128xf32>
    %slice3A = vector.extract_strided_slice %add3A_10 {offsets = [0, 0], sizes = [512, 64], strides = [1, 1]} : vector<512x128xf32> to vector<512x64xf32>
    %slice3A_11 = vector.extract_strided_slice %add3A_10 {offsets = [0, 64], sizes = [512, 64], strides = [1, 1]} : vector<512x128xf32> to vector<512x64xf32>
    %select_n3A = arith.select %lt3A_0, %slice3A, %slice3A_11 : vector<512x64xf32>
    %swap3A = arith.constant 0 : index
    %swap3A_12 = arith.constant 0 : index
    %swap3A_13 = vector.load %arg6[%swap3A, %swap3A_12] : memref<512x64xf32, #tpu.memory_space<vmem>>, vector<512x64xf32>
    tpu.vector_store %arg6[%swap3A, %swap3A_12], %select_n3A {strides = array<i32>} : memref<512x64xf32, #tpu.memory_space<vmem>>, vector<512x64xf32>,
    %get3A_14 = arith.constant 0 : index
    %get3A_15 = arith.constant 0 : index
    %get3A_16 = vector.load %arg4[%get3A_14, %get3A_15] : memref<128x4xf32, #tpu.memory_space<vmem>>, vector<128x4xf32>
    %dot_general3A_17 = arith.constant dense<0.000000e+00> : vector<512x4xf32>
    %dot_general3A_18 = tpu.matmul %add3A_10, %get3A_16, %dot_general3A_17 {dimension_numbers = #tpu.dot_dimension_numbers<[1], [0], [0], [1], [0, 0, 1, 1], [], []>, transpose_lhs_hint = false} : vector<512x128xf32>, vector<128x4xf32>, vector<512x4xf32> -> vector<512x4xf32>
    %get3A_19 = arith.constant 0 : index
    %get3A_20 = arith.constant 0 : index
    %get3A_21 = vector.load %arg5[%get3A_19, %get3A_20] : memref<128x4xf32, #tpu.memory_space<vmem>>, vector<128x4xf32>
    %dot_general3A_22 = arith.constant dense<0.000000e+00> : vector<512x4xf32>
    %dot_general3A_23 = tpu.matmul %add3A_10, %get3A_21, %dot_general3A_22 {dimension_numbers = #tpu.dot_dimension_numbers<[1], [0], [0], [1], [0, 0, 1, 1], [], []>, transpose_lhs_hint = false} : vector<512x128xf32>, vector<128x4xf32>, vector<512x4xf32> -> vector<512x4xf32>
    %broadcast_in_dim3A = arith.constant 0.000000e+00 : f32
    %broadcast_in_dim3A_24 = vector.broadcast %broadcast_in_dim3A : f32 to vector<512x12xf32>
    %slice3A_25 = vector.extract_strided_slice %dot_general3A_18 {offsets = [0, 0], sizes = [512, 2], strides = [1, 1]} : vector<512x4xf32> to vector<512x2xf32>
    %slice3A_26 = vector.extract_strided_slice %dot_general3A_18 {offsets = [0, 2], sizes = [512, 2], strides = [1, 1]} : vector<512x4xf32> to vector<512x2xf32>
    %select_n3A_27 = arith.select %lt3A_0, %slice3A_25, %slice3A_26 : vector<512x2xf32>
    %slice3A_28 = vector.extract_strided_slice %dot_general3A_23 {offsets = [0, 0], sizes = [512, 2], strides = [1, 1]} : vector<512x4xf32> to vector<512x2xf32>
    %slice3A_29 = vector.extract_strided_slice %dot_general3A_23 {offsets = [0, 2], sizes = [512, 2], strides = [1, 1]} : vector<512x4xf32> to vector<512x2xf32>
    %select_n3A_30 = arith.select %lt3A_0, %slice3A_28, %slice3A_29 : vector<512x2xf32>
    %concatenate3A = tpu.concatenate %select_n3A_27, %select_n3A_30, %broadcast_in_dim3A_24 in 1 : vector<512x2xf32>, vector<512x2xf32>, vector<512x12xf32> -> vector<512x16xf32>
    %swap3A_31 = arith.constant 0 : index
    %swap3A_32 = arith.constant 0 : index
    %swap3A_33 = vector.load %arg7[%swap3A_31, %swap3A_32] : memref<512x16xf32, #tpu.memory_space<vmem>>, vector<512x16xf32>
    tpu.vector_store %arg7[%swap3A_31, %swap3A_32], %concatenate3A {strides = array<i32>} : memref<512x16xf32, #tpu.memory_space<vmem>>, vector<512x16xf32>,
    return
  }
  func.func @transform_0(%arg0: i32) -> (i32, i32) {
    %rem3A = arith.constant 20 : i32
    %rem3A_0 = arith.remsi %arg0, %rem3A : i32
    %c0_i32 = arith.constant 0 : i32
    %c0_i32_1 = arith.constant 0 : i32
    return %rem3A_0, %c0_i32 : i32, i32
  }
  func.func @transform_1(%arg0: i32) -> (i32, i32) {
    %c0_i32 = arith.constant 0 : i32
    %c0_i32_0 = arith.constant 0 : i32
    %c0_i32_1 = arith.constant 0 : i32
    return %c0_i32, %c0_i32_0 : i32, i32
  }
  func.func @transform_2(%arg0: i32) -> (i32, i32) {
    %c0_i32 = arith.constant 0 : i32
    %c0_i32_0 = arith.constant 0 : i32
    %c0_i32_1 = arith.constant 0 : i32
    return %c0_i32, %c0_i32_0 : i32, i32
  }
  func.func @transform_3(%arg0: i32) -> (i32, i32) {
    %c0_i32 = arith.constant 0 : i32
    %c0_i32_0 = arith.constant 0 : i32
    %c0_i32_1 = arith.constant 0 : i32
    return %c0_i32, %c0_i32_0 : i32, i32
  }
  func.func @transform_4(%arg0: i32) -> (i32, i32) {
    %c0_i32 = arith.constant 0 : i32
    %c0_i32_0 = arith.constant 0 : i32
    %c0_i32_1 = arith.constant 0 : i32
    return %c0_i32, %c0_i32_0 : i32, i32
  }
  func.func @transform_5(%arg0: i32) -> (i32, i32) {
    %c0_i32 = arith.constant 0 : i32
    %c0_i32_0 = arith.constant 0 : i32
    return %arg0, %c0_i32 : i32, i32
  }
  func.func @transform_6(%arg0: i32) -> (i32, i32) {
    %c0_i32 = arith.constant 0 : i32
    %c0_i32_0 = arith.constant 0 : i32
    return %arg0, %c0_i32 : i32, i32
  }
}

module attributes {stable_mosaic.version = 14 : i64} {
  func.func @_prep_edge_body(%arg0: i32, %arg1: memref<40960xf32, #tpu.memory_space<vmem>>, %arg2: memref<128x32xf32, #tpu.memory_space<vmem>>, %arg3: memref<1x32xf32, #tpu.memory_space<vmem>>, %arg4: memref<320x128xf32, #tpu.memory_space<vmem>>, %arg5: memref<320x32xf32, #tpu.memory_space<vmem>>) attributes {dimension_semantics = [#tpu.dimension_semantics<arbitrary>], iteration_bounds = array<i64: 128>, scalar_prefetch = 0 : i64, scratch_operands = 0 : i64, tpu.core_type = #tpu.core_type<tc>, window_params = [{transform_indices = @transform_0, window_bounds = array<i64: 40960>}, {pipeline_mode = #tpu.pipeline_mode<synchronous>, transform_indices = @transform_1, window_bounds = array<i64: 128, 32>}, {pipeline_mode = #tpu.pipeline_mode<synchronous>, transform_indices = @transform_2, window_bounds = array<i64: 1, 32>}, {transform_indices = @transform_3, window_bounds = array<i64: 320, 128>}, {transform_indices = @transform_4, window_bounds = array<i64: 320, 32>}]} {
    %lt3A = arith.constant 125 : i32
    %lt3A_0 = arith.cmpi slt, %arg0, %lt3A : i32
    %convert_element_type3A = arith.extui %lt3A_0 : i1 to i32
    %convert_element_type3A_1 = arith.sitofp %convert_element_type3A : i32 to f32
    %get3A = arith.constant 0 : index
    %get3A_2 = vector.load %arg1[%get3A] : memref<40960xf32, #tpu.memory_space<vmem>>, vector<40960xf32>
    %reshape3A = vector.shape_cast %get3A_2 : vector<40960xf32> to vector<320x128xf32>
    %mul3A = vector.broadcast %convert_element_type3A_1 : f32 to vector<320x128xf32>
    %mul3A_3 = arith.mulf %reshape3A, %mul3A : vector<320x128xf32>
    %swap3A = arith.constant 0 : index
    %swap3A_4 = arith.constant 0 : index
    %swap3A_5 = vector.load %arg4[%swap3A, %swap3A_4] : memref<320x128xf32, #tpu.memory_space<vmem>>, vector<320x128xf32>
    tpu.vector_store %arg4[%swap3A, %swap3A_4], %mul3A_3 {strides = array<i32>} : memref<320x128xf32, #tpu.memory_space<vmem>>, vector<320x128xf32>,
    %get3A_6 = arith.constant 0 : index
    %get3A_7 = arith.constant 0 : index
    %get3A_8 = vector.load %arg2[%get3A_6, %get3A_7] : memref<128x32xf32, #tpu.memory_space<vmem>>, vector<128x32xf32>
    %dot_general3A = arith.constant dense<0.000000e+00> : vector<320x32xf32>
    %dot_general3A_9 = tpu.matmul %mul3A_3, %get3A_8, %dot_general3A {dimension_numbers = #tpu.dot_dimension_numbers<[1], [0], [0], [1], [0, 0, 1, 1], [], []>, transpose_lhs_hint = false} : vector<320x128xf32>, vector<128x32xf32>, vector<320x32xf32> -> vector<320x32xf32>
    %get3A_10 = arith.constant 0 : index
    %get3A_11 = arith.constant 0 : index
    %get3A_12 = vector.load %arg3[%get3A_10, %get3A_11] : memref<1x32xf32, #tpu.memory_space<vmem>>, vector<1x32xf32>
    %add3A = vector.broadcast %get3A_12 : vector<1x32xf32> to vector<320x32xf32>
    %add3A_13 = arith.addf %dot_general3A_9, %add3A : vector<320x32xf32>
    %swap3A_14 = arith.constant 0 : index
    %swap3A_15 = arith.constant 0 : index
    %swap3A_16 = vector.load %arg5[%swap3A_14, %swap3A_15] : memref<320x32xf32, #tpu.memory_space<vmem>>, vector<320x32xf32>
    tpu.vector_store %arg5[%swap3A_14, %swap3A_15], %add3A_13 {strides = array<i32>} : memref<320x32xf32, #tpu.memory_space<vmem>>, vector<320x32xf32>,
    return
  }
  func.func @transform_0(%arg0: i32) -> i32 {
    %min3A = arith.constant 124 : i32
    %min3A_0 = arith.minsi %arg0, %min3A : i32
    %c0_i32 = arith.constant 0 : i32
    return %min3A_0 : i32
  }
  func.func @transform_1(%arg0: i32) -> (i32, i32) {
    %c0_i32 = arith.constant 0 : i32
    %c0_i32_0 = arith.constant 0 : i32
    %c0_i32_1 = arith.constant 0 : i32
    return %c0_i32, %c0_i32_0 : i32, i32
  }
  func.func @transform_2(%arg0: i32) -> (i32, i32) {
    %c0_i32 = arith.constant 0 : i32
    %c0_i32_0 = arith.constant 0 : i32
    %c0_i32_1 = arith.constant 0 : i32
    return %c0_i32, %c0_i32_0 : i32, i32
  }
  func.func @transform_3(%arg0: i32) -> (i32, i32) {
    %c0_i32 = arith.constant 0 : i32
    %c0_i32_0 = arith.constant 0 : i32
    return %arg0, %c0_i32 : i32, i32
  }
  func.func @transform_4(%arg0: i32) -> (i32, i32) {
    %c0_i32 = arith.constant 0 : i32
    %c0_i32_0 = arith.constant 0 : i32
    return %arg0, %c0_i32 : i32, i32
  }
}

module attributes {stable_mosaic.version = 14 : i64} {
  func.func @_finish_body(%arg0: i32, %arg1: memref<2x512x96xf32, #tpu.memory_space<vmem>>, %arg2: memref<2x512x16xf32, #tpu.memory_space<vmem>>, %arg3: memref<4x16x32xf32, #tpu.memory_space<vmem>>, %arg4: memref<4x32xf32, #tpu.memory_space<vmem>>, %arg5: memref<512x128xf32, #tpu.memory_space<vmem>>) attributes {dimension_semantics = [#tpu.dimension_semantics<arbitrary>], iteration_bounds = array<i64: 20>, scalar_prefetch = 0 : i64, scratch_operands = 0 : i64, tpu.core_type = #tpu.core_type<tc>, window_params = [{transform_indices = @transform_0, window_bounds = array<i64: 2, 512, 96>}, {transform_indices = @transform_1, window_bounds = array<i64: 2, 512, 16>}, {pipeline_mode = #tpu.pipeline_mode<synchronous>, transform_indices = @transform_2, window_bounds = array<i64: 4, 16, 32>}, {pipeline_mode = #tpu.pipeline_mode<synchronous>, transform_indices = @transform_3, window_bounds = array<i64: 4, 32>}, {transform_indices = @transform_4, window_bounds = array<i64: 512, 128>}]} {
    %get3A = arith.constant 0 : index
    %get3A_0 = arith.constant 0 : index
    %get3A_1 = arith.constant 0 : index
    %get3A_2 = vector.load %arg1[%get3A, %get3A_0, %get3A_1] : memref<2x512x96xf32, #tpu.memory_space<vmem>>, vector<1x512x96xf32>
    %get3A_3 = vector.shape_cast %get3A_2 : vector<1x512x96xf32> to vector<512x96xf32>
    %slice3A = vector.extract_strided_slice %get3A_3 {offsets = [0, 0], sizes = [512, 32], strides = [1, 1]} : vector<512x96xf32> to vector<512x32xf32>
    %get3A_4 = arith.constant 0 : index
    %get3A_5 = arith.constant 0 : index
    %get3A_6 = arith.constant 0 : index
    %get3A_7 = vector.load %arg1[%get3A_4, %get3A_5, %get3A_6] : memref<2x512x96xf32, #tpu.memory_space<vmem>>, vector<1x512x96xf32>
    %get3A_8 = vector.shape_cast %get3A_7 : vector<1x512x96xf32> to vector<512x96xf32>
    %slice3A_9 = vector.extract_strided_slice %get3A_8 {offsets = [0, 64], sizes = [512, 16], strides = [1, 1]} : vector<512x96xf32> to vector<512x16xf32>
    %get3A_10 = arith.constant 0 : index
    %get3A_11 = arith.constant 0 : index
    %get3A_12 = arith.constant 0 : index
    %get3A_13 = vector.load %arg2[%get3A_10, %get3A_11, %get3A_12] : memref<2x512x16xf32, #tpu.memory_space<vmem>>, vector<1x512x16xf32>
    %get3A_14 = vector.shape_cast %get3A_13 : vector<1x512x16xf32> to vector<512x16xf32>
    %slice3A_15 = vector.extract_strided_slice %get3A_14 {offsets = [0, 0], sizes = [512, 1], strides = [1, 1]} : vector<512x16xf32> to vector<512x1xf32>
    %squeeze3A = vector.shape_cast %slice3A_15 : vector<512x1xf32> to vector<512xf32>
    %add3A = arith.constant 1.000000e-16 : f32
    %add3A_16 = vector.broadcast %add3A : f32 to vector<512xf32>
    %add3A_17 = arith.addf %squeeze3A, %add3A_16 : vector<512xf32>
    %div3A = arith.divf %squeeze3A, %add3A_17 : vector<512xf32>
    %get3A_18 = arith.constant 0 : index
    %get3A_19 = arith.constant 0 : index
    %get3A_20 = arith.constant 0 : index
    %get3A_21 = vector.load %arg3[%get3A_18, %get3A_19, %get3A_20] : memref<4x16x32xf32, #tpu.memory_space<vmem>>, vector<1x16x32xf32>
    %get3A_22 = vector.shape_cast %get3A_21 : vector<1x16x32xf32> to vector<16x32xf32>
    %dot_general3A = arith.constant dense<0.000000e+00> : vector<512x32xf32>
    %dot_general3A_23 = tpu.matmul %slice3A_9, %get3A_22, %dot_general3A {dimension_numbers = #tpu.dot_dimension_numbers<[1], [0], [0], [1], [0, 0, 1, 1], [], []>, transpose_lhs_hint = false} : vector<512x16xf32>, vector<16x32xf32>, vector<512x32xf32> -> vector<512x32xf32>
    %add3A_24 = arith.addf %slice3A, %dot_general3A_23 : vector<512x32xf32>
    %broadcast_in_dim3A = vector.shape_cast %div3A : vector<512xf32> to vector<512x1xf32>
    %get3A_25 = arith.constant 0 : index
    %get3A_26 = arith.constant 0 : index
    %get3A_27 = vector.load %arg4[%get3A_25, %get3A_26] : memref<4x32xf32, #tpu.memory_space<vmem>>, vector<1x32xf32>
    %get3A_28 = vector.shape_cast %get3A_27 : vector<1x32xf32> to vector<32xf32>
    %broadcast_in_dim3A_29 = vector.shape_cast %get3A_28 : vector<32xf32> to vector<1x32xf32>
    %mul3A = vector.broadcast %broadcast_in_dim3A : vector<512x1xf32> to vector<512x32xf32>
    %mul3A_30 = vector.broadcast %broadcast_in_dim3A_29 : vector<1x32xf32> to vector<512x32xf32>
    %mul3A_31 = arith.mulf %mul3A, %mul3A_30 : vector<512x32xf32>
    %add3A_32 = arith.addf %add3A_24, %mul3A_31 : vector<512x32xf32>
    %swap3A = arith.constant 0 : index
    %swap3A_33 = arith.constant 0 : index
    %swap3A_34 = vector.load %arg5[%swap3A, %swap3A_33] : memref<512x128xf32, #tpu.memory_space<vmem>>, vector<512x32xf32>
    tpu.vector_store %arg5[%swap3A, %swap3A_33], %add3A_32 {strides = array<i32>} : memref<512x128xf32, #tpu.memory_space<vmem>>, vector<512x32xf32>,
    %get3A_35 = arith.constant 0 : index
    %get3A_36 = arith.constant 0 : index
    %get3A_37 = arith.constant 0 : index
    %get3A_38 = vector.load %arg1[%get3A_35, %get3A_36, %get3A_37] : memref<2x512x96xf32, #tpu.memory_space<vmem>>, vector<1x512x96xf32>
    %get3A_39 = vector.shape_cast %get3A_38 : vector<1x512x96xf32> to vector<512x96xf32>
    %slice3A_40 = vector.extract_strided_slice %get3A_39 {offsets = [0, 32], sizes = [512, 32], strides = [1, 1]} : vector<512x96xf32> to vector<512x32xf32>
    %get3A_41 = arith.constant 0 : index
    %get3A_42 = arith.constant 0 : index
    %get3A_43 = arith.constant 0 : index
    %get3A_44 = vector.load %arg1[%get3A_41, %get3A_42, %get3A_43] : memref<2x512x96xf32, #tpu.memory_space<vmem>>, vector<1x512x96xf32>
    %get3A_45 = vector.shape_cast %get3A_44 : vector<1x512x96xf32> to vector<512x96xf32>
    %slice3A_46 = vector.extract_strided_slice %get3A_45 {offsets = [0, 80], sizes = [512, 16], strides = [1, 1]} : vector<512x96xf32> to vector<512x16xf32>
    %get3A_47 = arith.constant 0 : index
    %get3A_48 = arith.constant 0 : index
    %get3A_49 = arith.constant 0 : index
    %get3A_50 = vector.load %arg2[%get3A_47, %get3A_48, %get3A_49] : memref<2x512x16xf32, #tpu.memory_space<vmem>>, vector<1x512x16xf32>
    %get3A_51 = vector.shape_cast %get3A_50 : vector<1x512x16xf32> to vector<512x16xf32>
    %slice3A_52 = vector.extract_strided_slice %get3A_51 {offsets = [0, 1], sizes = [512, 1], strides = [1, 1]} : vector<512x16xf32> to vector<512x1xf32>
    %squeeze3A_53 = vector.shape_cast %slice3A_52 : vector<512x1xf32> to vector<512xf32>
    %add3A_54 = arith.constant 1.000000e-16 : f32
    %add3A_55 = vector.broadcast %add3A_54 : f32 to vector<512xf32>
    %add3A_56 = arith.addf %squeeze3A_53, %add3A_55 : vector<512xf32>
    %div3A_57 = arith.divf %squeeze3A_53, %add3A_56 : vector<512xf32>
    %get3A_58 = arith.constant 1 : index
    %get3A_59 = arith.constant 0 : index
    %get3A_60 = arith.constant 0 : index
    %get3A_61 = vector.load %arg3[%get3A_58, %get3A_59, %get3A_60] : memref<4x16x32xf32, #tpu.memory_space<vmem>>, vector<1x16x32xf32>
    %get3A_62 = vector.shape_cast %get3A_61 : vector<1x16x32xf32> to vector<16x32xf32>
    %dot_general3A_63 = arith.constant dense<0.000000e+00> : vector<512x32xf32>
    %dot_general3A_64 = tpu.matmul %slice3A_46, %get3A_62, %dot_general3A_63 {dimension_numbers = #tpu.dot_dimension_numbers<[1], [0], [0], [1], [0, 0, 1, 1], [], []>, transpose_lhs_hint = false} : vector<512x16xf32>, vector<16x32xf32>, vector<512x32xf32> -> vector<512x32xf32>
    %add3A_65 = arith.addf %slice3A_40, %dot_general3A_64 : vector<512x32xf32>
    %broadcast_in_dim3A_66 = vector.shape_cast %div3A_57 : vector<512xf32> to vector<512x1xf32>
    %get3A_67 = arith.constant 1 : index
    %get3A_68 = arith.constant 0 : index
    %get3A_69 = vector.load %arg4[%get3A_67, %get3A_68] : memref<4x32xf32, #tpu.memory_space<vmem>>, vector<1x32xf32>
    %get3A_70 = vector.shape_cast %get3A_69 : vector<1x32xf32> to vector<32xf32>
    %broadcast_in_dim3A_71 = vector.shape_cast %get3A_70 : vector<32xf32> to vector<1x32xf32>
    %mul3A_72 = vector.broadcast %broadcast_in_dim3A_66 : vector<512x1xf32> to vector<512x32xf32>
    %mul3A_73 = vector.broadcast %broadcast_in_dim3A_71 : vector<1x32xf32> to vector<512x32xf32>
    %mul3A_74 = arith.mulf %mul3A_72, %mul3A_73 : vector<512x32xf32>
    %add3A_75 = arith.addf %add3A_65, %mul3A_74 : vector<512x32xf32>
    %swap3A_76 = arith.constant 0 : index
    %swap3A_77 = arith.constant 32 : index
    %swap3A_78 = vector.load %arg5[%swap3A_76, %swap3A_77] : memref<512x128xf32, #tpu.memory_space<vmem>>, vector<512x32xf32>
    tpu.vector_store %arg5[%swap3A_76, %swap3A_77], %add3A_75 {strides = array<i32>} : memref<512x128xf32, #tpu.memory_space<vmem>>, vector<512x32xf32>,
    %get3A_79 = arith.constant 1 : index
    %get3A_80 = arith.constant 0 : index
    %get3A_81 = arith.constant 0 : index
    %get3A_82 = vector.load %arg1[%get3A_79, %get3A_80, %get3A_81] : memref<2x512x96xf32, #tpu.memory_space<vmem>>, vector<1x512x96xf32>
    %get3A_83 = vector.shape_cast %get3A_82 : vector<1x512x96xf32> to vector<512x96xf32>
    %slice3A_84 = vector.extract_strided_slice %get3A_83 {offsets = [0, 0], sizes = [512, 32], strides = [1, 1]} : vector<512x96xf32> to vector<512x32xf32>
    %get3A_85 = arith.constant 1 : index
    %get3A_86 = arith.constant 0 : index
    %get3A_87 = arith.constant 0 : index
    %get3A_88 = vector.load %arg1[%get3A_85, %get3A_86, %get3A_87] : memref<2x512x96xf32, #tpu.memory_space<vmem>>, vector<1x512x96xf32>
    %get3A_89 = vector.shape_cast %get3A_88 : vector<1x512x96xf32> to vector<512x96xf32>
    %slice3A_90 = vector.extract_strided_slice %get3A_89 {offsets = [0, 64], sizes = [512, 16], strides = [1, 1]} : vector<512x96xf32> to vector<512x16xf32>
    %get3A_91 = arith.constant 1 : index
    %get3A_92 = arith.constant 0 : index
    %get3A_93 = arith.constant 0 : index
    %get3A_94 = vector.load %arg2[%get3A_91, %get3A_92, %get3A_93] : memref<2x512x16xf32, #tpu.memory_space<vmem>>, vector<1x512x16xf32>
    %get3A_95 = vector.shape_cast %get3A_94 : vector<1x512x16xf32> to vector<512x16xf32>
    %slice3A_96 = vector.extract_strided_slice %get3A_95 {offsets = [0, 0], sizes = [512, 1], strides = [1, 1]} : vector<512x16xf32> to vector<512x1xf32>
    %squeeze3A_97 = vector.shape_cast %slice3A_96 : vector<512x1xf32> to vector<512xf32>
    %add3A_98 = arith.constant 1.000000e-16 : f32
    %add3A_99 = vector.broadcast %add3A_98 : f32 to vector<512xf32>
    %add3A_100 = arith.addf %squeeze3A_97, %add3A_99 : vector<512xf32>
    %div3A_101 = arith.divf %squeeze3A_97, %add3A_100 : vector<512xf32>
    %get3A_102 = arith.constant 2 : index
    %get3A_103 = arith.constant 0 : index
    %get3A_104 = arith.constant 0 : index
    %get3A_105 = vector.load %arg3[%get3A_102, %get3A_103, %get3A_104] : memref<4x16x32xf32, #tpu.memory_space<vmem>>, vector<1x16x32xf32>
    %get3A_106 = vector.shape_cast %get3A_105 : vector<1x16x32xf32> to vector<16x32xf32>
    %dot_general3A_107 = arith.constant dense<0.000000e+00> : vector<512x32xf32>
    %dot_general3A_108 = tpu.matmul %slice3A_90, %get3A_106, %dot_general3A_107 {dimension_numbers = #tpu.dot_dimension_numbers<[1], [0], [0], [1], [0, 0, 1, 1], [], []>, transpose_lhs_hint = false} : vector<512x16xf32>, vector<16x32xf32>, vector<512x32xf32> -> vector<512x32xf32>
    %add3A_109 = arith.addf %slice3A_84, %dot_general3A_108 : vector<512x32xf32>
    %broadcast_in_dim3A_110 = vector.shape_cast %div3A_101 : vector<512xf32> to vector<512x1xf32>
    %get3A_111 = arith.constant 2 : index
    %get3A_112 = arith.constant 0 : index
    %get3A_113 = vector.load %arg4[%get3A_111, %get3A_112] : memref<4x32xf32, #tpu.memory_space<vmem>>, vector<1x32xf32>
    %get3A_114 = vector.shape_cast %get3A_113 : vector<1x32xf32> to vector<32xf32>
    %broadcast_in_dim3A_115 = vector.shape_cast %get3A_114 : vector<32xf32> to vector<1x32xf32>
    %mul3A_116 = vector.broadcast %broadcast_in_dim3A_110 : vector<512x1xf32> to vector<512x32xf32>
    %mul3A_117 = vector.broadcast %broadcast_in_dim3A_115 : vector<1x32xf32> to vector<512x32xf32>
    %mul3A_118 = arith.mulf %mul3A_116, %mul3A_117 : vector<512x32xf32>
    %add3A_119 = arith.addf %add3A_109, %mul3A_118 : vector<512x32xf32>
    %swap3A_120 = arith.constant 0 : index
    %swap3A_121 = arith.constant 64 : index
    %swap3A_122 = vector.load %arg5[%swap3A_120, %swap3A_121] : memref<512x128xf32, #tpu.memory_space<vmem>>, vector<512x32xf32>
    tpu.vector_store %arg5[%swap3A_120, %swap3A_121], %add3A_119 {strides = array<i32>} : memref<512x128xf32, #tpu.memory_space<vmem>>, vector<512x32xf32>,
    %get3A_123 = arith.constant 1 : index
    %get3A_124 = arith.constant 0 : index
    %get3A_125 = arith.constant 0 : index
    %get3A_126 = vector.load %arg1[%get3A_123, %get3A_124, %get3A_125] : memref<2x512x96xf32, #tpu.memory_space<vmem>>, vector<1x512x96xf32>
    %get3A_127 = vector.shape_cast %get3A_126 : vector<1x512x96xf32> to vector<512x96xf32>
    %slice3A_128 = vector.extract_strided_slice %get3A_127 {offsets = [0, 32], sizes = [512, 32], strides = [1, 1]} : vector<512x96xf32> to vector<512x32xf32>
    %get3A_129 = arith.constant 1 : index
    %get3A_130 = arith.constant 0 : index
    %get3A_131 = arith.constant 0 : index
    %get3A_132 = vector.load %arg1[%get3A_129, %get3A_130, %get3A_131] : memref<2x512x96xf32, #tpu.memory_space<vmem>>, vector<1x512x96xf32>
    %get3A_133 = vector.shape_cast %get3A_132 : vector<1x512x96xf32> to vector<512x96xf32>
    %slice3A_134 = vector.extract_strided_slice %get3A_133 {offsets = [0, 80], sizes = [512, 16], strides = [1, 1]} : vector<512x96xf32> to vector<512x16xf32>
    %get3A_135 = arith.constant 1 : index
    %get3A_136 = arith.constant 0 : index
    %get3A_137 = arith.constant 0 : index
    %get3A_138 = vector.load %arg2[%get3A_135, %get3A_136, %get3A_137] : memref<2x512x16xf32, #tpu.memory_space<vmem>>, vector<1x512x16xf32>
    %get3A_139 = vector.shape_cast %get3A_138 : vector<1x512x16xf32> to vector<512x16xf32>
    %slice3A_140 = vector.extract_strided_slice %get3A_139 {offsets = [0, 1], sizes = [512, 1], strides = [1, 1]} : vector<512x16xf32> to vector<512x1xf32>
    %squeeze3A_141 = vector.shape_cast %slice3A_140 : vector<512x1xf32> to vector<512xf32>
    %add3A_142 = arith.constant 1.000000e-16 : f32
    %add3A_143 = vector.broadcast %add3A_142 : f32 to vector<512xf32>
    %add3A_144 = arith.addf %squeeze3A_141, %add3A_143 : vector<512xf32>
    %div3A_145 = arith.divf %squeeze3A_141, %add3A_144 : vector<512xf32>
    %get3A_146 = arith.constant 3 : index
    %get3A_147 = arith.constant 0 : index
    %get3A_148 = arith.constant 0 : index
    %get3A_149 = vector.load %arg3[%get3A_146, %get3A_147, %get3A_148] : memref<4x16x32xf32, #tpu.memory_space<vmem>>, vector<1x16x32xf32>
    %get3A_150 = vector.shape_cast %get3A_149 : vector<1x16x32xf32> to vector<16x32xf32>
    %dot_general3A_151 = arith.constant dense<0.000000e+00> : vector<512x32xf32>
    %dot_general3A_152 = tpu.matmul %slice3A_134, %get3A_150, %dot_general3A_151 {dimension_numbers = #tpu.dot_dimension_numbers<[1], [0], [0], [1], [0, 0, 1, 1], [], []>, transpose_lhs_hint = false} : vector<512x16xf32>, vector<16x32xf32>, vector<512x32xf32> -> vector<512x32xf32>
    %add3A_153 = arith.addf %slice3A_128, %dot_general3A_152 : vector<512x32xf32>
    %broadcast_in_dim3A_154 = vector.shape_cast %div3A_145 : vector<512xf32> to vector<512x1xf32>
    %get3A_155 = arith.constant 3 : index
    %get3A_156 = arith.constant 0 : index
    %get3A_157 = vector.load %arg4[%get3A_155, %get3A_156] : memref<4x32xf32, #tpu.memory_space<vmem>>, vector<1x32xf32>
    %get3A_158 = vector.shape_cast %get3A_157 : vector<1x32xf32> to vector<32xf32>
    %broadcast_in_dim3A_159 = vector.shape_cast %get3A_158 : vector<32xf32> to vector<1x32xf32>
    %mul3A_160 = vector.broadcast %broadcast_in_dim3A_154 : vector<512x1xf32> to vector<512x32xf32>
    %mul3A_161 = vector.broadcast %broadcast_in_dim3A_159 : vector<1x32xf32> to vector<512x32xf32>
    %mul3A_162 = arith.mulf %mul3A_160, %mul3A_161 : vector<512x32xf32>
    %add3A_163 = arith.addf %add3A_153, %mul3A_162 : vector<512x32xf32>
    %swap3A_164 = arith.constant 0 : index
    %swap3A_165 = arith.constant 96 : index
    %swap3A_166 = vector.load %arg5[%swap3A_164, %swap3A_165] : memref<512x128xf32, #tpu.memory_space<vmem>>, vector<512x32xf32>
    tpu.vector_store %arg5[%swap3A_164, %swap3A_165], %add3A_163 {strides = array<i32>} : memref<512x128xf32, #tpu.memory_space<vmem>>, vector<512x32xf32>,
    return
  }
  func.func @transform_0(%arg0: i32) -> (i32, i32, i32) {
    %c0_i32 = arith.constant 0 : i32
    %c0_i32_0 = arith.constant 0 : i32
    %c0_i32_1 = arith.constant 0 : i32
    return %c0_i32, %arg0, %c0_i32_0 : i32, i32, i32
  }
  func.func @transform_1(%arg0: i32) -> (i32, i32, i32) {
    %c0_i32 = arith.constant 0 : i32
    %c0_i32_0 = arith.constant 0 : i32
    %c0_i32_1 = arith.constant 0 : i32
    return %c0_i32, %arg0, %c0_i32_0 : i32, i32, i32
  }
  func.func @transform_2(%arg0: i32) -> (i32, i32, i32) {
    %c0_i32 = arith.constant 0 : i32
    %c0_i32_0 = arith.constant 0 : i32
    %c0_i32_1 = arith.constant 0 : i32
    %c0_i32_2 = arith.constant 0 : i32
    return %c0_i32, %c0_i32_0, %c0_i32_1 : i32, i32, i32
  }
  func.func @transform_3(%arg0: i32) -> (i32, i32) {
    %c0_i32 = arith.constant 0 : i32
    %c0_i32_0 = arith.constant 0 : i32
    %c0_i32_1 = arith.constant 0 : i32
    return %c0_i32, %c0_i32_0 : i32, i32
  }
  func.func @transform_4(%arg0: i32) -> (i32, i32) {
    %c0_i32 = arith.constant 0 : i32
    %c0_i32_0 = arith.constant 0 : i32
    return %arg0, %c0_i32 : i32, i32
  }
}

</mosaic_0001>

<sc_bundles>
// kernel: kernel.10.cloned.1.call-start
scs
__scs_entry_jumppad:
0x0: {  	(pc) =	sbr.rel $0x88, $3  }
0x1: {  	(tag) =	ssettag $0x0;
	lr =	simm.s32 $0x1  }
0x2: {  	[smem:$0x3F96] =	sst lr;
	_ =	strace $0xD0000000  }
0x3: {  	_ = 	snop  }
0x4: {  	_ = 	snop  }
0x5: {  	_ = 	snop  }
0x6: {  	_ = 	snop  }
0x7: {  	_ = 	snop  }
__scs_overlays_trampoline_lowered:
0x8: {  	[smem:$0x3FA5] =	sst s0  }
0x9: {  	[smem:$0x3FA6] =	sst s1  }
0xa: {  	[smem:$0x3FA7] =	sst s2  }
0xb: {  	[smem:$0x3FA8] =	sst s3  }
0xc: {  	[smem:$0x3FA9] =	sst s4  }
0xd: {  	[smem:$0x3FAA] =	sst s5  }
0xe: {  	[smem:$0x3FAB] =	sst s6  }
0xf: {  	[smem:$0x3FAC] =	sst s7  }
0x10: {  	[smem:$0x3FAD] =	sst s8  }
0x11: {  	[smem:$0x3FAE] =	sst s9;
	s0 =	simm.s32 @!p0 $0x0  }
0x12: {  	s1 =	sld [smem:$0x3F94];
	s0 =	simm.s32 @p0 $0x1  }
0x13: {  	[smem:$0x3FAF] =	sst s0;
	s0 =	simm.s32 @!p1 $0x0  }
0x14: {  	s2 =	sld [smem:$0x3F93];
	s0 =	simm.s32 @p1 $0x1  }
0x15: {  	[smem:$0x3FB0] =	sst s0;
	s0 =	simm.s32 @!p2 $0x0  }
0x16: {  	s3 =	sld [smem:$0x3FDB];
	s0 =	simm.s32 @p2 $0x1  }
0x17: {  	s4 =	simm.s32 $0x1BF5;
	[smem:$0x3FB2] =	sst s0  }
0x18: {  	s0 =	sld [smem:$0x3F95];
	_ =	swait.ge [sflag:s4], $0x0  }
0x19: {  	s7 =	sld [smem:$0x3F96]  }
0x1a: {  	s8 =	sadd.s32 $0xFFFFE003, lr  }
0x1b: {  	s9 =	sadd.s32 $0xFFFFFEF7, lr;
	s5 =	simm.s32 $0xFFFFFFFF;
	p2 =	slt.u32 s8, $0xFFFFF086  }
0x1c: {  	p1 =	slt.u32 s9, $0xF7A;
	s5 =	simm.s32 @!p2 $0x0  }
0x1d: {  	s5 =	simm.s32 @p1 $0x1;
	p0 =	seq.s32 s7, s2  }
0x1e: {  	s7 =	smul.u32 @!p0 $0xF7A, s2;
	p2 =	seq.s32 @!p0 s5, $0x0  }
0x1f: {  	s9 =	smul.u32 $0xF7A, s1;
	s8 =	simm.s32 @!p0 $0x1BF5;
	p2 =	por !p2, p0  }
0x20: {  	[sflag:s8] =	ssyncset.s32 @!p0 $0xFFFFF086;
	s6 =	sadd.s32 @!p0 s3, s7;
	s7 =	simm.s32 @!p0 $0x108  }
0x21: {  	s3 =	sadd.s32 s3, s9;
	s6 =	sadd.s32 @!p0 $0x88, s6;
	s7 =	simm.s32 @p2 $0x1082  }
0x22: {  	[simem:s7], [sflag:s8] =	dma.local @!p0 [hbm:s6], $0xF7A  }
0x23: {  	s9 =	sor.u32 $0xD0000000, s2;
	s6 =	simm.s32 $0x108;
	_ =	swait.ge @!p0 [sflag:s8], $0x0  }
0x24: {  	s3 =	sadd.s32 $0x88, s3;
	s6 =	simm.s32 @!p1 $0x1082;
	[sflag:s4] =	ssyncset.s32 $0xFFFFF086  }
0x25: {  	[simem:s6], [sflag:s4] =	dma.local [hbm:s3], $0xF7A  }
0x26: {  	[smem:$0x3F96] =	sst s1;
	(tag) =	ssettag s2;
	_ =	strace s9  }
0x27: {  	s1 =	sld [smem:$0x3FA6]  }
0x28: {  	s2 =	sld [smem:$0x3FA7]  }
0x29: {  	s4 =	sld [smem:$0x3FA9]  }
0x2a: {  	p0 =	seq.s32 s5, $0x0;
	s5 =	sld [smem:$0x3FAA]  }
0x2b: {  	s6 =	sld [smem:$0x3FAB]  }
0x2c: {  	s7 =	sld [smem:$0x3FAC]  }
0x2d: {  	s3 =	simm.s32 $0x108;
	s8 =	sld [smem:$0x3FAD]  }
0x2e: {  	s3 =	simm.s32 @!p0 $0x1082;
	s9 =	sld [smem:$0x3FAE]  }
0x2f: {  	lr =	sadd.s32 s0, s3;
	s0 =	sld [smem:$0x3FA5]  }
0x30: {  	s3 =	sld [smem:$0x3FA8]  }
0x31: {  	[smem:$0x3FB1] =	sst s10  }
0x32: {  	s10 =	sld [smem:$0x3FAF];
	_ =	sdelay $0x3  }
0x33: {  	p0 =	seq.s32 s10, $0x1;
	s10 =	sld [smem:$0x3FB1];
	_ =	sdelay $0x3  }
0x34: {  	[smem:$0x3FB1] =	sst s10  }
0x35: {  	s10 =	sld [smem:$0x3FB0];
	_ =	sdelay $0x3  }
0x36: {  	p1 =	seq.s32 s10, $0x1;
	s10 =	sld [smem:$0x3FB1];
	_ =	sdelay $0x3  }
0x37: {  	[smem:$0x3FB1] =	sst s10  }
0x38: {  	s10 =	sld [smem:$0x3FB2]  }
0x39: {  	_ = 	snop;
	(pc) =	sbr.ind lr, $3  }
0x3a: {  	_ = 	snop  }
0x3b: {  	_ = 	snop  }
0x3c: {  	p2 =	seq.s32 s10, $0x1;
	s10 =	sld [smem:$0x3FB1]  }
0x3d: {  	_ =	shalt  }
0x3e: {  	_ =	shalt  }
0x3f: {  	_ =	shalt  }
0x40: {  	_ =	shalt  }
0x41: {  	_ =	shalt  }
0x42: {  	_ =	shalt  }
0x43: {  	_ =	shalt  }
0x44: {  	_ =	shalt  }
0x45: {  	_ =	shalt  }
0x46: {  	_ =	shalt  }
0x47: {  	_ =	shalt  }
0x48: {  	_ =	shalt  }
0x49: {  	_ =	shalt  }
0x4a: {  	_ =	shalt  }
0x4b: {  	_ =	shalt  }
0x4c: {  	_ =	shalt  }
0x4d: {  	_ =	shalt  }
0x4e: {  	_ =	shalt  }
0x4f: {  	_ =	shalt  }
0x50: {  	_ =	shalt  }
0x51: {  	_ =	shalt  }
0x52: {  	_ =	shalt  }
0x53: {  	_ =	shalt  }
0x54: {  	_ =	shalt  }
0x55: {  	_ =	shalt  }
0x56: {  	_ =	shalt  }
0x57: {  	_ =	shalt  }
0x58: {  	_ =	shalt  }
0x59: {  	_ =	shalt  }
0x5a: {  	_ =	shalt  }
0x5b: {  	_ =	shalt  }
0x5c: {  	_ =	shalt  }
0x5d: {  	_ =	shalt  }
0x5e: {  	_ =	shalt  }
0x5f: {  	_ =	shalt  }
0x60: {  	_ =	shalt  }
0x61: {  	_ =	shalt  }
0x62: {  	_ =	shalt  }
0x63: {  	_ =	shalt  }
0x64: {  	_ =	shalt  }
0x65: {  	_ =	shalt  }
0x66: {  	_ =	shalt  }
0x67: {  	_ =	shalt  }
0x68: {  	_ =	shalt  }
0x69: {  	_ =	shalt  }
0x6a: {  	_ =	shalt  }
0x6b: {  	_ =	shalt  }
0x6c: {  	_ =	shalt  }
0x6d: {  	_ =	shalt  }
0x6e: {  	_ =	shalt  }
0x6f: {  	_ =	shalt  }
0x70: {  	_ =	shalt  }
0x71: {  	_ =	shalt  }
0x72: {  	_ =	shalt  }
0x73: {  	_ =	shalt  }
0x74: {  	_ =	shalt  }
0x75: {  	_ =	shalt  }
0x76: {  	_ =	shalt  }
0x77: {  	_ =	shalt  }
0x78: {  	_ =	shalt  }
0x79: {  	_ =	shalt  }
0x7a: {  	_ =	shalt  }
0x7b: {  	_ =	shalt  }
0x7c: {  	_ =	shalt  }
0x7d: {  	_ =	shalt  }
0x7e: {  	_ =	shalt  }
0x7f: {  	_ =	shalt  }
0x80: {  	_ =	shalt  }
0x81: {  	_ =	shalt  }
0x82: {  	_ =	shalt  }
0x83: {  	_ =	shalt  }
0x84: {  	_ =	shalt  }
0x85: {  	_ =	shalt  }
0x86: {  	_ =	shalt  }
0x87: {  	_ =	shalt  }
.Lfunc_end0:
.L_simem_size_0:
called_computation.1_lowered:
.L_overlay_start_0:
0x88: {  	s2 =	sld [smem:$0x3FD9]  }
0x89: {  	s3 =	sld [smem:$0x3FFE];
	_ =	sdelay $0x1  }
0x8a: {  	s1 =	srdreg.scid  }
0x8b: {  	s0 =	sand.u32 $0x1, s1  }
0x8c: {  	s14 =	sshll.u32 s0, $0xA;
	s2 =	sadd.s32 s3, s2  }
0x8d: {  	s2 =	sadd.s32 s2, s14  }
0x8e: {  	[smem:$0x3FBD] =	sst s2  }
0x8f: {  	_ = 	snop  }
0x90: {  	s2 =	sld [smem:$0x3FD0];
	_ =	sdelay $0x2  }
0x91: {  	s15 =	simm.s32 $0xA;
	s4 =	simm.s32 $0x10  }
0x92: {  	[smem:s4], [sflag:s15] =	dma.local [hbm:s2], $0x1  }
0x93: {  	_ =	swait.eq [sflag:s15], $0x1  }
0x94: {  	[sflag:s15] =	ssyncset.done $0x0  }
0x95: {  	s16 =	sld [smem:$0x10];
	[sflag:s15] =	ssyncadd.s32 $0xFFFFFFFF  }
0x96: {  	s17 =	sld [smem:$0x11];
	(tm) =	ssettm $0x1  }
0x97: {  	s18 =	sld [smem:$0x3FFB];
	_ =	sdelay $0x3  }
0x98: {  	_ =	strace s18  }
0x99: {  	s4 =	sld [smem:$0x3FFC];
	_ =	sdelay $0x3  }
0x9a: {  	_ =	strace s4  }
0x9b: {  	s4 =	sld [smem:$0x3FFD];
	_ =	sdelay $0x3  }
0x9c: {  	_ =	strace s4  }
0x9d: {  	_ =	strace $0x8FFFFFFF  }
0x9e: {  	s19 =	sld [smem:$0x3FDB];
	_ =	sdelay $0x1  }
0x9f: {  	s5 =	simm.s32 $_scs_section_size  }
0xa0: {  	s6 =	simm.s32 $_size__tile_overlayer_lowered;
	s7 =	simm.s32 $_tile_overlayer_lowered  }
0xa1: {  	s22 =	simm.s32 $0x1BFF;
	s21 =	sshll.u32 s7, $0x1;
	s4 =	sadd.s32 s5, s19  }
0xa2: {  	s8 =	simm.s32 $0x0;
	s20 =	sshll.u32 s6, $0x1;
	s6 =	sadd.s32 s21, s4  }
0xa3: {  	[timem:s8], [sflag:s22] =	dma.local [hbm:s6], s20  }
0xa4: {  	_ =	swait.ge [sflag:s22], s20  }
0xa5: {  	s5 =	ssub.s32 $0x0, s20;
	[sflag:s22] =	ssyncset.done $0x0  }
0xa6: {  	[sflag:s22] =	ssyncadd.s32 s5;
	_ =	sdelay $0x1  }
0xa7: {  	s23 =	simm.s32 $0x1B8B  }
0xa8: {  	_ =	swait.ge [sflag:s23], $0x1  }
0xa9: {  	[sflag:s23] =	ssyncset.done $0x0  }
0xaa: {  	s25 =	simm.s32 $0x1B8E;
	s24 =	sld [smem:$0x3FFE];
	[sflag:s23] =	ssyncadd.s32 $0xFFFFFFFF  }
0xab: {  	s26 =	simm.s32 $execute0_lowered;
	[smem:$0x3FD2] =	sst s25  }
0xac: {  	s6 =	sshll.u32 s26, $0x1;
	_ =	strace $0x80000049;
	[dreg:$0x1] =	wrdreg $0xFFFFFFFF  }
0xad: {  	s28 =	simm.s32 $_size_execute0_lowered;
	s4 =	sadd.s32 s4, s6;
	[dreg:$0x0] =	wrdreg $0x0  }
0xae: {  	s6 =	sshll.u32 s28, $0x1;
	[dreg:$0x2] =	wrdreg s4  }
0xaf: {  	[dreg:$0x3] =	wrdreg s6  }
0xb0: {  	[dreg:$0x4] =	wrdreg $0xC0  }
0xb1: {  	_ =	task [dreg:s8], $0x5FFFF  }
0xb2: {  	[dreg:$0x1] =	wrdreg $0xFFFFFFFF  }
0xb3: {  	[dreg:$0x0] =	wrdreg $0x60  }
0xb4: {  	[dreg:$0x2] =	wrdreg s24  }
0xb5: {  	[dreg:$0x3] =	wrdreg s16  }
0xb6: {  	[dreg:$0x4] =	wrdreg s17  }
0xb7: {  	[dreg:$0x5] =	wrdreg $0xD4000  }
0xb8: {  	[dreg:$0x6] =	wrdreg $0x9  }
0xb9: {  	_ =	task.clear_ibuf [dreg:s8], $0x7FFFF;
	_ =	strace $0x90000049  }
0xba: {  	s29 =	simm.s32 $0x9;
	_ =	strace $0x8000004B  }
0xbb: {  	_ =	swait.ge [sflag:s29], $0x1  }
0xbc: {  	[sflag:s29] =	ssyncadd.s32 $0xFFFFFFFF  }
0xbd: {  	_ =	strace $0x9000004B  }
0xbe: {  	_ =	sfence  }
0xbf: {  	s30 =	sld [smem:$0x0];
	_ =	sdelay $0x2  }
0xc0: {  	s31 =	sshll.u32 s1, $0xD;
	s1 =	sshrl.u32 s1, $0x2  }
0xc1: {  	s3 =	sand.u32 $0x4000, s31;
	s1 =	sadd.s32 s1, s30  }
0xc2: {  	s0 =	sor.u32 s3, s0;
	s1 =	sshll.u32 s1, $0x11  }
0xc3: {  	s0 =	sor.u32 s1, s0  }
0xc4: {  	s0 =	sadd.s32 $0x8F2B, s0  }
0xc5: {  	[sflag:s0] =	ssyncadd.remote.s32 $0x1  }
0xc6: {  	_ =	sfence.sel $0xFFFF  }
0xc7: {  	[dreg:$0x0] =	wrdreg $0xFFFFFFFF;
	(pc) =	sbr.abs _section_cstart, $3  }
0xc8: {  	[dreg:$0x1] =	wrdreg $0xFFFFFFFF  }
0xc9: {  	_ =	task.clear_ibuf [dreg:s8], $0x2FFFF;
	_ =	strace $0x9FFFFFFF  }
0xca: {  	(tm) =	ssettm $0x7FFFFFFF  }
0xcb: {  	_ =	shalt  }
tec
execute0_lowered:
.L_overlay_start_1:
0x0: {  	(tag) =	ssettag $0x1  }
0x1: {  	v0 =	vlaneseq.u32  }
0x2: {  	s0 =	rddreg [dreg:$0x0];
	s8 =	simm.s32 $0x0;
	v38 =	vmul.u32 $0x60, v0  }
0x3: {  	[smem:$0x7FF] =	sst s8  }
0x4: {  	s3 =	rddreg [dreg:$0x3];
	_ =	strace $0x8000004A;
	v1 =	vor.u32 $0xD, v38;
	[tilespmem:$0x1FFE0] =	vst v38  }
0x5: {  	v37 =	vor.u32 $0x1, v38;
	[tilespmem:$0x1FC10] =	vst v1  }
0x6: {  	v39 =	vor.u32 $0x2, v38;
	[tilespmem:$0x1FC30] =	vst v37  }
0x7: {  	v40 =	vor.u32 $0x3, v38;
	[tilespmem:$0x1FC40] =	vst v39  }
0x8: {  	v41 =	vor.u32 $0x4, v38;
	[tilespmem:$0x1FC50] =	vst v40  }
0x9: {  	v42 =	vor.u32 $0x5, v38;
	[tilespmem:$0x1FC60] =	vst v41  }
0xa: {  	v43 =	vor.u32 $0x6, v38;
	[tilespmem:$0x1FC70] =	vst v42  }
0xb: {  	v44 =	vor.u32 $0x7, v38;
	[tilespmem:$0x1FC80] =	vst v43  }
0xc: {  	v45 =	vor.u32 $0x8, v38;
	[tilespmem:$0x1FC90] =	vst v44  }
0xd: {  	v31 =	vor.u32 $0x9, v38;
	[tilespmem:$0x1FCA0] =	vst v45  }
0xe: {  	v35 =	vor.u32 $0xA, v38;
	[tilespmem:$0x1FCB0] =	vst v31  }
0xf: {  	v61 =	vor.u32 $0xB, v38;
	[tilespmem:$0x1FCC0] =	vst v35  }
0x10: {  	v62 =	vor.u32 $0xC, v38;
	[tilespmem:$0x1FCD0] =	vst v61  }
0x11: {  	v32 =	vor.u32 $0xF, v38;
	[tilespmem:$0x1FCE0] =	vst v62  }
0x12: {  	v63 =	vor.u32 $0x10, v38;
	[tilespmem:$0x1FCF0] =	vst v32  }
0x13: {  	v5 =	vor.u32 $0x11, v38;
	[tilespmem:$0x1FD00] =	vst v63  }
0x14: {  	v8 =	vor.u32 $0x12, v38;
	[tilespmem:$0x1FD10] =	vst v5  }
0x15: {  	v46 =	vor.u32 $0x13, v38;
	[tilespmem:$0x1FD20] =	vst v8  }
0x16: {  	v9 =	vor.u32 $0x14, v38;
	[tilespmem:$0x1FD30] =	vst v46  }
0x17: {  	v49 =	vor.u32 $0x15, v38;
	[tilespmem:$0x1FD40] =	vst v9  }
0x18: {  	v47 =	vor.u32 $0x16, v38;
	[tilespmem:$0x1FD50] =	vst v49  }
0x19: {  	v48 =	vor.u32 $0x17, v38;
	[tilespmem:$0x1FD60] =	vst v47  }
0x1a: {  	v50 =	vor.u32 $0x18, v38;
	[tilespmem:$0x1FD70] =	vst v48  }
0x1b: {  	v51 =	vor.u32 $0x19, v38;
	[tilespmem:$0x1FD80] =	vst v50  }
0x1c: {  	v52 =	vor.u32 $0x1A, v38;
	[tilespmem:$0x1FD90] =	vst v51  }
0x1d: {  	v53 =	vor.u32 $0x1B, v38;
	[tilespmem:$0x1FDA0] =	vst v52  }
0x1e: {  	v54 =	vor.u32 $0x1C, v38;
	[tilespmem:$0x1FDB0] =	vst v53  }
0x1f: {  	v55 =	vor.u32 $0x1D, v38;
	[tilespmem:$0x1FDC0] =	vst v54  }
0x20: {  	v56 =	vor.u32 $0x1E, v38;
	[tilespmem:$0x1FDD0] =	vst v55  }
0x21: {  	v57 =	vor.u32 $0x1F, v38;
	[tilespmem:$0x1FDE0] =	vst v56  }
0x22: {  	v58 =	vadd.s32 $0x20, v38;
	[tilespmem:$0x1FDF0] =	vst v57  }
0x23: {  	v59 =	vadd.s32 $0x21, v38;
	[tilespmem:$0x1FE00] =	vst v58  }
0x24: {  	v60 =	vadd.s32 $0x22, v38;
	[tilespmem:$0x1FE10] =	vst v59  }
0x25: {  	v10 =	vadd.s32 $0x23, v38;
	[tilespmem:$0x1FE20] =	vst v60  }
0x26: {  	v11 =	vadd.s32 $0x24, v38;
	[tilespmem:$0x1FE30] =	vst v10  }
0x27: {  	v12 =	vadd.s32 $0x25, v38;
	[tilespmem:$0x1FE40] =	vst v11  }
0x28: {  	v13 =	vadd.s32 $0x26, v38;
	[tilespmem:$0x1FE50] =	vst v12  }
0x29: {  	v14 =	vadd.s32 $0x27, v38;
	[tilespmem:$0x1FE60] =	vst v13  }
0x2a: {  	v15 =	vadd.s32 $0x28, v38;
	[tilespmem:$0x1FE70] =	vst v14  }
0x2b: {  	v16 =	vadd.s32 $0x29, v38;
	[tilespmem:$0x1FE80] =	vst v15  }
0x2c: {  	v17 =	vadd.s32 $0x2A, v38;
	[tilespmem:$0x1FE90] =	vst v16  }
0x2d: {  	v18 =	vadd.s32 $0x2B, v38;
	[tilespmem:$0x1FEA0] =	vst v17  }
0x2e: {  	v19 =	vadd.s32 $0x2C, v38;
	[tilespmem:$0x1FEB0] =	vst v18  }
0x2f: {  	s9 =	stileid.u32;
	v20 =	vadd.s32 $0x2D, v38;
	[tilespmem:$0x1FEC0] =	vst v19  }
0x30: {  	s1 =	srdreg.scid;
	s28 =	simm.s32 $0x200;
	s4 =	smul.u32 $0x280, s9;
	v21 =	vadd.s32 $0x2E, v38;
	[tilespmem:$0x1FED0] =	vst v20  }
0x31: {  	s29 =	simm.s32 $0xB300;
	s30 =	simm.s32 $0x4300;
	s5 =	smul.u32 $0x3C000, s9;
	v22 =	vadd.s32 $0x2F, v38;
	[tilespmem:$0x1FEE0] =	vst v21  }
0x32: {  	s31 =	simm.s32 $0x1;
	s1 =	sand.u32 $0x1, s1;
	s12 =	smul.u32 $0xA0, s9;
	v23 =	vadd.s32 $0x30, v38;
	[tilespmem:$0x1FEF0] =	vst v22  }
0x33: {  	s20 =	simm.s32 $0xBB00;
	s10 =	sadd.s32 $0x2A400, s0;
	s2 =	smul.u32 $0x50000, s1;
	v24 =	vadd.s32 $0x31, v38;
	[tilespmem:$0x1FF00] =	vst v23  }
0x34: {  	s6 =	sadd.s32 $0x19C400, s0;
	[dreg:$0x5] =	wrdreg s10;
	s10 =	smul.u32 $0x5000, s9;
	v25 =	vadd.s32 $0x32, v38;
	[tilespmem:$0x1FF10] =	vst v24  }
0x35: {  	s7 =	sadd.s32 $0x34400, s0;
	s22 =	sadd.s32 $0xFC400, s0;
	s15 =	smul.u32 $0x2800, s1;
	v26 =	vadd.s32 $0x33, v38;
	[tilespmem:$0x1FF20] =	vst v25  }
0x36: {  	s11 =	sadd.s32 $0x2400, s0;
	s14 =	ssub.s32 $0x2, s1;
	s13 =	smul.u32 $0xA0000, s1;
	v27 =	vadd.s32 $0x34, v38;
	[tilespmem:$0x1FF30] =	vst v26  }
0x37: {  	[dreg:$0x6] =	wrdreg s22;
	s17 =	smul.u32 $0xA00, s1;
	s16 =	sshrl.u32 s14, $0x1;
	v28 =	vadd.s32 $0x35, v38;
	[tilespmem:$0x1FF40] =	vst v27  }
0x38: {  	s5 =	sshrl.u32 s5, $0x2;
	v29 =	vadd.s32 $0x36, v38;
	s2 =	sadd.s32 s2, s0;
	s0 =	sadd.s32 $0x1C4400, s0;
	[tilespmem:$0x1FF50] =	vst v28  }
0x39: {  	v30 =	vadd.s32 $0x37, v38;
	s4 =	sadd.s32 s4, s15;
	s14 =	ssub.s32 s14, s16;
	s3 =	sadd.s32 s5, s3;
	[tilespmem:$0x1FF60] =	vst v29  }
0x3a: {  	v3 =	vadd.s32 $0x38, v38;
	s19 =	sadd.s32 $0x50000, s13;
	s5 =	simm.s32 $0x300;
	s16 =	simm.s32 $0xCB00;
	[tilespmem:$0x1FF70] =	vst v30  }
0x3b: {  	v7 =	vadd.s32 $0x39, v38;
	[tilespmem:$0x1FF80] =	vst v3;
	s23 =	smul.u32 $0x60, s4;
	s9 =	sadd.s32 $0x6000, s3;
	s15 =	sadd.s32 $0xC000, s3  }
0x3c: {  	v33 =	vadd.s32 $0x3A, v38;
	[tilespmem:$0x1FF90] =	vst v7;
	s4 =	smul.u32 $0xC, s4;
	s26 =	smax.u32 s14, $0x1;
	[dreg:$0x7] =	wrdreg s3  }
0x3d: {  	v34 =	vadd.s32 $0x3B, v38;
	[tilespmem:$0x1FFA0] =	vst v33;
	s18 =	sadd.s32 $0x5C400, s2;
	s14 =	simm.s32 $0xD300;
	[dreg:$0xd] =	wrdreg s26  }
0x3e: {  	v6 =	vadd.s32 $0x3C, v38;
	[tilespmem:$0x1FFB0] =	vst v34;
	s2 =	simm.s32 $0x0;
	[dreg:$0x8] =	wrdreg s9;
	s24 =	sshrl.u32 s23, $0x3  }
0x3f: {  	v36 =	vadd.s32 $0x3E, v38;
	[tilespmem:$0x1FFC0] =	vst v6;
	[dreg:$0x9] =	wrdreg s15;
	s25 =	sadd.s32 s0, s4;
	s0 =	sadd.s32 s0, s24  }
0x40: {  	v1 =	vor.u32 $0xE, v38;
	[tilespmem:$0x1FFF0] =	vst v36;
	s26 =	simm.s32 $0x100;
	[dreg:$0xa] =	wrdreg s25;
	s1 =	sadd.s32 $0xC00, s0  }
0x41: {  	[tilespmem:$0x1FC20] =	vst v1;
	v1 =	vadd.s32 $0x3D, v38;
	s24 =	simm.s32 $0x5300;
	s0 =	sadd.s32 $0x1800, s0;
	[dreg:$0xb] =	wrdreg s1  }
0x42: {  	v2 =	vimm.f32 $0.0e+00;
	[tilespmem:$0x1FFD0] =	vst v1;
	s25 =	simm.s32 $0x2;
	[dreg:$0xc] =	wrdreg s0;
	s1 =	simm.s32 $0x80  }
.LBB2_1:
0x43: {  	v4 =	vmov s8  }
0x44: {  	v4 =	vmul.u32 $0x60, v4;
	_ =	sdelay $0x1  }
0x45: {  	v4 =	vbroadcast v4, $0x0;
	_ =	sdelay $0x1  }
0x46: {  	v3 =	vmov v5;
	v5 =	vadd.s32 v38, v4  }
0x47: {  	v6 =	vadd.s32 v37, v4  }
0x48: {  	v7 =	vadd.s32 v39, v4  }
0x49: {  	v1 =	vmovc v48;
	v48 =	vmov v46;
	v46 =	vmov v8;
	v8 =	vadd.s32 v40, v4  }
0x4a: {  	v36 =	vmov v47;
	v47 =	vmov v9;
	v9 =	vadd.s32 v41, v4  }
0x4b: {  	[tilespmem:v5+s24+$0x0] =	vst.idx.msk $0xffff, v2;
	v5 =	vadd.s32 v42, v4  }
0x4c: {  	[tilespmem:v6+s24+$0x0] =	vst.idx.msk $0xffff, v2;
	v6 =	vadd.s32 v43, v4  }
0x4d: {  	[tilespmem:v7+s24+$0x0] =	vst.idx.msk $0xffff, v2;
	v7 =	vadd.s32 v44, v4  }
0x4e: {  	[tilespmem:v8+s24+$0x0] =	vst.idx.msk $0xffff, v2;
	v8 =	vadd.s32 v45, v4  }
0x4f: {  	[tilespmem:v9+s24+$0x0] =	vst.idx.msk $0xffff, v2;
	v9 =	vadd.s32 v31, v4  }
0x50: {  	[tilespmem:v5+s24+$0x0] =	vst.idx.msk $0xffff, v2  }
0x51: {  	[tilespmem:v6+s24+$0x0] =	vst.idx.msk $0xffff, v2  }
0x52: {  	[tilespmem:v7+s24+$0x0] =	vst.idx.msk $0xffff, v2  }
0x53: {  	[tilespmem:v8+s24+$0x0] =	vst.idx.msk $0xffff, v2;
	v8 =	vld [tilespmem:$0x1FC10]  }
0x54: {  	v5 =	vadd.s32 v35, v4;
	[tilespmem:v9+s24+$0x0] =	vst.idx.msk $0xffff, v2;
	v9 =	vld [tilespmem:$0x1FC20]  }
0x55: {  	v6 =	vadd.s32 v61, v4  }
0x56: {  	v7 =	vadd.s32 v62, v4;
	_ =	sdelay $0x1  }
0x57: {  	v8 =	vadd.s32 v8, v4  }
0x58: {  	[tilespmem:v5+s24+$0x0] =	vst.idx.msk $0xffff, v2;
	v9 =	vadd.s32 v9, v4  }
0x59: {  	v5 =	vadd.s32 v32, v4;
	[tilespmem:v6+s24+$0x0] =	vst.idx.msk $0xffff, v2  }
0x5a: {  	v6 =	vadd.s32 v63, v4;
	[tilespmem:v7+s24+$0x0] =	vst.idx.msk $0xffff, v2;
	v7 =	vadd.s32 v3, v4;
	v3 =	vadd.s32 $0x3F, v38  }
0x5b: {  	[tilespmem:$0x1FBA0] =	vst v3  }
0x5c: {  	[tilespmem:v8+s24+$0x0] =	vst.idx.msk $0xffff, v2;
	v8 =	vadd.s32 v46, v4  }
0x5d: {  	[tilespmem:v9+s24+$0x0] =	vst.idx.msk $0xffff, v2;
	v9 =	vadd.s32 v48, v4  }
0x5e: {  	[tilespmem:v5+s24+$0x0] =	vst.idx.msk $0xffff, v2;
	v5 =	vadd.s32 v47, v4  }
0x5f: {  	[tilespmem:v6+s24+$0x0] =	vst.idx.msk $0xffff, v2;
	v6 =	vadd.s32 v49, v4  }
0x60: {  	[tilespmem:v7+s24+$0x0] =	vst.idx.msk $0xffff, v2;
	v7 =	vadd.s32 v36, v4  }
0x61: {  	[tilespmem:v8+s24+$0x0] =	vst.idx.msk $0xffff, v2;
	v8 =	vadd.s32 v1, v4  }
0x62: {  	[tilespmem:v9+s24+$0x0] =	vst.idx.msk $0xffff, v2;
	v9 =	vadd.s32 v50, v4  }
0x63: {  	[tilespmem:v5+s24+$0x0] =	vst.idx.msk $0xffff, v2;
	v5 =	vadd.s32 v51, v4  }
0x64: {  	[tilespmem:v6+s24+$0x0] =	vst.idx.msk $0xffff, v2;
	v6 =	vadd.s32 v52, v4  }
0x65: {  	[tilespmem:v7+s24+$0x0] =	vst.idx.msk $0xffff, v2;
	v7 =	vadd.s32 v53, v4  }
0x66: {  	[tilespmem:v8+s24+$0x0] =	vst.idx.msk $0xffff, v2;
	v8 =	vadd.s32 v54, v4  }
0x67: {  	[tilespmem:v9+s24+$0x0] =	vst.idx.msk $0xffff, v2;
	v9 =	vadd.s32 v55, v4  }
0x68: {  	[tilespmem:v5+s24+$0x0] =	vst.idx.msk $0xffff, v2;
	v5 =	vadd.s32 v56, v4  }
0x69: {  	[tilespmem:v6+s24+$0x0] =	vst.idx.msk $0xffff, v2;
	v6 =	vadd.s32 v57, v4  }
0x6a: {  	[tilespmem:v7+s24+$0x0] =	vst.idx.msk $0xffff, v2;
	v7 =	vadd.s32 v58, v4  }
0x6b: {  	[tilespmem:v8+s24+$0x0] =	vst.idx.msk $0xffff, v2;
	v8 =	vadd.s32 v59, v4  }
0x6c: {  	[tilespmem:v9+s24+$0x0] =	vst.idx.msk $0xffff, v2;
	v9 =	vadd.s32 v60, v4  }
0x6d: {  	[tilespmem:v5+s24+$0x0] =	vst.idx.msk $0xffff, v2  }
0x6e: {  	v5 =	vadd.s32 v10, v4;
	[tilespmem:v6+s24+$0x0] =	vst.idx.msk $0xffff, v2  }
0x6f: {  	[tilespmem:v7+s24+$0x0] =	vst.idx.msk $0xffff, v2  }
0x70: {  	v6 =	vadd.s32 v11, v4;
	[tilespmem:v8+s24+$0x0] =	vst.idx.msk $0xffff, v2  }
0x71: {  	v8 =	vadd.s32 v13, v4;
	v13 =	vadd.s32 v3, v4;
	v3 =	vadd.s32 $0x40, v38;
	[tilespmem:v9+s24+$0x0] =	vst.idx.msk $0xffff, v2  }
0x72: {  	v7 =	vadd.s32 v12, v4;
	[tilespmem:$0x1FBB0] =	vst v3  }
0x73: {  	v9 =	vadd.s32 v14, v4;
	v14 =	vadd.s32 v3, v4;
	v3 =	vadd.s32 $0x41, v38;
	[tilespmem:v5+s24+$0x0] =	vst.idx.msk $0xffff, v2  }
0x74: {  	[tilespmem:$0x1FBC0] =	vst v3  }
0x75: {  	v5 =	vadd.s32 v15, v4;
	v15 =	vadd.s32 v3, v4;
	v3 =	vadd.s32 $0x42, v38;
	[tilespmem:v6+s24+$0x0] =	vst.idx.msk $0xffff, v2  }
0x76: {  	[tilespmem:$0x1FBD0] =	vst v3  }
0x77: {  	v6 =	vadd.s32 v16, v4;
	v16 =	vadd.s32 v3, v4;
	v3 =	vadd.s32 $0x43, v38;
	[tilespmem:v7+s24+$0x0] =	vst.idx.msk $0xffff, v2  }
0x78: {  	[tilespmem:$0x1FBE0] =	vst v3  }
0x79: {  	v7 =	vadd.s32 v17, v4;
	v17 =	vadd.s32 v3, v4;
	v3 =	vadd.s32 $0x44, v38;
	[tilespmem:v8+s24+$0x0] =	vst.idx.msk $0xffff, v2  }
0x7a: {  	[tilespmem:$0x1FBF0] =	vst v3  }
0x7b: {  	v8 =	vadd.s32 v18, v4;
	v18 =	vadd.s32 v3, v4;
	v3 =	vadd.s32 $0x45, v38;
	[tilespmem:v9+s24+$0x0] =	vst.idx.msk $0xffff, v2  }
0x7c: {  	v9 =	vadd.s32 v19, v4;
	[tilespmem:$0x1FC00] =	vst v3  }
0x7d: {  	[tilespmem:v5+s24+$0x0] =	vst.idx.msk $0xffff, v2;
	v5 =	vadd.s32 v20, v4  }
0x7e: {  	[tilespmem:v6+s24+$0x0] =	vst.idx.msk $0xffff, v2;
	v6 =	vadd.s32 v21, v4  }
0x7f: {  	[tilespmem:v7+s24+$0x0] =	vst.idx.msk $0xffff, v2;
	v7 =	vadd.s32 v22, v4  }
0x80: {  	[tilespmem:v8+s24+$0x0] =	vst.idx.msk $0xffff, v2;
	v8 =	vadd.s32 v23, v4  }
0x81: {  	[tilespmem:v9+s24+$0x0] =	vst.idx.msk $0xffff, v2;
	v9 =	vadd.s32 v24, v4  }
0x82: {  	[tilespmem:v5+s24+$0x0] =	vst.idx.msk $0xffff, v2;
	v5 =	vadd.s32 v25, v4  }
0x83: {  	v61 =	vld [tilespmem:$0x1FF80];
	[tilespmem:v6+s24+$0x0] =	vst.idx.msk $0xffff, v2;
	v6 =	vadd.s32 v26, v4  }
0x84: {  	v62 =	vld [tilespmem:$0x1FF90];
	[tilespmem:v7+s24+$0x0] =	vst.idx.msk $0xffff, v2;
	v7 =	vadd.s32 v27, v4  }
0x85: {  	[tilespmem:v8+s24+$0x0] =	vst.idx.msk $0xffff, v2;
	v8 =	vadd.s32 v28, v4  }
0x86: {  	[tilespmem:v9+s24+$0x0] =	vst.idx.msk $0xffff, v2;
	v9 =	vadd.s32 v29, v4  }
0x87: {  	v35 =	vld [tilespmem:$0x1FFC0];
	[tilespmem:v5+s24+$0x0] =	vst.idx.msk $0xffff, v2;
	v5 =	vadd.s32 v30, v4  }
0x88: {  	v1 =	vld [tilespmem:$0x1FFD0];
	[tilespmem:v6+s24+$0x0] =	vst.idx.msk $0xffff, v2;
	v6 =	vadd.s32 v61, v4  }
0x89: {  	v46 =	vld [tilespmem:$0x1FFF0];
	[tilespmem:v7+s24+$0x0] =	vst.idx.msk $0xffff, v2;
	v7 =	vadd.s32 v62, v4  }
0x8a: {  	[tilespmem:v8+s24+$0x0] =	vst.idx.msk $0xffff, v2;
	v8 =	vadd.s32 v33, v4  }
0x8b: {  	[tilespmem:v9+s24+$0x0] =	vst.idx.msk $0xffff, v2;
	v9 =	vadd.s32 v34, v4  }
0x8c: {  	v10 =	vadd.s32 v35, v4;
	[tilespmem:v5+s24+$0x0] =	vst.idx.msk $0xffff, v2  }
0x8d: {  	v11 =	vadd.s32 v1, v4;
	[tilespmem:v6+s24+$0x0] =	vst.idx.msk $0xffff, v2  }
0x8e: {  	v12 =	vadd.s32 v46, v4;
	[tilespmem:v7+s24+$0x0] =	vst.idx.msk $0xffff, v2  }
0x8f: {  	[tilespmem:v8+s24+$0x0] =	vst.idx.msk $0xffff, v2  }
0x90: {  	[tilespmem:v9+s24+$0x0] =	vst.idx.msk $0xffff, v2  }
0x91: {  	[tilespmem:v10+s24+$0x0] =	vst.idx.msk $0xffff, v2  }
0x92: {  	[tilespmem:v11+s24+$0x0] =	vst.idx.msk $0xffff, v2  }
0x93: {  	[tilespmem:v12+s24+$0x0] =	vst.idx.msk $0xffff, v2  }
0x94: {  	[tilespmem:v13+s24+$0x0] =	vst.idx.msk $0xffff, v2  }
0x95: {  	v19 =	vadd.s32 v3, v4;
	v3 =	vadd.s32 $0x46, v38;
	[tilespmem:v14+s24+$0x0] =	vst.idx.msk $0xffff, v2  }
0x96: {  	v51 =	vmov v20;
	v20 =	vadd.s32 v3, v4;
	v13 =	vadd.s32 $0x47, v38;
	[tilespmem:v15+s24+$0x0] =	vst.idx.msk $0xffff, v2  }
0x97: {  	v52 =	vmov v21;
	v21 =	vadd.s32 v13, v4;
	v14 =	vadd.s32 $0x48, v38;
	[tilespmem:v16+s24+$0x0] =	vst.idx.msk $0xffff, v2  }
0x98: {  	v53 =	vmov v22;
	v22 =	vadd.s32 v14, v4;
	v15 =	vadd.s32 $0x49, v38;
	[tilespmem:v17+s24+$0x0] =	vst.idx.msk $0xffff, v2  }
0x99: {  	v54 =	vmov v23;
	v23 =	vadd.s32 v15, v4;
	v16 =	vadd.s32 $0x4A, v38;
	[tilespmem:v18+s24+$0x0] =	vst.idx.msk $0xffff, v2  }
0x9a: {  	v55 =	vmov v24;
	v24 =	vadd.s32 v16, v4;
	v17 =	vadd.s32 $0x4B, v38;
	[tilespmem:v19+s24+$0x0] =	vst.idx.msk $0xffff, v2  }
0x9b: {  	v6 =	vmov v25;
	v25 =	vadd.s32 v17, v4;
	v18 =	vadd.s32 $0x4C, v38;
	[tilespmem:v20+s24+$0x0] =	vst.idx.msk $0xffff, v2  }
0x9c: {  	v56 =	vmov v26;
	v26 =	vadd.s32 v18, v4;
	v19 =	vadd.s32 $0x4D, v38;
	[tilespmem:v21+s24+$0x0] =	vst.idx.msk $0xffff, v2  }
0x9d: {  	v57 =	vmov v27;
	v27 =	vadd.s32 v19, v4;
	v20 =	vadd.s32 $0x4E, v38;
	[tilespmem:v22+s24+$0x0] =	vst.idx.msk $0xffff, v2  }
0x9e: {  	v58 =	vmov v28;
	v28 =	vadd.s32 v20, v4;
	v21 =	vadd.s32 $0x4F, v38;
	[tilespmem:v23+s24+$0x0] =	vst.idx.msk $0xffff, v2  }
0x9f: {  	v59 =	vmov v29;
	v29 =	vadd.s32 v21, v4;
	v22 =	vadd.s32 $0x50, v38;
	[tilespmem:v24+s24+$0x0] =	vst.idx.msk $0xffff, v2  }
0xa0: {  	v60 =	vmov v30;
	v30 =	vadd.s32 v22, v4;
	v23 =	vadd.s32 $0x51, v38;
	[tilespmem:v25+s24+$0x0] =	vst.idx.msk $0xffff, v2  }
0xa1: {  	v24 =	vadd.s32 $0x52, v38;
	[tilespmem:v26+s24+$0x0] =	vst.idx.msk $0xffff, v2;
	v26 =	vadd.s32 v23, v4  }
0xa2: {  	v31 =	vadd.s32 $0x56, v38;
	v49 =	vadd.s32 v24, v4;
	v25 =	vadd.s32 $0x53, v38;
	[tilespmem:v27+s24+$0x0] =	vst.idx.msk $0xffff, v2  }
0xa3: {  	v32 =	vadd.s32 $0x57, v38;
	v48 =	vmovc v42;
	v47 =	vadd.s32 v25, v4;
	v27 =	vadd.s32 $0x54, v38;
	[tilespmem:v28+s24+$0x0] =	vst.idx.msk $0xffff, v2  }
0xa4: {  	v42 =	vadd.s32 v31, v4;
	v28 =	vadd.s32 $0x55, v38;
	[tilespmem:v29+s24+$0x0] =	vst.idx.msk $0xffff, v2;
	v29 =	vadd.s32 v27, v4  }
0xa5: {  	v63 =	vmovc v34;
	v36 =	vadd.s32 $0x5C, v38;
	v5 =	vmov v37;
	v37 =	vadd.s32 v28, v4;
	[tilespmem:v30+s24+$0x0] =	vst.idx.msk $0xffff, v2  }
0xa6: {  	v50 =	vmovc v3;
	v3 =	vmovc v35;
	v35 =	vadd.s32 $0x5A, v38;
	v34 =	vadd.s32 $0x59, v38;
	v7 =	vmov v33;
	[tilespmem:v26+s24+$0x0] =	vst.idx.msk $0xffff, v2  }
0xa7: {  	v33 =	vadd.s32 $0x58, v38;
	v8 =	vmovc v38;
	v10 =	vmov v41;
	v41 =	vadd.s32 v35, v4;
	[tilespmem:v49+s24+$0x0] =	vst.idx.msk $0xffff, v2  }
0xa8: {  	v9 =	vmovc v39;
	v11 =	vmov v43;
	v43 =	vadd.s32 v32, v4;
	v30 =	vadd.s32 $0x5B, v38;
	[tilespmem:v47+s24+$0x0] =	vst.idx.msk $0xffff, v2  }
0xa9: {  	v26 =	vadd.s32 v30, v4;
	v49 =	vmov v44;
	v44 =	vadd.s32 v34, v4;
	[tilespmem:v29+s24+$0x0] =	vst.idx.msk $0xffff, v2  }
0xaa: {  	[dreg:$0xe] =	wrdreg s2;
	s2 =	simm.s32 $0x10;
	v12 =	vmovc v45;
	v47 =	vmov v40;
	v40 =	vadd.s32 v33, v4;
	v29 =	vmov v36;
	[tilespmem:v37+s24+$0x0] =	vst.idx.msk $0xffff, v2  }
.LBB2_2:
0xab: {  	_ =	sdelay $0x1  }
0xac: {  	v37 =	vmov s2;
	[tilespmem:v42+s24+$0x0] =	vst.idx.msk $0xffff, v2  }
0xad: {  	v42 =	vadd.s32 v29, v4;
	v39 =	vmul.u32 $0x60, v37;
	[tilespmem:v43+s24+$0x0] =	vst.idx.msk $0xffff, v2;
	v37 =	vadd.s32 $0x5D, v8  }
0xae: {  	v38 =	vadd.s32 $0x5E, v8;
	[tilespmem:v40+s24+$0x0] =	vst.idx.msk $0xffff, v2;
	v40 =	vadd.s32 v37, v4  }
0xaf: {  	v43 =	vbroadcast v39, $0x0;
	[tilespmem:v44+s24+$0x0] =	vst.idx.msk $0xffff, v2;
	v44 =	vadd.s32 v38, v4;
	v39 =	vadd.s32 $0x5F, v8  }
0xb0: {  	[tilespmem:v41+s24+$0x0] =	vst.idx.msk $0xffff, v2;
	v41 =	vadd.s32 v39, v4  }
0xb1: {  	v45 =	vadd.s32 v8, v43;
	[tilespmem:v26+s24+$0x0] =	vst.idx.msk $0xffff, v2;
	v4 =	vmov v43  }
0xb2: {  	v26 =	vadd.s32 v30, v43;
	v43 =	vadd.s32 v5, v4;
	[tilespmem:v42+s24+$0x0] =	vst.idx.msk $0xffff, v2  }
0xb3: {  	v42 =	vadd.s32 v9, v4;
	[tilespmem:v40+s24+$0x0] =	vst.idx.msk $0xffff, v2  }
0xb4: {  	v40 =	vadd.s32 v47, v4;
	[tilespmem:v44+s24+$0x0] =	vst.idx.msk $0xffff, v2  }
0xb5: {  	v44 =	vadd.s32 v10, v4;
	[tilespmem:v41+s24+$0x0] =	vst.idx.msk $0xffff, v2  }
0xb6: {  	v41 =	vadd.s32 v48, v4;
	[tilespmem:v45+s24+$0x0] =	vst.idx.msk $0xffff, v2;
	v45 =	vld [tilespmem:$0x1FCC0]  }
0xb7: {  	[tilespmem:v43+s24+$0x0] =	vst.idx.msk $0xffff, v2  }
0xb8: {  	[tilespmem:v42+s24+$0x0] =	vst.idx.msk $0xffff, v2  }
0xb9: {  	[tilespmem:v40+s24+$0x0] =	vst.idx.msk $0xffff, v2  }
0xba: {  	[tilespmem:v44+s24+$0x0] =	vst.idx.msk $0xffff, v2  }
0xbb: {  	v43 =	vadd.s32 v11, v4;
	[tilespmem:v41+s24+$0x0] =	vst.idx.msk $0xffff, v2;
	v41 =	vadd.s32 v45, v4;
	v45 =	vld [tilespmem:$0x1FCD0];
	_ =	sdelay $0x4  }
0xbc: {  	v42 =	vadd.s32 v49, v4;
	[tilespmem:v43+s24+$0x0] =	vst.idx.msk $0xffff, v2;
	v43 =	vadd.s32 v45, v4;
	v45 =	vld [tilespmem:$0x1FCE0];
	_ =	sdelay $0x3  }
0xbd: {  	v44 =	vld [tilespmem:$0x1FCB0]  }
0xbe: {  	v40 =	vadd.s32 v12, v4;
	[tilespmem:v42+s24+$0x0] =	vst.idx.msk $0xffff, v2;
	v42 =	vadd.s32 v45, v4;
	v45 =	vld [tilespmem:$0x1FC10];
	_ =	sdelay $0x3  }
0xbf: {  	v44 =	vadd.s32 v44, v4  }
0xc0: {  	[tilespmem:v40+s24+$0x0] =	vst.idx.msk $0xffff, v2;
	v40 =	vadd.s32 v45, v4;
	v45 =	vld [tilespmem:$0x1FCF0];
	_ =	sdelay $0x3  }
0xc1: {  	[tilespmem:v44+s24+$0x0] =	vst.idx.msk $0xffff, v2  }
0xc2: {  	[tilespmem:v41+s24+$0x0] =	vst.idx.msk $0xffff, v2;
	v41 =	vadd.s32 v45, v4;
	v45 =	vld [tilespmem:$0x1FD00];
	_ =	sdelay $0x4  }
0xc3: {  	[tilespmem:v43+s24+$0x0] =	vst.idx.msk $0xffff, v2;
	v43 =	vadd.s32 v45, v4;
	v45 =	vld [tilespmem:$0x1FD10];
	_ =	sdelay $0x3  }
0xc4: {  	v44 =	vld [tilespmem:$0x1FC20]  }
0xc5: {  	[tilespmem:v42+s24+$0x0] =	vst.idx.msk $0xffff, v2;
	v42 =	vadd.s32 v45, v4;
	v45 =	vld [tilespmem:$0x1FD20];
	_ =	sdelay $0x3  }
0xc6: {  	v44 =	vadd.s32 v44, v4  }
0xc7: {  	[tilespmem:v40+s24+$0x0] =	vst.idx.msk $0xffff, v2;
	v40 =	vadd.s32 v45, v4;
	v45 =	vld [tilespmem:$0x1FD40];
	_ =	sdelay $0x3  }
0xc8: {  	[tilespmem:v44+s24+$0x0] =	vst.idx.msk $0xffff, v2  }
0xc9: {  	[tilespmem:v41+s24+$0x0] =	vst.idx.msk $0xffff, v2;
	v41 =	vadd.s32 v45, v4;
	v45 =	vld [tilespmem:$0x1FD50];
	_ =	sdelay $0x4  }
0xca: {  	[tilespmem:v43+s24+$0x0] =	vst.idx.msk $0xffff, v2;
	v43 =	vadd.s32 v45, v4;
	v45 =	vld [tilespmem:$0x1FD60];
	_ =	sdelay $0x3  }
0xcb: {  	v44 =	vld [tilespmem:$0x1FD30]  }
0xcc: {  	[tilespmem:v42+s24+$0x0] =	vst.idx.msk $0xffff, v2;
	v42 =	vadd.s32 v45, v4;
	v45 =	vld [tilespmem:$0x1FD70];
	_ =	sdelay $0x3  }
0xcd: {  	v44 =	vadd.s32 v44, v4  }
0xce: {  	[tilespmem:v40+s24+$0x0] =	vst.idx.msk $0xffff, v2;
	v40 =	vadd.s32 v45, v4;
	v45 =	vld [tilespmem:$0x1FD90];
	_ =	sdelay $0x3  }
0xcf: {  	[tilespmem:v44+s24+$0x0] =	vst.idx.msk $0xffff, v2  }
0xd0: {  	[tilespmem:v41+s24+$0x0] =	vst.idx.msk $0xffff, v2;
	v41 =	vadd.s32 v45, v4;
	v45 =	vld [tilespmem:$0x1FDA0];
	_ =	sdelay $0x4  }
0xd1: {  	[tilespmem:v43+s24+$0x0] =	vst.idx.msk $0xffff, v2;
	v43 =	vadd.s32 v45, v4;
	v45 =	vld [tilespmem:$0x1FDB0];
	_ =	sdelay $0x3  }
0xd2: {  	v44 =	vld [tilespmem:$0x1FD80]  }
0xd3: {  	[tilespmem:v42+s24+$0x0] =	vst.idx.msk $0xffff, v2;
	v42 =	vadd.s32 v45, v4;
	v45 =	vld [tilespmem:$0x1FDC0];
	_ =	sdelay $0x3  }
0xd4: {  	v44 =	vadd.s32 v44, v4  }
0xd5: {  	[tilespmem:v40+s24+$0x0] =	vst.idx.msk $0xffff, v2;
	v40 =	vadd.s32 v45, v4;
	v45 =	vld [tilespmem:$0x1FDE0];
	_ =	sdelay $0x3  }
0xd6: {  	[tilespmem:v44+s24+$0x0] =	vst.idx.msk $0xffff, v2  }
0xd7: {  	[tilespmem:v41+s24+$0x0] =	vst.idx.msk $0xffff, v2;
	v41 =	vadd.s32 v45, v4;
	v45 =	vld [tilespmem:$0x1FDF0];
	_ =	sdelay $0x4  }
0xd8: {  	[tilespmem:v43+s24+$0x0] =	vst.idx.msk $0xffff, v2;
	v43 =	vadd.s32 v45, v4;
	v45 =	vld [tilespmem:$0x1FE00];
	_ =	sdelay $0x3  }
0xd9: {  	v44 =	vld [tilespmem:$0x1FDD0]  }
0xda: {  	[tilespmem:v42+s24+$0x0] =	vst.idx.msk $0xffff, v2;
	v42 =	vadd.s32 v45, v4;
	v45 =	vld [tilespmem:$0x1FE10];
	_ =	sdelay $0x3  }
0xdb: {  	v44 =	vadd.s32 v44, v4  }
0xdc: {  	[tilespmem:v40+s24+$0x0] =	vst.idx.msk $0xffff, v2;
	v40 =	vadd.s32 v45, v4;
	v45 =	vld [tilespmem:$0x1FE30];
	_ =	sdelay $0x3  }
0xdd: {  	[tilespmem:v44+s24+$0x0] =	vst.idx.msk $0xffff, v2  }
0xde: {  	[tilespmem:v41+s24+$0x0] =	vst.idx.msk $0xffff, v2;
	v41 =	vadd.s32 v45, v4;
	v45 =	vld [tilespmem:$0x1FE40];
	_ =	sdelay $0x4  }
0xdf: {  	[tilespmem:v43+s24+$0x0] =	vst.idx.msk $0xffff, v2;
	v43 =	vadd.s32 v45, v4;
	v45 =	vld [tilespmem:$0x1FE50];
	_ =	sdelay $0x3  }
0xe0: {  	v44 =	vld [tilespmem:$0x1FE20]  }
0xe1: {  	[tilespmem:v42+s24+$0x0] =	vst.idx.msk $0xffff, v2;
	v42 =	vadd.s32 v45, v4;
	v45 =	vld [tilespmem:$0x1FE60];
	_ =	sdelay $0x3  }
0xe2: {  	v44 =	vadd.s32 v44, v4  }
0xe3: {  	[tilespmem:v40+s24+$0x0] =	vst.idx.msk $0xffff, v2;
	v40 =	vadd.s32 v45, v4;
	v45 =	vld [tilespmem:$0x1FE80];
	_ =	sdelay $0x3  }
0xe4: {  	[tilespmem:v44+s24+$0x0] =	vst.idx.msk $0xffff, v2  }
0xe5: {  	[tilespmem:v41+s24+$0x0] =	vst.idx.msk $0xffff, v2;
	v41 =	vadd.s32 v45, v4;
	v45 =	vld [tilespmem:$0x1FE90]  }
0xe6: {  	v44 =	vld [tilespmem:$0x1FE70];
	_ =	sdelay $0x3  }
0xe7: {  	[tilespmem:v43+s24+$0x0] =	vst.idx.msk $0xffff, v2;
	v43 =	vadd.s32 v45, v4;
	v45 =	vld [tilespmem:$0x1FEA0]  }
0xe8: {  	v44 =	vadd.s32 v44, v4;
	_ =	sdelay $0x2  }
0xe9: {  	[tilespmem:v42+s24+$0x0] =	vst.idx.msk $0xffff, v2  }
0xea: {  	[tilespmem:v40+s24+$0x0] =	vst.idx.msk $0xffff, v2;
	v42 =	vadd.s32 v45, v4;
	v45 =	vld [tilespmem:$0x1FEB0]  }
0xeb: {  	[tilespmem:v44+s24+$0x0] =	vst.idx.msk $0xffff, v2;
	v44 =	vld [tilespmem:$0x1FEC0];
	_ =	sdelay $0x3  }
0xec: {  	v40 =	vadd.s32 v45, v4  }
0xed: {  	v44 =	vadd.s32 v44, v4  }
0xee: {  	[tilespmem:v41+s24+$0x0] =	vst.idx.msk $0xffff, v2;
	v41 =	vadd.s32 v51, v4  }
0xef: {  	[tilespmem:v43+s24+$0x0] =	vst.idx.msk $0xffff, v2;
	v43 =	vadd.s32 v52, v4  }
0xf0: {  	[tilespmem:v42+s24+$0x0] =	vst.idx.msk $0xffff, v2;
	v42 =	vadd.s32 v53, v4  }
0xf1: {  	[tilespmem:v40+s24+$0x0] =	vst.idx.msk $0xffff, v2;
	v40 =	vadd.s32 v54, v4  }
0xf2: {  	[tilespmem:v44+s24+$0x0] =	vst.idx.msk $0xffff, v2;
	v44 =	vadd.s32 v55, v4  }
0xf3: {  	[tilespmem:v41+s24+$0x0] =	vst.idx.msk $0xffff, v2;
	v41 =	vadd.s32 v6, v4  }
0xf4: {  	[tilespmem:v43+s24+$0x0] =	vst.idx.msk $0xffff, v2;
	v43 =	vadd.s32 v56, v4  }
0xf5: {  	[tilespmem:v42+s24+$0x0] =	vst.idx.msk $0xffff, v2;
	v42 =	vadd.s32 v57, v4  }
0xf6: {  	[tilespmem:v40+s24+$0x0] =	vst.idx.msk $0xffff, v2;
	v40 =	vadd.s32 v58, v4  }
0xf7: {  	[tilespmem:v44+s24+$0x0] =	vst.idx.msk $0xffff, v2;
	v44 =	vadd.s32 v59, v4  }
0xf8: {  	[tilespmem:v41+s24+$0x0] =	vst.idx.msk $0xffff, v2;
	v41 =	vadd.s32 v60, v4  }
0xf9: {  	[tilespmem:v43+s24+$0x0] =	vst.idx.msk $0xffff, v2;
	v43 =	vadd.s32 v61, v4  }
0xfa: {  	[tilespmem:v42+s24+$0x0] =	vst.idx.msk $0xffff, v2;
	v42 =	vadd.s32 v62, v4  }
0xfb: {  	v45 =	vld [tilespmem:$0x1FBA0];
	[tilespmem:v40+s24+$0x0] =	vst.idx.msk $0xffff, v2;
	v40 =	vadd.s32 v7, v4  }
0xfc: {  	[tilespmem:v44+s24+$0x0] =	vst.idx.msk $0xffff, v2  }
0xfd: {  	[tilespmem:v41+s24+$0x0] =	vst.idx.msk $0xffff, v2  }
0xfe: {  	[tilespmem:v43+s24+$0x0] =	vst.idx.msk $0xffff, v2  }
0xff: {  	v44 =	vadd.s32 v63, v4;
	[tilespmem:v42+s24+$0x0] =	vst.idx.msk $0xffff, v2  }
0x100: {  	v41 =	vadd.s32 v3, v4;
	[tilespmem:v40+s24+$0x0] =	vst.idx.msk $0xffff, v2;
	v40 =	vadd.s32 v45, v4;
	v45 =	vld [tilespmem:$0x1FBC0];
	_ =	sdelay $0x3  }
0x101: {  	[tilespmem:v44+s24+$0x0] =	vst.idx.msk $0xffff, v2  }
0x102: {  	v43 =	vadd.s32 v1, v4;
	[tilespmem:v41+s24+$0x0] =	vst.idx.msk $0xffff, v2;
	v41 =	vadd.s32 v45, v4;
	v45 =	vld [tilespmem:$0x1FBD0]  }
0x103: {  	v44 =	vld [tilespmem:$0x1FBB0];
	_ =	sdelay $0x2  }
0x104: {  	v42 =	vadd.s32 v46, v4  }
0x105: {  	[tilespmem:v43+s24+$0x0] =	vst.idx.msk $0xffff, v2;
	v43 =	vadd.s32 v45, v4;
	v45 =	vld [tilespmem:$0x1FBE0]  }
0x106: {  	v44 =	vadd.s32 v44, v4;
	_ =	sdelay $0x2  }
0x107: {  	[tilespmem:v42+s24+$0x0] =	vst.idx.msk $0xffff, v2  }
0x108: {  	[tilespmem:v40+s24+$0x0] =	vst.idx.msk $0xffff, v2;
	v42 =	vadd.s32 v45, v4;
	v45 =	vld [tilespmem:$0x1FBF0]  }
0x109: {  	[tilespmem:v44+s24+$0x0] =	vst.idx.msk $0xffff, v2;
	v44 =	vld [tilespmem:$0x1FC00];
	_ =	sdelay $0x3  }
0x10a: {  	v40 =	vadd.s32 v45, v4  }
0x10b: {  	v44 =	vadd.s32 v44, v4  }
0x10c: {  	[tilespmem:v41+s24+$0x0] =	vst.idx.msk $0xffff, v2;
	v41 =	vadd.s32 v50, v4  }
0x10d: {  	[tilespmem:v43+s24+$0x0] =	vst.idx.msk $0xffff, v2;
	v43 =	vadd.s32 v13, v4  }
0x10e: {  	[tilespmem:v42+s24+$0x0] =	vst.idx.msk $0xffff, v2;
	v42 =	vadd.s32 v14, v4  }
0x10f: {  	[tilespmem:v40+s24+$0x0] =	vst.idx.msk $0xffff, v2;
	v40 =	vadd.s32 v15, v4  }
0x110: {  	[tilespmem:v44+s24+$0x0] =	vst.idx.msk $0xffff, v2;
	v44 =	vadd.s32 v16, v4  }
0x111: {  	[tilespmem:v41+s24+$0x0] =	vst.idx.msk $0xffff, v2;
	v41 =	vadd.s32 v17, v4  }
0x112: {  	[tilespmem:v43+s24+$0x0] =	vst.idx.msk $0xffff, v2;
	v43 =	vadd.s32 v18, v4  }
0x113: {  	[tilespmem:v42+s24+$0x0] =	vst.idx.msk $0xffff, v2;
	v42 =	vadd.s32 v19, v4  }
0x114: {  	[tilespmem:v40+s24+$0x0] =	vst.idx.msk $0xffff, v2;
	v40 =	vadd.s32 v20, v4  }
0x115: {  	[tilespmem:v44+s24+$0x0] =	vst.idx.msk $0xffff, v2;
	v44 =	vadd.s32 v21, v4  }
0x116: {  	[tilespmem:v41+s24+$0x0] =	vst.idx.msk $0xffff, v2;
	v41 =	vadd.s32 v22, v4  }
0x117: {  	[tilespmem:v43+s24+$0x0] =	vst.idx.msk $0xffff, v2;
	v43 =	vadd.s32 v23, v4  }
0x118: {  	v45 =	vadd.s32 v24, v4;
	[tilespmem:v42+s24+$0x0] =	vst.idx.msk $0xffff, v2  }
0x119: {  	[tilespmem:v40+s24+$0x0] =	vst.idx.msk $0xffff, v2;
	v40 =	vadd.s32 v25, v4  }
0x11a: {  	[tilespmem:v44+s24+$0x0] =	vst.idx.msk $0xffff, v2;
	v44 =	vadd.s32 v27, v4  }
0x11b: {  	p0 =	sne.s32 s2, $0xF0;
	[tilespmem:v41+s24+$0x0] =	vst.idx.msk $0xffff, v2;
	v41 =	vadd.s32 v28, v4  }
.Ltmp0:
0x11c: {  	[tilespmem:v43+s24+$0x0] =	vst.idx.msk $0xffff, v2;
	(pc) =	sbr.rel @p0 .LBB2_2-.Ltmp0, $4  }
0x11d: {  	[tilespmem:v45+s24+$0x0] =	vst.idx.msk $0xffff, v2  }
0x11e: {  	v42 =	vadd.s32 v31, v4;
	[tilespmem:v40+s24+$0x0] =	vst.idx.msk $0xffff, v2  }
0x11f: {  	v43 =	vadd.s32 v32, v4;
	v40 =	vadd.s32 v33, v4;
	[tilespmem:v44+s24+$0x0] =	vst.idx.msk $0xffff, v2  }
0x120: {  	s2 =	sadd.s32 $0x10, s2;
	v29 =	vmov v36;
	v44 =	vadd.s32 v34, v4;
	[tilespmem:v41+s24+$0x0] =	vst.idx.msk $0xffff, v2;
	v41 =	vadd.s32 v35, v4  }
0x121: {  	_ =	sdelay $0x3  }
0x122: {  	[tilespmem:v42+s24+$0x0] =	vst.idx.msk $0xffff, v2  }
0x123: {  	v1 =	vadd.s32 v29, v4;
	[tilespmem:v43+s24+$0x0] =	vst.idx.msk $0xffff, v2  }
0x124: {  	v6 =	vadd.s32 v37, v4;
	[tilespmem:v40+s24+$0x0] =	vst.idx.msk $0xffff, v2  }
0x125: {  	v7 =	vadd.s32 v38, v4;
	[tilespmem:v44+s24+$0x0] =	vst.idx.msk $0xffff, v2  }
0x126: {  	v63 =	vadd.s32 v39, v4;
	[tilespmem:v41+s24+$0x0] =	vst.idx.msk $0xffff, v2  }
0x127: {  	[tilespmem:v26+s24+$0x0] =	vst.idx.msk $0xffff, v2  }
0x128: {  	[tilespmem:v1+s24+$0x0] =	vst.idx.msk $0xffff, v2  }
0x129: {  	[tilespmem:v6+s24+$0x0] =	vst.idx.msk $0xffff, v2  }
0x12a: {  	[tilespmem:v7+s24+$0x0] =	vst.idx.msk $0xffff, v2  }
0x12b: {  	[tilespmem:v63+s24+$0x0] =	vst.idx.msk $0xffff, v2  }
0x12c: {  	[spmem:s3] =	stream.linear.scatter [tilespmem:s24], [sflag:$0x2], $0x6000, $0x38;
	[tilespmem:$0x1C400] =	vst v63  }
0x12d: {  	_ =	swait.ge [sflag:s25], $0x6000  }
0x12e: {  	[sflag:s25] =	ssyncset.done $0x0  }
0x12f: {  	[sflag:s25] =	ssyncadd.s32 $0xFFFFA000  }
0x130: {  	[spmem:s9] =	stream.linear.scatter [tilespmem:s24], [sflag:$0x2], $0x6000, $0x38;
	[tilespmem:$0x1C400] =	vst v63  }
0x131: {  	_ =	swait.ge [sflag:s25], $0x6000  }
0x132: {  	[sflag:s25] =	ssyncset.done $0x0  }
0x133: {  	[sflag:s25] =	ssyncadd.s32 $0xFFFFA000  }
0x134: {  	[spmem:s15] =	stream.linear.scatter [tilespmem:s24], [sflag:$0x2], $0x3000, $0x38;
	[tilespmem:$0x1C400] =	vst v63  }
0x135: {  	_ =	swait.ge [sflag:s25], $0x3000  }
0x136: {  	[sflag:s25] =	ssyncset.done $0x0  }
0x137: {  	[sflag:s25] =	ssyncadd.s32 $0xFFFFD000  }
0x138: {  	s2 =	simm.s32 $0x0;
	s21 =	simm.s32 $0x0;
	[bflag:$0x0] =	sbarrier.arrive $0xFFFF  }
.LBB2_4:
0x139: {  	s0 =	sshll.u32 s21, $0x1  }
0x13a: {  	s0 =	sadd.s32 s12, s0  }
0x13b: {  	s3 =	rddreg [dreg:$0x5];
	s4 =	sshll.u32 s0, $0x4;
	s0 =	sadd.s32 s17, s0  }
0x13c: {  	s22 =	rddreg [dreg:$0x1];
	s4 =	sadd.s32 s3, s4;
	s0 =	sshll.u32 s0, $0x4  }
0x13d: {  	[tilespmem:s2], [sflag:$0x1] =	stream.linear.gather [hbm4b:s4+s2], $0x100, $0x38;
	[tilespmem:$0x1C400] =	vst v63  }
0x13e: {  	s8 =	rddreg [dreg:$0x2];
	s3 =	sshll.u32 s21, $0x8;
	s23 =	sadd.s32 s22, s0  }
0x13f: {  	[tilespmem:s26], [sflag:$0x1] =	stream.linear.gather [hbm4b:s23+s2], $0x100, $0x38;
	[tilespmem:$0x1C400] =	vst v63  }
0x140: {  	s15 =	sadd.s32 s10, s3;
	s0 =	sadd.s32 s8, s0  }
0x141: {  	[tilespmem:s28], [sflag:$0x1] =	stream.linear.gather [hbm4b:s0+s2], $0x100, $0x38;
	[tilespmem:$0x1C400] =	vst v63  }
0x142: {  	s9 =	sadd.s32 s15, s18;
	s22 =	sshll.u32 s15, $0x1;
	s23 =	rddreg [dreg:$0x6]  }
0x143: {  	[tilespmem:s29], [sflag:$0x1] =	stream.linear.gather [hbm4b:s9+s2], $0x800, $0x38;
	[tilespmem:$0x1C400] =	vst v63  }
0x144: {  	s0 =	sadd.s32 s23, s22  }
0x145: {  	[tilespmem:s30], [sflag:$0x1] =	stream.linear.gather [hbm4b:s0+s2], $0x1000, $0x38;
	[tilespmem:$0x1C400] =	vst v63  }
0x146: {  	_ =	swait.ge [sflag:s31], $0x100  }
0x147: {  	[sflag:s31] =	ssyncset.done $0x0  }
0x148: {  	[sflag:s31] =	ssyncadd.s32 $0xFFFFFF00  }
0x149: {  	_ =	swait.ge [sflag:s31], $0x100  }
0x14a: {  	[sflag:s31] =	ssyncset.done $0x0  }
0x14b: {  	[sflag:s31] =	ssyncadd.s32 $0xFFFFFF00  }
0x14c: {  	_ =	swait.ge [sflag:s31], $0x100  }
0x14d: {  	[sflag:s31] =	ssyncset.done $0x0  }
0x14e: {  	[sflag:s31] =	ssyncadd.s32 $0xFFFFFF00  }
0x14f: {  	_ =	swait.ge [sflag:s31], $0x800  }
0x150: {  	[sflag:s31] =	ssyncset.done $0x0  }
0x151: {  	[sflag:s31] =	ssyncadd.s32 $0xFFFFF800  }
0x152: {  	_ =	swait.ge [sflag:s31], $0x1000  }
0x153: {  	[sflag:s31] =	ssyncset.done $0x0  }
0x154: {  	[sflag:s31] =	ssyncadd.s32 $0xFFFFF000  }
0x155: {  	[tilespmem:s5], [sflag:$0x1] =	stream.indirect.gather [hbm4b:s6+s1], $0x40, s28, s1, $0xb8;
	[tilespmem:$0x1C400] =	vst v63  }
0x156: {  	_ = 	snop  }
0x157: {  	[tilespmem:s20], [sflag:$0x1] =	stream.indirect.gather [hbm4b:s7+s1], $0x10, s26, s1, $0xb8;
	[tilespmem:$0x1C400] =	vst v63  }
0x158: {  	s4 =	simm.s32 $0x280;
	s8 =	simm.s32 $0x2300  }
0x159: {  	[tilespmem:s8], [sflag:$0x1] =	stream.indirect.gather [hbm4b:s6+s1], $0x40, s4, s1, $0xb8;
	[tilespmem:$0x1C400] =	vst v63  }
0x15a: {  	s22 =	simm.s32 $0xC300;
	s9 =	simm.s32 $0x180  }
0x15b: {  	[tilespmem:s22], [sflag:$0x1] =	stream.indirect.gather [hbm4b:s7+s1], $0x10, s9, s1, $0xb8;
	[tilespmem:$0x1C400] =	vst v63  }
0x15c: {  	_ =	swait.ge [sflag:s31], $0x2000  }
0x15d: {  	[sflag:s31] =	ssyncset.done $0x0  }
0x15e: {  	[sflag:s31] =	ssyncadd.s32 $0xFFFFE000  }
0x15f: {  	_ =	swait.ge [sflag:s31], $0x800  }
0x160: {  	[sflag:s31] =	ssyncset.done $0x0  }
0x161: {  	[sflag:s31] =	ssyncadd.s32 $0xFFFFF800  }
0x162: {  	v7 =	vor.u32 s2, v0;
	_ =	swait.ge [sflag:s31], $0x2000  }
0x163: {  	v4 =	vshll.u32 v7, $0x4;
	[sflag:s31] =	ssyncset.done $0x0  }
0x164: {  	[sflag:s31] =	ssyncadd.s32 $0xFFFFE000  }
0x165: {  	_ =	swait.ge [sflag:s31], $0x800  }
0x166: {  	[sflag:s31] =	ssyncset.done $0x0  }
0x167: {  	[sflag:s31] =	ssyncadd.s32 $0xFFFFF800  }
0x168: {  	v4 =	vld.idx.msk [tilespmem:v4+s20+$0x0], $0xffff;
	_ =	sdelay $0x4  }
0x169: {  	v4 =	vadd.f32 $1.000000020e-16, v4;
	_ =	sdelay $0x1  }
0x16a: {  	v6 =	vshll.u32 v7, $0x3;
	(erf) = vrcp.f32 v4;
	_ =	sdelay $0x4  }
0x16b: {  	v8 =	vld.idx.msk [tilespmem:v6+s29+$0x0], $0xffff;
	_ =	sdelay $0x1  }
0x16c: {  	s23 =	simm.s32 $0x10;
	v4 =	vor.u32 $0xFFFFFFF8, v0  }
0x16d: {  	v5 =	vor.u32 s23, v0;
	v7 =	vand.u32 v4, v7  }
0x16e: {  	v9 =	vshll.u32 v5, $0x4;
	s0 =	simm.s32 $0x20;
	v10 =	vpop (erf)  }
.LBB2_5:
0x16f: {  	p0 =	sne.s32 s0, $0xF0;
	v8 =	vmul.f32 v10, v8;
	_ =	sdelay $0x1  }
0x170: {  	[tilespmem:v6+s16+$0x0] =	vst.idx.msk $0xffff, v8  }
0x171: {  	[tilespmem:v7+s14+$0x0] =	vst.idx.msk $0xffff, v8  }
0x172: {  	v6 =	vld.idx.msk [tilespmem:v9+s20+$0x0], $0xffff;
	_ =	sdelay $0x5  }
0x173: {  	v7 =	vadd.f32 $1.000000020e-16, v6  }
0x174: {  	v6 =	vshll.u32 v5, $0x3  }
0x175: {  	(erf) = vrcp.f32 v7;
	_ =	sdelay $0x3  }
0x176: {  	v8 =	vld.idx.msk [tilespmem:v6+s29+$0x0], $0xffff  }
.Ltmp1:
0x177: {  	(pc) =	sbr.rel @p0 .LBB2_5-.Ltmp1, $3  }
0x178: {  	_ =	sdelay $0x1  }
0x179: {  	v7 =	vand.u32 v4, v5;
	v5 =	vor.u32 s0, v0  }
0x17a: {  	s0 =	sadd.s32 $0x10, s0;
	v9 =	vshll.u32 v5, $0x4;
	v10 =	vpop (erf)  }
0x17b: {  	_ =	sdelay $0x1  }
0x17c: {  	v8 =	vmul.f32 v10, v8;
	_ =	sdelay $0x1  }
0x17d: {  	[tilespmem:v6+s16+$0x0] =	vst.idx.msk $0xffff, v8  }
0x17e: {  	[tilespmem:v7+s14+$0x0] =	vst.idx.msk $0xffff, v8  }
0x17f: {  	v6 =	vld.idx.msk [tilespmem:v9+s20+$0x0], $0xffff;
	_ =	sdelay $0x4  }
0x180: {  	v6 =	vadd.f32 $1.000000020e-16, v6;
	_ =	sdelay $0x1  }
0x181: {  	v7 =	vshll.u32 v5, $0x3;
	(erf) = vrcp.f32 v6;
	_ =	sdelay $0x4  }
0x182: {  	v6 =	vld.idx.msk [tilespmem:v7+s29+$0x0], $0xffff;
	_ =	sdelay $0x2  }
0x183: {  	v5 =	vand.u32 v4, v5  }
0x184: {  	v8 =	vpop (erf)  }
0x185: {  	s0 =	simm.s32 $0x0;
	v6 =	vmul.f32 v8, v6  }
0x186: {  	s4 =	sadd.s32 s13, s15;
	v8 =	vor.u32 s0, v0  }
0x187: {  	s4 =	sshrl.u32 s4, $0x3;
	[tilespmem:v7+s16+$0x0] =	vst.idx.msk $0xffff, v6;
	v7 =	vshll.u32 v8, $0x4  }
0x188: {  	s4 =	sadd.s32 s11, s4;
	[tilespmem:v5+s14+$0x0] =	vst.idx.msk $0xffff, v6;
	v5 =	vor.u32 $0x1, v7  }
0x189: {  	[hbm4b:s4+s0] =	stream.linear.scatter [tilespmem:s14], [sflag:$0x2], $0x100, $0x38;
	[tilespmem:$0x1C400] =	vst v63  }
0x18a: {  	_ =	swait.ge [sflag:s25], $0x100  }
0x18b: {  	[sflag:s25] =	ssyncset.done $0x0  }
0x18c: {  	[sflag:s25] =	ssyncadd.s32 $0xFFFFFF00  }
0x18d: {  	v5 =	vld.idx.msk [tilespmem:v5+s20+$0x0], $0xffff;
	_ =	sdelay $0x4  }
0x18e: {  	v7 =	vadd.f32 $1.000000020e-16, v5  }
0x18f: {  	v6 =	vshll.u32 v8, $0x3  }
0x190: {  	v6 =	vor.u32 $0x1, v6;
	(erf) = vrcp.f32 v7;
	_ =	sdelay $0x4  }
0x191: {  	v7 =	vld.idx.msk [tilespmem:v6+s29+$0x0], $0xffff  }
0x192: {  	s23 =	simm.s32 $0x10  }
0x193: {  	v5 =	vor.u32 s23, v0  }
0x194: {  	v8 =	vand.u32 v4, v8;
	s0 =	simm.s32 $0x20;
	v9 =	vshll.u32 v5, $0x4  }
.LBB2_7:
0x195: {  	p0 =	sne.s32 s0, $0xF0;
	v9 =	vor.u32 $0x1, v9;
	v10 =	vpop (erf)  }
0x196: {  	v7 =	vmul.f32 v10, v7;
	_ =	sdelay $0x1  }
0x197: {  	[tilespmem:v6+s16+$0x0] =	vst.idx.msk $0xffff, v7  }
0x198: {  	[tilespmem:v8+s14+$0x0] =	vst.idx.msk $0xffff, v7  }
0x199: {  	v6 =	vld.idx.msk [tilespmem:v9+s20+$0x0], $0xffff;
	_ =	sdelay $0x5  }
0x19a: {  	v7 =	vshll.u32 v5, $0x3;
	v8 =	vadd.f32 $1.000000020e-16, v6  }
0x19b: {  	v6 =	vor.u32 $0x1, v7  }
0x19c: {  	(erf) = vrcp.f32 v8;
	_ =	sdelay $0x3  }
.Ltmp2:
0x19d: {  	v7 =	vld.idx.msk [tilespmem:v6+s29+$0x0], $0xffff;
	(pc) =	sbr.rel @p0 .LBB2_7-.Ltmp2, $3  }
0x19e: {  	_ =	sdelay $0x1  }
0x19f: {  	v10 =	vor.u32 s0, v0  }
0x1a0: {  	s0 =	sadd.s32 $0x10, s0;
	v9 =	vshll.u32 v10, $0x4;
	v8 =	vand.u32 v4, v5;
	v5 =	vmov v10  }
0x1a1: {  	_ = 	snop  }
0x1a2: {  	v9 =	vor.u32 $0x1, v9;
	v10 =	vpop (erf)  }
0x1a3: {  	v7 =	vmul.f32 v10, v7;
	_ =	sdelay $0x1  }
0x1a4: {  	[tilespmem:v6+s16+$0x0] =	vst.idx.msk $0xffff, v7  }
0x1a5: {  	[tilespmem:v8+s14+$0x0] =	vst.idx.msk $0xffff, v7  }
0x1a6: {  	v6 =	vld.idx.msk [tilespmem:v9+s20+$0x0], $0xffff;
	_ =	sdelay $0x4  }
0x1a7: {  	v6 =	vadd.f32 $1.000000020e-16, v6  }
0x1a8: {  	v7 =	vshll.u32 v5, $0x3  }
0x1a9: {  	v7 =	vor.u32 $0x1, v7;
	(erf) = vrcp.f32 v6;
	_ =	sdelay $0x4  }
0x1aa: {  	v6 =	vld.idx.msk [tilespmem:v7+s29+$0x0], $0xffff;
	_ =	sdelay $0x2  }
0x1ab: {  	v4 =	vand.u32 v4, v5  }
0x1ac: {  	v5 =	vpop (erf)  }
0x1ad: {  	v5 =	vmul.f32 v5, v6  }
0x1ae: {  	s0 =	sadd.s32 s15, s19;
	s9 =	simm.s32 $0x1  }
0x1af: {  	s15 =	simm.s32 $0x2;
	s0 =	sshrl.u32 s0, $0x3;
	v6 =	vmov s9;
	[tilespmem:v7+s16+$0x0] =	vst.idx.msk $0xffff, v5  }
0x1b0: {  	s4 =	simm.s32 $0x0;
	s22 =	simm.s32 $0x3;
	s0 =	sadd.s32 s11, s0;
	v8 =	vmov s15;
	v7 =	vshll.u32 v6, $0x3;
	[tilespmem:v4+s14+$0x0] =	vst.idx.msk $0xffff, v5  }
0x1b1: {  	v10 =	vmov s22;
	v9 =	vshll.u32 v8, $0x3;
	[hbm4b:s0+s4] =	stream.linear.scatter [tilespmem:s14], [sflag:$0x2], $0x100, $0x38;
	[tilespmem:$0x1C400] =	vst v63  }
0x1b2: {  	v11 =	vshll.u32 v10, $0x3;
	v12 =	vshll.u32 v10, $0x6;
	_ =	swait.ge [sflag:s25], $0x100  }
0x1b3: {  	v14 =	vor.u32 v0, v12;
	v13 =	vshll.u32 v6, $0x6;
	[sflag:s25] =	ssyncset.done $0x0  }
0x1b4: {  	v17 =	vshll.u32 v8, $0x6;
	v15 =	vor.u32 v0, v13;
	[sflag:s25] =	ssyncadd.s32 $0xFFFFFF00  }
0x1b5: {  	v19 =	vor.u32 v0, v17;
	v4 =	vmov s4;
	v23 =	vld.idx.msk [tilespmem:v7+s16+$0x0], $0xffff  }
0x1b6: {  	v5 =	vshll.u32 v4, $0x3;
	v18 =	vshll.u32 v4, $0x6;
	v22 =	vld.idx.msk [tilespmem:v9+s16+$0x0], $0xffff  }
0x1b7: {  	v20 =	vor.u32 v0, v18;
	v21 =	vld.idx.msk [tilespmem:v11+s16+$0x0], $0xffff  }
0x1b8: {  	v14 =	vld.idx.msk [tilespmem:v14+s5+$0x0], $0xffff  }
0x1b9: {  	v32 =	vmul.u32 $0x60, v10;
	v10 =	vld.idx.msk [tilespmem:v15+s5+$0x0], $0xffff  }
0x1ba: {  	v28 =	vmul.u32 $0x60, v6;
	v6 =	vor.u32 $0x1, v11;
	v11 =	vld.idx.msk [tilespmem:v19+s5+$0x0], $0xffff  }
0x1bb: {  	v24 =	vmul.u32 $0x60, v8;
	v16 =	vld.idx.msk [tilespmem:v5+s16+$0x0], $0xffff;
	v5 =	vor.u32 $0x1, v5  }
0x1bc: {  	v9 =	vor.u32 $0x1, v9;
	v15 =	vor.u32 v0, v32;
	v19 =	vld.idx.msk [tilespmem:v20+s5+$0x0], $0xffff;
	v20 =	vmul.u32 $0x60, v4  }
0x1bd: {  	v8 =	vor.u32 $0x10, v0;
	v7 =	vor.u32 $0x1, v7;
	v4 =	vor.u32 v0, v28  }
0x1be: {  	v25 =	vor.u32 v8, v12;
	v30 =	vor.u32 v0, v20  }
0x1bf: {  	v34 =	vor.u32 v8, v18;
	v33 =	vld.idx.msk [tilespmem:v6+s16+$0x0], $0xffff;
	v14 =	vmul.f32 v14, v21  }
0x1c0: {  	v10 =	vmul.f32 v10, v23;
	v27 =	vld.idx.msk [tilespmem:v5+s16+$0x0], $0xffff;
	v5 =	vor.u32 v0, v24  }
0x1c1: {  	v26 =	vor.u32 v8, v13;
	v31 =	vld.idx.msk [tilespmem:v9+s16+$0x0], $0xffff;
	[tilespmem:v15+s24+$0x0] =	vst.idx.msk $0xffff, v14;
	v9 =	vmul.f32 v19, v16  }
0x1c2: {  	s23 =	simm.s32 $0x4;
	s8 =	simm.s32 $0x7;
	v29 =	vld.idx.msk [tilespmem:v7+s16+$0x0], $0xffff;
	v7 =	vor.u32 v8, v17;
	[tilespmem:v4+s24+$0x0] =	vst.idx.msk $0xffff, v10  }
0x1c3: {  	v58 =	vmov s8;
	v6 =	vmul.f32 v11, v22;
	v10 =	vmov s23;
	v4 =	vld.idx.msk [tilespmem:v25+s5+$0x0], $0xffff;
	[tilespmem:v30+s24+$0x0] =	vst.idx.msk $0xffff, v9  }
0x1c4: {  	v48 =	vshll.u32 v58, $0x6;
	v9 =	vshll.u32 v10, $0x3;
	v15 =	vld.idx.msk [tilespmem:v34+s5+$0x0], $0xffff  }
0x1c5: {  	v61 =	vor.u32 v0, v48;
	v11 =	vor.u32 v8, v32;
	[tilespmem:v5+s24+$0x0] =	vst.idx.msk $0xffff, v6;
	v6 =	vor.u32 $0x20, v0  }
0x1c6: {  	s3 =	simm.s32 $0x5;
	v52 =	vor.u32 v8, v20;
	v5 =	vld.idx.msk [tilespmem:v26+s5+$0x0], $0xffff;
	v19 =	vor.u32 v6, v12  }
0x1c7: {  	v53 =	vmov s3;
	v7 =	vld.idx.msk [tilespmem:v7+s5+$0x0], $0xffff;
	v37 =	vor.u32 v6, v18  }
0x1c8: {  	v39 =	vshll.u32 v53, $0x3;
	v14 =	vor.u32 v8, v28;
	v36 =	vmul.f32 v4, v21  }
0x1c9: {  	s4 =	simm.s32 $0x6;
	v25 =	vor.u32 v8, v24;
	v30 =	vor.u32 v6, v13;
	v4 =	vld.idx.msk [tilespmem:v9+s16+$0x0], $0xffff;
	v15 =	vmul.f32 v15, v16  }
0x1ca: {  	v60 =	vshll.u32 v58, $0x3;
	v40 =	vmov s4;
	v35 =	vor.u32 v6, v17;
	[tilespmem:v11+s24+$0x0] =	vst.idx.msk $0xffff, v36;
	v36 =	vld.idx.msk [tilespmem:v61+s5+$0x0], $0xffff  }
0x1cb: {  	s15 =	simm.s32 $0x0;
	s9 =	simm.s32 $0x30;
	v42 =	vshll.u32 v40, $0x3;
	v9 =	vor.u32 $0x1, v9;
	v5 =	vmul.f32 v5, v23;
	v19 =	vld.idx.msk [tilespmem:v19+s5+$0x0], $0xffff;
	[tilespmem:v52+s24+$0x0] =	vst.idx.msk $0xffff, v15  }
0x1cc: {  	s0 =	sand.u32 $0xFFFFFF80, s15;
	s4 =	sand.u32 $0x70, s9;
	v34 =	vshll.u32 v40, $0x6;
	v26 =	vshll.u32 v10, $0x6;
	v7 =	vmul.f32 v7, v22;
	v37 =	vld.idx.msk [tilespmem:v37+s5+$0x0], $0xffff  }
0x1cd: {  	s4 =	sor.u32 s0, s4;
	v55 =	vor.u32 v0, v34;
	v11 =	vor.u32 v0, v26;
	[tilespmem:v14+s24+$0x0] =	vst.idx.msk $0xffff, v5;
	v14 =	vld.idx.msk [tilespmem:v39+s16+$0x0], $0xffff  }
0x1ce: {  	v63 =	vor.u32 s4, v0;
	v38 =	vadd.s32 v6, v28;
	v41 =	vld.idx.msk [tilespmem:v30+s5+$0x0], $0xffff;
	[tilespmem:v25+s24+$0x0] =	vst.idx.msk $0xffff, v7;
	v30 =	vshll.u32 v53, $0x6  }
0x1cf: {  	v43 =	vadd.s32 v6, v32;
	v5 =	vor.u32 $0x30, v0;
	v15 =	vld.idx.msk [tilespmem:v35+s5+$0x0], $0xffff;
	v54 =	vor.u32 v0, v30  }
0x1d0: {  	v44 =	vor.u32 v6, v20;
	v61 =	vor.u32 v8, v34;
	v7 =	vld.idx.msk [tilespmem:v9+s16+$0x0], $0xffff;
	v12 =	vor.u32 v5, v12  }
0x1d1: {  	v25 =	vor.u32 v6, v24;
	v45 =	vor.u32 v5, v13;
	v9 =	vmul.u32 $0x60, v10;
	v13 =	vld.idx.msk [tilespmem:v42+s16+$0x0], $0xffff  }
0x1d2: {  	v52 =	vor.u32 $0x1, v42;
	v17 =	vor.u32 v5, v17;
	v11 =	vld.idx.msk [tilespmem:v11+s5+$0x0], $0xffff;
	v19 =	vmul.f32 v19, v33  }
0x1d3: {  	v18 =	vor.u32 v5, v18;
	v57 =	vor.u32 v0, v9;
	v10 =	vmul.f32 v41, v29;
	v41 =	vld.idx.msk [tilespmem:v55+s5+$0x0], $0xffff  }
0x1d4: {  	v39 =	vor.u32 $0x1, v39;
	[tilespmem:v43+s24+$0x0] =	vst.idx.msk $0xffff, v19;
	v19 =	vmul.u32 $0x60, v53;
	v35 =	vld.idx.msk [tilespmem:v54+s5+$0x0], $0xffff;
	v15 =	vmul.f32 v15, v31  }
0x1d5: {  	s22 =	simm.s32 $0x10;
	v46 =	vadd.s32 v5, v28;
	v56 =	vmul.f32 v37, v27;
	[tilespmem:v38+s24+$0x0] =	vst.idx.msk $0xffff, v10;
	v10 =	vld.idx.msk [tilespmem:v12+s5+$0x0], $0xffff  }
0x1d6: {  	s15 =	sand.u32 $0x50, s22;
	s22 =	simm.s32 $0x0;
	s23 =	simm.s32 $0x20;
	v47 =	vor.u32 v5, v24;
	v59 =	vld.idx.msk [tilespmem:v45+s5+$0x0], $0xffff;
	[tilespmem:v25+s24+$0x0] =	vst.idx.msk $0xffff, v15;
	v25 =	vor.u32 v0, v19  }
0x1d7: {  	s15 =	sor.u32 s0, s15;
	s22 =	sand.u32 $0x40, s22;
	s4 =	sand.u32 $0x60, s23;
	v62 =	vadd.s32 v5, v32;
	[tilespmem:v44+s24+$0x0] =	vst.idx.msk $0xffff, v56;
	v11 =	vmul.f32 v11, v4;
	v17 =	vld.idx.msk [tilespmem:v17+s5+$0x0], $0xffff  }
0x1d8: {  	s4 =	sor.u32 s0, s4;
	s0 =	sor.u32 s22, s0;
	v50 =	vor.u32 v5, v20;
	v53 =	vor.u32 s15, v0;
	v49 =	vld.idx.msk [tilespmem:v18+s5+$0x0], $0xffff;
	v12 =	vmul.u32 $0x60, v40  }
0x1d9: {  	v55 =	vor.u32 s0, v0;
	v54 =	vor.u32 s4, v0;
	[tilespmem:v57+s24+$0x0] =	vst.idx.msk $0xffff, v11;
	v18 =	vmul.f32 v35, v14  }
0x1da: {  	v15 =	vld.idx.msk [tilespmem:v39+s16+$0x0], $0xffff;
	v37 =	vor.u32 v0, v12;
	v51 =	vor.u32 v8, v12;
	v41 =	vmul.f32 v41, v13  }
0x1db: {  	v10 =	vmul.f32 v10, v33;
	[tilespmem:v25+s24+$0x0] =	vst.idx.msk $0xffff, v18;
	v11 =	vmul.f32 v59, v29;
	v25 =	vmul.u32 $0x60, v58  }
0x1dc: {  	v18 =	vld.idx.msk [tilespmem:v60+s16+$0x0], $0xffff;
	v58 =	vor.u32 v8, v30;
	v59 =	vor.u32 v8, v48;
	v17 =	vmul.f32 v17, v31  }
0x1dd: {  	[tilespmem:v62+s24+$0x0] =	vst.idx.msk $0xffff, v10;
	v62 =	vmul.f32 v49, v27;
	v10 =	vor.u32 $0x40, v0;
	v49 =	vor.u32 v6, v26  }
0x1de: {  	[tilespmem:v46+s24+$0x0] =	vst.idx.msk $0xffff, v11;
	v40 =	vld.idx.msk [tilespmem:v63+s30+$0x0], $0xffff;
	v63 =	vor.u32 $0x1, v60;
	v56 =	vor.u32 v0, v25;
	v11 =	vor.u32 $0x50, v0  }
0x1df: {  	v57 =	vor.u32 v10, v32;
	v60 =	vor.u32 v8, v26;
	[tilespmem:v47+s24+$0x0] =	vst.idx.msk $0xffff, v17;
	v17 =	vld.idx.msk [tilespmem:v52+s16+$0x0], $0xffff  }
0x1e0: {  	s22 =	simm.s32 $0x8;
	v46 =	vor.u32 v6, v30;
	v30 =	vor.u32 v5, v30;
	[tilespmem:v50+s24+$0x0] =	vst.idx.msk $0xffff, v62;
	v39 =	vld.idx.msk [tilespmem:v53+s30+$0x0], $0xffff  }
0x1e1: {  	v32 =	vor.u32 v11, v32;
	v50 =	vor.u32 v8, v19;
	[tilespmem:v37+s24+$0x0] =	vst.idx.msk $0xffff, v41;
	v53 =	vmov s22;
	v42 =	vld.idx.msk [tilespmem:v54+s30+$0x0], $0xffff  }
0x1e2: {  	v37 =	vor.u32 v8, v9;
	v45 =	vadd.s32 v11, v24;
	v43 =	vld.idx.msk [tilespmem:v55+s30+$0x0], $0xffff;
	v36 =	vmul.f32 v36, v18  }
0x1e3: {  	v35 =	vor.u32 v11, v20;
	v62 =	vshll.u32 v53, $0x3;
	v41 =	vld.idx.msk [tilespmem:v61+s5+$0x0], $0xffff;
	v54 =	vor.u32 v6, v12  }
0x1e4: {  	v52 =	vmul.f32 v40, v21;
	v21 =	vld.idx.msk [tilespmem:v63+s16+$0x0], $0xffff;
	v33 =	vmul.f32 v40, v33;
	[tilespmem:v56+s24+$0x0] =	vst.idx.msk $0xffff, v36  }
0x1e5: {  	v63 =	vadd.s32 v10, v28;
	v28 =	vadd.s32 v11, v28;
	v40 =	vadd.s32 v10, v24;
	v24 =	vld.idx.msk [tilespmem:v60+s5+$0x0], $0xffff  }
0x1e6: {  	v60 =	vor.u32 v6, v34;
	v56 =	vor.u32 v6, v9;
	[tilespmem:v57+s24+$0x0] =	vst.idx.msk $0xffff, v52;
	v57 =	vld.idx.msk [tilespmem:v59+s5+$0x0], $0xffff  }
0x1e7: {  	v36 =	vor.u32 v5, v12;
	v23 =	vmul.f32 v39, v23;
	v39 =	vmul.f32 v39, v29;
	v29 =	vld.idx.msk [tilespmem:v58+s5+$0x0], $0xffff  }
0x1e8: {  	v58 =	vor.u32 v8, v25;
	v44 =	vmul.f32 v42, v31;
	v61 =	vmul.f32 v41, v13  }
0x1e9: {  	v31 =	vmul.f32 v43, v27;
	v59 =	vor.u32 v6, v48;
	[tilespmem:v32+s24+$0x0] =	vst.idx.msk $0xffff, v33  }
0x1ea: {  	v32 =	vmul.f32 v43, v16;
	[tilespmem:v51+s24+$0x0] =	vst.idx.msk $0xffff, v61;
	v24 =	vmul.f32 v24, v4  }
0x1eb: {  	s3 =	simm.s32 $0x9;
	v27 =	vshll.u32 v53, $0x6;
	[tilespmem:v63+s24+$0x0] =	vst.idx.msk $0xffff, v23;
	v23 =	vor.u32 $0x1, v62;
	v47 =	vld.idx.msk [tilespmem:v60+s5+$0x0], $0xffff;
	v38 =	vmul.f32 v57, v18  }
0x1ec: {  	v55 =	vmov s3;
	v16 =	vld.idx.msk [tilespmem:v62+s16+$0x0], $0xffff;
	v62 =	vor.u32 v0, v27;
	v29 =	vmul.f32 v29, v14;
	[tilespmem:v37+s24+$0x0] =	vst.idx.msk $0xffff, v24  }
0x1ed: {  	v22 =	vmul.f32 v42, v22;
	v57 =	vshll.u32 v55, $0x3;
	v49 =	vld.idx.msk [tilespmem:v49+s5+$0x0], $0xffff;
	[tilespmem:v58+s24+$0x0] =	vst.idx.msk $0xffff, v38  }
0x1ee: {  	s4 =	simm.s32 $0xA;
	v61 =	vor.u32 v5, v34;
	[tilespmem:v50+s24+$0x0] =	vst.idx.msk $0xffff, v29;
	v29 =	vshll.u32 v55, $0x6;
	v63 =	vld.idx.msk [tilespmem:v59+s5+$0x0], $0xffff  }
0x1ef: {  	v33 =	vor.u32 v10, v20;
	v38 =	vmov s4;
	v46 =	vld.idx.msk [tilespmem:v46+s5+$0x0], $0xffff;
	v60 =	vor.u32 v0, v29  }
0x1f0: {  	v58 =	vadd.s32 v6, v25;
	v41 =	vshll.u32 v38, $0x3;
	v20 =	vld.idx.msk [tilespmem:v23+s16+$0x0], $0xffff;
	v47 =	vmul.f32 v47, v17  }
0x1f1: {  	v52 =	vadd.s32 v6, v19;
	[tilespmem:v40+s24+$0x0] =	vst.idx.msk $0xffff, v22;
	v59 =	vor.u32 v5, v48;
	v43 =	vld.idx.msk [tilespmem:v62+s5+$0x0], $0xffff  }
0x1f2: {  	v42 =	vor.u32 v5, v26;
	v34 =	vor.u32 v5, v9;
	v24 =	vld.idx.msk [tilespmem:v57+s16+$0x0], $0xffff;
	[tilespmem:v54+s24+$0x0] =	vst.idx.msk $0xffff, v47  }
0x1f3: {  	v22 =	vmul.u32 $0x60, v53;
	[tilespmem:v28+s24+$0x0] =	vst.idx.msk $0xffff, v39;
	v28 =	vshll.u32 v38, $0x6;
	v47 =	vld.idx.msk [tilespmem:v61+s5+$0x0], $0xffff;
	v26 =	vmul.f32 v63, v21  }
0x1f4: {  	[tilespmem:v45+s24+$0x0] =	vst.idx.msk $0xffff, v44;
	v50 =	vor.u32 v0, v28;
	v62 =	vmul.f32 v46, v15;
	v48 =	vld.idx.msk [tilespmem:v60+s5+$0x0], $0xffff  }
0x1f5: {  	s8 =	simm.s32 $0xB;
	v23 =	vld.idx.msk [tilespmem:v41+s16+$0x0], $0xffff;
	v63 =	vmul.f32 v49, v7;
	v49 =	vor.u32 $0x1, v57;
	[tilespmem:v58+s24+$0x0] =	vst.idx.msk $0xffff, v26;
	v26 =	vmul.u32 $0x60, v55  }
0x1f6: {  	s9 =	simm.s32 $0x40;
	s23 =	simm.s32 $0x70;
	v40 =	vmov s8;
	v37 =	vadd.s32 v5, v19;
	v46 =	vor.u32 v0, v22;
	[tilespmem:v52+s24+$0x0] =	vst.idx.msk $0xffff, v62;
	v44 =	vld.idx.msk [tilespmem:v59+s5+$0x0], $0xffff  }
0x1f7: {  	s15 =	simm.s32 $0xC;
	s0 =	sand.u32 $0xFFFFFF80, s9;
	v51 =	vshll.u32 v40, $0x3;
	s4 =	sand.u32 $0x70, s23;
	v45 =	vld.idx.msk [tilespmem:v30+s5+$0x0], $0xffff;
	v30 =	vshll.u32 v40, $0x6;
	[tilespmem:v56+s24+$0x0] =	vst.idx.msk $0xffff, v63;
	v52 =	vor.u32 v0, v26  }
.LBB2_9:
0x1f8: {  	p0 =	slt.u32 s15, $0xFC;
	v39 =	vor.u32 v0, v30;
	v42 =	vld.idx.msk [tilespmem:v42+s5+$0x0], $0xffff;
	s3 =	sadd.s32 $0xFFFFFFD0, s23;
	v53 =	vadd.s32 v5, v25;
	s4 =	sor.u32 s0, s4;
	[tilespmem:v33+s24+$0x0] =	vst.idx.msk $0xffff, v32  }
0x1f9: {  	v32 =	vmul.f32 v43, v16;
	v38 =	vmul.u32 $0x60, v38;
	s8 =	sadd.s32 $0xFFFFFFE0, s23;
	s9 =	sadd.s32 $0xFFFFFFF0, s23;
	v33 =	vld.idx.msk [tilespmem:v50+s5+$0x0], $0xffff;
	s3 =	sand.u32 $0x40, s3;
	v43 =	vor.u32 s4, v0;
	[tilespmem:v35+s24+$0x0] =	vst.idx.msk $0xffff, v31  }
0x1fa: {  	v41 =	vor.u32 $0x1, v41;
	v31 =	vmul.f32 v48, v24;
	s4 =	sand.u32 $0x50, s8;
	s8 =	sand.u32 $0x60, s9;
	v35 =	vld.idx.msk [tilespmem:v49+s16+$0x0], $0xffff;
	s3 =	sor.u32 s3, s0  }
0x1fb: {  	v44 =	vmul.f32 v44, v21;
	[tilespmem:v46+s24+$0x0] =	vst.idx.msk $0xffff, v32;
	v32 =	vor.u32 v0, v38;
	v46 =	vor.u32 s3, v0;
	s3 =	sor.u32 s0, s4;
	s0 =	sor.u32 s0, s8  }
0x1fc: {  	v45 =	vmul.f32 v45, v15;
	[tilespmem:v52+s24+$0x0] =	vst.idx.msk $0xffff, v31;
	v31 =	vld.idx.msk [tilespmem:v51+s16+$0x0], $0xffff;
	v48 =	vor.u32 s3, v0;
	v49 =	vor.u32 s0, v0  }
0x1fd: {  	v47 =	vmul.f32 v47, v17;
	v39 =	vld.idx.msk [tilespmem:v39+s5+$0x0], $0xffff;
	[tilespmem:v53+s24+$0x0] =	vst.idx.msk $0xffff, v44  }
0x1fe: {  	v40 =	vmul.u32 $0x60, v40;
	v42 =	vmul.f32 v42, v7;
	[tilespmem:v37+s24+$0x0] =	vst.idx.msk $0xffff, v45;
	v37 =	vld.idx.msk [tilespmem:v43+s30+$0x0], $0xffff  }
0x1ff: {  	v33 =	vmul.f32 v33, v23;
	[tilespmem:v36+s24+$0x0] =	vst.idx.msk $0xffff, v47  }
0x200: {  	v43 =	vor.u32 v0, v40;
	v36 =	vld.idx.msk [tilespmem:v41+s16+$0x0], $0xffff;
	v41 =	vor.u32 $0x1, v51;
	[tilespmem:v34+s24+$0x0] =	vst.idx.msk $0xffff, v42  }
0x201: {  	[tilespmem:v32+s24+$0x0] =	vst.idx.msk $0xffff, v33;
	v32 =	vld.idx.msk [tilespmem:v48+s30+$0x0], $0xffff;
	v33 =	vor.u32 v10, v25  }
0x202: {  	v34 =	vor.u32 v8, v29;
	v42 =	vor.u32 v8, v30;
	v25 =	vor.u32 v11, v25;
	v44 =	vld.idx.msk [tilespmem:v49+s30+$0x0], $0xffff  }
0x203: {  	v45 =	vor.u32 v8, v27;
	v47 =	vor.u32 v8, v28;
	v39 =	vmul.f32 v39, v31;
	v46 =	vld.idx.msk [tilespmem:v46+s30+$0x0], $0xffff  }
0x204: {  	v48 =	vor.u32 v8, v26;
	v49 =	vor.u32 v8, v38;
	v50 =	vmul.f32 v37, v18;
	v18 =	vmovc v31  }
0x205: {  	v52 =	vor.u32 v8, v22;
	v51 =	vmov s15;
	v31 =	vmul.f32 v37, v21;
	[tilespmem:v43+s24+$0x0] =	vst.idx.msk $0xffff, v39;
	v21 =	vld.idx.msk [tilespmem:v41+s16+$0x0], $0xffff  }
0x206: {  	v37 =	vshll.u32 v51, $0x3;
	v39 =	vadd.s32 v10, v19;
	v43 =	vadd.s32 v11, v19;
	[tilespmem:v33+s24+$0x0] =	vst.idx.msk $0xffff, v50  }
0x207: {  	v14 =	vmul.f32 v32, v14;
	v19 =	vld.idx.msk [tilespmem:v42+s5+$0x0], $0xffff;
	v42 =	vmul.f32 v32, v15;
	[tilespmem:v25+s24+$0x0] =	vst.idx.msk $0xffff, v31  }
0x208: {  	v53 =	vadd.s32 v10, v12;
	v50 =	vmul.f32 v44, v13;
	v44 =	vmul.f32 v44, v17;
	v34 =	vld.idx.msk [tilespmem:v34+s5+$0x0], $0xffff  }
0x209: {  	v32 =	vmul.f32 v46, v4;
	v31 =	vmul.f32 v46, v7;
	v46 =	vadd.s32 v11, v12;
	v13 =	vld.idx.msk [tilespmem:v47+s5+$0x0], $0xffff  }
0x20a: {  	v33 =	vor.u32 v10, v9;
	v12 =	vmov v38;
	v41 =	vld.idx.msk [tilespmem:v45+s5+$0x0], $0xffff;
	v45 =	vor.u32 v8, v40  }
0x20b: {  	v54 =	vor.u32 v6, v28;
	v15 =	vmovc v35;
	v38 =	vor.u32 v6, v30;
	v47 =	vor.u32 v6, v29  }
0x20c: {  	v55 =	vor.u32 v6, v27;
	v56 =	vadd.s32 v6, v26;
	v25 =	vmovc v40;
	v57 =	vor.u32 v6, v12  }
0x20d: {  	v58 =	vor.u32 v6, v22;
	v35 =	vor.u32 v11, v9;
	v17 =	vmovc v36;
	v19 =	vmul.f32 v19, v18  }
0x20e: {  	v4 =	vmovc v16;
	v7 =	vmov v20;
	v1 =	vmul.f32 v34, v24;
	[tilespmem:v39+s24+$0x0] =	vst.idx.msk $0xffff, v14;
	v14 =	vmov v24  }
0x20f: {  	s0 =	sadd.s32 $0x1, s15;
	v20 =	vor.u32 $0x1, v37;
	v39 =	vshll.u32 v51, $0x6;
	v3 =	vmul.f32 v13, v23;
	v16 =	vld.idx.msk [tilespmem:v37+s16+$0x0], $0xffff;
	[tilespmem:v45+s24+$0x0] =	vst.idx.msk $0xffff, v19  }
0x210: {  	v40 =	vmov s0;
	s0 =	sadd.s32 $0x2, s15;
	v24 =	vor.u32 v0, v39;
	v34 =	vmul.f32 v41, v4;
	[tilespmem:v48+s24+$0x0] =	vst.idx.msk $0xffff, v1;
	v45 =	vld.idx.msk [tilespmem:v38+s5+$0x0], $0xffff  }
0x211: {  	v9 =	vmovc v22;
	v59 =	vshll.u32 v40, $0x3;
	v60 =	vshll.u32 v40, $0x6;
	v13 =	vmovc v23;
	v38 =	vmov s0;
	v47 =	vld.idx.msk [tilespmem:v47+s5+$0x0], $0xffff;
	[tilespmem:v49+s24+$0x0] =	vst.idx.msk $0xffff, v3  }
0x212: {  	v48 =	vor.u32 v0, v60;
	v19 =	vmov v26;
	v41 =	vshll.u32 v38, $0x3;
	[tilespmem:v52+s24+$0x0] =	vst.idx.msk $0xffff, v34;
	v49 =	vld.idx.msk [tilespmem:v54+s5+$0x0], $0xffff  }
0x213: {  	v26 =	vadd.s32 v6, v25;
	v52 =	vld.idx.msk [tilespmem:v55+s5+$0x0], $0xffff;
	[tilespmem:v43+s24+$0x0] =	vst.idx.msk $0xffff, v42  }
0x214: {  	v30 =	vor.u32 v5, v30;
	v29 =	vor.u32 v5, v29;
	v54 =	vor.u32 v5, v28;
	v20 =	vld.idx.msk [tilespmem:v20+s16+$0x0], $0xffff  }
0x215: {  	v36 =	vor.u32 v5, v12;
	v37 =	vadd.s32 v5, v19;
	v42 =	vor.u32 v5, v27;
	v43 =	vld.idx.msk [tilespmem:v24+s5+$0x0], $0xffff  }
0x216: {  	v34 =	vor.u32 v5, v9;
	v27 =	vmul.f32 v45, v21;
	v24 =	vld.idx.msk [tilespmem:v59+s16+$0x0], $0xffff;
	[tilespmem:v53+s24+$0x0] =	vst.idx.msk $0xffff, v50  }
.Ltmp3:
0x217: {  	v22 =	vmul.u32 $0x60, v51;
	v28 =	vshll.u32 v38, $0x6;
	v45 =	vmul.f32 v47, v15;
	v23 =	vld.idx.msk [tilespmem:v41+s16+$0x0], $0xffff;
	[tilespmem:v46+s24+$0x0] =	vst.idx.msk $0xffff, v44;
	(pc) =	sbr.rel @p0 .LBB2_9-.Ltmp3, $4  }
0x218: {  	v50 =	vor.u32 v0, v28;
	v47 =	vmul.f32 v49, v17;
	v48 =	vld.idx.msk [tilespmem:v48+s5+$0x0], $0xffff;
	[tilespmem:v26+s24+$0x0] =	vst.idx.msk $0xffff, v27  }
0x219: {  	s0 =	sadd.s32 $0x3, s15;
	v49 =	vor.u32 $0x1, v59;
	v26 =	vmul.u32 $0x60, v40;
	v53 =	vmul.f32 v52, v7;
	[tilespmem:v56+s24+$0x0] =	vst.idx.msk $0xffff, v45;
	v44 =	vld.idx.msk [tilespmem:v30+s5+$0x0], $0xffff  }
0x21a: {  	s23 =	sadd.s32 $0x40, s23;
	v46 =	vor.u32 v0, v22;
	v40 =	vmov s0;
	s0 =	sshll.u32 s22, $0x4;
	s22 =	smov.u32 s15;
	v27 =	vmovc v39;
	v45 =	vld.idx.msk [tilespmem:v29+s5+$0x0], $0xffff;
	[tilespmem:v57+s24+$0x0] =	vst.idx.msk $0xffff, v47;
	v29 =	vmov v60  }
0x21b: {  	s4 =	sand.u32 $0x70, s23;
	s15 =	sadd.s32 $0x4, s15;
	v51 =	vshll.u32 v40, $0x3;
	v30 =	vshll.u32 v40, $0x6;
	s0 =	sand.u32 $0xFFFFFF80, s0;
	v52 =	vor.u32 v0, v26;
	[tilespmem:v58+s24+$0x0] =	vst.idx.msk $0xffff, v53;
	v47 =	vld.idx.msk [tilespmem:v54+s5+$0x0], $0xffff  }
0x21c: {  	v53 =	vor.u32 v0, v30;
	_ =	sdelay $0x3  }
0x21d: {  	v39 =	vld.idx.msk [tilespmem:v51+s16+$0x0], $0xffff  }
0x21e: {  	v40 =	vmul.u32 $0x60, v40;
	v53 =	vld.idx.msk [tilespmem:v53+s5+$0x0], $0xffff;
	_ =	sdelay $0x1  }
0x21f: {  	v62 =	vor.u32 $0x1, v51;
	v54 =	vor.u32 v0, v40  }
0x220: {  	v55 =	vor.u32 v8, v30  }
0x221: {  	v50 =	vld.idx.msk [tilespmem:v50+s5+$0x0], $0xffff;
	v38 =	vmul.u32 $0x60, v38;
	v56 =	vor.u32 $0x1, v41;
	v57 =	vor.u32 v8, v29;
	[tilespmem:v33+s24+$0x0] =	vst.idx.msk $0xffff, v32  }
0x222: {  	v59 =	vor.u32 v8, v28;
	v60 =	vadd.s32 v5, v25;
	v53 =	vmul.f32 v53, v39  }
0x223: {  	v32 =	vld.idx.msk [tilespmem:v49+s16+$0x0], $0xffff;
	v63 =	vmul.f32 v48, v24;
	[tilespmem:v35+s24+$0x0] =	vst.idx.msk $0xffff, v31;
	v58 =	vor.u32 v0, v38  }
0x224: {  	s3 =	sor.u32 s0, s4;
	v43 =	vmul.f32 v43, v16;
	v51 =	vor.u32 v6, v22;
	v41 =	vld.idx.msk [tilespmem:v62+s16+$0x0], $0xffff;
	[tilespmem:v54+s24+$0x0] =	vst.idx.msk $0xffff, v53  }
0x225: {  	s9 =	sadd.s32 $0xFFFFFFE0, s23;
	v31 =	vor.u32 s3, v0;
	v48 =	vor.u32 v6, v30;
	[tilespmem:v52+s24+$0x0] =	vst.idx.msk $0xffff, v63;
	v61 =	vld.idx.msk [tilespmem:v55+s5+$0x0], $0xffff  }
0x226: {  	s15 =	sand.u32 $0x50, s9;
	v30 =	vor.u32 v5, v30;
	v50 =	vmul.f32 v50, v23;
	v62 =	vor.u32 v8, v27;
	v35 =	vld.idx.msk [tilespmem:v57+s5+$0x0], $0xffff  }
0x227: {  	v42 =	vld.idx.msk [tilespmem:v42+s5+$0x0], $0xffff;
	s4 =	sadd.s32 $0xFFFFFFF0, s23;
	v44 =	vmul.f32 v44, v21;
	[tilespmem:v46+s24+$0x0] =	vst.idx.msk $0xffff, v43;
	s3 =	sor.u32 s0, s15;
	v63 =	vor.u32 v8, v40  }
0x228: {  	v49 =	vor.u32 s3, v0;
	s3 =	sand.u32 $0x60, s4;
	v33 =	vld.idx.msk [tilespmem:v56+s16+$0x0], $0xffff;
	v56 =	vor.u32 v8, v26;
	[tilespmem:v58+s24+$0x0] =	vst.idx.msk $0xffff, v50  }
0x229: {  	s3 =	sor.u32 s0, s3;
	[tilespmem:v60+s24+$0x0] =	vst.idx.msk $0xffff, v44;
	v58 =	vor.u32 v6, v29;
	v57 =	vld.idx.msk [tilespmem:v59+s5+$0x0], $0xffff;
	v55 =	vmul.f32 v45, v15  }
0x22a: {  	v47 =	vmul.f32 v47, v17;
	v31 =	vld.idx.msk [tilespmem:v31+s30+$0x0], $0xffff;
	v53 =	vor.u32 s3, v0;
	v59 =	vmul.f32 v61, v39  }
0x22b: {  	v60 =	vor.u32 v8, v38;
	v35 =	vmul.f32 v35, v24;
	[tilespmem:v37+s24+$0x0] =	vst.idx.msk $0xffff, v55;
	v61 =	vld.idx.msk [tilespmem:v62+s5+$0x0], $0xffff  }
0x22c: {  	v55 =	vor.u32 v10, v25;
	v62 =	vor.u32 v6, v28;
	[tilespmem:v63+s24+$0x0] =	vst.idx.msk $0xffff, v59  }
0x22d: {  	s8 =	sadd.s32 $0xFFFFFFD0, s23;
	v42 =	vmul.f32 v42, v7;
	[tilespmem:v56+s24+$0x0] =	vst.idx.msk $0xffff, v35;
	v63 =	vor.u32 v8, v22;
	v52 =	vld.idx.msk [tilespmem:v48+s5+$0x0], $0xffff  }
0x22e: {  	s4 =	sand.u32 $0x40, s8;
	[tilespmem:v36+s24+$0x0] =	vst.idx.msk $0xffff, v47;
	v54 =	vor.u32 v6, v27;
	v46 =	vmul.f32 v57, v23;
	v35 =	vld.idx.msk [tilespmem:v58+s5+$0x0], $0xffff  }
0x22f: {  	s9 =	sor.u32 s4, s0;
	[tilespmem:v34+s24+$0x0] =	vst.idx.msk $0xffff, v42;
	v18 =	vmul.f32 v31, v18;
	v56 =	vadd.s32 v6, v40;
	v47 =	vld.idx.msk [tilespmem:v53+s30+$0x0], $0xffff  }
0x230: {  	v57 =	vor.u32 s9, v0;
	[tilespmem:v60+s24+$0x0] =	vst.idx.msk $0xffff, v46;
	v59 =	vadd.s32 v6, v26;
	v43 =	vmul.f32 v61, v16  }
0x231: {  	[tilespmem:v55+s24+$0x0] =	vst.idx.msk $0xffff, v18;
	v55 =	vadd.s32 v10, v12;
	v60 =	vld.idx.msk [tilespmem:v62+s5+$0x0], $0xffff;
	v62 =	vor.u32 v5, v29  }
0x232: {  	v58 =	vor.u32 v11, v25;
	v61 =	vld.idx.msk [tilespmem:v49+s30+$0x0], $0xffff;
	[tilespmem:v63+s24+$0x0] =	vst.idx.msk $0xffff, v43;
	v29 =	vmul.f32 v52, v41  }
0x233: {  	v53 =	vor.u32 v5, v27;
	v35 =	vmul.f32 v35, v32;
	v49 =	vor.u32 v6, v38;
	v43 =	vld.idx.msk [tilespmem:v54+s5+$0x0], $0xffff  }
0x234: {  	v28 =	vor.u32 v5, v28;
	v13 =	vmul.f32 v47, v13;
	[tilespmem:v56+s24+$0x0] =	vst.idx.msk $0xffff, v29  }
0x235: {  	s15 =	sshll.u32 s22, $0x4;
	s22 =	sadd.s32 $0x40, s23;
	v63 =	vmul.f32 v31, v21;
	v31 =	vadd.s32 v10, v19;
	[tilespmem:v59+s24+$0x0] =	vst.idx.msk $0xffff, v35;
	v52 =	vld.idx.msk [tilespmem:v30+s5+$0x0], $0xffff  }
0x236: {  	s23 =	sand.u32 $0x70, s22;
	s8 =	sadd.s32 $0xFFFFFFE0, s22;
	s0 =	sand.u32 $0xFFFFFF80, s15;
	v59 =	vadd.s32 v11, v12;
	[tilespmem:v55+s24+$0x0] =	vst.idx.msk $0xffff, v13;
	v8 =	vld.idx.msk [tilespmem:v62+s5+$0x0], $0xffff;
	v30 =	vmul.f32 v60, v33  }
0x237: {  	s8 =	sand.u32 $0x50, s8;
	s4 =	sor.u32 s0, s23;
	v54 =	vadd.s32 v5, v40;
	[tilespmem:v58+s24+$0x0] =	vst.idx.msk $0xffff, v63;
	v58 =	vadd.s32 v5, v26  }
0x238: {  	v29 =	vld.idx.msk [tilespmem:v57+s30+$0x0], $0xffff;
	v56 =	vmul.f32 v43, v20;
	[tilespmem:v49+s24+$0x0] =	vst.idx.msk $0xffff, v30;
	v30 =	vor.u32 s4, v0;
	s4 =	sor.u32 s0, s8  }
0x239: {  	s9 =	sadd.s32 $0xFFFFFFF0, s22;
	v14 =	vmul.f32 v61, v14;
	v57 =	vmul.f32 v61, v15;
	v28 =	vld.idx.msk [tilespmem:v28+s5+$0x0], $0xffff;
	v61 =	vor.u32 s4, v0  }
0x23a: {  	v50 =	vadd.s32 v11, v19;
	s8 =	sand.u32 $0x60, s9;
	[tilespmem:v51+s24+$0x0] =	vst.idx.msk $0xffff, v56;
	v60 =	vmul.f32 v52, v41  }
0x23b: {  	s3 =	sadd.s32 $0xFFFFFFD0, s22;
	v62 =	vor.u32 v5, v38;
	[tilespmem:v31+s24+$0x0] =	vst.idx.msk $0xffff, v14;
	s15 =	sor.u32 s0, s8;
	v8 =	vmul.f32 v8, v32;
	v63 =	vld.idx.msk [tilespmem:v53+s5+$0x0], $0xffff  }
0x23c: {  	v34 =	vor.u32 v10, v9;
	s3 =	sand.u32 $0x40, s3;
	v35 =	vmul.f32 v47, v17;
	v31 =	vor.u32 s15, v0;
	[tilespmem:v54+s24+$0x0] =	vst.idx.msk $0xffff, v60  }
0x23d: {  	v36 =	vor.u32 v5, v22;
	v42 =	vor.u32 v11, v9;
	s0 =	sor.u32 s3, s0;
	[tilespmem:v58+s24+$0x0] =	vst.idx.msk $0xffff, v8;
	v37 =	vld.idx.msk [tilespmem:v30+s30+$0x0], $0xffff  }
0x23e: {  	[tilespmem:v59+s24+$0x0] =	vst.idx.msk $0xffff, v35;
	v43 =	vor.u32 s0, v0;
	v44 =	vmul.f32 v28, v33;
	v45 =	vld.idx.msk [tilespmem:v61+s30+$0x0], $0xffff  }
0x23f: {  	v46 =	vor.u32 v10, v40;
	[tilespmem:v50+s24+$0x0] =	vst.idx.msk $0xffff, v57;
	v4 =	vmul.f32 v29, v4  }
0x240: {  	v51 =	vadd.s32 v10, v26;
	v47 =	vmul.f32 v63, v20;
	[tilespmem:v62+s24+$0x0] =	vst.idx.msk $0xffff, v44  }
0x241: {  	v48 =	vor.u32 v11, v40;
	v49 =	vmul.f32 v29, v7;
	[tilespmem:v34+s24+$0x0] =	vst.idx.msk $0xffff, v4;
	v50 =	vld.idx.msk [tilespmem:v31+s30+$0x0], $0xffff  }
0x242: {  	v53 =	vadd.s32 v11, v26;
	[tilespmem:v36+s24+$0x0] =	vst.idx.msk $0xffff, v47;
	v52 =	vmul.f32 v37, v39  }
0x243: {  	v56 =	vadd.s32 v10, v38;
	[tilespmem:v42+s24+$0x0] =	vst.idx.msk $0xffff, v49;
	v54 =	vld.idx.msk [tilespmem:v43+s30+$0x0], $0xffff;
	v57 =	vmul.f32 v45, v24  }
0x244: {  	v58 =	vadd.s32 v11, v38;
	v55 =	vmul.f32 v37, v41;
	[tilespmem:v46+s24+$0x0] =	vst.idx.msk $0xffff, v52  }
0x245: {  	v59 =	vor.u32 v10, v22;
	v6 =	vmul.f32 v45, v32;
	[tilespmem:v51+s24+$0x0] =	vst.idx.msk $0xffff, v57  }
0x246: {  	v61 =	vor.u32 v11, v22;
	[tilespmem:v48+s24+$0x0] =	vst.idx.msk $0xffff, v55;
	v60 =	vmul.f32 v50, v23  }
0x247: {  	v4 =	vmul.f32 v50, v33;
	[tilespmem:v53+s24+$0x0] =	vst.idx.msk $0xffff, v6  }
0x248: {  	v62 =	vmul.f32 v54, v16;
	[tilespmem:v56+s24+$0x0] =	vst.idx.msk $0xffff, v60  }
0x249: {  	v63 =	vmul.f32 v54, v20;
	[tilespmem:v58+s24+$0x0] =	vst.idx.msk $0xffff, v4  }
0x24a: {  	[tilespmem:v59+s24+$0x0] =	vst.idx.msk $0xffff, v62  }
0x24b: {  	s22 =	rddreg [dreg:$0x3];
	s8 =	simm.s32 $0x0;
	[tilespmem:v61+s24+$0x0] =	vst.idx.msk $0xffff, v63  }
0x24c: {  	[spmem:s22] =	stream.indirect.scatter.add.f32 [tilespmem:s24], [sflag:$0x2], $0x60, s8, s1, $0xb8;
	[tilespmem:$0x1C400] =	vst v63  }
0x24d: {  	_ =	swait.ge [sflag:s25], $0x3000  }
0x24e: {  	[sflag:s25] =	ssyncset.done $0x0  }
0x24f: {  	s23 =	simm.s32 $0x8300;
	[sflag:s25] =	ssyncadd.s32 $0xFFFFD000  }
0x250: {  	[spmem:s22] =	stream.indirect.scatter.add.f32 [tilespmem:s23], [sflag:$0x2], $0x60, s1, s1, $0xb8;
	[tilespmem:$0x1C400] =	vst v63  }
0x251: {  	_ =	swait.ge [sflag:s25], $0x3000  }
0x252: {  	v37 =	vld [tilespmem:$0x1FC30]  }
0x253: {  	v39 =	vld [tilespmem:$0x1FC40]  }
0x254: {  	v40 =	vld [tilespmem:$0x1FC50]  }
0x255: {  	v41 =	vld [tilespmem:$0x1FC60]  }
0x256: {  	v42 =	vld [tilespmem:$0x1FC70]  }
0x257: {  	v43 =	vld [tilespmem:$0x1FC80]  }
0x258: {  	s21 =	sadd.s32 $0x1, s21;
	v44 =	vld [tilespmem:$0x1FC90]  }
0x259: {  	p0 =	sne.s32 s21, $0x50;
	v45 =	vld [tilespmem:$0x1FCA0]  }
.Ltmp4:
0x25a: {  	v31 =	vld [tilespmem:$0x1FCB0];
	(pc) =	sbr.rel @p0 .LBB2_4-.Ltmp4, $4  }
0x25b: {  	v35 =	vld [tilespmem:$0x1FCC0]  }
0x25c: {  	v61 =	vld [tilespmem:$0x1FCD0]  }
0x25d: {  	[sflag:s25] =	ssyncset.done $0x0;
	v62 =	vld [tilespmem:$0x1FCE0]  }
0x25e: {  	v32 =	vld [tilespmem:$0x1FCF0];
	[sflag:s25] =	ssyncadd.s32 $0xFFFFD000  }
0x25f: {  	[bflag:$0x0] =	sbarrier.arrive $0xFFFF  }
0x260: {  	s3 =	rddreg [dreg:$0x7]  }
0x261: {  	[tilespmem:s24], [sflag:$0x2] =	stream.linear.gather [spmem:s3], $0x6000, $0x38;
	[tilespmem:$0x1C400] =	vst v63  }
0x262: {  	_ =	swait.ge [sflag:s25], $0x6000  }
0x263: {  	[sflag:s25] =	ssyncset.done $0x0  }
0x264: {  	s0 =	rddreg [dreg:$0xa];
	[sflag:s25] =	ssyncadd.s32 $0xFFFFA000  }
0x265: {  	[hbm4b:s0+s8] =	stream.linear.scatter [tilespmem:s24], [sflag:$0x2], $0x6000, $0x38;
	[tilespmem:$0x1C400] =	vst v63  }
0x266: {  	_ =	swait.ge [sflag:s25], $0x6000  }
0x267: {  	[sflag:s25] =	ssyncset.done $0x0  }
0x268: {  	s9 =	rddreg [dreg:$0x8];
	[sflag:s25] =	ssyncadd.s32 $0xFFFFA000  }
0x269: {  	[tilespmem:s24], [sflag:$0x2] =	stream.linear.gather [spmem:s9], $0x6000, $0x38;
	[tilespmem:$0x1C400] =	vst v63  }
0x26a: {  	_ =	swait.ge [sflag:s25], $0x6000  }
0x26b: {  	[sflag:s25] =	ssyncset.done $0x0  }
0x26c: {  	s21 =	rddreg [dreg:$0xb];
	[sflag:s25] =	ssyncadd.s32 $0xFFFFA000  }
0x26d: {  	[hbm4b:s21+s8] =	stream.linear.scatter [tilespmem:s24], [sflag:$0x2], $0x6000, $0x38;
	[tilespmem:$0x1C400] =	vst v63  }
0x26e: {  	_ =	swait.ge [sflag:s25], $0x6000  }
0x26f: {  	[sflag:s25] =	ssyncset.done $0x0  }
0x270: {  	s15 =	rddreg [dreg:$0x9];
	[sflag:s25] =	ssyncadd.s32 $0xFFFFA000  }
0x271: {  	[tilespmem:s24], [sflag:$0x2] =	stream.linear.gather [spmem:s15], $0x3000, $0x38;
	[tilespmem:$0x1C400] =	vst v63  }
0x272: {  	_ =	swait.ge [sflag:s25], $0x3000  }
0x273: {  	[sflag:s25] =	ssyncset.done $0x0  }
0x274: {  	s22 =	rddreg [dreg:$0xc];
	[sflag:s25] =	ssyncadd.s32 $0xFFFFD000  }
0x275: {  	[hbm4b:s22+s8] =	stream.linear.scatter [tilespmem:s24], [sflag:$0x2], $0x3000, $0x38;
	[tilespmem:$0x1C400] =	vst v63  }
0x276: {  	_ =	swait.ge [sflag:s25], $0x3000  }
0x277: {  	v63 =	vld [tilespmem:$0x1FD00]  }
0x278: {  	v5 =	vld [tilespmem:$0x1FD10]  }
0x279: {  	v8 =	vld [tilespmem:$0x1FD20]  }
0x27a: {  	v46 =	vld [tilespmem:$0x1FD30]  }
0x27b: {  	v9 =	vld [tilespmem:$0x1FD40]  }
0x27c: {  	v49 =	vld [tilespmem:$0x1FD50]  }
0x27d: {  	v47 =	vld [tilespmem:$0x1FD60]  }
0x27e: {  	v48 =	vld [tilespmem:$0x1FD70]  }
0x27f: {  	v50 =	vld [tilespmem:$0x1FD80]  }
0x280: {  	v51 =	vld [tilespmem:$0x1FD90]  }
0x281: {  	v52 =	vld [tilespmem:$0x1FDA0]  }
0x282: {  	v53 =	vld [tilespmem:$0x1FDB0]  }
0x283: {  	v54 =	vld [tilespmem:$0x1FDC0]  }
0x284: {  	v55 =	vld [tilespmem:$0x1FDD0]  }
0x285: {  	v56 =	vld [tilespmem:$0x1FDE0]  }
0x286: {  	v57 =	vld [tilespmem:$0x1FDF0]  }
0x287: {  	v58 =	vld [tilespmem:$0x1FE00]  }
0x288: {  	v59 =	vld [tilespmem:$0x1FE10]  }
0x289: {  	v60 =	vld [tilespmem:$0x1FE20]  }
0x28a: {  	v10 =	vld [tilespmem:$0x1FE30]  }
0x28b: {  	v11 =	vld [tilespmem:$0x1FE40]  }
0x28c: {  	v12 =	vld [tilespmem:$0x1FE50]  }
0x28d: {  	v13 =	vld [tilespmem:$0x1FE60]  }
0x28e: {  	v14 =	vld [tilespmem:$0x1FE70]  }
0x28f: {  	v15 =	vld [tilespmem:$0x1FE80]  }
0x290: {  	v16 =	vld [tilespmem:$0x1FE90]  }
0x291: {  	v17 =	vld [tilespmem:$0x1FEA0]  }
0x292: {  	v18 =	vld [tilespmem:$0x1FEB0]  }
0x293: {  	v19 =	vld [tilespmem:$0x1FEC0]  }
0x294: {  	v20 =	vld [tilespmem:$0x1FED0]  }
0x295: {  	v21 =	vld [tilespmem:$0x1FEE0]  }
0x296: {  	v22 =	vld [tilespmem:$0x1FEF0]  }
0x297: {  	v23 =	vld [tilespmem:$0x1FF00]  }
0x298: {  	v24 =	vld [tilespmem:$0x1FF10]  }
0x299: {  	v25 =	vld [tilespmem:$0x1FF20]  }
0x29a: {  	s2 =	rddreg [dreg:$0xe];
	v26 =	vld [tilespmem:$0x1FF30]  }
0x29b: {  	s23 =	rddreg [dreg:$0xd];
	v27 =	vld [tilespmem:$0x1FF40];
	s2 =	sadd.s32 $0x1, s2  }
0x29c: {  	v28 =	vld [tilespmem:$0x1FF50];
	p0 =	sne.s32 s2, s23  }
.Ltmp5:
0x29d: {  	v29 =	vld [tilespmem:$0x1FF60];
	(pc) =	sbr.rel @p0 .LBB2_1-.Ltmp5, $4  }
0x29e: {  	v30 =	vld [tilespmem:$0x1FF70]  }
0x29f: {  	v33 =	vld [tilespmem:$0x1FFA0]  }
0x2a0: {  	[sflag:s25] =	ssyncset.done $0x0;
	v34 =	vld [tilespmem:$0x1FFB0]  }
0x2a1: {  	v38 =	vld [tilespmem:$0x1FFE0];
	[sflag:s25] =	ssyncadd.s32 $0xFFFFD000  }
0x2a2: {  	_ =	sfence.sel $0x180000  }
0x2a3: {  	[bflag:$0x0] =	sbarrier.arrive $0xFFFF  }
0x2a4: {  	_ =	strace $0x9000004A  }
0x2a5: {  	s0 =	stileid.u32;
	[bflag:$0x2] =	sbarrier.arrive $0xFFFF  }
0x2a6: {  	p0 =	sne.s32 s0, $0x0;
	s0 =	rddreg [dreg:$0x4]  }
0x2a7: {  	s0 =	sadd.s32 @!p0 $0x100000, s0  }
0x2a8: {  	[sflag:s0] =	ssyncadd.tile.s32 @!p0 $0x1;
	_ =	shalt  }
.Lfunc_end2:
_tile_overlayer_lowered:
.L_overlay_start_2:
0x2a9: {  	(tag) =	ssettag $0x2  }
0x2aa: {  	s0 =	rddreg [dreg:$0x0];
	s2 =	stileid.u32  }
0x2ab: {  	s1 =	rddreg [dreg:$0x1];
	p0 =	sne.s32 s2, $0x0  }
0x2ac: {  	s3 =	rddreg [dreg:$0x2];
	[bflag:$0x3] =	sbarrier.arrive $0xFFFF;
	s2 =	simm.s32 @!p0 $0x1C02  }
0x2ad: {  	[timem:s3], [sflag:s2] =	dma.local @!p0 [hbm:s0], s1  }
0x2ae: {  	s0 =	simm.s32 @!p0 $0x2  }
0x2af: {  	_ =	swait.ge @!p0 [sflag:s0], s1  }
0x2b0: {  	s1 =	ssub.s32 @!p0 $0x0, s1;
	[sflag:s0] =	ssyncset.done @!p0 $0x0  }
0x2b1: {  	[sflag:s0] =	ssyncadd.s32 @!p0 s1  }
0x2b2: {  	[bflag:$0x3] =	sbarrier.arrive $0xFFFF  }
0x2b3: {  	_ =	shalt  }

// kernel: kernel.7.cloned.1.call-start
scs
__scs_entry_jumppad:
0x0: {  	(pc) =	sbr.rel $0x88, $3  }
0x1: {  	(tag) =	ssettag $0x0;
	lr =	simm.s32 $0x1  }
0x2: {  	[smem:$0x3F96] =	sst lr;
	_ =	strace $0xD0000000  }
0x3: {  	_ = 	snop  }
0x4: {  	_ = 	snop  }
0x5: {  	_ = 	snop  }
0x6: {  	_ = 	snop  }
0x7: {  	_ = 	snop  }
__scs_overlays_trampoline_lowered:
0x8: {  	[smem:$0x3FA5] =	sst s0  }
0x9: {  	[smem:$0x3FA6] =	sst s1  }
0xa: {  	[smem:$0x3FA7] =	sst s2  }
0xb: {  	[smem:$0x3FA8] =	sst s3  }
0xc: {  	[smem:$0x3FA9] =	sst s4  }
0xd: {  	[smem:$0x3FAA] =	sst s5  }
0xe: {  	[smem:$0x3FAB] =	sst s6  }
0xf: {  	[smem:$0x3FAC] =	sst s7  }
0x10: {  	[smem:$0x3FAD] =	sst s8  }
0x11: {  	[smem:$0x3FAE] =	sst s9;
	s0 =	simm.s32 @!p0 $0x0  }
0x12: {  	s1 =	sld [smem:$0x3F94];
	s0 =	simm.s32 @p0 $0x1  }
0x13: {  	[smem:$0x3FAF] =	sst s0;
	s0 =	simm.s32 @!p1 $0x0  }
0x14: {  	s2 =	sld [smem:$0x3F93];
	s0 =	simm.s32 @p1 $0x1  }
0x15: {  	[smem:$0x3FB0] =	sst s0;
	s0 =	simm.s32 @!p2 $0x0  }
0x16: {  	s3 =	sld [smem:$0x3FDB];
	s0 =	simm.s32 @p2 $0x1  }
0x17: {  	s4 =	simm.s32 $0x1BF5;
	[smem:$0x3FB2] =	sst s0  }
0x18: {  	s0 =	sld [smem:$0x3F95];
	_ =	swait.ge [sflag:s4], $0x0  }
0x19: {  	s7 =	sld [smem:$0x3F96]  }
0x1a: {  	s8 =	sadd.s32 $0xFFFFE003, lr  }
0x1b: {  	s9 =	sadd.s32 $0xFFFFFEF7, lr;
	s5 =	simm.s32 $0xFFFFFFFF;
	p2 =	slt.u32 s8, $0xFFFFF086  }
0x1c: {  	p1 =	slt.u32 s9, $0xF7A;
	s5 =	simm.s32 @!p2 $0x0  }
0x1d: {  	s5 =	simm.s32 @p1 $0x1;
	p0 =	seq.s32 s7, s2  }
0x1e: {  	s7 =	smul.u32 @!p0 $0xF7A, s2;
	p2 =	seq.s32 @!p0 s5, $0x0  }
0x1f: {  	s9 =	smul.u32 $0xF7A, s1;
	s8 =	simm.s32 @!p0 $0x1BF5;
	p2 =	por !p2, p0  }
0x20: {  	[sflag:s8] =	ssyncset.s32 @!p0 $0xFFFFF086;
	s6 =	sadd.s32 @!p0 s3, s7;
	s7 =	simm.s32 @!p0 $0x108  }
0x21: {  	s3 =	sadd.s32 s3, s9;
	s6 =	sadd.s32 @!p0 $0x88, s6;
	s7 =	simm.s32 @p2 $0x1082  }
0x22: {  	[simem:s7], [sflag:s8] =	dma.local @!p0 [hbm:s6], $0xF7A  }
0x23: {  	s9 =	sor.u32 $0xD0000000, s2;
	s6 =	simm.s32 $0x108;
	_ =	swait.ge @!p0 [sflag:s8], $0x0  }
0x24: {  	s3 =	sadd.s32 $0x88, s3;
	s6 =	simm.s32 @!p1 $0x1082;
	[sflag:s4] =	ssyncset.s32 $0xFFFFF086  }
0x25: {  	[simem:s6], [sflag:s4] =	dma.local [hbm:s3], $0xF7A  }
0x26: {  	[smem:$0x3F96] =	sst s1;
	(tag) =	ssettag s2;
	_ =	strace s9  }
0x27: {  	s1 =	sld [smem:$0x3FA6]  }
0x28: {  	s2 =	sld [smem:$0x3FA7]  }
0x29: {  	s4 =	sld [smem:$0x3FA9]  }
0x2a: {  	p0 =	seq.s32 s5, $0x0;
	s5 =	sld [smem:$0x3FAA]  }
0x2b: {  	s6 =	sld [smem:$0x3FAB]  }
0x2c: {  	s7 =	sld [smem:$0x3FAC]  }
0x2d: {  	s3 =	simm.s32 $0x108;
	s8 =	sld [smem:$0x3FAD]  }
0x2e: {  	s3 =	simm.s32 @!p0 $0x1082;
	s9 =	sld [smem:$0x3FAE]  }
0x2f: {  	lr =	sadd.s32 s0, s3;
	s0 =	sld [smem:$0x3FA5]  }
0x30: {  	s3 =	sld [smem:$0x3FA8]  }
0x31: {  	[smem:$0x3FB1] =	sst s10  }
0x32: {  	s10 =	sld [smem:$0x3FAF];
	_ =	sdelay $0x3  }
0x33: {  	p0 =	seq.s32 s10, $0x1;
	s10 =	sld [smem:$0x3FB1];
	_ =	sdelay $0x3  }
0x34: {  	[smem:$0x3FB1] =	sst s10  }
0x35: {  	s10 =	sld [smem:$0x3FB0];
	_ =	sdelay $0x3  }
0x36: {  	p1 =	seq.s32 s10, $0x1;
	s10 =	sld [smem:$0x3FB1];
	_ =	sdelay $0x3  }
0x37: {  	[smem:$0x3FB1] =	sst s10  }
0x38: {  	s10 =	sld [smem:$0x3FB2]  }
0x39: {  	_ = 	snop;
	(pc) =	sbr.ind lr, $3  }
0x3a: {  	_ = 	snop  }
0x3b: {  	_ = 	snop  }
0x3c: {  	p2 =	seq.s32 s10, $0x1;
	s10 =	sld [smem:$0x3FB1]  }
0x3d: {  	_ =	shalt  }
0x3e: {  	_ =	shalt  }
0x3f: {  	_ =	shalt  }
0x40: {  	_ =	shalt  }
0x41: {  	_ =	shalt  }
0x42: {  	_ =	shalt  }
0x43: {  	_ =	shalt  }
0x44: {  	_ =	shalt  }
0x45: {  	_ =	shalt  }
0x46: {  	_ =	shalt  }
0x47: {  	_ =	shalt  }
0x48: {  	_ =	shalt  }
0x49: {  	_ =	shalt  }
0x4a: {  	_ =	shalt  }
0x4b: {  	_ =	shalt  }
0x4c: {  	_ =	shalt  }
0x4d: {  	_ =	shalt  }
0x4e: {  	_ =	shalt  }
0x4f: {  	_ =	shalt  }
0x50: {  	_ =	shalt  }
0x51: {  	_ =	shalt  }
0x52: {  	_ =	shalt  }
0x53: {  	_ =	shalt  }
0x54: {  	_ =	shalt  }
0x55: {  	_ =	shalt  }
0x56: {  	_ =	shalt  }
0x57: {  	_ =	shalt  }
0x58: {  	_ =	shalt  }
0x59: {  	_ =	shalt  }
0x5a: {  	_ =	shalt  }
0x5b: {  	_ =	shalt  }
0x5c: {  	_ =	shalt  }
0x5d: {  	_ =	shalt  }
0x5e: {  	_ =	shalt  }
0x5f: {  	_ =	shalt  }
0x60: {  	_ =	shalt  }
0x61: {  	_ =	shalt  }
0x62: {  	_ =	shalt  }
0x63: {  	_ =	shalt  }
0x64: {  	_ =	shalt  }
0x65: {  	_ =	shalt  }
0x66: {  	_ =	shalt  }
0x67: {  	_ =	shalt  }
0x68: {  	_ =	shalt  }
0x69: {  	_ =	shalt  }
0x6a: {  	_ =	shalt  }
0x6b: {  	_ =	shalt  }
0x6c: {  	_ =	shalt  }
0x6d: {  	_ =	shalt  }
0x6e: {  	_ =	shalt  }
0x6f: {  	_ =	shalt  }
0x70: {  	_ =	shalt  }
0x71: {  	_ =	shalt  }
0x72: {  	_ =	shalt  }
0x73: {  	_ =	shalt  }
0x74: {  	_ =	shalt  }
0x75: {  	_ =	shalt  }
0x76: {  	_ =	shalt  }
0x77: {  	_ =	shalt  }
0x78: {  	_ =	shalt  }
0x79: {  	_ =	shalt  }
0x7a: {  	_ =	shalt  }
0x7b: {  	_ =	shalt  }
0x7c: {  	_ =	shalt  }
0x7d: {  	_ =	shalt  }
0x7e: {  	_ =	shalt  }
0x7f: {  	_ =	shalt  }
0x80: {  	_ =	shalt  }
0x81: {  	_ =	shalt  }
0x82: {  	_ =	shalt  }
0x83: {  	_ =	shalt  }
0x84: {  	_ =	shalt  }
0x85: {  	_ =	shalt  }
0x86: {  	_ =	shalt  }
0x87: {  	_ =	shalt  }
.Lfunc_end0:
.L_simem_size_0:
called_computation_lowered:
.L_overlay_start_0:
0x88: {  	s2 =	sld [smem:$0x3FD9]  }
0x89: {  	s3 =	sld [smem:$0x3FFE];
	_ =	sdelay $0x1  }
0x8a: {  	s1 =	srdreg.scid  }
0x8b: {  	s0 =	sand.u32 $0x1, s1  }
0x8c: {  	s14 =	sshll.u32 s0, $0xA;
	s2 =	sadd.s32 s3, s2  }
0x8d: {  	s2 =	sadd.s32 s2, s14  }
0x8e: {  	[smem:$0x3FBD] =	sst s2  }
0x8f: {  	_ = 	snop  }
0x90: {  	s2 =	sld [smem:$0x3FD0];
	_ =	sdelay $0x2  }
0x91: {  	s15 =	simm.s32 $0xA;
	s4 =	simm.s32 $0x10  }
0x92: {  	[smem:s4], [sflag:s15] =	dma.local [hbm:s2], $0x1  }
0x93: {  	_ =	swait.eq [sflag:s15], $0x1  }
0x94: {  	[sflag:s15] =	ssyncset.done $0x0  }
0x95: {  	s16 =	sld [smem:$0x10];
	[sflag:s15] =	ssyncadd.s32 $0xFFFFFFFF  }
0x96: {  	s17 =	sld [smem:$0x11];
	(tm) =	ssettm $0x1  }
0x97: {  	s18 =	sld [smem:$0x3FFB];
	_ =	sdelay $0x3  }
0x98: {  	_ =	strace s18  }
0x99: {  	s4 =	sld [smem:$0x3FFC];
	_ =	sdelay $0x3  }
0x9a: {  	_ =	strace s4  }
0x9b: {  	s4 =	sld [smem:$0x3FFD];
	_ =	sdelay $0x3  }
0x9c: {  	_ =	strace s4  }
0x9d: {  	_ =	strace $0x8FFFFFFF  }
0x9e: {  	s19 =	sld [smem:$0x3FDB];
	_ =	sdelay $0x1  }
0x9f: {  	s5 =	simm.s32 $_scs_section_size  }
0xa0: {  	s6 =	simm.s32 $_size__tile_overlayer_lowered;
	s7 =	simm.s32 $_tile_overlayer_lowered  }
0xa1: {  	s22 =	simm.s32 $0x1BFF;
	s21 =	sshll.u32 s7, $0x1;
	s4 =	sadd.s32 s5, s19  }
0xa2: {  	s8 =	simm.s32 $0x0;
	s20 =	sshll.u32 s6, $0x1;
	s6 =	sadd.s32 s21, s4  }
0xa3: {  	[timem:s8], [sflag:s22] =	dma.local [hbm:s6], s20  }
0xa4: {  	_ =	swait.ge [sflag:s22], s20  }
0xa5: {  	s5 =	ssub.s32 $0x0, s20;
	[sflag:s22] =	ssyncset.done $0x0  }
0xa6: {  	[sflag:s22] =	ssyncadd.s32 s5;
	_ =	sdelay $0x1  }
0xa7: {  	s23 =	simm.s32 $0x1B8B  }
0xa8: {  	_ =	swait.ge [sflag:s23], $0x1  }
0xa9: {  	[sflag:s23] =	ssyncset.done $0x0  }
0xaa: {  	s25 =	simm.s32 $0x1B8E;
	s24 =	sld [smem:$0x3FFE];
	[sflag:s23] =	ssyncadd.s32 $0xFFFFFFFF  }
0xab: {  	s26 =	simm.s32 $execute0_lowered;
	[smem:$0x3FD2] =	sst s25  }
0xac: {  	s6 =	sshll.u32 s26, $0x1;
	_ =	strace $0x80000046;
	[dreg:$0x1] =	wrdreg $0xFFFFFFFF  }
0xad: {  	s28 =	simm.s32 $_size_execute0_lowered;
	s4 =	sadd.s32 s4, s6;
	[dreg:$0x0] =	wrdreg $0x0  }
0xae: {  	s6 =	sshll.u32 s28, $0x1;
	[dreg:$0x2] =	wrdreg s4  }
0xaf: {  	[dreg:$0x3] =	wrdreg s6  }
0xb0: {  	[dreg:$0x4] =	wrdreg $0xC0  }
0xb1: {  	_ =	task [dreg:s8], $0x5FFFF  }
0xb2: {  	[dreg:$0x1] =	wrdreg $0xFFFFFFFF  }
0xb3: {  	[dreg:$0x0] =	wrdreg $0x60  }
0xb4: {  	[dreg:$0x2] =	wrdreg s24  }
0xb5: {  	[dreg:$0x3] =	wrdreg s16  }
0xb6: {  	[dreg:$0x4] =	wrdreg s17  }
0xb7: {  	[dreg:$0x5] =	wrdreg $0x124000  }
0xb8: {  	[dreg:$0x6] =	wrdreg $0x9  }
0xb9: {  	_ =	task.clear_ibuf [dreg:s8], $0x7FFFF;
	_ =	strace $0x90000046  }
0xba: {  	s29 =	simm.s32 $0x9;
	_ =	strace $0x80000048  }
0xbb: {  	_ =	swait.ge [sflag:s29], $0x1  }
0xbc: {  	[sflag:s29] =	ssyncadd.s32 $0xFFFFFFFF  }
0xbd: {  	_ =	strace $0x90000048  }
0xbe: {  	_ =	sfence  }
0xbf: {  	s30 =	sld [smem:$0x0];
	_ =	sdelay $0x2  }
0xc0: {  	s31 =	sshll.u32 s1, $0xD;
	s1 =	sshrl.u32 s1, $0x2  }
0xc1: {  	s3 =	sand.u32 $0x4000, s31;
	s1 =	sadd.s32 s1, s30  }
0xc2: {  	s0 =	sor.u32 s3, s0;
	s1 =	sshll.u32 s1, $0x11  }
0xc3: {  	s0 =	sor.u32 s1, s0  }
0xc4: {  	s0 =	sadd.s32 $0x8F2B, s0  }
0xc5: {  	[sflag:s0] =	ssyncadd.remote.s32 $0x1  }
0xc6: {  	_ =	sfence.sel $0xFFFF  }
0xc7: {  	[dreg:$0x0] =	wrdreg $0xFFFFFFFF;
	(pc) =	sbr.abs _section_cstart, $3  }
0xc8: {  	[dreg:$0x1] =	wrdreg $0xFFFFFFFF  }
0xc9: {  	_ =	task.clear_ibuf [dreg:s8], $0x2FFFF;
	_ =	strace $0x9FFFFFFF  }
0xca: {  	(tm) =	ssettm $0x7FFFFFFF  }
0xcb: {  	_ =	shalt  }
tec
execute0_lowered:
.L_overlay_start_1:
0x0: {  	(tag) =	ssettag $0x1  }
0x1: {  	s0 =	rddreg [dreg:$0x0]  }
0x2: {  	s3 =	rddreg [dreg:$0x3];
	s1 =	srdreg.scid;
	s5 =	simm.s32 $0x0  }
0x3: {  	s12 =	stileid.u32;
	s16 =	simm.s32 $0x9C00;
	s17 =	simm.s32 $0xFC00  }
0x4: {  	s18 =	simm.s32 $0x2;
	s19 =	simm.s32 $0x400;
	s20 =	simm.s32 $0x800  }
0x5: {  	s21 =	simm.s32 $0x8C00;
	s22 =	simm.s32 $0x1;
	s23 =	simm.s32 $0x80  }
0x6: {  	s24 =	simm.s32 $0xC00;
	s25 =	simm.s32 $0x4C00;
	s31 =	simm.s32 $0xDC00  }
0x7: {  	s28 =	simm.s32 $0xC400;
	s29 =	simm.s32 $0x300;
	s4 =	smul.u32 $0x500, s12  }
0x8: {  	s30 =	simm.s32 $0xCC00;
	s1 =	sand.u32 $0x1, s1;
	s11 =	smul.u32 $0xA000, s12  }
0x9: {  	[smem:$0x7FF] =	sst s5;
	s6 =	sadd.s32 $0x52400, s0;
	s2 =	smul.u32 $0x50000, s1  }
0xa: {  	s7 =	sadd.s32 $0x2400, s0;
	s8 =	sadd.s32 $0x2A400, s0;
	s9 =	smul.u32 $0x5000, s1  }
0xb: {  	_ =	strace $0x80000047;
	s10 =	ssub.s32 $0x2, s1;
	s15 =	sshll.u32 s1, $0x1  }
0xc: {  	s14 =	sshrl.u32 s10, $0x1;
	s11 =	sshrl.u32 s11, $0x2;
	s4 =	sadd.s32 s4, s9  }
0xd: {  	s2 =	sadd.s32 s2, s0;
	s9 =	smul.u32 $0x5000, s12;
	s0 =	sadd.s32 s4, s0  }
0xe: {  	s4 =	ssub.s32 s10, s14;
	s10 =	smul.u32 $0xA0, s12;
	s14 =	sadd.s32 s11, s3  }
0xf: {  	s12 =	smul.u32 $0xA00, s1;
	s1 =	sshllo.u32 s1, $0x1;
	s13 =	sadd.s32 $0x5C400, s2  }
0x10: {  	s2 =	simm.s32 $0x0;
	s0 =	sadd.s32 $0x34400, s0;
	[dreg:$0x5] =	wrdreg s14  }
0x11: {  	v2 =	vlaneseq.u32;
	s26 =	smax.u32 s4, $0x1;
	s4 =	simm.s32 $0xD400;
	[dreg:$0x6] =	wrdreg s0  }
0x12: {  	v3 =	vimm.f32 $0.0e+00;
	v0 =	vmov s15;
	v1 =	vmov s1;
	[dreg:$0x7] =	wrdreg s26;
	s26 =	simm.s32 $0x280;
	s0 =	simm.s32 $0x380  }
.LBB2_1:
0x13: {  	v4 =	vmov s5  }
0x14: {  	v4 =	vshrl.u32 v4, $0x4  }
0x15: {  	v4 =	vshll.u32 v4, $0x4  }
0x16: {  	v4 =	vbroadcast v4, $0x0;
	_ =	sdelay $0x1  }
0x17: {  	s1 =	simm.s32 $0x10;
	v4 =	vor.u32 v2, v4  }
.LBB2_2:
0x18: {  	v5 =	vmov s1;
	p0 =	sne.s32 s1, $0x3FF0;
	s1 =	sadd.s32 $0x10, s1  }
.Ltmp0:
0x19: {  	v5 =	vshrl.u32 v5, $0x4;
	(pc) =	sbr.rel @p0 .LBB2_2-.Ltmp0, $4  }
0x1a: {  	v5 =	vshll.u32 v5, $0x4  }
0x1b: {  	v5 =	vbroadcast v5, $0x0  }
0x1c: {  	[tilespmem:v4+s16+$0x0] =	vst.idx.msk $0xffff, v3  }
0x1d: {  	v4 =	vor.u32 v2, v5  }
0x1e: {  	s1 =	simm.s32 $0x0  }
0x1f: {  	v5 =	vmov s1  }
0x20: {  	v5 =	vshrl.u32 v5, $0x4  }
0x21: {  	v5 =	vshll.u32 v5, $0x4  }
0x22: {  	v5 =	vbroadcast v5, $0x0;
	_ =	sdelay $0x1  }
0x23: {  	[dreg:$0x8] =	wrdreg s2;
	[tilespmem:v4+s16+$0x0] =	vst.idx.msk $0xffff, v3;
	s1 =	simm.s32 $0x10;
	v4 =	vor.u32 v2, v5  }
.LBB2_4:
0x24: {  	v5 =	vmov s1;
	p0 =	sne.s32 s1, $0x27F0;
	s1 =	sadd.s32 $0x10, s1  }
.Ltmp1:
0x25: {  	v5 =	vshrl.u32 v5, $0x4;
	(pc) =	sbr.rel @p0 .LBB2_4-.Ltmp1, $4  }
0x26: {  	v5 =	vshll.u32 v5, $0x4  }
0x27: {  	v5 =	vbroadcast v5, $0x0  }
0x28: {  	[tilespmem:v4+s17+$0x0] =	vst.idx.msk $0xffff, v3  }
0x29: {  	v4 =	vor.u32 v2, v5  }
0x2a: {  	_ =	sdelay $0x3  }
0x2b: {  	[tilespmem:v4+s17+$0x0] =	vst.idx.msk $0xffff, v3  }
0x2c: {  	[spmem:s14] =	stream.linear.scatter [tilespmem:s17], [sflag:$0x2], $0x2800, $0x38;
	[tilespmem:$0x14C00] =	vst v63  }
0x2d: {  	_ =	swait.ge [sflag:s18], $0x2800  }
0x2e: {  	[sflag:s18] =	ssyncset.done $0x0  }
0x2f: {  	[sflag:s18] =	ssyncadd.s32 $0xFFFFD800  }
0x30: {  	s15 =	simm.s32 $0x0;
	s14 =	simm.s32 $0x0;
	[bflag:$0x0] =	sbarrier.arrive $0xFFFF  }
.LBB2_6:
0x31: {  	s1 =	sshll.u32 s15, $0x3  }
0x32: {  	s1 =	sadd.s32 s10, s1  }
0x33: {  	s11 =	sshll.u32 s1, $0x4;
	s1 =	sadd.s32 s12, s1  }
0x34: {  	s2 =	rddreg [dreg:$0x1];
	s11 =	sadd.s32 s8, s11;
	s1 =	sshll.u32 s1, $0x4  }
0x35: {  	[tilespmem:s14], [sflag:$0x1] =	stream.linear.gather [hbm4b:s11+s14], $0x400, $0x38;
	[tilespmem:$0x14C00] =	vst v63  }
0x36: {  	s11 =	sadd.s32 s2, s1;
	s2 =	sshll.u32 s15, $0xA  }
0x37: {  	[tilespmem:s19], [sflag:$0x1] =	stream.linear.gather [hbm4b:s11+s14], $0x400, $0x38;
	[tilespmem:$0x14C00] =	vst v63  }
0x38: {  	s11 =	sadd.s32 s9, s2;
	s2 =	rddreg [dreg:$0x2]  }
0x39: {  	s1 =	sadd.s32 s2, s1;
	s2 =	sshrl.u32 s11, $0x1  }
0x3a: {  	[tilespmem:s20], [sflag:$0x1] =	stream.linear.gather [hbm4b:s1+s14], $0x400, $0x38;
	[tilespmem:$0x14C00] =	vst v63  }
0x3b: {  	s1 =	sadd.s32 s7, s2  }
0x3c: {  	[tilespmem:s21], [sflag:$0x1] =	stream.linear.gather [hbm4b:s1+s14], $0x1000, $0x38;
	[tilespmem:$0x14C00] =	vst v63  }
0x3d: {  	_ =	swait.ge [sflag:s22], $0x400  }
0x3e: {  	[sflag:s22] =	ssyncset.done $0x0  }
0x3f: {  	[sflag:s22] =	ssyncadd.s32 $0xFFFFFC00  }
0x40: {  	_ =	swait.ge [sflag:s22], $0x400  }
0x41: {  	[sflag:s22] =	ssyncset.done $0x0  }
0x42: {  	[sflag:s22] =	ssyncadd.s32 $0xFFFFFC00  }
0x43: {  	_ =	swait.ge [sflag:s22], $0x400  }
0x44: {  	[sflag:s22] =	ssyncset.done $0x0  }
0x45: {  	[sflag:s22] =	ssyncadd.s32 $0xFFFFFC00  }
0x46: {  	_ =	swait.ge [sflag:s22], $0x1000  }
0x47: {  	[sflag:s22] =	ssyncset.done $0x0  }
0x48: {  	[sflag:s22] =	ssyncadd.s32 $0xFFFFF000  }
0x49: {  	[tilespmem:s24], [sflag:$0x1] =	stream.indirect.gather [hbm4b:s6+s23], $0x10, s19, s23, $0xb8;
	[tilespmem:$0x14C00] =	vst v63  }
0x4a: {  	_ = 	snop  }
0x4b: {  	[tilespmem:s25], [sflag:$0x1] =	stream.indirect.gather [hbm4b:s6+s23], $0x10, s20, s23, $0xb8;
	[tilespmem:$0x14C00] =	vst v63  }
0x4c: {  	s2 =	simm.s32 $0x1400;
	s1 =	simm.s32 $0x480  }
0x4d: {  	[tilespmem:s2], [sflag:$0x1] =	stream.indirect.gather [hbm4b:s6+s23], $0x10, s1, s23, $0xb8;
	[tilespmem:$0x14C00] =	vst v63  }
0x4e: {  	s1 =	simm.s32 $0x880;
	s2 =	simm.s32 $0x5400  }
0x4f: {  	[tilespmem:s2], [sflag:$0x1] =	stream.indirect.gather [hbm4b:s6+s23], $0x10, s1, s23, $0xb8;
	[tilespmem:$0x14C00] =	vst v63  }
0x50: {  	s1 =	simm.s32 $0x500;
	s2 =	simm.s32 $0x1C00  }
0x51: {  	[tilespmem:s2], [sflag:$0x1] =	stream.indirect.gather [hbm4b:s6+s23], $0x10, s1, s23, $0xb8;
	[tilespmem:$0x14C00] =	vst v63  }
0x52: {  	s1 =	simm.s32 $0x900;
	s2 =	simm.s32 $0x5C00  }
0x53: {  	[tilespmem:s2], [sflag:$0x1] =	stream.indirect.gather [hbm4b:s6+s23], $0x10, s1, s23, $0xb8;
	[tilespmem:$0x14C00] =	vst v63  }
0x54: {  	s1 =	simm.s32 $0x580;
	s2 =	simm.s32 $0x2400  }
0x55: {  	[tilespmem:s2], [sflag:$0x1] =	stream.indirect.gather [hbm4b:s6+s23], $0x10, s1, s23, $0xb8;
	[tilespmem:$0x14C00] =	vst v63  }
0x56: {  	s1 =	simm.s32 $0x980;
	s2 =	simm.s32 $0x6400  }
0x57: {  	[tilespmem:s2], [sflag:$0x1] =	stream.indirect.gather [hbm4b:s6+s23], $0x10, s1, s23, $0xb8;
	[tilespmem:$0x14C00] =	vst v63  }
0x58: {  	s1 =	simm.s32 $0x600;
	s2 =	simm.s32 $0x2C00  }
0x59: {  	[tilespmem:s2], [sflag:$0x1] =	stream.indirect.gather [hbm4b:s6+s23], $0x10, s1, s23, $0xb8;
	[tilespmem:$0x14C00] =	vst v63  }
0x5a: {  	s1 =	simm.s32 $0xA00;
	s2 =	simm.s32 $0x6C00  }
0x5b: {  	[tilespmem:s2], [sflag:$0x1] =	stream.indirect.gather [hbm4b:s6+s23], $0x10, s1, s23, $0xb8;
	[tilespmem:$0x14C00] =	vst v63  }
0x5c: {  	s1 =	simm.s32 $0x680;
	s2 =	simm.s32 $0x3400  }
0x5d: {  	[tilespmem:s2], [sflag:$0x1] =	stream.indirect.gather [hbm4b:s6+s23], $0x10, s1, s23, $0xb8;
	[tilespmem:$0x14C00] =	vst v63  }
0x5e: {  	s1 =	simm.s32 $0xA80;
	s2 =	simm.s32 $0x7400  }
0x5f: {  	[tilespmem:s2], [sflag:$0x1] =	stream.indirect.gather [hbm4b:s6+s23], $0x10, s1, s23, $0xb8;
	[tilespmem:$0x14C00] =	vst v63  }
0x60: {  	s1 =	simm.s32 $0x700;
	s2 =	simm.s32 $0x3C00  }
0x61: {  	[tilespmem:s2], [sflag:$0x1] =	stream.indirect.gather [hbm4b:s6+s23], $0x10, s1, s23, $0xb8;
	[tilespmem:$0x14C00] =	vst v63  }
0x62: {  	s1 =	simm.s32 $0xB00;
	s2 =	simm.s32 $0x7C00  }
0x63: {  	[tilespmem:s2], [sflag:$0x1] =	stream.indirect.gather [hbm4b:s6+s23], $0x10, s1, s23, $0xb8;
	[tilespmem:$0x14C00] =	vst v63  }
0x64: {  	s1 =	simm.s32 $0x780;
	s2 =	simm.s32 $0x4400  }
0x65: {  	[tilespmem:s2], [sflag:$0x1] =	stream.indirect.gather [hbm4b:s6+s23], $0x10, s1, s23, $0xb8;
	[tilespmem:$0x14C00] =	vst v63  }
0x66: {  	s1 =	simm.s32 $0xB80;
	s2 =	simm.s32 $0x8400  }
0x67: {  	[tilespmem:s2], [sflag:$0x1] =	stream.indirect.gather [hbm4b:s6+s23], $0x10, s1, s23, $0xb8;
	[tilespmem:$0x14C00] =	vst v63  }
0x68: {  	_ =	swait.ge [sflag:s22], $0x800  }
0x69: {  	[sflag:s22] =	ssyncset.done $0x0  }
0x6a: {  	[sflag:s22] =	ssyncadd.s32 $0xFFFFF800  }
0x6b: {  	_ =	swait.ge [sflag:s22], $0x800  }
0x6c: {  	[sflag:s22] =	ssyncset.done $0x0  }
0x6d: {  	[sflag:s22] =	ssyncadd.s32 $0xFFFFF800  }
0x6e: {  	_ =	swait.ge [sflag:s22], $0x800  }
0x6f: {  	[sflag:s22] =	ssyncset.done $0x0  }
0x70: {  	[sflag:s22] =	ssyncadd.s32 $0xFFFFF800  }
0x71: {  	_ =	swait.ge [sflag:s22], $0x800  }
0x72: {  	[sflag:s22] =	ssyncset.done $0x0  }
0x73: {  	[sflag:s22] =	ssyncadd.s32 $0xFFFFF800  }
0x74: {  	_ =	swait.ge [sflag:s22], $0x800  }
0x75: {  	[sflag:s22] =	ssyncset.done $0x0  }
0x76: {  	[sflag:s22] =	ssyncadd.s32 $0xFFFFF800  }
0x77: {  	_ =	swait.ge [sflag:s22], $0x800  }
0x78: {  	[sflag:s22] =	ssyncset.done $0x0  }
0x79: {  	[sflag:s22] =	ssyncadd.s32 $0xFFFFF800  }
0x7a: {  	_ =	swait.ge [sflag:s22], $0x800  }
0x7b: {  	[sflag:s22] =	ssyncset.done $0x0  }
0x7c: {  	[sflag:s22] =	ssyncadd.s32 $0xFFFFF800  }
0x7d: {  	_ =	swait.ge [sflag:s22], $0x800  }
0x7e: {  	[sflag:s22] =	ssyncset.done $0x0  }
0x7f: {  	[sflag:s22] =	ssyncadd.s32 $0xFFFFF800  }
0x80: {  	_ =	swait.ge [sflag:s22], $0x800  }
0x81: {  	[sflag:s22] =	ssyncset.done $0x0  }
0x82: {  	[sflag:s22] =	ssyncadd.s32 $0xFFFFF800  }
0x83: {  	_ =	swait.ge [sflag:s22], $0x800  }
0x84: {  	[sflag:s22] =	ssyncset.done $0x0  }
0x85: {  	[sflag:s22] =	ssyncadd.s32 $0xFFFFF800  }
0x86: {  	_ =	swait.ge [sflag:s22], $0x800  }
0x87: {  	[sflag:s22] =	ssyncset.done $0x0  }
0x88: {  	[sflag:s22] =	ssyncadd.s32 $0xFFFFF800  }
0x89: {  	_ =	swait.ge [sflag:s22], $0x800  }
0x8a: {  	[sflag:s22] =	ssyncset.done $0x0  }
0x8b: {  	[sflag:s22] =	ssyncadd.s32 $0xFFFFF800  }
0x8c: {  	_ =	swait.ge [sflag:s22], $0x800  }
0x8d: {  	[sflag:s22] =	ssyncset.done $0x0  }
0x8e: {  	[sflag:s22] =	ssyncadd.s32 $0xFFFFF800  }
0x8f: {  	_ =	swait.ge [sflag:s22], $0x800  }
0x90: {  	[sflag:s22] =	ssyncset.done $0x0  }
0x91: {  	v7 =	vor.u32 s14, v2;
	[sflag:s22] =	ssyncadd.s32 $0xFFFFF800  }
0x92: {  	v4 =	vshll.u32 v7, $0x4;
	_ =	swait.ge [sflag:s22], $0x800  }
0x93: {  	v5 =	vor.u32 $0x2, v4;
	[sflag:s22] =	ssyncset.done $0x0  }
0x94: {  	[sflag:s22] =	ssyncadd.s32 $0xFFFFF800  }
0x95: {  	v6 =	vshll.u32 v7, $0x2;
	_ =	swait.ge [sflag:s22], $0x800  }
0x96: {  	v6 =	vor.u32 v0, v6;
	[sflag:s22] =	ssyncset.done $0x0  }
0x97: {  	[sflag:s22] =	ssyncadd.s32 $0xFFFFF800  }
0x98: {  	v5 =	vld.idx.msk [tilespmem:v5+s25+$0x0], $0xffff  }
0x99: {  	v8 =	vld.idx.msk [tilespmem:v4+s24+$0x0], $0xffff;
	_ =	sdelay $0x1  }
0x9a: {  	v6 =	vld.idx.msk [tilespmem:v6+s21+$0x0], $0xffff;
	_ =	sdelay $0x2  }
0x9b: {  	v5 =	vadd.f32 v5, v8;
	_ =	sdelay $0x1  }
0x9c: {  	v5 =	vadd.f32 v6, v5;
	_ =	sdelay $0x1  }
0x9d: {  	v6 =	vmul.f32 $2.000000030e-01, v5  }
0x9e: {  	vm0 =	vgt.f32 v5, $0.0e+00  }
0x9f: {  	v5 =	vsel vm0, v5, v6  }
0xa0: {  	v8 =	vmul.f32 $1.442695020e+00, v5;
	_ =	sdelay $0x1  }
0xa1: {  	(erf) = vpow2.f32 v8;
	_ =	sdelay $0x3  }
0xa2: {  	s2 =	simm.s32 $0x10  }
0xa3: {  	v5 =	vor.u32 s2, v2  }
0xa4: {  	v7 =	vshll.u32 v7, $0x3;
	v6 =	vshll.u32 v5, $0x4  }
0xa5: {  	s1 =	simm.s32 $0x20;
	v8 =	vor.u32 $0x2, v6  }
.LBB2_7:
0xa6: {  	p0 =	sne.s32 s1, $0x3F0  }
0xa7: {  	v9 =	vshll.u32 v5, $0x2;
	v10 =	vpop (erf)  }
0xa8: {  	v9 =	vor.u32 v0, v9;
	[tilespmem:v4+s16+$0x0] =	vst.idx.msk $0xffff, v10;
	v4 =	vmov v6  }
0xa9: {  	[tilespmem:v7+s31+$0x0] =	vst.idx.msk $0xffff, v10  }
0xaa: {  	v7 =	vld.idx.msk [tilespmem:v8+s25+$0x0], $0xffff  }
0xab: {  	v6 =	vld.idx.msk [tilespmem:v6+s24+$0x0], $0xffff;
	_ =	sdelay $0x1  }
0xac: {  	v8 =	vld.idx.msk [tilespmem:v9+s21+$0x0], $0xffff;
	_ =	sdelay $0x3  }
0xad: {  	v6 =	vadd.f32 v7, v6;
	_ =	sdelay $0x1  }
0xae: {  	v6 =	vadd.f32 v8, v6;
	_ =	sdelay $0x1  }
0xaf: {  	v7 =	vmul.f32 $2.000000030e-01, v6  }
0xb0: {  	vm0 =	vgt.f32 v6, $0.0e+00  }
0xb1: {  	v6 =	vsel vm0, v6, v7  }
0xb2: {  	v6 =	vmul.f32 $1.442695020e+00, v6;
	_ =	sdelay $0x1  }
0xb3: {  	(erf) = vpow2.f32 v6;
	_ =	sdelay $0x2  }
.Ltmp2:
0xb4: {  	(pc) =	sbr.rel @p0 .LBB2_7-.Ltmp2, $4  }
0xb5: {  	_ = 	snop  }
0xb6: {  	v8 =	vor.u32 s1, v2  }
0xb7: {  	v7 =	vshll.u32 v5, $0x3;
	v5 =	vmov v8;
	v6 =	vshll.u32 v8, $0x4  }
0xb8: {  	s1 =	sadd.s32 $0x10, s1;
	v8 =	vor.u32 $0x2, v6  }
0xb9: {  	_ =	sdelay $0x2  }
0xba: {  	v9 =	vshll.u32 v5, $0x2;
	v10 =	vpop (erf)  }
0xbb: {  	v9 =	vor.u32 v0, v9;
	[tilespmem:v4+s16+$0x0] =	vst.idx.msk $0xffff, v10  }
0xbc: {  	[tilespmem:v7+s31+$0x0] =	vst.idx.msk $0xffff, v10  }
0xbd: {  	v4 =	vld.idx.msk [tilespmem:v8+s25+$0x0], $0xffff  }
0xbe: {  	v7 =	vld.idx.msk [tilespmem:v6+s24+$0x0], $0xffff;
	_ =	sdelay $0x1  }
0xbf: {  	v8 =	vld.idx.msk [tilespmem:v9+s21+$0x0], $0xffff;
	_ =	sdelay $0x2  }
0xc0: {  	v4 =	vadd.f32 v4, v7;
	_ =	sdelay $0x1  }
0xc1: {  	v4 =	vadd.f32 v8, v4;
	_ =	sdelay $0x1  }
0xc2: {  	v7 =	vmul.f32 $2.000000030e-01, v4  }
0xc3: {  	vm0 =	vgt.f32 v4, $0.0e+00  }
0xc4: {  	v4 =	vsel vm0, v4, v7  }
0xc5: {  	v4 =	vmul.f32 $1.442695020e+00, v4;
	_ =	sdelay $0x1  }
0xc6: {  	(erf) = vpow2.f32 v4;
	_ =	sdelay $0x3  }
0xc7: {  	s1 =	simm.s32 $0x0  }
0xc8: {  	v7 =	vor.u32 s1, v2  }
0xc9: {  	v5 =	vshll.u32 v5, $0x3;
	v4 =	vshll.u32 v7, $0x4  }
0xca: {  	v8 =	vor.u32 $0x3, v4  }
0xcb: {  	v4 =	vor.u32 $0x1, v4  }
0xcc: {  	v10 =	vshll.u32 v7, $0x2;
	v9 =	vpop (erf)  }
0xcd: {  	[tilespmem:v6+s16+$0x0] =	vst.idx.msk $0xffff, v9;
	v6 =	vor.u32 v1, v10  }
0xce: {  	[tilespmem:v5+s31+$0x0] =	vst.idx.msk $0xffff, v9  }
0xcf: {  	v5 =	vld.idx.msk [tilespmem:v8+s25+$0x0], $0xffff  }
0xd0: {  	v8 =	vld.idx.msk [tilespmem:v4+s24+$0x0], $0xffff;
	_ =	sdelay $0x1  }
0xd1: {  	v6 =	vld.idx.msk [tilespmem:v6+s21+$0x0], $0xffff;
	_ =	sdelay $0x2  }
0xd2: {  	v5 =	vadd.f32 v5, v8;
	_ =	sdelay $0x1  }
0xd3: {  	v5 =	vadd.f32 v6, v5;
	_ =	sdelay $0x1  }
0xd4: {  	v6 =	vmul.f32 $2.000000030e-01, v5  }
0xd5: {  	vm15 =	vgt.f32 v5, $0.0e+00  }
0xd6: {  	v5 =	vsel vm15, v5, v6  }
0xd7: {  	v6 =	vmul.f32 $1.442695020e+00, v5;
	_ =	sdelay $0x1  }
0xd8: {  	(erf) = vpow2.f32 v6;
	_ =	sdelay $0x3  }
0xd9: {  	s2 =	simm.s32 $0x10  }
0xda: {  	v7 =	vshll.u32 v7, $0x3;
	v5 =	vor.u32 s2, v2  }
0xdb: {  	v8 =	vshll.u32 v5, $0x4;
	v6 =	vor.u32 $0x1, v7  }
0xdc: {  	s1 =	simm.s32 $0x20;
	v7 =	vor.u32 $0x3, v8  }
.LBB2_9:
0xdd: {  	p0 =	sne.s32 s1, $0x3F0;
	v8 =	vor.u32 $0x1, v8  }
0xde: {  	v9 =	vshll.u32 v5, $0x2;
	v10 =	vpop (erf)  }
0xdf: {  	v9 =	vor.u32 v1, v9;
	[tilespmem:v4+s16+$0x0] =	vst.idx.msk $0xffff, v10;
	v4 =	vmov v8  }
0xe0: {  	[tilespmem:v6+s31+$0x0] =	vst.idx.msk $0xffff, v10  }
0xe1: {  	v6 =	vld.idx.msk [tilespmem:v7+s25+$0x0], $0xffff  }
0xe2: {  	v7 =	vld.idx.msk [tilespmem:v8+s24+$0x0], $0xffff;
	_ =	sdelay $0x1  }
0xe3: {  	v8 =	vld.idx.msk [tilespmem:v9+s21+$0x0], $0xffff;
	_ =	sdelay $0x3  }
0xe4: {  	v6 =	vadd.f32 v6, v7;
	_ =	sdelay $0x1  }
0xe5: {  	v6 =	vadd.f32 v8, v6;
	_ =	sdelay $0x1  }
0xe6: {  	v7 =	vmul.f32 $2.000000030e-01, v6  }
0xe7: {  	vm0 =	vgt.f32 v6, $0.0e+00  }
0xe8: {  	v6 =	vsel vm0, v6, v7  }
0xe9: {  	v6 =	vmul.f32 $1.442695020e+00, v6;
	_ =	sdelay $0x1  }
0xea: {  	(erf) = vpow2.f32 v6;
	_ =	sdelay $0x2  }
.Ltmp3:
0xeb: {  	(pc) =	sbr.rel @p0 .LBB2_9-.Ltmp3, $4  }
0xec: {  	_ = 	snop  }
0xed: {  	v6 =	vshll.u32 v5, $0x3;
	v5 =	vor.u32 s1, v2  }
0xee: {  	v8 =	vshll.u32 v5, $0x4;
	v6 =	vor.u32 $0x1, v6  }
0xef: {  	s1 =	sadd.s32 $0x10, s1;
	v7 =	vor.u32 $0x3, v8  }
0xf0: {  	_ =	sdelay $0x1  }
0xf1: {  	v8 =	vor.u32 $0x1, v8  }
0xf2: {  	v9 =	vshll.u32 v5, $0x2;
	v10 =	vpop (erf)  }
0xf3: {  	v9 =	vor.u32 v1, v9;
	[tilespmem:v4+s16+$0x0] =	vst.idx.msk $0xffff, v10  }
0xf4: {  	[tilespmem:v6+s31+$0x0] =	vst.idx.msk $0xffff, v10  }
0xf5: {  	v4 =	vld.idx.msk [tilespmem:v7+s25+$0x0], $0xffff  }
0xf6: {  	v6 =	vld.idx.msk [tilespmem:v8+s24+$0x0], $0xffff;
	_ =	sdelay $0x1  }
0xf7: {  	v62 =	vld.idx.msk [tilespmem:v9+s21+$0x0], $0xffff;
	_ =	sdelay $0x2  }
0xf8: {  	v4 =	vadd.f32 v4, v6;
	_ =	sdelay $0x1  }
0xf9: {  	v4 =	vadd.f32 v62, v4;
	_ =	sdelay $0x1  }
0xfa: {  	v63 =	vmul.f32 $2.000000030e-01, v4  }
0xfb: {  	vm0 =	vgt.f32 v4, $0.0e+00  }
0xfc: {  	v4 =	vsel vm0, v4, v63  }
0xfd: {  	v4 =	vmul.f32 $1.442695020e+00, v4;
	_ =	sdelay $0x1  }
0xfe: {  	(erf) = vpow2.f32 v4;
	_ =	sdelay $0x4  }
0xff: {  	v4 =	vshll.u32 v5, $0x3  }
0x100: {  	v4 =	vor.u32 $0x1, v4;
	_ =	sdelay $0x2  }
0x101: {  	v5 =	vpop (erf)  }
0x102: {  	[tilespmem:v8+s16+$0x0] =	vst.idx.msk $0xffff, v5  }
0x103: {  	s1 =	sadd.s32 s11, s13;
	[tilespmem:v4+s31+$0x0] =	vst.idx.msk $0xffff, v5  }
0x104: {  	[hbm4b:s1+s5] =	stream.linear.scatter [tilespmem:s31], [sflag:$0x2], $0x2000, $0x38;
	[tilespmem:$0x14C00] =	vst v63  }
0x105: {  	_ =	swait.ge [sflag:s18], $0x2000  }
0x106: {  	[sflag:s18] =	ssyncset.done $0x0  }
0x107: {  	[sflag:s18] =	ssyncadd.s32 $0xFFFFE000  }
0x108: {  	[spmem:s3] =	stream.indirect.scatter.add.f32 [tilespmem:s16], [sflag:$0x2], $0x10, s5, s23, $0xb8;
	[tilespmem:$0x14C00] =	vst v63  }
0x109: {  	_ =	swait.ge [sflag:s18], $0x800  }
0x10a: {  	[sflag:s18] =	ssyncset.done $0x0  }
0x10b: {  	s2 =	simm.s32 $0xA400;
	[sflag:s18] =	ssyncadd.s32 $0xFFFFF800  }
0x10c: {  	[spmem:s3] =	stream.indirect.scatter.add.f32 [tilespmem:s2], [sflag:$0x2], $0x10, s23, s23, $0xb8;
	[tilespmem:$0x14C00] =	vst v63  }
0x10d: {  	_ =	swait.ge [sflag:s18], $0x800  }
0x10e: {  	[sflag:s18] =	ssyncset.done $0x0  }
0x10f: {  	s11 =	simm.s32 $0x100;
	s2 =	simm.s32 $0xAC00;
	[sflag:s18] =	ssyncadd.s32 $0xFFFFF800  }
0x110: {  	[spmem:s3] =	stream.indirect.scatter.add.f32 [tilespmem:s2], [sflag:$0x2], $0x10, s11, s23, $0xb8;
	[tilespmem:$0x14C00] =	vst v63  }
0x111: {  	_ =	swait.ge [sflag:s18], $0x800  }
0x112: {  	[sflag:s18] =	ssyncset.done $0x0  }
0x113: {  	s2 =	simm.s32 $0x180;
	s11 =	simm.s32 $0xB400;
	[sflag:s18] =	ssyncadd.s32 $0xFFFFF800  }
0x114: {  	[spmem:s3] =	stream.indirect.scatter.add.f32 [tilespmem:s11], [sflag:$0x2], $0x10, s2, s23, $0xb8;
	[tilespmem:$0x14C00] =	vst v63  }
0x115: {  	_ =	swait.ge [sflag:s18], $0x800  }
0x116: {  	[sflag:s18] =	ssyncset.done $0x0  }
0x117: {  	s2 =	simm.s32 $0x200;
	s11 =	simm.s32 $0xBC00;
	[sflag:s18] =	ssyncadd.s32 $0xFFFFF800  }
0x118: {  	[spmem:s3] =	stream.indirect.scatter.add.f32 [tilespmem:s11], [sflag:$0x2], $0x10, s2, s23, $0xb8;
	[tilespmem:$0x14C00] =	vst v63  }
0x119: {  	_ =	swait.ge [sflag:s18], $0x800  }
0x11a: {  	[sflag:s18] =	ssyncset.done $0x0  }
0x11b: {  	[sflag:s18] =	ssyncadd.s32 $0xFFFFF800  }
0x11c: {  	[spmem:s3] =	stream.indirect.scatter.add.f32 [tilespmem:s28], [sflag:$0x2], $0x10, s26, s23, $0xb8;
	[tilespmem:$0x14C00] =	vst v63  }
0x11d: {  	_ =	swait.ge [sflag:s18], $0x800  }
0x11e: {  	[sflag:s18] =	ssyncset.done $0x0  }
0x11f: {  	[sflag:s18] =	ssyncadd.s32 $0xFFFFF800  }
0x120: {  	[spmem:s3] =	stream.indirect.scatter.add.f32 [tilespmem:s30], [sflag:$0x2], $0x10, s29, s23, $0xb8;
	[tilespmem:$0x14C00] =	vst v63  }
0x121: {  	s15 =	sadd.s32 $0x1, s15;
	_ =	swait.ge [sflag:s18], $0x800  }
0x122: {  	p0 =	sne.s32 s15, $0x14;
	[sflag:s18] =	ssyncset.done $0x0  }
.Ltmp4:
0x123: {  	[sflag:s18] =	ssyncadd.s32 $0xFFFFF800;
	(pc) =	sbr.rel @p0 .LBB2_6-.Ltmp4, $4  }
0x124: {  	[spmem:s3] =	stream.indirect.scatter.add.f32 [tilespmem:s4], [sflag:$0x2], $0x10, s0, s23, $0xb8;
	[tilespmem:$0x14C00] =	vst v63  }
0x125: {  	_ =	swait.ge [sflag:s18], $0x800  }
0x126: {  	[sflag:s18] =	ssyncset.done $0x0  }
0x127: {  	[sflag:s18] =	ssyncadd.s32 $0xFFFFF800  }
0x128: {  	[bflag:$0x0] =	sbarrier.arrive $0xFFFF  }
0x129: {  	s14 =	rddreg [dreg:$0x5]  }
0x12a: {  	[tilespmem:s17], [sflag:$0x2] =	stream.linear.gather [spmem:s14], $0x2800, $0x38;
	[tilespmem:$0x14C00] =	vst v63  }
0x12b: {  	_ =	swait.ge [sflag:s18], $0x2800  }
0x12c: {  	[sflag:s18] =	ssyncset.done $0x0  }
0x12d: {  	s1 =	rddreg [dreg:$0x6];
	[sflag:s18] =	ssyncadd.s32 $0xFFFFD800  }
0x12e: {  	[hbm4b:s1+s5] =	stream.linear.scatter [tilespmem:s17], [sflag:$0x2], $0x2800, $0x38;
	[tilespmem:$0x14C00] =	vst v63  }
0x12f: {  	_ =	swait.ge [sflag:s18], $0x2800  }
0x130: {  	s2 =	rddreg [dreg:$0x8]  }
0x131: {  	s15 =	rddreg [dreg:$0x7];
	s2 =	sadd.s32 $0x1, s2  }
0x132: {  	p0 =	sne.s32 s2, s15  }
.Ltmp5:
0x133: {  	_ = 	snop;
	(pc) =	sbr.rel @p0 .LBB2_1-.Ltmp5, $3  }
0x134: {  	_ =	sdelay $0x1  }
0x135: {  	[sflag:s18] =	ssyncset.done $0x0  }
0x136: {  	[sflag:s18] =	ssyncadd.s32 $0xFFFFD800  }
0x137: {  	_ =	sfence.sel $0x180000  }
0x138: {  	[bflag:$0x0] =	sbarrier.arrive $0xFFFF  }
0x139: {  	_ =	strace $0x90000047  }
0x13a: {  	s0 =	stileid.u32;
	[bflag:$0x2] =	sbarrier.arrive $0xFFFF  }
0x13b: {  	p0 =	sne.s32 s0, $0x0;
	s0 =	rddreg [dreg:$0x4]  }
0x13c: {  	s0 =	sadd.s32 @!p0 $0x100000, s0  }
0x13d: {  	[sflag:s0] =	ssyncadd.tile.s32 @!p0 $0x1;
	_ =	shalt  }
.Lfunc_end2:
_tile_overlayer_lowered:
.L_overlay_start_2:
0x13e: {  	(tag) =	ssettag $0x2  }
0x13f: {  	s0 =	rddreg [dreg:$0x0];
	s2 =	stileid.u32  }
0x140: {  	s1 =	rddreg [dreg:$0x1];
	p0 =	sne.s32 s2, $0x0  }
0x141: {  	s3 =	rddreg [dreg:$0x2];
	[bflag:$0x3] =	sbarrier.arrive $0xFFFF;
	s2 =	simm.s32 @!p0 $0x1C02  }
0x142: {  	[timem:s3], [sflag:s2] =	dma.local @!p0 [hbm:s0], s1  }
0x143: {  	s0 =	simm.s32 @!p0 $0x2  }
0x144: {  	_ =	swait.ge @!p0 [sflag:s0], s1  }
0x145: {  	s1 =	ssub.s32 @!p0 $0x0, s1;
	[sflag:s0] =	ssyncset.done @!p0 $0x0  }
0x146: {  	[sflag:s0] =	ssyncadd.s32 @!p0 s1  }
0x147: {  	[bflag:$0x3] =	sbarrier.arrive $0xFFFF  }
0x148: {  	_ =	shalt  }

</sc_bundles>
